<compile_context>
chip_gen: v7x
topology: tpu7x:2x2x1
jax: 0.10.2.dev20260603
libtpu: 0.0.44.dev20260713+nightly
codegen_flags: <defaults>
</compile_context>

<pallas_src>
import functools

import jax
import jax.numpy as jnp
from jax import lax
from jax.experimental import pallas as pl
from jax.experimental.pallas import tpu as pltpu
from jax.experimental.pallas import tpu_sc as plsc

N = 10000
N_PAD = 10240
E = 320000
E_PAD = 327680
D = 128
G = 64
NC = 2
NS = 16
CHUNK = 64
EROWS = E_PAD // CHUNK
NCHUNK_DEG = EROWS // NS
CHUNK_A = 128
EROWS_A = E_PAD // CHUNK_A
NCHUNK = EROWS_A // (NC * NS)
ROWS_PT = N_PAD // NS
NB = 2
SB = 16
DEG_K = 16


@functools.cache
def _make_agg_sc():
  mesh = plsc.VectorSubcoreMesh(core_axis_name="c", subcore_axis_name="s")

  @functools.partial(
      pl.kernel,
      mesh=mesh,
      out_type=jax.ShapeDtypeStruct((NC, N_PAD, D), jnp.float32),
      scratch_types=[
          pltpu.VMEM((SB, CHUNK_A), jnp.int32),
          pltpu.VMEM((SB, CHUNK_A), jnp.int32),
          pltpu.VMEM((NB, CHUNK_A, D), jnp.float32),
          pltpu.VMEM_SHARED((N_PAD, D), jnp.float32),
      ] + [pltpu.SemaphoreType.DMA] * NB,
  )
  def _agg_sc(h_hbm, src_hbm, dst_hbm, zeros_hbm, out_hbm,
              sidx, didx, rows, acc, *sems):
    c = lax.axis_index("c")
    s = lax.axis_index("s")
    r0 = s * ROWS_PT
    tb = (c * NS + s) * NCHUNK
    pltpu.sync_copy(zeros_hbm.at[pl.ds(r0, ROWS_PT)], acc.at[pl.ds(r0, ROWS_PT)])
    plsc.subcore_barrier()

    def group(g, carry):
        gb = tb + g * SB
        pltpu.sync_copy(src_hbm.at[pl.ds(gb, SB)], sidx)
        pltpu.sync_copy(dst_hbm.at[pl.ds(gb, SB)], didx)
        for b in range(NB):
            pltpu.async_copy(h_hbm.at[sidx.at[b]], rows.at[b], sems[b])
        for k in range(SB):
            b = k % NB
            pltpu.make_async_copy(h_hbm.at[sidx.at[k]], rows.at[b],
                                  sems[b]).wait()
            pltpu.sync_copy(rows.at[b], acc.at[didx.at[k]], add=True)
            if k + NB < SB:
                pltpu.async_copy(h_hbm.at[sidx.at[k + NB]], rows.at[b],
                                 sems[b])
        return carry

    lax.fori_loop(0, NCHUNK // SB, group, 0)
    plsc.subcore_barrier()
    pltpu.sync_copy(acc.at[pl.ds(r0, ROWS_PT)], out_hbm.at[c, pl.ds(r0, ROWS_PT)])

  return _agg_sc


@functools.cache
def _make_deg_sc():
  mesh = plsc.VectorSubcoreMesh(core_axis_name="c", subcore_axis_name="s")

  @functools.partial(
      pl.kernel,
      mesh=mesh,
      out_type=jax.ShapeDtypeStruct((NC, N_PAD, D), jnp.float32),
      scratch_types=[
          pltpu.VMEM((DEG_K, CHUNK), jnp.int32),
          pltpu.VMEM((CHUNK, D), jnp.float32),
          pltpu.VMEM_SHARED((N_PAD, D), jnp.float32),
          pltpu.SemaphoreType.DMA,
      ],
  )
  def _deg_sc(idx_hbm, zeros_hbm, ones_hbm, out_hbm, idx, ones_v, acc, sem):
    c = lax.axis_index("c")
    s = lax.axis_index("s")
    r0 = s * ROWS_PT
    tb = c * EROWS + s * NCHUNK_DEG
    pltpu.sync_copy(ones_hbm, ones_v)
    pltpu.sync_copy(zeros_hbm.at[pl.ds(r0, ROWS_PT)], acc.at[pl.ds(r0, ROWS_PT)])
    plsc.subcore_barrier()

    def group(g, carry):
        pltpu.sync_copy(idx_hbm.at[pl.ds(tb + g * DEG_K, DEG_K)], idx)
        for b in range(DEG_K):
            pltpu.async_copy(ones_v, acc.at[idx.at[b]], sem, add=True)
        for b in range(DEG_K):
            pltpu.make_async_copy(ones_v, acc.at[idx.at[b]], sem).wait()
        return carry

    lax.fori_loop(0, NCHUNK_DEG // DEG_K, group, 0)
    plsc.subcore_barrier()
    pltpu.sync_copy(acc.at[pl.ds(r0, ROWS_PT)], out_hbm.at[c, pl.ds(r0, ROWS_PT)])

  return _deg_sc


_BLK = 256
_NBLK = N_PAD // _BLK


def _norm_col(d):
    deg = d[:, 0:1].astype(jnp.float32)
    return lax.rsqrt(jnp.maximum(deg, 1.0))


def _prep1_body(feat_ref, d_ref, w_ref, o_ref):
    feat = feat_ref[...]
    iota = lax.broadcasted_iota(jnp.int32, (_BLK, D), 1)
    h0 = jnp.zeros((_BLK, D), jnp.float32)
    for t in range(4):
        h0 = h0 + (feat[:, t][:, None] == iota).astype(jnp.float32)
    m = jnp.dot(h0, w_ref[...], preferred_element_type=jnp.float32)
    o_ref[...] = m * _norm_col(d_ref[0])


def _prep1(feat_p, degs, W1):
    return pl.pallas_call(
        _prep1_body,
        grid=(_NBLK,),
        in_specs=[
            pl.BlockSpec((_BLK, D), lambda i: (i, 0)),
            pl.BlockSpec((1, _BLK, D), lambda i: (0, i, 0)),
            pl.BlockSpec((D, D), lambda i: (0, 0)),
        ],
        out_specs=pl.BlockSpec((_BLK, D), lambda i: (i, 0)),
        out_shape=jax.ShapeDtypeStruct((N_PAD, D), jnp.float32),
    )(feat_p, degs, W1)


def _mid_body(a_ref, d_ref, b1_ref, w_ref, o_ref):
    agg = a_ref[0] + a_ref[1]
    h = jnp.maximum(agg * _norm_col(d_ref[1]) + b1_ref[...], 0.0)
    m = jnp.dot(h, w_ref[...], preferred_element_type=jnp.float32)
    o_ref[...] = m * _norm_col(d_ref[0])


def _mid(a1, degs, b1r, W2):
    return pl.pallas_call(
        _mid_body,
        grid=(_NBLK,),
        in_specs=[
            pl.BlockSpec((2, _BLK, D), lambda i: (0, i, 0)),
            pl.BlockSpec((2, _BLK, D), lambda i: (0, i, 0)),
            pl.BlockSpec((1, D), lambda i: (0, 0)),
            pl.BlockSpec((D, D), lambda i: (0, 0)),
        ],
        out_specs=pl.BlockSpec((_BLK, D), lambda i: (i, 0)),
        out_shape=jax.ShapeDtypeStruct((N_PAD, D), jnp.float32),
    )(a1, degs, b1r, W2)


def _final_body(a_ref, di_ref, b2_ref, gid_ref,
                pooled_ref, nsum_ref):
    i = pl.program_id(0)
    agg = a_ref[0] + a_ref[1]
    h = agg * _norm_col(di_ref[0]) + b2_ref[...]
    row = lax.broadcasted_iota(jnp.int32, (_BLK, 1), 0) + i * _BLK
    h = jnp.where(row < N, h, 0.0)
    rn = jnp.sqrt(jnp.sum(h * h, axis=1, keepdims=True))
    blocksum = jnp.sum(rn)
    gid = gid_ref[0, 0, :]
    onehot = (gid[:, None] == lax.broadcasted_iota(jnp.int32, (_BLK, G), 1)
              ).astype(jnp.float32)
    contrib = lax.dot_general(onehot, h, (((0,), (0,)), ((), ())),
                              preferred_element_type=jnp.float32)

    @pl.when(i == 0)
    def _():
        pooled_ref[...] = jnp.zeros_like(pooled_ref)
        nsum_ref[...] = jnp.zeros_like(nsum_ref)

    pooled_ref[...] += contrib
    nsum_ref[...] += blocksum


def _final(a2, degs, b2r, gids_p):
    return pl.pallas_call(
        _final_body,
        grid=(_NBLK,),
        in_specs=[
            pl.BlockSpec((2, _BLK, D), lambda i: (0, i, 0)),
            pl.BlockSpec((1, _BLK, D), lambda i: (1, i, 0)),
            pl.BlockSpec((1, D), lambda i: (0, 0)),
            pl.BlockSpec((1, 1, _BLK), lambda i: (i, 0, 0)),
        ],
        out_specs=[
            pl.BlockSpec((G, D), lambda i: (0, 0)),
            pl.BlockSpec((8, 128), lambda i: (0, 0)),
        ],
        out_shape=[
            jax.ShapeDtypeStruct((G, D), jnp.float32),
            jax.ShapeDtypeStruct((8, 128), jnp.float32),
        ],
    )(a2, degs, b2r, gids_p)


def kernel(feature, edge_index, graph_ids, W1, b1, W2, b2):
    src = edge_index[0]
    dst = edge_index[1]
    epad = N + jnp.arange(E_PAD - E, dtype=jnp.int32) % (N_PAD - N)
    src_p = jnp.concatenate([src, epad])
    dst_p = jnp.concatenate([dst, epad])
    src2 = src_p.reshape(EROWS, CHUNK)
    dst2 = dst_p.reshape(EROWS, CHUNK)
    idxcat = jnp.concatenate([src2, dst2], axis=0)
    src_a = src_p.reshape(EROWS_A, CHUNK_A)
    dst_a = dst_p.reshape(EROWS_A, CHUNK_A)
    feat_p = jnp.pad(feature, ((0, N_PAD - N), (0, D - feature.shape[1])),
                     constant_values=D + 7)
    gids_p = jnp.pad(graph_ids, (0, N_PAD - N)).reshape(_NBLK, 1, _BLK)
    zD = jnp.zeros((N_PAD, D), jnp.float32)
    obf = jnp.ones((CHUNK, D), jnp.float32)
    b1r = b1.reshape(1, D)
    b2r = b2.reshape(1, D)

    degs = _make_deg_sc()(idxcat, zD, obf)
    h1 = _prep1(feat_p, degs, W1)
    agg = _make_agg_sc()
    a1 = agg(h1, src_a, dst_a, zD)
    h2 = _mid(a1, degs, b1r, W2)
    a2 = agg(h2, src_a, dst_a, zD)
    pooled, nsum = _final(a2, degs, b2r, gids_p)

    factor = jnp.sqrt(jnp.float32(D)) * jnp.float32(N) / nsum[0, 0]
    return pooled * factor

# --- scband reference (transcript-rebuilt; emitter-appended) ---
"""Pipeline reference for scband-gnn-6571299963277 (READ-ONLY COPY).

The authoritative reference and input builder live on the scoring server;
editing this copy changes nothing except your own understanding.
"""

import jax, jax.numpy as jnp
import numpy as np

N_NODES = 10000
N_EDGES = 320000
FEATURE_LEN = 128
DIM = 128
N_LAYER = 2
NUM_GRAPHS = 64
TAGS_PER_NODE = 4


def setup_inputs(seed: int = 0) -> dict:
    key = jax.random.key(seed)
    k1, k2, k3, k4, k5, k6, k7 = jax.random.split(key, 7)
    feature = jax.random.randint(k1, (N_NODES, TAGS_PER_NODE), 0, FEATURE_LEN, dtype=jnp.int64 if jax.config.read('jax_enable_x64') else jnp.int32).astype(jnp.int32)
    edge_index = jax.random.randint(k2, (2, N_EDGES), 0, N_NODES).astype(jnp.int32)
    graph_ids = jnp.sort(jax.random.randint(k3, (N_NODES,), 0, NUM_GRAPHS)).astype(jnp.int32)
    W1 = jax.random.normal(k4, (FEATURE_LEN, DIM), dtype=jnp.float32) * (1.0 / np.sqrt(FEATURE_LEN))
    b1 = jnp.zeros((DIM,), dtype=jnp.float32)
    W2 = jax.random.normal(k5, (DIM, DIM), dtype=jnp.float32) * (1.0 / np.sqrt(DIM))
    b2 = jnp.zeros((DIM,), dtype=jnp.float32)
    return {"feature": feature, "edge_index": edge_index, "graph_ids": graph_ids,
            "W1": W1, "b1": b1, "W2": W2, "b2": b2}


def _gcn_layer(h, src, dst, W, b, deg_out, deg_in, apply_relu):
    # DGL GraphConv with norm='both': D_out^{-1/2} on source feats,
    # sum aggregation over edges, D_in^{-1/2} on dest, then bias/activation.
    norm_src = jnp.clip(deg_out, 1.0, None) ** -0.5
    norm_dst = jnp.clip(deg_in, 1.0, None) ** -0.5
    h = h * norm_src[:, None]
    h = h @ W
    msgs = jnp.take(h, src, axis=0)
    agg = jax.ops.segment_sum(msgs, dst, num_segments=N_NODES)
    agg = agg * norm_dst[:, None] + b
    if apply_relu:
        agg = jax.nn.relu(agg)
    return agg


def reference(feature, edge_index, graph_ids, W1, b1, W2, b2):
    src = edge_index[0]
    dst = edge_index[1]
    ones = jnp.ones((N_EDGES,), dtype=jnp.float32)
    deg_out = jax.ops.segment_sum(ones, src, num_segments=N_NODES)
    deg_in = jax.ops.segment_sum(ones, dst, num_segments=N_NODES)
    # h = sum over one-hot tag vectors -> multi-hot float features [N, feature_len]
    h = jnp.sum(jax.nn.one_hot(feature, FEATURE_LEN, dtype=jnp.float32), axis=1)
    h = _gcn_layer(h, src, dst, W1, b1, deg_out, deg_in, apply_relu=True)
    h = _gcn_layer(h, src, dst, W2, b2, deg_out, deg_in, apply_relu=False)
    # scale factor computed from the data (cached float in torch -> constant)
    factor = jnp.sqrt(jnp.float32(DIM)) / jnp.mean(jnp.linalg.norm(h, axis=1))
    factor = jax.lax.stop_gradient(factor)
    h = h * factor
    graph_embedding = jax.ops.segment_sum(h, graph_ids, num_segments=NUM_GRAPHS)
    return graph_embedding

if __name__ == "__main__":
    import jax
    _d = setup_inputs()
    print(jax.jit(kernel)(*tuple(_d.values())))

</pallas_src>

<mosaic_0001>
#map = affine_map<(d0, d1) -> (0, 0)>
#map1 = affine_map<(d0, d1) -> (0, 0, 0)>
module attributes {stable_mosaic.version = 14 : i64} {
  func.func @_agg_sc(%arg0: i32, %arg1: i32, %arg2: memref<10240x128xf32, #tpu.memory_space<hbm>>, %arg3: memref<2560x128xi32, #tpu.memory_space<hbm>>, %arg4: memref<2560x128xi32, #tpu.memory_space<hbm>>, %arg5: memref<10240x128xf32, #tpu.memory_space<hbm>>, %arg6: memref<2x10240x128xf32, #tpu.memory_space<hbm>>, %arg7: memref<16x128xi32, #tpu.memory_space<vmem>>, %arg8: memref<16x128xi32, #tpu.memory_space<vmem>>, %arg9: memref<2x128x128xf32, #tpu.memory_space<vmem>>, %arg10: memref<10240x128xf32, #tpu.memory_space<vmem_shared>>, %arg11: memref<!tpu.dma_semaphore, #tpu.memory_space<semaphore_mem>>, %arg12: memref<!tpu.dma_semaphore, #tpu.memory_space<semaphore_mem>>) attributes {dimension_semantics = [#tpu.dimension_semantics<core_parallel>, #tpu.dimension_semantics<subcore_parallel>], iteration_bounds = array<i64: 2, 16>, scalar_prefetch = 0 : i64, scratch_operands = 6 : i64, tpu.core_type = #tpu.core_type<sc_vector_subcore>, window_params = [{transform_indices = #map}, {transform_indices = #map}, {transform_indices = #map}, {transform_indices = #map}, {transform_indices = #map1}]} {
    %mul3A = arith.constant 640 : i32
    %mul3A_0 = arith.muli %arg1, %mul3A : i32
    %mul3A_1 = arith.constant 16 : i32
    %mul3A_2 = arith.muli %arg0, %mul3A_1 : i32
    %add3A = arith.addi %mul3A_2, %arg1 : i32
    %mul3A_3 = arith.constant 80 : i32
    %mul3A_4 = arith.muli %add3A, %mul3A_3 : i32
    "tpu.region"() ({
      %run_scoped3A = tpu.sem_alloc : memref<!tpu.dma_semaphore, #tpu.memory_space<semaphore_mem>>
      %dma_start3A = arith.constant 0 : i32
      %dma_start3A_11 = tpu.memref_slice %arg10[%mul3A_0, %dma_start3A] : memref<10240x128xf32, #tpu.memory_space<vmem_shared>> -> memref<640x128xf32, #tpu.memory_space<vmem_shared>>
      %dma_start3A_12 = arith.constant 0 : i32
      %dma_start3A_13 = tpu.memref_slice %arg5[%mul3A_0, %dma_start3A_12] : memref<10240x128xf32, #tpu.memory_space<hbm>> -> memref<640x128xf32, #tpu.memory_space<hbm>>
      tpu.enqueue_dma source(%dma_start3A_13 : memref<640x128xf32, #tpu.memory_space<hbm>>) target(%dma_start3A_11 : memref<640x128xf32, #tpu.memory_space<vmem_shared>>) target_semaphore(%run_scoped3A : memref<!tpu.dma_semaphore, #tpu.memory_space<semaphore_mem>>)
      %dma_wait3A = arith.constant 0 : i32
      %dma_wait3A_14 = tpu.memref_slice %arg10[%mul3A_0, %dma_wait3A] : memref<10240x128xf32, #tpu.memory_space<vmem_shared>> -> memref<640x128xf32, #tpu.memory_space<vmem_shared>>
      %dma_wait3A_15 = arith.constant 0 : i32
      %dma_wait3A_16 = tpu.memref_slice %arg5[%mul3A_0, %dma_wait3A_15] : memref<10240x128xf32, #tpu.memory_space<hbm>> -> memref<640x128xf32, #tpu.memory_space<hbm>>
      tpu.wait_dma2 semaphore(%run_scoped3A : memref<!tpu.dma_semaphore, #tpu.memory_space<semaphore_mem>>) src(%dma_wait3A_16 : memref<640x128xf32, #tpu.memory_space<hbm>>) dst(%dma_wait3A_14 : memref<640x128xf32, #tpu.memory_space<vmem_shared>>)
      tpu.yield
    }) : () -> ()
    %barrier3A = arith.constant 0 : index
    tpu.barrier barrier_id(%barrier3A)
    %scan3A = arith.constant 0 : i32
    %scan3A_5 = arith.constant 0 : i32
    %scan3A_6 = arith.constant 5 : i32
    %scan3A_7 = arith.addi %scan3A_5, %scan3A_6 : i32
    %scan3A_8 = arith.constant 1 : i32
    scf.for %scan3A_11 = %scan3A_5 to %scan3A_7 step %scan3A_8  : i32 {
      %mul3A_12 = arith.constant 16 : i32
      %mul3A_13 = arith.muli %scan3A_11, %mul3A_12 : i32
      %add3A_14 = arith.addi %mul3A_4, %mul3A_13 : i32
      "tpu.region"() ({
        %run_scoped3A_428 = tpu.sem_alloc : memref<!tpu.dma_semaphore, #tpu.memory_space<semaphore_mem>>
        %dma_start3A_429 = arith.constant 0 : i32
        %dma_start3A_430 = tpu.memref_slice %arg3[%add3A_14, %dma_start3A_429] : memref<2560x128xi32, #tpu.memory_space<hbm>> -> memref<16x128xi32, #tpu.memory_space<hbm>>
        %dma_start3A_431 = arith.constant 0 : i32
        %dma_start3A_432 = tpu.memref_slice %arg3[%add3A_14, %dma_start3A_431] : memref<2560x128xi32, #tpu.memory_space<hbm>> -> memref<16x128xi32, #tpu.memory_space<hbm>>
        tpu.enqueue_dma source(%dma_start3A_432 : memref<16x128xi32, #tpu.memory_space<hbm>>) target(%arg7 : memref<16x128xi32, #tpu.memory_space<vmem>>) target_semaphore(%run_scoped3A_428 : memref<!tpu.dma_semaphore, #tpu.memory_space<semaphore_mem>>)
        %dma_wait3A_433 = arith.constant 0 : i32
        %dma_wait3A_434 = tpu.memref_slice %arg3[%add3A_14, %dma_wait3A_433] : memref<2560x128xi32, #tpu.memory_space<hbm>> -> memref<16x128xi32, #tpu.memory_space<hbm>>
        %dma_wait3A_435 = arith.constant 0 : i32
        %dma_wait3A_436 = tpu.memref_slice %arg3[%add3A_14, %dma_wait3A_435] : memref<2560x128xi32, #tpu.memory_space<hbm>> -> memref<16x128xi32, #tpu.memory_space<hbm>>
        tpu.wait_dma2 semaphore(%run_scoped3A_428 : memref<!tpu.dma_semaphore, #tpu.memory_space<semaphore_mem>>) src(%dma_wait3A_436 : memref<16x128xi32, #tpu.memory_space<hbm>>) dst(%arg7 : memref<16x128xi32, #tpu.memory_space<vmem>>)
        tpu.yield
      }) : () -> ()
      "tpu.region"() ({
        %run_scoped3A_428 = tpu.sem_alloc : memref<!tpu.dma_semaphore, #tpu.memory_space<semaphore_mem>>
        %dma_start3A_429 = arith.constant 0 : i32
        %dma_start3A_430 = tpu.memref_slice %arg4[%add3A_14, %dma_start3A_429] : memref<2560x128xi32, #tpu.memory_space<hbm>> -> memref<16x128xi32, #tpu.memory_space<hbm>>
        %dma_start3A_431 = arith.constant 0 : i32
        %dma_start3A_432 = tpu.memref_slice %arg4[%add3A_14, %dma_start3A_431] : memref<2560x128xi32, #tpu.memory_space<hbm>> -> memref<16x128xi32, #tpu.memory_space<hbm>>
        tpu.enqueue_dma source(%dma_start3A_432 : memref<16x128xi32, #tpu.memory_space<hbm>>) target(%arg8 : memref<16x128xi32, #tpu.memory_space<vmem>>) target_semaphore(%run_scoped3A_428 : memref<!tpu.dma_semaphore, #tpu.memory_space<semaphore_mem>>)
        %dma_wait3A_433 = arith.constant 0 : i32
        %dma_wait3A_434 = tpu.memref_slice %arg4[%add3A_14, %dma_wait3A_433] : memref<2560x128xi32, #tpu.memory_space<hbm>> -> memref<16x128xi32, #tpu.memory_space<hbm>>
        %dma_wait3A_435 = arith.constant 0 : i32
        %dma_wait3A_436 = tpu.memref_slice %arg4[%add3A_14, %dma_wait3A_435] : memref<2560x128xi32, #tpu.memory_space<hbm>> -> memref<16x128xi32, #tpu.memory_space<hbm>>
        tpu.wait_dma2 semaphore(%run_scoped3A_428 : memref<!tpu.dma_semaphore, #tpu.memory_space<semaphore_mem>>) src(%dma_wait3A_436 : memref<16x128xi32, #tpu.memory_space<hbm>>) dst(%arg8 : memref<16x128xi32, #tpu.memory_space<vmem>>)
        tpu.yield
      }) : () -> ()
      %dma_start3A = arith.constant 0 : i32
      %dma_start3A_15 = arith.constant 0 : i32
      %dma_start3A_16 = arith.constant 0 : i32
      %dma_start3A_17 = arith.constant 0 : i32
      %dma_start3A_18 = tpu.memref_slice %arg9[%dma_start3A_15, %dma_start3A_16, %dma_start3A_17] : memref<2x128x128xf32, #tpu.memory_space<vmem>> -> memref<1x128x128xf32, #tpu.memory_space<vmem>>
      %dma_start3A_19 = tpu.memref_squeeze %dma_start3A_18 : memref<1x128x128xf32, #tpu.memory_space<vmem>> -> memref<128x128xf32, #tpu.memory_space<vmem>>
      %dma_start3A_20 = arith.constant 0 : i32
      %dma_start3A_21 = tpu.memref_slice %arg7[%dma_start3A, %dma_start3A_20] : memref<16x128xi32, #tpu.memory_space<vmem>> -> memref<1x128xi32, #tpu.memory_space<vmem>>
      %dma_start3A_22 = tpu.memref_squeeze %dma_start3A_21 : memref<1x128xi32, #tpu.memory_space<vmem>> -> memref<128xi32, #tpu.memory_space<vmem>>
      %dma_start3A_23 = arith.constant 0 : i32
      %dma_start3A_24 = arith.constant 0 : i32
      %dma_start3A_25 = tpu.memref_slice %arg2[%dma_start3A_23, %dma_start3A_24] : memref<10240x128xf32, #tpu.memory_space<hbm>> -> memref<10240x128xf32, #tpu.memory_space<hbm>>
      tpu.enqueue_indirect_dma source(%dma_start3A_25 : memref<10240x128xf32, #tpu.memory_space<hbm>>) target(%dma_start3A_19 : memref<128x128xf32, #tpu.memory_space<vmem>>) offsets(%dma_start3A_22 : memref<128xi32, #tpu.memory_space<vmem>>) semaphore(%arg11 : memref<!tpu.dma_semaphore, #tpu.memory_space<semaphore_mem>>)
      %dma_start3A_26 = arith.constant 1 : i32
      %dma_start3A_27 = arith.constant 1 : i32
      %dma_start3A_28 = arith.constant 0 : i32
      %dma_start3A_29 = arith.constant 0 : i32
      %dma_start3A_30 = tpu.memref_slice %arg9[%dma_start3A_27, %dma_start3A_28, %dma_start3A_29] : memref<2x128x128xf32, #tpu.memory_space<vmem>> -> memref<1x128x128xf32, #tpu.memory_space<vmem>>
      %dma_start3A_31 = tpu.memref_squeeze %dma_start3A_30 : memref<1x128x128xf32, #tpu.memory_space<vmem>> -> memref<128x128xf32, #tpu.memory_space<vmem>>
      %dma_start3A_32 = arith.constant 0 : i32
      %dma_start3A_33 = tpu.memref_slice %arg7[%dma_start3A_26, %dma_start3A_32] : memref<16x128xi32, #tpu.memory_space<vmem>> -> memref<1x128xi32, #tpu.memory_space<vmem>>
      %dma_start3A_34 = tpu.memref_squeeze %dma_start3A_33 : memref<1x128xi32, #tpu.memory_space<vmem>> -> memref<128xi32, #tpu.memory_space<vmem>>
      %dma_start3A_35 = arith.constant 0 : i32
      %dma_start3A_36 = arith.constant 0 : i32
      %dma_start3A_37 = tpu.memref_slice %arg2[%dma_start3A_35, %dma_start3A_36] : memref<10240x128xf32, #tpu.memory_space<hbm>> -> memref<10240x128xf32, #tpu.memory_space<hbm>>
      tpu.enqueue_indirect_dma source(%dma_start3A_37 : memref<10240x128xf32, #tpu.memory_space<hbm>>) target(%dma_start3A_31 : memref<128x128xf32, #tpu.memory_space<vmem>>) offsets(%dma_start3A_34 : memref<128xi32, #tpu.memory_space<vmem>>) semaphore(%arg12 : memref<!tpu.dma_semaphore, #tpu.memory_space<semaphore_mem>>)
      %dma_wait3A = arith.constant 0 : i32
      %dma_wait3A_38 = arith.constant 0 : i32
      %dma_wait3A_39 = arith.constant 0 : i32
      %dma_wait3A_40 = arith.constant 0 : i32
      %dma_wait3A_41 = tpu.memref_slice %arg9[%dma_wait3A_38, %dma_wait3A_39, %dma_wait3A_40] : memref<2x128x128xf32, #tpu.memory_space<vmem>> -> memref<1x128x128xf32, #tpu.memory_space<vmem>>
      %dma_wait3A_42 = tpu.memref_squeeze %dma_wait3A_41 : memref<1x128x128xf32, #tpu.memory_space<vmem>> -> memref<128x128xf32, #tpu.memory_space<vmem>>
      %dma_wait3A_43 = arith.constant 0 : i32
      %dma_wait3A_44 = tpu.memref_slice %arg7[%dma_wait3A, %dma_wait3A_43] : memref<16x128xi32, #tpu.memory_space<vmem>> -> memref<1x128xi32, #tpu.memory_space<vmem>>
      %dma_wait3A_45 = tpu.memref_squeeze %dma_wait3A_44 : memref<1x128xi32, #tpu.memory_space<vmem>> -> memref<128xi32, #tpu.memory_space<vmem>>
      %dma_wait3A_46 = arith.constant 0 : i32
      %dma_wait3A_47 = arith.constant 0 : i32
      %dma_wait3A_48 = tpu.memref_slice %arg2[%dma_wait3A_46, %dma_wait3A_47] : memref<10240x128xf32, #tpu.memory_space<hbm>> -> memref<10240x128xf32, #tpu.memory_space<hbm>>
      tpu.wait_indirect_dma semaphore(%arg11 : memref<!tpu.dma_semaphore, #tpu.memory_space<semaphore_mem>>) src(%dma_wait3A_48 : memref<10240x128xf32, #tpu.memory_space<hbm>>) dst(%dma_wait3A_42 : memref<128x128xf32, #tpu.memory_space<vmem>>)
      %run_scoped3A = arith.constant 0 : i32
      %run_scoped3A_49 = arith.constant 0 : i32
      "tpu.region"() ({
        %run_scoped3A_428 = tpu.sem_alloc : memref<!tpu.dma_semaphore, #tpu.memory_space<semaphore_mem>>
        %dma_start3A_429 = arith.constant 0 : i32
        %dma_start3A_430 = arith.constant 0 : i32
        %dma_start3A_431 = tpu.memref_slice %arg9[%run_scoped3A, %dma_start3A_429, %dma_start3A_430] : memref<2x128x128xf32, #tpu.memory_space<vmem>> -> memref<1x128x128xf32, #tpu.memory_space<vmem>>
        %dma_start3A_432 = tpu.memref_squeeze %dma_start3A_431 : memref<1x128x128xf32, #tpu.memory_space<vmem>> -> memref<128x128xf32, #tpu.memory_space<vmem>>
        %dma_start3A_433 = arith.constant 0 : i32
        %dma_start3A_434 = tpu.memref_slice %arg8[%run_scoped3A_49, %dma_start3A_433] : memref<16x128xi32, #tpu.memory_space<vmem>> -> memref<1x128xi32, #tpu.memory_space<vmem>>
        %dma_start3A_435 = tpu.memref_squeeze %dma_start3A_434 : memref<1x128xi32, #tpu.memory_space<vmem>> -> memref<128xi32, #tpu.memory_space<vmem>>
        %dma_start3A_436 = arith.constant 0 : i32
        %dma_start3A_437 = arith.constant 0 : i32
        %dma_start3A_438 = tpu.memref_slice %arg10[%dma_start3A_436, %dma_start3A_437] : memref<10240x128xf32, #tpu.memory_space<vmem_shared>> -> memref<10240x128xf32, #tpu.memory_space<vmem_shared>>
        tpu.enqueue_indirect_dma source(%dma_start3A_432 : memref<128x128xf32, #tpu.memory_space<vmem>>) target(%dma_start3A_438 : memref<10240x128xf32, #tpu.memory_space<vmem_shared>>) offsets(%dma_start3A_435 : memref<128xi32, #tpu.memory_space<vmem>>) semaphore(%run_scoped3A_428 : memref<!tpu.dma_semaphore, #tpu.memory_space<semaphore_mem>>) {add = true}
        %dma_wait3A_439 = arith.constant 0 : i32
        %dma_wait3A_440 = arith.constant 0 : i32
        %dma_wait3A_441 = tpu.memref_slice %arg9[%run_scoped3A, %dma_wait3A_439, %dma_wait3A_440] : memref<2x128x128xf32, #tpu.memory_space<vmem>> -> memref<1x128x128xf32, #tpu.memory_space<vmem>>
        %dma_wait3A_442 = tpu.memref_squeeze %dma_wait3A_441 : memref<1x128x128xf32, #tpu.memory_space<vmem>> -> memref<128x128xf32, #tpu.memory_space<vmem>>
        %dma_wait3A_443 = arith.constant 0 : i32
        %dma_wait3A_444 = tpu.memref_slice %arg8[%run_scoped3A_49, %dma_wait3A_443] : memref<16x128xi32, #tpu.memory_space<vmem>> -> memref<1x128xi32, #tpu.memory_space<vmem>>
        %dma_wait3A_445 = tpu.memref_squeeze %dma_wait3A_444 : memref<1x128xi32, #tpu.memory_space<vmem>> -> memref<128xi32, #tpu.memory_space<vmem>>
        %dma_wait3A_446 = arith.constant 0 : i32
        %dma_wait3A_447 = arith.constant 0 : i32
        %dma_wait3A_448 = tpu.memref_slice %arg10[%dma_wait3A_446, %dma_wait3A_447] : memref<10240x128xf32, #tpu.memory_space<vmem_shared>> -> memref<10240x128xf32, #tpu.memory_space<vmem_shared>>
        tpu.wait_indirect_dma semaphore(%run_scoped3A_428 : memref<!tpu.dma_semaphore, #tpu.memory_space<semaphore_mem>>) src(%dma_wait3A_442 : memref<128x128xf32, #tpu.memory_space<vmem>>) dst(%dma_wait3A_448 : memref<10240x128xf32, #tpu.memory_space<vmem_shared>>)
        tpu.yield
      }) : () -> ()
      %dma_start3A_50 = arith.constant 2 : i32
      %dma_start3A_51 = arith.constant 0 : i32
      %dma_start3A_52 = arith.constant 0 : i32
      %dma_start3A_53 = arith.constant 0 : i32
      %dma_start3A_54 = tpu.memref_slice %arg9[%dma_start3A_51, %dma_start3A_52, %dma_start3A_53] : memref<2x128x128xf32, #tpu.memory_space<vmem>> -> memref<1x128x128xf32, #tpu.memory_space<vmem>>
      %dma_start3A_55 = tpu.memref_squeeze %dma_start3A_54 : memref<1x128x128xf32, #tpu.memory_space<vmem>> -> memref<128x128xf32, #tpu.memory_space<vmem>>
      %dma_start3A_56 = arith.constant 0 : i32
      %dma_start3A_57 = tpu.memref_slice %arg7[%dma_start3A_50, %dma_start3A_56] : memref<16x128xi32, #tpu.memory_space<vmem>> -> memref<1x128xi32, #tpu.memory_space<vmem>>
      %dma_start3A_58 = tpu.memref_squeeze %dma_start3A_57 : memref<1x128xi32, #tpu.memory_space<vmem>> -> memref<128xi32, #tpu.memory_space<vmem>>
      %dma_start3A_59 = arith.constant 0 : i32
      %dma_start3A_60 = arith.constant 0 : i32
      %dma_start3A_61 = tpu.memref_slice %arg2[%dma_start3A_59, %dma_start3A_60] : memref<10240x128xf32, #tpu.memory_space<hbm>> -> memref<10240x128xf32, #tpu.memory_space<hbm>>
      tpu.enqueue_indirect_dma source(%dma_start3A_61 : memref<10240x128xf32, #tpu.memory_space<hbm>>) target(%dma_start3A_55 : memref<128x128xf32, #tpu.memory_space<vmem>>) offsets(%dma_start3A_58 : memref<128xi32, #tpu.memory_space<vmem>>) semaphore(%arg11 : memref<!tpu.dma_semaphore, #tpu.memory_space<semaphore_mem>>)
      %dma_wait3A_62 = arith.constant 1 : i32
      %dma_wait3A_63 = arith.constant 1 : i32
      %dma_wait3A_64 = arith.constant 0 : i32
      %dma_wait3A_65 = arith.constant 0 : i32
      %dma_wait3A_66 = tpu.memref_slice %arg9[%dma_wait3A_63, %dma_wait3A_64, %dma_wait3A_65] : memref<2x128x128xf32, #tpu.memory_space<vmem>> -> memref<1x128x128xf32, #tpu.memory_space<vmem>>
      %dma_wait3A_67 = tpu.memref_squeeze %dma_wait3A_66 : memref<1x128x128xf32, #tpu.memory_space<vmem>> -> memref<128x128xf32, #tpu.memory_space<vmem>>
      %dma_wait3A_68 = arith.constant 0 : i32
      %dma_wait3A_69 = tpu.memref_slice %arg7[%dma_wait3A_62, %dma_wait3A_68] : memref<16x128xi32, #tpu.memory_space<vmem>> -> memref<1x128xi32, #tpu.memory_space<vmem>>
      %dma_wait3A_70 = tpu.memref_squeeze %dma_wait3A_69 : memref<1x128xi32, #tpu.memory_space<vmem>> -> memref<128xi32, #tpu.memory_space<vmem>>
      %dma_wait3A_71 = arith.constant 0 : i32
      %dma_wait3A_72 = arith.constant 0 : i32
      %dma_wait3A_73 = tpu.memref_slice %arg2[%dma_wait3A_71, %dma_wait3A_72] : memref<10240x128xf32, #tpu.memory_space<hbm>> -> memref<10240x128xf32, #tpu.memory_space<hbm>>
      tpu.wait_indirect_dma semaphore(%arg12 : memref<!tpu.dma_semaphore, #tpu.memory_space<semaphore_mem>>) src(%dma_wait3A_73 : memref<10240x128xf32, #tpu.memory_space<hbm>>) dst(%dma_wait3A_67 : memref<128x128xf32, #tpu.memory_space<vmem>>)
      %run_scoped3A_74 = arith.constant 1 : i32
      %run_scoped3A_75 = arith.constant 1 : i32
      "tpu.region"() ({
        %run_scoped3A_428 = tpu.sem_alloc : memref<!tpu.dma_semaphore, #tpu.memory_space<semaphore_mem>>
        %dma_start3A_429 = arith.constant 0 : i32
        %dma_start3A_430 = arith.constant 0 : i32
        %dma_start3A_431 = tpu.memref_slice %arg9[%run_scoped3A_74, %dma_start3A_429, %dma_start3A_430] : memref<2x128x128xf32, #tpu.memory_space<vmem>> -> memref<1x128x128xf32, #tpu.memory_space<vmem>>
        %dma_start3A_432 = tpu.memref_squeeze %dma_start3A_431 : memref<1x128x128xf32, #tpu.memory_space<vmem>> -> memref<128x128xf32, #tpu.memory_space<vmem>>
        %dma_start3A_433 = arith.constant 0 : i32
        %dma_start3A_434 = tpu.memref_slice %arg8[%run_scoped3A_75, %dma_start3A_433] : memref<16x128xi32, #tpu.memory_space<vmem>> -> memref<1x128xi32, #tpu.memory_space<vmem>>
        %dma_start3A_435 = tpu.memref_squeeze %dma_start3A_434 : memref<1x128xi32, #tpu.memory_space<vmem>> -> memref<128xi32, #tpu.memory_space<vmem>>
        %dma_start3A_436 = arith.constant 0 : i32
        %dma_start3A_437 = arith.constant 0 : i32
        %dma_start3A_438 = tpu.memref_slice %arg10[%dma_start3A_436, %dma_start3A_437] : memref<10240x128xf32, #tpu.memory_space<vmem_shared>> -> memref<10240x128xf32, #tpu.memory_space<vmem_shared>>
        tpu.enqueue_indirect_dma source(%dma_start3A_432 : memref<128x128xf32, #tpu.memory_space<vmem>>) target(%dma_start3A_438 : memref<10240x128xf32, #tpu.memory_space<vmem_shared>>) offsets(%dma_start3A_435 : memref<128xi32, #tpu.memory_space<vmem>>) semaphore(%run_scoped3A_428 : memref<!tpu.dma_semaphore, #tpu.memory_space<semaphore_mem>>) {add = true}
        %dma_wait3A_439 = arith.constant 0 : i32
        %dma_wait3A_440 = arith.constant 0 : i32
        %dma_wait3A_441 = tpu.memref_slice %arg9[%run_scoped3A_74, %dma_wait3A_439, %dma_wait3A_440] : memref<2x128x128xf32, #tpu.memory_space<vmem>> -> memref<1x128x128xf32, #tpu.memory_space<vmem>>
        %dma_wait3A_442 = tpu.memref_squeeze %dma_wait3A_441 : memref<1x128x128xf32, #tpu.memory_space<vmem>> -> memref<128x128xf32, #tpu.memory_space<vmem>>
        %dma_wait3A_443 = arith.constant 0 : i32
        %dma_wait3A_444 = tpu.memref_slice %arg8[%run_scoped3A_75, %dma_wait3A_443] : memref<16x128xi32, #tpu.memory_space<vmem>> -> memref<1x128xi32, #tpu.memory_space<vmem>>
        %dma_wait3A_445 = tpu.memref_squeeze %dma_wait3A_444 : memref<1x128xi32, #tpu.memory_space<vmem>> -> memref<128xi32, #tpu.memory_space<vmem>>
        %dma_wait3A_446 = arith.constant 0 : i32
        %dma_wait3A_447 = arith.constant 0 : i32
        %dma_wait3A_448 = tpu.memref_slice %arg10[%dma_wait3A_446, %dma_wait3A_447] : memref<10240x128xf32, #tpu.memory_space<vmem_shared>> -> memref<10240x128xf32, #tpu.memory_space<vmem_shared>>
        tpu.wait_indirect_dma semaphore(%run_scoped3A_428 : memref<!tpu.dma_semaphore, #tpu.memory_space<semaphore_mem>>) src(%dma_wait3A_442 : memref<128x128xf32, #tpu.memory_space<vmem>>) dst(%dma_wait3A_448 : memref<10240x128xf32, #tpu.memory_space<vmem_shared>>)
        tpu.yield
      }) : () -> ()
      %dma_start3A_76 = arith.constant 3 : i32
      %dma_start3A_77 = arith.constant 1 : i32
      %dma_start3A_78 = arith.constant 0 : i32
      %dma_start3A_79 = arith.constant 0 : i32
      %dma_start3A_80 = tpu.memref_slice %arg9[%dma_start3A_77, %dma_start3A_78, %dma_start3A_79] : memref<2x128x128xf32, #tpu.memory_space<vmem>> -> memref<1x128x128xf32, #tpu.memory_space<vmem>>
      %dma_start3A_81 = tpu.memref_squeeze %dma_start3A_80 : memref<1x128x128xf32, #tpu.memory_space<vmem>> -> memref<128x128xf32, #tpu.memory_space<vmem>>
      %dma_start3A_82 = arith.constant 0 : i32
      %dma_start3A_83 = tpu.memref_slice %arg7[%dma_start3A_76, %dma_start3A_82] : memref<16x128xi32, #tpu.memory_space<vmem>> -> memref<1x128xi32, #tpu.memory_space<vmem>>
      %dma_start3A_84 = tpu.memref_squeeze %dma_start3A_83 : memref<1x128xi32, #tpu.memory_space<vmem>> -> memref<128xi32, #tpu.memory_space<vmem>>
      %dma_start3A_85 = arith.constant 0 : i32
      %dma_start3A_86 = arith.constant 0 : i32
      %dma_start3A_87 = tpu.memref_slice %arg2[%dma_start3A_85, %dma_start3A_86] : memref<10240x128xf32, #tpu.memory_space<hbm>> -> memref<10240x128xf32, #tpu.memory_space<hbm>>
      tpu.enqueue_indirect_dma source(%dma_start3A_87 : memref<10240x128xf32, #tpu.memory_space<hbm>>) target(%dma_start3A_81 : memref<128x128xf32, #tpu.memory_space<vmem>>) offsets(%dma_start3A_84 : memref<128xi32, #tpu.memory_space<vmem>>) semaphore(%arg12 : memref<!tpu.dma_semaphore, #tpu.memory_space<semaphore_mem>>)
      %dma_wait3A_88 = arith.constant 2 : i32
      %dma_wait3A_89 = arith.constant 0 : i32
      %dma_wait3A_90 = arith.constant 0 : i32
      %dma_wait3A_91 = arith.constant 0 : i32
      %dma_wait3A_92 = tpu.memref_slice %arg9[%dma_wait3A_89, %dma_wait3A_90, %dma_wait3A_91] : memref<2x128x128xf32, #tpu.memory_space<vmem>> -> memref<1x128x128xf32, #tpu.memory_space<vmem>>
      %dma_wait3A_93 = tpu.memref_squeeze %dma_wait3A_92 : memref<1x128x128xf32, #tpu.memory_space<vmem>> -> memref<128x128xf32, #tpu.memory_space<vmem>>
      %dma_wait3A_94 = arith.constant 0 : i32
      %dma_wait3A_95 = tpu.memref_slice %arg7[%dma_wait3A_88, %dma_wait3A_94] : memref<16x128xi32, #tpu.memory_space<vmem>> -> memref<1x128xi32, #tpu.memory_space<vmem>>
      %dma_wait3A_96 = tpu.memref_squeeze %dma_wait3A_95 : memref<1x128xi32, #tpu.memory_space<vmem>> -> memref<128xi32, #tpu.memory_space<vmem>>
      %dma_wait3A_97 = arith.constant 0 : i32
      %dma_wait3A_98 = arith.constant 0 : i32
      %dma_wait3A_99 = tpu.memref_slice %arg2[%dma_wait3A_97, %dma_wait3A_98] : memref<10240x128xf32, #tpu.memory_space<hbm>> -> memref<10240x128xf32, #tpu.memory_space<hbm>>
      tpu.wait_indirect_dma semaphore(%arg11 : memref<!tpu.dma_semaphore, #tpu.memory_space<semaphore_mem>>) src(%dma_wait3A_99 : memref<10240x128xf32, #tpu.memory_space<hbm>>) dst(%dma_wait3A_93 : memref<128x128xf32, #tpu.memory_space<vmem>>)
      %run_scoped3A_100 = arith.constant 0 : i32
      %run_scoped3A_101 = arith.constant 2 : i32
      "tpu.region"() ({
        %run_scoped3A_428 = tpu.sem_alloc : memref<!tpu.dma_semaphore, #tpu.memory_space<semaphore_mem>>
        %dma_start3A_429 = arith.constant 0 : i32
        %dma_start3A_430 = arith.constant 0 : i32
        %dma_start3A_431 = tpu.memref_slice %arg9[%run_scoped3A_100, %dma_start3A_429, %dma_start3A_430] : memref<2x128x128xf32, #tpu.memory_space<vmem>> -> memref<1x128x128xf32, #tpu.memory_space<vmem>>
        %dma_start3A_432 = tpu.memref_squeeze %dma_start3A_431 : memref<1x128x128xf32, #tpu.memory_space<vmem>> -> memref<128x128xf32, #tpu.memory_space<vmem>>
        %dma_start3A_433 = arith.constant 0 : i32
        %dma_start3A_434 = tpu.memref_slice %arg8[%run_scoped3A_101, %dma_start3A_433] : memref<16x128xi32, #tpu.memory_space<vmem>> -> memref<1x128xi32, #tpu.memory_space<vmem>>
        %dma_start3A_435 = tpu.memref_squeeze %dma_start3A_434 : memref<1x128xi32, #tpu.memory_space<vmem>> -> memref<128xi32, #tpu.memory_space<vmem>>
        %dma_start3A_436 = arith.constant 0 : i32
        %dma_start3A_437 = arith.constant 0 : i32
        %dma_start3A_438 = tpu.memref_slice %arg10[%dma_start3A_436, %dma_start3A_437] : memref<10240x128xf32, #tpu.memory_space<vmem_shared>> -> memref<10240x128xf32, #tpu.memory_space<vmem_shared>>
        tpu.enqueue_indirect_dma source(%dma_start3A_432 : memref<128x128xf32, #tpu.memory_space<vmem>>) target(%dma_start3A_438 : memref<10240x128xf32, #tpu.memory_space<vmem_shared>>) offsets(%dma_start3A_435 : memref<128xi32, #tpu.memory_space<vmem>>) semaphore(%run_scoped3A_428 : memref<!tpu.dma_semaphore, #tpu.memory_space<semaphore_mem>>) {add = true}
        %dma_wait3A_439 = arith.constant 0 : i32
        %dma_wait3A_440 = arith.constant 0 : i32
        %dma_wait3A_441 = tpu.memref_slice %arg9[%run_scoped3A_100, %dma_wait3A_439, %dma_wait3A_440] : memref<2x128x128xf32, #tpu.memory_space<vmem>> -> memref<1x128x128xf32, #tpu.memory_space<vmem>>
        %dma_wait3A_442 = tpu.memref_squeeze %dma_wait3A_441 : memref<1x128x128xf32, #tpu.memory_space<vmem>> -> memref<128x128xf32, #tpu.memory_space<vmem>>
        %dma_wait3A_443 = arith.constant 0 : i32
        %dma_wait3A_444 = tpu.memref_slice %arg8[%run_scoped3A_101, %dma_wait3A_443] : memref<16x128xi32, #tpu.memory_space<vmem>> -> memref<1x128xi32, #tpu.memory_space<vmem>>
        %dma_wait3A_445 = tpu.memref_squeeze %dma_wait3A_444 : memref<1x128xi32, #tpu.memory_space<vmem>> -> memref<128xi32, #tpu.memory_space<vmem>>
        %dma_wait3A_446 = arith.constant 0 : i32
        %dma_wait3A_447 = arith.constant 0 : i32
        %dma_wait3A_448 = tpu.memref_slice %arg10[%dma_wait3A_446, %dma_wait3A_447] : memref<10240x128xf32, #tpu.memory_space<vmem_shared>> -> memref<10240x128xf32, #tpu.memory_space<vmem_shared>>
        tpu.wait_indirect_dma semaphore(%run_scoped3A_428 : memref<!tpu.dma_semaphore, #tpu.memory_space<semaphore_mem>>) src(%dma_wait3A_442 : memref<128x128xf32, #tpu.memory_space<vmem>>) dst(%dma_wait3A_448 : memref<10240x128xf32, #tpu.memory_space<vmem_shared>>)
        tpu.yield
      }) : () -> ()
      %dma_start3A_102 = arith.constant 4 : i32
      %dma_start3A_103 = arith.constant 0 : i32
      %dma_start3A_104 = arith.constant 0 : i32
      %dma_start3A_105 = arith.constant 0 : i32
      %dma_start3A_106 = tpu.memref_slice %arg9[%dma_start3A_103, %dma_start3A_104, %dma_start3A_105] : memref<2x128x128xf32, #tpu.memory_space<vmem>> -> memref<1x128x128xf32, #tpu.memory_space<vmem>>
      %dma_start3A_107 = tpu.memref_squeeze %dma_start3A_106 : memref<1x128x128xf32, #tpu.memory_space<vmem>> -> memref<128x128xf32, #tpu.memory_space<vmem>>
      %dma_start3A_108 = arith.constant 0 : i32
      %dma_start3A_109 = tpu.memref_slice %arg7[%dma_start3A_102, %dma_start3A_108] : memref<16x128xi32, #tpu.memory_space<vmem>> -> memref<1x128xi32, #tpu.memory_space<vmem>>
      %dma_start3A_110 = tpu.memref_squeeze %dma_start3A_109 : memref<1x128xi32, #tpu.memory_space<vmem>> -> memref<128xi32, #tpu.memory_space<vmem>>
      %dma_start3A_111 = arith.constant 0 : i32
      %dma_start3A_112 = arith.constant 0 : i32
      %dma_start3A_113 = tpu.memref_slice %arg2[%dma_start3A_111, %dma_start3A_112] : memref<10240x128xf32, #tpu.memory_space<hbm>> -> memref<10240x128xf32, #tpu.memory_space<hbm>>
      tpu.enqueue_indirect_dma source(%dma_start3A_113 : memref<10240x128xf32, #tpu.memory_space<hbm>>) target(%dma_start3A_107 : memref<128x128xf32, #tpu.memory_space<vmem>>) offsets(%dma_start3A_110 : memref<128xi32, #tpu.memory_space<vmem>>) semaphore(%arg11 : memref<!tpu.dma_semaphore, #tpu.memory_space<semaphore_mem>>)
      %dma_wait3A_114 = arith.constant 3 : i32
      %dma_wait3A_115 = arith.constant 1 : i32
      %dma_wait3A_116 = arith.constant 0 : i32
      %dma_wait3A_117 = arith.constant 0 : i32
      %dma_wait3A_118 = tpu.memref_slice %arg9[%dma_wait3A_115, %dma_wait3A_116, %dma_wait3A_117] : memref<2x128x128xf32, #tpu.memory_space<vmem>> -> memref<1x128x128xf32, #tpu.memory_space<vmem>>
      %dma_wait3A_119 = tpu.memref_squeeze %dma_wait3A_118 : memref<1x128x128xf32, #tpu.memory_space<vmem>> -> memref<128x128xf32, #tpu.memory_space<vmem>>
      %dma_wait3A_120 = arith.constant 0 : i32
      %dma_wait3A_121 = tpu.memref_slice %arg7[%dma_wait3A_114, %dma_wait3A_120] : memref<16x128xi32, #tpu.memory_space<vmem>> -> memref<1x128xi32, #tpu.memory_space<vmem>>
      %dma_wait3A_122 = tpu.memref_squeeze %dma_wait3A_121 : memref<1x128xi32, #tpu.memory_space<vmem>> -> memref<128xi32, #tpu.memory_space<vmem>>
      %dma_wait3A_123 = arith.constant 0 : i32
      %dma_wait3A_124 = arith.constant 0 : i32
      %dma_wait3A_125 = tpu.memref_slice %arg2[%dma_wait3A_123, %dma_wait3A_124] : memref<10240x128xf32, #tpu.memory_space<hbm>> -> memref<10240x128xf32, #tpu.memory_space<hbm>>
      tpu.wait_indirect_dma semaphore(%arg12 : memref<!tpu.dma_semaphore, #tpu.memory_space<semaphore_mem>>) src(%dma_wait3A_125 : memref<10240x128xf32, #tpu.memory_space<hbm>>) dst(%dma_wait3A_119 : memref<128x128xf32, #tpu.memory_space<vmem>>)
      %run_scoped3A_126 = arith.constant 1 : i32
      %run_scoped3A_127 = arith.constant 3 : i32
      "tpu.region"() ({
        %run_scoped3A_428 = tpu.sem_alloc : memref<!tpu.dma_semaphore, #tpu.memory_space<semaphore_mem>>
        %dma_start3A_429 = arith.constant 0 : i32
        %dma_start3A_430 = arith.constant 0 : i32
        %dma_start3A_431 = tpu.memref_slice %arg9[%run_scoped3A_126, %dma_start3A_429, %dma_start3A_430] : memref<2x128x128xf32, #tpu.memory_space<vmem>> -> memref<1x128x128xf32, #tpu.memory_space<vmem>>
        %dma_start3A_432 = tpu.memref_squeeze %dma_start3A_431 : memref<1x128x128xf32, #tpu.memory_space<vmem>> -> memref<128x128xf32, #tpu.memory_space<vmem>>
        %dma_start3A_433 = arith.constant 0 : i32
        %dma_start3A_434 = tpu.memref_slice %arg8[%run_scoped3A_127, %dma_start3A_433] : memref<16x128xi32, #tpu.memory_space<vmem>> -> memref<1x128xi32, #tpu.memory_space<vmem>>
        %dma_start3A_435 = tpu.memref_squeeze %dma_start3A_434 : memref<1x128xi32, #tpu.memory_space<vmem>> -> memref<128xi32, #tpu.memory_space<vmem>>
        %dma_start3A_436 = arith.constant 0 : i32
        %dma_start3A_437 = arith.constant 0 : i32
        %dma_start3A_438 = tpu.memref_slice %arg10[%dma_start3A_436, %dma_start3A_437] : memref<10240x128xf32, #tpu.memory_space<vmem_shared>> -> memref<10240x128xf32, #tpu.memory_space<vmem_shared>>
        tpu.enqueue_indirect_dma source(%dma_start3A_432 : memref<128x128xf32, #tpu.memory_space<vmem>>) target(%dma_start3A_438 : memref<10240x128xf32, #tpu.memory_space<vmem_shared>>) offsets(%dma_start3A_435 : memref<128xi32, #tpu.memory_space<vmem>>) semaphore(%run_scoped3A_428 : memref<!tpu.dma_semaphore, #tpu.memory_space<semaphore_mem>>) {add = true}
        %dma_wait3A_439 = arith.constant 0 : i32
        %dma_wait3A_440 = arith.constant 0 : i32
        %dma_wait3A_441 = tpu.memref_slice %arg9[%run_scoped3A_126, %dma_wait3A_439, %dma_wait3A_440] : memref<2x128x128xf32, #tpu.memory_space<vmem>> -> memref<1x128x128xf32, #tpu.memory_space<vmem>>
        %dma_wait3A_442 = tpu.memref_squeeze %dma_wait3A_441 : memref<1x128x128xf32, #tpu.memory_space<vmem>> -> memref<128x128xf32, #tpu.memory_space<vmem>>
        %dma_wait3A_443 = arith.constant 0 : i32
        %dma_wait3A_444 = tpu.memref_slice %arg8[%run_scoped3A_127, %dma_wait3A_443] : memref<16x128xi32, #tpu.memory_space<vmem>> -> memref<1x128xi32, #tpu.memory_space<vmem>>
        %dma_wait3A_445 = tpu.memref_squeeze %dma_wait3A_444 : memref<1x128xi32, #tpu.memory_space<vmem>> -> memref<128xi32, #tpu.memory_space<vmem>>
        %dma_wait3A_446 = arith.constant 0 : i32
        %dma_wait3A_447 = arith.constant 0 : i32
        %dma_wait3A_448 = tpu.memref_slice %arg10[%dma_wait3A_446, %dma_wait3A_447] : memref<10240x128xf32, #tpu.memory_space<vmem_shared>> -> memref<10240x128xf32, #tpu.memory_space<vmem_shared>>
        tpu.wait_indirect_dma semaphore(%run_scoped3A_428 : memref<!tpu.dma_semaphore, #tpu.memory_space<semaphore_mem>>) src(%dma_wait3A_442 : memref<128x128xf32, #tpu.memory_space<vmem>>) dst(%dma_wait3A_448 : memref<10240x128xf32, #tpu.memory_space<vmem_shared>>)
        tpu.yield
      }) : () -> ()
      %dma_start3A_128 = arith.constant 5 : i32
      %dma_start3A_129 = arith.constant 1 : i32
      %dma_start3A_130 = arith.constant 0 : i32
      %dma_start3A_131 = arith.constant 0 : i32
      %dma_start3A_132 = tpu.memref_slice %arg9[%dma_start3A_129, %dma_start3A_130, %dma_start3A_131] : memref<2x128x128xf32, #tpu.memory_space<vmem>> -> memref<1x128x128xf32, #tpu.memory_space<vmem>>
      %dma_start3A_133 = tpu.memref_squeeze %dma_start3A_132 : memref<1x128x128xf32, #tpu.memory_space<vmem>> -> memref<128x128xf32, #tpu.memory_space<vmem>>
      %dma_start3A_134 = arith.constant 0 : i32
      %dma_start3A_135 = tpu.memref_slice %arg7[%dma_start3A_128, %dma_start3A_134] : memref<16x128xi32, #tpu.memory_space<vmem>> -> memref<1x128xi32, #tpu.memory_space<vmem>>
      %dma_start3A_136 = tpu.memref_squeeze %dma_start3A_135 : memref<1x128xi32, #tpu.memory_space<vmem>> -> memref<128xi32, #tpu.memory_space<vmem>>
      %dma_start3A_137 = arith.constant 0 : i32
      %dma_start3A_138 = arith.constant 0 : i32
      %dma_start3A_139 = tpu.memref_slice %arg2[%dma_start3A_137, %dma_start3A_138] : memref<10240x128xf32, #tpu.memory_space<hbm>> -> memref<10240x128xf32, #tpu.memory_space<hbm>>
      tpu.enqueue_indirect_dma source(%dma_start3A_139 : memref<10240x128xf32, #tpu.memory_space<hbm>>) target(%dma_start3A_133 : memref<128x128xf32, #tpu.memory_space<vmem>>) offsets(%dma_start3A_136 : memref<128xi32, #tpu.memory_space<vmem>>) semaphore(%arg12 : memref<!tpu.dma_semaphore, #tpu.memory_space<semaphore_mem>>)
      %dma_wait3A_140 = arith.constant 4 : i32
      %dma_wait3A_141 = arith.constant 0 : i32
      %dma_wait3A_142 = arith.constant 0 : i32
      %dma_wait3A_143 = arith.constant 0 : i32
      %dma_wait3A_144 = tpu.memref_slice %arg9[%dma_wait3A_141, %dma_wait3A_142, %dma_wait3A_143] : memref<2x128x128xf32, #tpu.memory_space<vmem>> -> memref<1x128x128xf32, #tpu.memory_space<vmem>>
      %dma_wait3A_145 = tpu.memref_squeeze %dma_wait3A_144 : memref<1x128x128xf32, #tpu.memory_space<vmem>> -> memref<128x128xf32, #tpu.memory_space<vmem>>
      %dma_wait3A_146 = arith.constant 0 : i32
      %dma_wait3A_147 = tpu.memref_slice %arg7[%dma_wait3A_140, %dma_wait3A_146] : memref<16x128xi32, #tpu.memory_space<vmem>> -> memref<1x128xi32, #tpu.memory_space<vmem>>
      %dma_wait3A_148 = tpu.memref_squeeze %dma_wait3A_147 : memref<1x128xi32, #tpu.memory_space<vmem>> -> memref<128xi32, #tpu.memory_space<vmem>>
      %dma_wait3A_149 = arith.constant 0 : i32
      %dma_wait3A_150 = arith.constant 0 : i32
      %dma_wait3A_151 = tpu.memref_slice %arg2[%dma_wait3A_149, %dma_wait3A_150] : memref<10240x128xf32, #tpu.memory_space<hbm>> -> memref<10240x128xf32, #tpu.memory_space<hbm>>
      tpu.wait_indirect_dma semaphore(%arg11 : memref<!tpu.dma_semaphore, #tpu.memory_space<semaphore_mem>>) src(%dma_wait3A_151 : memref<10240x128xf32, #tpu.memory_space<hbm>>) dst(%dma_wait3A_145 : memref<128x128xf32, #tpu.memory_space<vmem>>)
      %run_scoped3A_152 = arith.constant 0 : i32
      %run_scoped3A_153 = arith.constant 4 : i32
      "tpu.region"() ({
        %run_scoped3A_428 = tpu.sem_alloc : memref<!tpu.dma_semaphore, #tpu.memory_space<semaphore_mem>>
        %dma_start3A_429 = arith.constant 0 : i32
        %dma_start3A_430 = arith.constant 0 : i32
        %dma_start3A_431 = tpu.memref_slice %arg9[%run_scoped3A_152, %dma_start3A_429, %dma_start3A_430] : memref<2x128x128xf32, #tpu.memory_space<vmem>> -> memref<1x128x128xf32, #tpu.memory_space<vmem>>
        %dma_start3A_432 = tpu.memref_squeeze %dma_start3A_431 : memref<1x128x128xf32, #tpu.memory_space<vmem>> -> memref<128x128xf32, #tpu.memory_space<vmem>>
        %dma_start3A_433 = arith.constant 0 : i32
        %dma_start3A_434 = tpu.memref_slice %arg8[%run_scoped3A_153, %dma_start3A_433] : memref<16x128xi32, #tpu.memory_space<vmem>> -> memref<1x128xi32, #tpu.memory_space<vmem>>
        %dma_start3A_435 = tpu.memref_squeeze %dma_start3A_434 : memref<1x128xi32, #tpu.memory_space<vmem>> -> memref<128xi32, #tpu.memory_space<vmem>>
        %dma_start3A_436 = arith.constant 0 : i32
        %dma_start3A_437 = arith.constant 0 : i32
        %dma_start3A_438 = tpu.memref_slice %arg10[%dma_start3A_436, %dma_start3A_437] : memref<10240x128xf32, #tpu.memory_space<vmem_shared>> -> memref<10240x128xf32, #tpu.memory_space<vmem_shared>>
        tpu.enqueue_indirect_dma source(%dma_start3A_432 : memref<128x128xf32, #tpu.memory_space<vmem>>) target(%dma_start3A_438 : memref<10240x128xf32, #tpu.memory_space<vmem_shared>>) offsets(%dma_start3A_435 : memref<128xi32, #tpu.memory_space<vmem>>) semaphore(%run_scoped3A_428 : memref<!tpu.dma_semaphore, #tpu.memory_space<semaphore_mem>>) {add = true}
        %dma_wait3A_439 = arith.constant 0 : i32
        %dma_wait3A_440 = arith.constant 0 : i32
        %dma_wait3A_441 = tpu.memref_slice %arg9[%run_scoped3A_152, %dma_wait3A_439, %dma_wait3A_440] : memref<2x128x128xf32, #tpu.memory_space<vmem>> -> memref<1x128x128xf32, #tpu.memory_space<vmem>>
        %dma_wait3A_442 = tpu.memref_squeeze %dma_wait3A_441 : memref<1x128x128xf32, #tpu.memory_space<vmem>> -> memref<128x128xf32, #tpu.memory_space<vmem>>
        %dma_wait3A_443 = arith.constant 0 : i32
        %dma_wait3A_444 = tpu.memref_slice %arg8[%run_scoped3A_153, %dma_wait3A_443] : memref<16x128xi32, #tpu.memory_space<vmem>> -> memref<1x128xi32, #tpu.memory_space<vmem>>
        %dma_wait3A_445 = tpu.memref_squeeze %dma_wait3A_444 : memref<1x128xi32, #tpu.memory_space<vmem>> -> memref<128xi32, #tpu.memory_space<vmem>>
        %dma_wait3A_446 = arith.constant 0 : i32
        %dma_wait3A_447 = arith.constant 0 : i32
        %dma_wait3A_448 = tpu.memref_slice %arg10[%dma_wait3A_446, %dma_wait3A_447] : memref<10240x128xf32, #tpu.memory_space<vmem_shared>> -> memref<10240x128xf32, #tpu.memory_space<vmem_shared>>
        tpu.wait_indirect_dma semaphore(%run_scoped3A_428 : memref<!tpu.dma_semaphore, #tpu.memory_space<semaphore_mem>>) src(%dma_wait3A_442 : memref<128x128xf32, #tpu.memory_space<vmem>>) dst(%dma_wait3A_448 : memref<10240x128xf32, #tpu.memory_space<vmem_shared>>)
        tpu.yield
      }) : () -> ()
      %dma_start3A_154 = arith.constant 6 : i32
      %dma_start3A_155 = arith.constant 0 : i32
      %dma_start3A_156 = arith.constant 0 : i32
      %dma_start3A_157 = arith.constant 0 : i32
      %dma_start3A_158 = tpu.memref_slice %arg9[%dma_start3A_155, %dma_start3A_156, %dma_start3A_157] : memref<2x128x128xf32, #tpu.memory_space<vmem>> -> memref<1x128x128xf32, #tpu.memory_space<vmem>>
      %dma_start3A_159 = tpu.memref_squeeze %dma_start3A_158 : memref<1x128x128xf32, #tpu.memory_space<vmem>> -> memref<128x128xf32, #tpu.memory_space<vmem>>
      %dma_start3A_160 = arith.constant 0 : i32
      %dma_start3A_161 = tpu.memref_slice %arg7[%dma_start3A_154, %dma_start3A_160] : memref<16x128xi32, #tpu.memory_space<vmem>> -> memref<1x128xi32, #tpu.memory_space<vmem>>
      %dma_start3A_162 = tpu.memref_squeeze %dma_start3A_161 : memref<1x128xi32, #tpu.memory_space<vmem>> -> memref<128xi32, #tpu.memory_space<vmem>>
      %dma_start3A_163 = arith.constant 0 : i32
      %dma_start3A_164 = arith.constant 0 : i32
      %dma_start3A_165 = tpu.memref_slice %arg2[%dma_start3A_163, %dma_start3A_164] : memref<10240x128xf32, #tpu.memory_space<hbm>> -> memref<10240x128xf32, #tpu.memory_space<hbm>>
      tpu.enqueue_indirect_dma source(%dma_start3A_165 : memref<10240x128xf32, #tpu.memory_space<hbm>>) target(%dma_start3A_159 : memref<128x128xf32, #tpu.memory_space<vmem>>) offsets(%dma_start3A_162 : memref<128xi32, #tpu.memory_space<vmem>>) semaphore(%arg11 : memref<!tpu.dma_semaphore, #tpu.memory_space<semaphore_mem>>)
      %dma_wait3A_166 = arith.constant 5 : i32
      %dma_wait3A_167 = arith.constant 1 : i32
      %dma_wait3A_168 = arith.constant 0 : i32
      %dma_wait3A_169 = arith.constant 0 : i32
      %dma_wait3A_170 = tpu.memref_slice %arg9[%dma_wait3A_167, %dma_wait3A_168, %dma_wait3A_169] : memref<2x128x128xf32, #tpu.memory_space<vmem>> -> memref<1x128x128xf32, #tpu.memory_space<vmem>>
      %dma_wait3A_171 = tpu.memref_squeeze %dma_wait3A_170 : memref<1x128x128xf32, #tpu.memory_space<vmem>> -> memref<128x128xf32, #tpu.memory_space<vmem>>
      %dma_wait3A_172 = arith.constant 0 : i32
      %dma_wait3A_173 = tpu.memref_slice %arg7[%dma_wait3A_166, %dma_wait3A_172] : memref<16x128xi32, #tpu.memory_space<vmem>> -> memref<1x128xi32, #tpu.memory_space<vmem>>
      %dma_wait3A_174 = tpu.memref_squeeze %dma_wait3A_173 : memref<1x128xi32, #tpu.memory_space<vmem>> -> memref<128xi32, #tpu.memory_space<vmem>>
      %dma_wait3A_175 = arith.constant 0 : i32
      %dma_wait3A_176 = arith.constant 0 : i32
      %dma_wait3A_177 = tpu.memref_slice %arg2[%dma_wait3A_175, %dma_wait3A_176] : memref<10240x128xf32, #tpu.memory_space<hbm>> -> memref<10240x128xf32, #tpu.memory_space<hbm>>
      tpu.wait_indirect_dma semaphore(%arg12 : memref<!tpu.dma_semaphore, #tpu.memory_space<semaphore_mem>>) src(%dma_wait3A_177 : memref<10240x128xf32, #tpu.memory_space<hbm>>) dst(%dma_wait3A_171 : memref<128x128xf32, #tpu.memory_space<vmem>>)
      %run_scoped3A_178 = arith.constant 1 : i32
      %run_scoped3A_179 = arith.constant 5 : i32
      "tpu.region"() ({
        %run_scoped3A_428 = tpu.sem_alloc : memref<!tpu.dma_semaphore, #tpu.memory_space<semaphore_mem>>
        %dma_start3A_429 = arith.constant 0 : i32
        %dma_start3A_430 = arith.constant 0 : i32
        %dma_start3A_431 = tpu.memref_slice %arg9[%run_scoped3A_178, %dma_start3A_429, %dma_start3A_430] : memref<2x128x128xf32, #tpu.memory_space<vmem>> -> memref<1x128x128xf32, #tpu.memory_space<vmem>>
        %dma_start3A_432 = tpu.memref_squeeze %dma_start3A_431 : memref<1x128x128xf32, #tpu.memory_space<vmem>> -> memref<128x128xf32, #tpu.memory_space<vmem>>
        %dma_start3A_433 = arith.constant 0 : i32
        %dma_start3A_434 = tpu.memref_slice %arg8[%run_scoped3A_179, %dma_start3A_433] : memref<16x128xi32, #tpu.memory_space<vmem>> -> memref<1x128xi32, #tpu.memory_space<vmem>>
        %dma_start3A_435 = tpu.memref_squeeze %dma_start3A_434 : memref<1x128xi32, #tpu.memory_space<vmem>> -> memref<128xi32, #tpu.memory_space<vmem>>
        %dma_start3A_436 = arith.constant 0 : i32
        %dma_start3A_437 = arith.constant 0 : i32
        %dma_start3A_438 = tpu.memref_slice %arg10[%dma_start3A_436, %dma_start3A_437] : memref<10240x128xf32, #tpu.memory_space<vmem_shared>> -> memref<10240x128xf32, #tpu.memory_space<vmem_shared>>
        tpu.enqueue_indirect_dma source(%dma_start3A_432 : memref<128x128xf32, #tpu.memory_space<vmem>>) target(%dma_start3A_438 : memref<10240x128xf32, #tpu.memory_space<vmem_shared>>) offsets(%dma_start3A_435 : memref<128xi32, #tpu.memory_space<vmem>>) semaphore(%run_scoped3A_428 : memref<!tpu.dma_semaphore, #tpu.memory_space<semaphore_mem>>) {add = true}
        %dma_wait3A_439 = arith.constant 0 : i32
        %dma_wait3A_440 = arith.constant 0 : i32
        %dma_wait3A_441 = tpu.memref_slice %arg9[%run_scoped3A_178, %dma_wait3A_439, %dma_wait3A_440] : memref<2x128x128xf32, #tpu.memory_space<vmem>> -> memref<1x128x128xf32, #tpu.memory_space<vmem>>
        %dma_wait3A_442 = tpu.memref_squeeze %dma_wait3A_441 : memref<1x128x128xf32, #tpu.memory_space<vmem>> -> memref<128x128xf32, #tpu.memory_space<vmem>>
        %dma_wait3A_443 = arith.constant 0 : i32
        %dma_wait3A_444 = tpu.memref_slice %arg8[%run_scoped3A_179, %dma_wait3A_443] : memref<16x128xi32, #tpu.memory_space<vmem>> -> memref<1x128xi32, #tpu.memory_space<vmem>>
        %dma_wait3A_445 = tpu.memref_squeeze %dma_wait3A_444 : memref<1x128xi32, #tpu.memory_space<vmem>> -> memref<128xi32, #tpu.memory_space<vmem>>
        %dma_wait3A_446 = arith.constant 0 : i32
        %dma_wait3A_447 = arith.constant 0 : i32
        %dma_wait3A_448 = tpu.memref_slice %arg10[%dma_wait3A_446, %dma_wait3A_447] : memref<10240x128xf32, #tpu.memory_space<vmem_shared>> -> memref<10240x128xf32, #tpu.memory_space<vmem_shared>>
        tpu.wait_indirect_dma semaphore(%run_scoped3A_428 : memref<!tpu.dma_semaphore, #tpu.memory_space<semaphore_mem>>) src(%dma_wait3A_442 : memref<128x128xf32, #tpu.memory_space<vmem>>) dst(%dma_wait3A_448 : memref<10240x128xf32, #tpu.memory_space<vmem_shared>>)
        tpu.yield
      }) : () -> ()
      %dma_start3A_180 = arith.constant 7 : i32
      %dma_start3A_181 = arith.constant 1 : i32
      %dma_start3A_182 = arith.constant 0 : i32
      %dma_start3A_183 = arith.constant 0 : i32
      %dma_start3A_184 = tpu.memref_slice %arg9[%dma_start3A_181, %dma_start3A_182, %dma_start3A_183] : memref<2x128x128xf32, #tpu.memory_space<vmem>> -> memref<1x128x128xf32, #tpu.memory_space<vmem>>
      %dma_start3A_185 = tpu.memref_squeeze %dma_start3A_184 : memref<1x128x128xf32, #tpu.memory_space<vmem>> -> memref<128x128xf32, #tpu.memory_space<vmem>>
      %dma_start3A_186 = arith.constant 0 : i32
      %dma_start3A_187 = tpu.memref_slice %arg7[%dma_start3A_180, %dma_start3A_186] : memref<16x128xi32, #tpu.memory_space<vmem>> -> memref<1x128xi32, #tpu.memory_space<vmem>>
      %dma_start3A_188 = tpu.memref_squeeze %dma_start3A_187 : memref<1x128xi32, #tpu.memory_space<vmem>> -> memref<128xi32, #tpu.memory_space<vmem>>
      %dma_start3A_189 = arith.constant 0 : i32
      %dma_start3A_190 = arith.constant 0 : i32
      %dma_start3A_191 = tpu.memref_slice %arg2[%dma_start3A_189, %dma_start3A_190] : memref<10240x128xf32, #tpu.memory_space<hbm>> -> memref<10240x128xf32, #tpu.memory_space<hbm>>
      tpu.enqueue_indirect_dma source(%dma_start3A_191 : memref<10240x128xf32, #tpu.memory_space<hbm>>) target(%dma_start3A_185 : memref<128x128xf32, #tpu.memory_space<vmem>>) offsets(%dma_start3A_188 : memref<128xi32, #tpu.memory_space<vmem>>) semaphore(%arg12 : memref<!tpu.dma_semaphore, #tpu.memory_space<semaphore_mem>>)
      %dma_wait3A_192 = arith.constant 6 : i32
      %dma_wait3A_193 = arith.constant 0 : i32
      %dma_wait3A_194 = arith.constant 0 : i32
      %dma_wait3A_195 = arith.constant 0 : i32
      %dma_wait3A_196 = tpu.memref_slice %arg9[%dma_wait3A_193, %dma_wait3A_194, %dma_wait3A_195] : memref<2x128x128xf32, #tpu.memory_space<vmem>> -> memref<1x128x128xf32, #tpu.memory_space<vmem>>
      %dma_wait3A_197 = tpu.memref_squeeze %dma_wait3A_196 : memref<1x128x128xf32, #tpu.memory_space<vmem>> -> memref<128x128xf32, #tpu.memory_space<vmem>>
      %dma_wait3A_198 = arith.constant 0 : i32
      %dma_wait3A_199 = tpu.memref_slice %arg7[%dma_wait3A_192, %dma_wait3A_198] : memref<16x128xi32, #tpu.memory_space<vmem>> -> memref<1x128xi32, #tpu.memory_space<vmem>>
      %dma_wait3A_200 = tpu.memref_squeeze %dma_wait3A_199 : memref<1x128xi32, #tpu.memory_space<vmem>> -> memref<128xi32, #tpu.memory_space<vmem>>
      %dma_wait3A_201 = arith.constant 0 : i32
      %dma_wait3A_202 = arith.constant 0 : i32
      %dma_wait3A_203 = tpu.memref_slice %arg2[%dma_wait3A_201, %dma_wait3A_202] : memref<10240x128xf32, #tpu.memory_space<hbm>> -> memref<10240x128xf32, #tpu.memory_space<hbm>>
      tpu.wait_indirect_dma semaphore(%arg11 : memref<!tpu.dma_semaphore, #tpu.memory_space<semaphore_mem>>) src(%dma_wait3A_203 : memref<10240x128xf32, #tpu.memory_space<hbm>>) dst(%dma_wait3A_197 : memref<128x128xf32, #tpu.memory_space<vmem>>)
      %run_scoped3A_204 = arith.constant 0 : i32
      %run_scoped3A_205 = arith.constant 6 : i32
      "tpu.region"() ({
        %run_scoped3A_428 = tpu.sem_alloc : memref<!tpu.dma_semaphore, #tpu.memory_space<semaphore_mem>>
        %dma_start3A_429 = arith.constant 0 : i32
        %dma_start3A_430 = arith.constant 0 : i32
        %dma_start3A_431 = tpu.memref_slice %arg9[%run_scoped3A_204, %dma_start3A_429, %dma_start3A_430] : memref<2x128x128xf32, #tpu.memory_space<vmem>> -> memref<1x128x128xf32, #tpu.memory_space<vmem>>
        %dma_start3A_432 = tpu.memref_squeeze %dma_start3A_431 : memref<1x128x128xf32, #tpu.memory_space<vmem>> -> memref<128x128xf32, #tpu.memory_space<vmem>>
        %dma_start3A_433 = arith.constant 0 : i32
        %dma_start3A_434 = tpu.memref_slice %arg8[%run_scoped3A_205, %dma_start3A_433] : memref<16x128xi32, #tpu.memory_space<vmem>> -> memref<1x128xi32, #tpu.memory_space<vmem>>
        %dma_start3A_435 = tpu.memref_squeeze %dma_start3A_434 : memref<1x128xi32, #tpu.memory_space<vmem>> -> memref<128xi32, #tpu.memory_space<vmem>>
        %dma_start3A_436 = arith.constant 0 : i32
        %dma_start3A_437 = arith.constant 0 : i32
        %dma_start3A_438 = tpu.memref_slice %arg10[%dma_start3A_436, %dma_start3A_437] : memref<10240x128xf32, #tpu.memory_space<vmem_shared>> -> memref<10240x128xf32, #tpu.memory_space<vmem_shared>>
        tpu.enqueue_indirect_dma source(%dma_start3A_432 : memref<128x128xf32, #tpu.memory_space<vmem>>) target(%dma_start3A_438 : memref<10240x128xf32, #tpu.memory_space<vmem_shared>>) offsets(%dma_start3A_435 : memref<128xi32, #tpu.memory_space<vmem>>) semaphore(%run_scoped3A_428 : memref<!tpu.dma_semaphore, #tpu.memory_space<semaphore_mem>>) {add = true}
        %dma_wait3A_439 = arith.constant 0 : i32
        %dma_wait3A_440 = arith.constant 0 : i32
        %dma_wait3A_441 = tpu.memref_slice %arg9[%run_scoped3A_204, %dma_wait3A_439, %dma_wait3A_440] : memref<2x128x128xf32, #tpu.memory_space<vmem>> -> memref<1x128x128xf32, #tpu.memory_space<vmem>>
        %dma_wait3A_442 = tpu.memref_squeeze %dma_wait3A_441 : memref<1x128x128xf32, #tpu.memory_space<vmem>> -> memref<128x128xf32, #tpu.memory_space<vmem>>
        %dma_wait3A_443 = arith.constant 0 : i32
        %dma_wait3A_444 = tpu.memref_slice %arg8[%run_scoped3A_205, %dma_wait3A_443] : memref<16x128xi32, #tpu.memory_space<vmem>> -> memref<1x128xi32, #tpu.memory_space<vmem>>
        %dma_wait3A_445 = tpu.memref_squeeze %dma_wait3A_444 : memref<1x128xi32, #tpu.memory_space<vmem>> -> memref<128xi32, #tpu.memory_space<vmem>>
        %dma_wait3A_446 = arith.constant 0 : i32
        %dma_wait3A_447 = arith.constant 0 : i32
        %dma_wait3A_448 = tpu.memref_slice %arg10[%dma_wait3A_446, %dma_wait3A_447] : memref<10240x128xf32, #tpu.memory_space<vmem_shared>> -> memref<10240x128xf32, #tpu.memory_space<vmem_shared>>
        tpu.wait_indirect_dma semaphore(%run_scoped3A_428 : memref<!tpu.dma_semaphore, #tpu.memory_space<semaphore_mem>>) src(%dma_wait3A_442 : memref<128x128xf32, #tpu.memory_space<vmem>>) dst(%dma_wait3A_448 : memref<10240x128xf32, #tpu.memory_space<vmem_shared>>)
        tpu.yield
      }) : () -> ()
      %dma_start3A_206 = arith.constant 8 : i32
      %dma_start3A_207 = arith.constant 0 : i32
      %dma_start3A_208 = arith.constant 0 : i32
      %dma_start3A_209 = arith.constant 0 : i32
      %dma_start3A_210 = tpu.memref_slice %arg9[%dma_start3A_207, %dma_start3A_208, %dma_start3A_209] : memref<2x128x128xf32, #tpu.memory_space<vmem>> -> memref<1x128x128xf32, #tpu.memory_space<vmem>>
      %dma_start3A_211 = tpu.memref_squeeze %dma_start3A_210 : memref<1x128x128xf32, #tpu.memory_space<vmem>> -> memref<128x128xf32, #tpu.memory_space<vmem>>
      %dma_start3A_212 = arith.constant 0 : i32
      %dma_start3A_213 = tpu.memref_slice %arg7[%dma_start3A_206, %dma_start3A_212] : memref<16x128xi32, #tpu.memory_space<vmem>> -> memref<1x128xi32, #tpu.memory_space<vmem>>
      %dma_start3A_214 = tpu.memref_squeeze %dma_start3A_213 : memref<1x128xi32, #tpu.memory_space<vmem>> -> memref<128xi32, #tpu.memory_space<vmem>>
      %dma_start3A_215 = arith.constant 0 : i32
      %dma_start3A_216 = arith.constant 0 : i32
      %dma_start3A_217 = tpu.memref_slice %arg2[%dma_start3A_215, %dma_start3A_216] : memref<10240x128xf32, #tpu.memory_space<hbm>> -> memref<10240x128xf32, #tpu.memory_space<hbm>>
      tpu.enqueue_indirect_dma source(%dma_start3A_217 : memref<10240x128xf32, #tpu.memory_space<hbm>>) target(%dma_start3A_211 : memref<128x128xf32, #tpu.memory_space<vmem>>) offsets(%dma_start3A_214 : memref<128xi32, #tpu.memory_space<vmem>>) semaphore(%arg11 : memref<!tpu.dma_semaphore, #tpu.memory_space<semaphore_mem>>)
      %dma_wait3A_218 = arith.constant 7 : i32
      %dma_wait3A_219 = arith.constant 1 : i32
      %dma_wait3A_220 = arith.constant 0 : i32
      %dma_wait3A_221 = arith.constant 0 : i32
      %dma_wait3A_222 = tpu.memref_slice %arg9[%dma_wait3A_219, %dma_wait3A_220, %dma_wait3A_221] : memref<2x128x128xf32, #tpu.memory_space<vmem>> -> memref<1x128x128xf32, #tpu.memory_space<vmem>>
      %dma_wait3A_223 = tpu.memref_squeeze %dma_wait3A_222 : memref<1x128x128xf32, #tpu.memory_space<vmem>> -> memref<128x128xf32, #tpu.memory_space<vmem>>
      %dma_wait3A_224 = arith.constant 0 : i32
      %dma_wait3A_225 = tpu.memref_slice %arg7[%dma_wait3A_218, %dma_wait3A_224] : memref<16x128xi32, #tpu.memory_space<vmem>> -> memref<1x128xi32, #tpu.memory_space<vmem>>
      %dma_wait3A_226 = tpu.memref_squeeze %dma_wait3A_225 : memref<1x128xi32, #tpu.memory_space<vmem>> -> memref<128xi32, #tpu.memory_space<vmem>>
      %dma_wait3A_227 = arith.constant 0 : i32
      %dma_wait3A_228 = arith.constant 0 : i32
      %dma_wait3A_229 = tpu.memref_slice %arg2[%dma_wait3A_227, %dma_wait3A_228] : memref<10240x128xf32, #tpu.memory_space<hbm>> -> memref<10240x128xf32, #tpu.memory_space<hbm>>
      tpu.wait_indirect_dma semaphore(%arg12 : memref<!tpu.dma_semaphore, #tpu.memory_space<semaphore_mem>>) src(%dma_wait3A_229 : memref<10240x128xf32, #tpu.memory_space<hbm>>) dst(%dma_wait3A_223 : memref<128x128xf32, #tpu.memory_space<vmem>>)
      %run_scoped3A_230 = arith.constant 1 : i32
      %run_scoped3A_231 = arith.constant 7 : i32
      "tpu.region"() ({
        %run_scoped3A_428 = tpu.sem_alloc : memref<!tpu.dma_semaphore, #tpu.memory_space<semaphore_mem>>
        %dma_start3A_429 = arith.constant 0 : i32
        %dma_start3A_430 = arith.constant 0 : i32
        %dma_start3A_431 = tpu.memref_slice %arg9[%run_scoped3A_230, %dma_start3A_429, %dma_start3A_430] : memref<2x128x128xf32, #tpu.memory_space<vmem>> -> memref<1x128x128xf32, #tpu.memory_space<vmem>>
        %dma_start3A_432 = tpu.memref_squeeze %dma_start3A_431 : memref<1x128x128xf32, #tpu.memory_space<vmem>> -> memref<128x128xf32, #tpu.memory_space<vmem>>
        %dma_start3A_433 = arith.constant 0 : i32
        %dma_start3A_434 = tpu.memref_slice %arg8[%run_scoped3A_231, %dma_start3A_433] : memref<16x128xi32, #tpu.memory_space<vmem>> -> memref<1x128xi32, #tpu.memory_space<vmem>>
        %dma_start3A_435 = tpu.memref_squeeze %dma_start3A_434 : memref<1x128xi32, #tpu.memory_space<vmem>> -> memref<128xi32, #tpu.memory_space<vmem>>
        %dma_start3A_436 = arith.constant 0 : i32
        %dma_start3A_437 = arith.constant 0 : i32
        %dma_start3A_438 = tpu.memref_slice %arg10[%dma_start3A_436, %dma_start3A_437] : memref<10240x128xf32, #tpu.memory_space<vmem_shared>> -> memref<10240x128xf32, #tpu.memory_space<vmem_shared>>
        tpu.enqueue_indirect_dma source(%dma_start3A_432 : memref<128x128xf32, #tpu.memory_space<vmem>>) target(%dma_start3A_438 : memref<10240x128xf32, #tpu.memory_space<vmem_shared>>) offsets(%dma_start3A_435 : memref<128xi32, #tpu.memory_space<vmem>>) semaphore(%run_scoped3A_428 : memref<!tpu.dma_semaphore, #tpu.memory_space<semaphore_mem>>) {add = true}
        %dma_wait3A_439 = arith.constant 0 : i32
        %dma_wait3A_440 = arith.constant 0 : i32
        %dma_wait3A_441 = tpu.memref_slice %arg9[%run_scoped3A_230, %dma_wait3A_439, %dma_wait3A_440] : memref<2x128x128xf32, #tpu.memory_space<vmem>> -> memref<1x128x128xf32, #tpu.memory_space<vmem>>
        %dma_wait3A_442 = tpu.memref_squeeze %dma_wait3A_441 : memref<1x128x128xf32, #tpu.memory_space<vmem>> -> memref<128x128xf32, #tpu.memory_space<vmem>>
        %dma_wait3A_443 = arith.constant 0 : i32
        %dma_wait3A_444 = tpu.memref_slice %arg8[%run_scoped3A_231, %dma_wait3A_443] : memref<16x128xi32, #tpu.memory_space<vmem>> -> memref<1x128xi32, #tpu.memory_space<vmem>>
        %dma_wait3A_445 = tpu.memref_squeeze %dma_wait3A_444 : memref<1x128xi32, #tpu.memory_space<vmem>> -> memref<128xi32, #tpu.memory_space<vmem>>
        %dma_wait3A_446 = arith.constant 0 : i32
        %dma_wait3A_447 = arith.constant 0 : i32
        %dma_wait3A_448 = tpu.memref_slice %arg10[%dma_wait3A_446, %dma_wait3A_447] : memref<10240x128xf32, #tpu.memory_space<vmem_shared>> -> memref<10240x128xf32, #tpu.memory_space<vmem_shared>>
        tpu.wait_indirect_dma semaphore(%run_scoped3A_428 : memref<!tpu.dma_semaphore, #tpu.memory_space<semaphore_mem>>) src(%dma_wait3A_442 : memref<128x128xf32, #tpu.memory_space<vmem>>) dst(%dma_wait3A_448 : memref<10240x128xf32, #tpu.memory_space<vmem_shared>>)
        tpu.yield
      }) : () -> ()
      %dma_start3A_232 = arith.constant 9 : i32
      %dma_start3A_233 = arith.constant 1 : i32
      %dma_start3A_234 = arith.constant 0 : i32
      %dma_start3A_235 = arith.constant 0 : i32
      %dma_start3A_236 = tpu.memref_slice %arg9[%dma_start3A_233, %dma_start3A_234, %dma_start3A_235] : memref<2x128x128xf32, #tpu.memory_space<vmem>> -> memref<1x128x128xf32, #tpu.memory_space<vmem>>
      %dma_start3A_237 = tpu.memref_squeeze %dma_start3A_236 : memref<1x128x128xf32, #tpu.memory_space<vmem>> -> memref<128x128xf32, #tpu.memory_space<vmem>>
      %dma_start3A_238 = arith.constant 0 : i32
      %dma_start3A_239 = tpu.memref_slice %arg7[%dma_start3A_232, %dma_start3A_238] : memref<16x128xi32, #tpu.memory_space<vmem>> -> memref<1x128xi32, #tpu.memory_space<vmem>>
      %dma_start3A_240 = tpu.memref_squeeze %dma_start3A_239 : memref<1x128xi32, #tpu.memory_space<vmem>> -> memref<128xi32, #tpu.memory_space<vmem>>
      %dma_start3A_241 = arith.constant 0 : i32
      %dma_start3A_242 = arith.constant 0 : i32
      %dma_start3A_243 = tpu.memref_slice %arg2[%dma_start3A_241, %dma_start3A_242] : memref<10240x128xf32, #tpu.memory_space<hbm>> -> memref<10240x128xf32, #tpu.memory_space<hbm>>
      tpu.enqueue_indirect_dma source(%dma_start3A_243 : memref<10240x128xf32, #tpu.memory_space<hbm>>) target(%dma_start3A_237 : memref<128x128xf32, #tpu.memory_space<vmem>>) offsets(%dma_start3A_240 : memref<128xi32, #tpu.memory_space<vmem>>) semaphore(%arg12 : memref<!tpu.dma_semaphore, #tpu.memory_space<semaphore_mem>>)
      %dma_wait3A_244 = arith.constant 8 : i32
      %dma_wait3A_245 = arith.constant 0 : i32
      %dma_wait3A_246 = arith.constant 0 : i32
      %dma_wait3A_247 = arith.constant 0 : i32
      %dma_wait3A_248 = tpu.memref_slice %arg9[%dma_wait3A_245, %dma_wait3A_246, %dma_wait3A_247] : memref<2x128x128xf32, #tpu.memory_space<vmem>> -> memref<1x128x128xf32, #tpu.memory_space<vmem>>
      %dma_wait3A_249 = tpu.memref_squeeze %dma_wait3A_248 : memref<1x128x128xf32, #tpu.memory_space<vmem>> -> memref<128x128xf32, #tpu.memory_space<vmem>>
      %dma_wait3A_250 = arith.constant 0 : i32
      %dma_wait3A_251 = tpu.memref_slice %arg7[%dma_wait3A_244, %dma_wait3A_250] : memref<16x128xi32, #tpu.memory_space<vmem>> -> memref<1x128xi32, #tpu.memory_space<vmem>>
      %dma_wait3A_252 = tpu.memref_squeeze %dma_wait3A_251 : memref<1x128xi32, #tpu.memory_space<vmem>> -> memref<128xi32, #tpu.memory_space<vmem>>
      %dma_wait3A_253 = arith.constant 0 : i32
      %dma_wait3A_254 = arith.constant 0 : i32
      %dma_wait3A_255 = tpu.memref_slice %arg2[%dma_wait3A_253, %dma_wait3A_254] : memref<10240x128xf32, #tpu.memory_space<hbm>> -> memref<10240x128xf32, #tpu.memory_space<hbm>>
      tpu.wait_indirect_dma semaphore(%arg11 : memref<!tpu.dma_semaphore, #tpu.memory_space<semaphore_mem>>) src(%dma_wait3A_255 : memref<10240x128xf32, #tpu.memory_space<hbm>>) dst(%dma_wait3A_249 : memref<128x128xf32, #tpu.memory_space<vmem>>)
      %run_scoped3A_256 = arith.constant 0 : i32
      %run_scoped3A_257 = arith.constant 8 : i32
      "tpu.region"() ({
        %run_scoped3A_428 = tpu.sem_alloc : memref<!tpu.dma_semaphore, #tpu.memory_space<semaphore_mem>>
        %dma_start3A_429 = arith.constant 0 : i32
        %dma_start3A_430 = arith.constant 0 : i32
        %dma_start3A_431 = tpu.memref_slice %arg9[%run_scoped3A_256, %dma_start3A_429, %dma_start3A_430] : memref<2x128x128xf32, #tpu.memory_space<vmem>> -> memref<1x128x128xf32, #tpu.memory_space<vmem>>
        %dma_start3A_432 = tpu.memref_squeeze %dma_start3A_431 : memref<1x128x128xf32, #tpu.memory_space<vmem>> -> memref<128x128xf32, #tpu.memory_space<vmem>>
        %dma_start3A_433 = arith.constant 0 : i32
        %dma_start3A_434 = tpu.memref_slice %arg8[%run_scoped3A_257, %dma_start3A_433] : memref<16x128xi32, #tpu.memory_space<vmem>> -> memref<1x128xi32, #tpu.memory_space<vmem>>
        %dma_start3A_435 = tpu.memref_squeeze %dma_start3A_434 : memref<1x128xi32, #tpu.memory_space<vmem>> -> memref<128xi32, #tpu.memory_space<vmem>>
        %dma_start3A_436 = arith.constant 0 : i32
        %dma_start3A_437 = arith.constant 0 : i32
        %dma_start3A_438 = tpu.memref_slice %arg10[%dma_start3A_436, %dma_start3A_437] : memref<10240x128xf32, #tpu.memory_space<vmem_shared>> -> memref<10240x128xf32, #tpu.memory_space<vmem_shared>>
        tpu.enqueue_indirect_dma source(%dma_start3A_432 : memref<128x128xf32, #tpu.memory_space<vmem>>) target(%dma_start3A_438 : memref<10240x128xf32, #tpu.memory_space<vmem_shared>>) offsets(%dma_start3A_435 : memref<128xi32, #tpu.memory_space<vmem>>) semaphore(%run_scoped3A_428 : memref<!tpu.dma_semaphore, #tpu.memory_space<semaphore_mem>>) {add = true}
        %dma_wait3A_439 = arith.constant 0 : i32
        %dma_wait3A_440 = arith.constant 0 : i32
        %dma_wait3A_441 = tpu.memref_slice %arg9[%run_scoped3A_256, %dma_wait3A_439, %dma_wait3A_440] : memref<2x128x128xf32, #tpu.memory_space<vmem>> -> memref<1x128x128xf32, #tpu.memory_space<vmem>>
        %dma_wait3A_442 = tpu.memref_squeeze %dma_wait3A_441 : memref<1x128x128xf32, #tpu.memory_space<vmem>> -> memref<128x128xf32, #tpu.memory_space<vmem>>
        %dma_wait3A_443 = arith.constant 0 : i32
        %dma_wait3A_444 = tpu.memref_slice %arg8[%run_scoped3A_257, %dma_wait3A_443] : memref<16x128xi32, #tpu.memory_space<vmem>> -> memref<1x128xi32, #tpu.memory_space<vmem>>
        %dma_wait3A_445 = tpu.memref_squeeze %dma_wait3A_444 : memref<1x128xi32, #tpu.memory_space<vmem>> -> memref<128xi32, #tpu.memory_space<vmem>>
        %dma_wait3A_446 = arith.constant 0 : i32
        %dma_wait3A_447 = arith.constant 0 : i32
        %dma_wait3A_448 = tpu.memref_slice %arg10[%dma_wait3A_446, %dma_wait3A_447] : memref<10240x128xf32, #tpu.memory_space<vmem_shared>> -> memref<10240x128xf32, #tpu.memory_space<vmem_shared>>
        tpu.wait_indirect_dma semaphore(%run_scoped3A_428 : memref<!tpu.dma_semaphore, #tpu.memory_space<semaphore_mem>>) src(%dma_wait3A_442 : memref<128x128xf32, #tpu.memory_space<vmem>>) dst(%dma_wait3A_448 : memref<10240x128xf32, #tpu.memory_space<vmem_shared>>)
        tpu.yield
      }) : () -> ()
      %dma_start3A_258 = arith.constant 10 : i32
      %dma_start3A_259 = arith.constant 0 : i32
      %dma_start3A_260 = arith.constant 0 : i32
      %dma_start3A_261 = arith.constant 0 : i32
      %dma_start3A_262 = tpu.memref_slice %arg9[%dma_start3A_259, %dma_start3A_260, %dma_start3A_261] : memref<2x128x128xf32, #tpu.memory_space<vmem>> -> memref<1x128x128xf32, #tpu.memory_space<vmem>>
      %dma_start3A_263 = tpu.memref_squeeze %dma_start3A_262 : memref<1x128x128xf32, #tpu.memory_space<vmem>> -> memref<128x128xf32, #tpu.memory_space<vmem>>
      %dma_start3A_264 = arith.constant 0 : i32
      %dma_start3A_265 = tpu.memref_slice %arg7[%dma_start3A_258, %dma_start3A_264] : memref<16x128xi32, #tpu.memory_space<vmem>> -> memref<1x128xi32, #tpu.memory_space<vmem>>
      %dma_start3A_266 = tpu.memref_squeeze %dma_start3A_265 : memref<1x128xi32, #tpu.memory_space<vmem>> -> memref<128xi32, #tpu.memory_space<vmem>>
      %dma_start3A_267 = arith.constant 0 : i32
      %dma_start3A_268 = arith.constant 0 : i32
      %dma_start3A_269 = tpu.memref_slice %arg2[%dma_start3A_267, %dma_start3A_268] : memref<10240x128xf32, #tpu.memory_space<hbm>> -> memref<10240x128xf32, #tpu.memory_space<hbm>>
      tpu.enqueue_indirect_dma source(%dma_start3A_269 : memref<10240x128xf32, #tpu.memory_space<hbm>>) target(%dma_start3A_263 : memref<128x128xf32, #tpu.memory_space<vmem>>) offsets(%dma_start3A_266 : memref<128xi32, #tpu.memory_space<vmem>>) semaphore(%arg11 : memref<!tpu.dma_semaphore, #tpu.memory_space<semaphore_mem>>)
      %dma_wait3A_270 = arith.constant 9 : i32
      %dma_wait3A_271 = arith.constant 1 : i32
      %dma_wait3A_272 = arith.constant 0 : i32
      %dma_wait3A_273 = arith.constant 0 : i32
      %dma_wait3A_274 = tpu.memref_slice %arg9[%dma_wait3A_271, %dma_wait3A_272, %dma_wait3A_273] : memref<2x128x128xf32, #tpu.memory_space<vmem>> -> memref<1x128x128xf32, #tpu.memory_space<vmem>>
      %dma_wait3A_275 = tpu.memref_squeeze %dma_wait3A_274 : memref<1x128x128xf32, #tpu.memory_space<vmem>> -> memref<128x128xf32, #tpu.memory_space<vmem>>
      %dma_wait3A_276 = arith.constant 0 : i32
      %dma_wait3A_277 = tpu.memref_slice %arg7[%dma_wait3A_270, %dma_wait3A_276] : memref<16x128xi32, #tpu.memory_space<vmem>> -> memref<1x128xi32, #tpu.memory_space<vmem>>
      %dma_wait3A_278 = tpu.memref_squeeze %dma_wait3A_277 : memref<1x128xi32, #tpu.memory_space<vmem>> -> memref<128xi32, #tpu.memory_space<vmem>>
      %dma_wait3A_279 = arith.constant 0 : i32
      %dma_wait3A_280 = arith.constant 0 : i32
      %dma_wait3A_281 = tpu.memref_slice %arg2[%dma_wait3A_279, %dma_wait3A_280] : memref<10240x128xf32, #tpu.memory_space<hbm>> -> memref<10240x128xf32, #tpu.memory_space<hbm>>
      tpu.wait_indirect_dma semaphore(%arg12 : memref<!tpu.dma_semaphore, #tpu.memory_space<semaphore_mem>>) src(%dma_wait3A_281 : memref<10240x128xf32, #tpu.memory_space<hbm>>) dst(%dma_wait3A_275 : memref<128x128xf32, #tpu.memory_space<vmem>>)
      %run_scoped3A_282 = arith.constant 1 : i32
      %run_scoped3A_283 = arith.constant 9 : i32
      "tpu.region"() ({
        %run_scoped3A_428 = tpu.sem_alloc : memref<!tpu.dma_semaphore, #tpu.memory_space<semaphore_mem>>
        %dma_start3A_429 = arith.constant 0 : i32
        %dma_start3A_430 = arith.constant 0 : i32
        %dma_start3A_431 = tpu.memref_slice %arg9[%run_scoped3A_282, %dma_start3A_429, %dma_start3A_430] : memref<2x128x128xf32, #tpu.memory_space<vmem>> -> memref<1x128x128xf32, #tpu.memory_space<vmem>>
        %dma_start3A_432 = tpu.memref_squeeze %dma_start3A_431 : memref<1x128x128xf32, #tpu.memory_space<vmem>> -> memref<128x128xf32, #tpu.memory_space<vmem>>
        %dma_start3A_433 = arith.constant 0 : i32
        %dma_start3A_434 = tpu.memref_slice %arg8[%run_scoped3A_283, %dma_start3A_433] : memref<16x128xi32, #tpu.memory_space<vmem>> -> memref<1x128xi32, #tpu.memory_space<vmem>>
        %dma_start3A_435 = tpu.memref_squeeze %dma_start3A_434 : memref<1x128xi32, #tpu.memory_space<vmem>> -> memref<128xi32, #tpu.memory_space<vmem>>
        %dma_start3A_436 = arith.constant 0 : i32
        %dma_start3A_437 = arith.constant 0 : i32
        %dma_start3A_438 = tpu.memref_slice %arg10[%dma_start3A_436, %dma_start3A_437] : memref<10240x128xf32, #tpu.memory_space<vmem_shared>> -> memref<10240x128xf32, #tpu.memory_space<vmem_shared>>
        tpu.enqueue_indirect_dma source(%dma_start3A_432 : memref<128x128xf32, #tpu.memory_space<vmem>>) target(%dma_start3A_438 : memref<10240x128xf32, #tpu.memory_space<vmem_shared>>) offsets(%dma_start3A_435 : memref<128xi32, #tpu.memory_space<vmem>>) semaphore(%run_scoped3A_428 : memref<!tpu.dma_semaphore, #tpu.memory_space<semaphore_mem>>) {add = true}
        %dma_wait3A_439 = arith.constant 0 : i32
        %dma_wait3A_440 = arith.constant 0 : i32
        %dma_wait3A_441 = tpu.memref_slice %arg9[%run_scoped3A_282, %dma_wait3A_439, %dma_wait3A_440] : memref<2x128x128xf32, #tpu.memory_space<vmem>> -> memref<1x128x128xf32, #tpu.memory_space<vmem>>
        %dma_wait3A_442 = tpu.memref_squeeze %dma_wait3A_441 : memref<1x128x128xf32, #tpu.memory_space<vmem>> -> memref<128x128xf32, #tpu.memory_space<vmem>>
        %dma_wait3A_443 = arith.constant 0 : i32
        %dma_wait3A_444 = tpu.memref_slice %arg8[%run_scoped3A_283, %dma_wait3A_443] : memref<16x128xi32, #tpu.memory_space<vmem>> -> memref<1x128xi32, #tpu.memory_space<vmem>>
        %dma_wait3A_445 = tpu.memref_squeeze %dma_wait3A_444 : memref<1x128xi32, #tpu.memory_space<vmem>> -> memref<128xi32, #tpu.memory_space<vmem>>
        %dma_wait3A_446 = arith.constant 0 : i32
        %dma_wait3A_447 = arith.constant 0 : i32
        %dma_wait3A_448 = tpu.memref_slice %arg10[%dma_wait3A_446, %dma_wait3A_447] : memref<10240x128xf32, #tpu.memory_space<vmem_shared>> -> memref<10240x128xf32, #tpu.memory_space<vmem_shared>>
        tpu.wait_indirect_dma semaphore(%run_scoped3A_428 : memref<!tpu.dma_semaphore, #tpu.memory_space<semaphore_mem>>) src(%dma_wait3A_442 : memref<128x128xf32, #tpu.memory_space<vmem>>) dst(%dma_wait3A_448 : memref<10240x128xf32, #tpu.memory_space<vmem_shared>>)
        tpu.yield
      }) : () -> ()
      %dma_start3A_284 = arith.constant 11 : i32
      %dma_start3A_285 = arith.constant 1 : i32
      %dma_start3A_286 = arith.constant 0 : i32
      %dma_start3A_287 = arith.constant 0 : i32
      %dma_start3A_288 = tpu.memref_slice %arg9[%dma_start3A_285, %dma_start3A_286, %dma_start3A_287] : memref<2x128x128xf32, #tpu.memory_space<vmem>> -> memref<1x128x128xf32, #tpu.memory_space<vmem>>
      %dma_start3A_289 = tpu.memref_squeeze %dma_start3A_288 : memref<1x128x128xf32, #tpu.memory_space<vmem>> -> memref<128x128xf32, #tpu.memory_space<vmem>>
      %dma_start3A_290 = arith.constant 0 : i32
      %dma_start3A_291 = tpu.memref_slice %arg7[%dma_start3A_284, %dma_start3A_290] : memref<16x128xi32, #tpu.memory_space<vmem>> -> memref<1x128xi32, #tpu.memory_space<vmem>>
      %dma_start3A_292 = tpu.memref_squeeze %dma_start3A_291 : memref<1x128xi32, #tpu.memory_space<vmem>> -> memref<128xi32, #tpu.memory_space<vmem>>
      %dma_start3A_293 = arith.constant 0 : i32
      %dma_start3A_294 = arith.constant 0 : i32
      %dma_start3A_295 = tpu.memref_slice %arg2[%dma_start3A_293, %dma_start3A_294] : memref<10240x128xf32, #tpu.memory_space<hbm>> -> memref<10240x128xf32, #tpu.memory_space<hbm>>
      tpu.enqueue_indirect_dma source(%dma_start3A_295 : memref<10240x128xf32, #tpu.memory_space<hbm>>) target(%dma_start3A_289 : memref<128x128xf32, #tpu.memory_space<vmem>>) offsets(%dma_start3A_292 : memref<128xi32, #tpu.memory_space<vmem>>) semaphore(%arg12 : memref<!tpu.dma_semaphore, #tpu.memory_space<semaphore_mem>>)
      %dma_wait3A_296 = arith.constant 10 : i32
      %dma_wait3A_297 = arith.constant 0 : i32
      %dma_wait3A_298 = arith.constant 0 : i32
      %dma_wait3A_299 = arith.constant 0 : i32
      %dma_wait3A_300 = tpu.memref_slice %arg9[%dma_wait3A_297, %dma_wait3A_298, %dma_wait3A_299] : memref<2x128x128xf32, #tpu.memory_space<vmem>> -> memref<1x128x128xf32, #tpu.memory_space<vmem>>
      %dma_wait3A_301 = tpu.memref_squeeze %dma_wait3A_300 : memref<1x128x128xf32, #tpu.memory_space<vmem>> -> memref<128x128xf32, #tpu.memory_space<vmem>>
      %dma_wait3A_302 = arith.constant 0 : i32
      %dma_wait3A_303 = tpu.memref_slice %arg7[%dma_wait3A_296, %dma_wait3A_302] : memref<16x128xi32, #tpu.memory_space<vmem>> -> memref<1x128xi32, #tpu.memory_space<vmem>>
      %dma_wait3A_304 = tpu.memref_squeeze %dma_wait3A_303 : memref<1x128xi32, #tpu.memory_space<vmem>> -> memref<128xi32, #tpu.memory_space<vmem>>
      %dma_wait3A_305 = arith.constant 0 : i32
      %dma_wait3A_306 = arith.constant 0 : i32
      %dma_wait3A_307 = tpu.memref_slice %arg2[%dma_wait3A_305, %dma_wait3A_306] : memref<10240x128xf32, #tpu.memory_space<hbm>> -> memref<10240x128xf32, #tpu.memory_space<hbm>>
      tpu.wait_indirect_dma semaphore(%arg11 : memref<!tpu.dma_semaphore, #tpu.memory_space<semaphore_mem>>) src(%dma_wait3A_307 : memref<10240x128xf32, #tpu.memory_space<hbm>>) dst(%dma_wait3A_301 : memref<128x128xf32, #tpu.memory_space<vmem>>)
      %run_scoped3A_308 = arith.constant 0 : i32
      %run_scoped3A_309 = arith.constant 10 : i32
      "tpu.region"() ({
        %run_scoped3A_428 = tpu.sem_alloc : memref<!tpu.dma_semaphore, #tpu.memory_space<semaphore_mem>>
        %dma_start3A_429 = arith.constant 0 : i32
        %dma_start3A_430 = arith.constant 0 : i32
        %dma_start3A_431 = tpu.memref_slice %arg9[%run_scoped3A_308, %dma_start3A_429, %dma_start3A_430] : memref<2x128x128xf32, #tpu.memory_space<vmem>> -> memref<1x128x128xf32, #tpu.memory_space<vmem>>
        %dma_start3A_432 = tpu.memref_squeeze %dma_start3A_431 : memref<1x128x128xf32, #tpu.memory_space<vmem>> -> memref<128x128xf32, #tpu.memory_space<vmem>>
        %dma_start3A_433 = arith.constant 0 : i32
        %dma_start3A_434 = tpu.memref_slice %arg8[%run_scoped3A_309, %dma_start3A_433] : memref<16x128xi32, #tpu.memory_space<vmem>> -> memref<1x128xi32, #tpu.memory_space<vmem>>
        %dma_start3A_435 = tpu.memref_squeeze %dma_start3A_434 : memref<1x128xi32, #tpu.memory_space<vmem>> -> memref<128xi32, #tpu.memory_space<vmem>>
        %dma_start3A_436 = arith.constant 0 : i32
        %dma_start3A_437 = arith.constant 0 : i32
        %dma_start3A_438 = tpu.memref_slice %arg10[%dma_start3A_436, %dma_start3A_437] : memref<10240x128xf32, #tpu.memory_space<vmem_shared>> -> memref<10240x128xf32, #tpu.memory_space<vmem_shared>>
        tpu.enqueue_indirect_dma source(%dma_start3A_432 : memref<128x128xf32, #tpu.memory_space<vmem>>) target(%dma_start3A_438 : memref<10240x128xf32, #tpu.memory_space<vmem_shared>>) offsets(%dma_start3A_435 : memref<128xi32, #tpu.memory_space<vmem>>) semaphore(%run_scoped3A_428 : memref<!tpu.dma_semaphore, #tpu.memory_space<semaphore_mem>>) {add = true}
        %dma_wait3A_439 = arith.constant 0 : i32
        %dma_wait3A_440 = arith.constant 0 : i32
        %dma_wait3A_441 = tpu.memref_slice %arg9[%run_scoped3A_308, %dma_wait3A_439, %dma_wait3A_440] : memref<2x128x128xf32, #tpu.memory_space<vmem>> -> memref<1x128x128xf32, #tpu.memory_space<vmem>>
        %dma_wait3A_442 = tpu.memref_squeeze %dma_wait3A_441 : memref<1x128x128xf32, #tpu.memory_space<vmem>> -> memref<128x128xf32, #tpu.memory_space<vmem>>
        %dma_wait3A_443 = arith.constant 0 : i32
        %dma_wait3A_444 = tpu.memref_slice %arg8[%run_scoped3A_309, %dma_wait3A_443] : memref<16x128xi32, #tpu.memory_space<vmem>> -> memref<1x128xi32, #tpu.memory_space<vmem>>
        %dma_wait3A_445 = tpu.memref_squeeze %dma_wait3A_444 : memref<1x128xi32, #tpu.memory_space<vmem>> -> memref<128xi32, #tpu.memory_space<vmem>>
        %dma_wait3A_446 = arith.constant 0 : i32
        %dma_wait3A_447 = arith.constant 0 : i32
        %dma_wait3A_448 = tpu.memref_slice %arg10[%dma_wait3A_446, %dma_wait3A_447] : memref<10240x128xf32, #tpu.memory_space<vmem_shared>> -> memref<10240x128xf32, #tpu.memory_space<vmem_shared>>
        tpu.wait_indirect_dma semaphore(%run_scoped3A_428 : memref<!tpu.dma_semaphore, #tpu.memory_space<semaphore_mem>>) src(%dma_wait3A_442 : memref<128x128xf32, #tpu.memory_space<vmem>>) dst(%dma_wait3A_448 : memref<10240x128xf32, #tpu.memory_space<vmem_shared>>)
        tpu.yield
      }) : () -> ()
      %dma_start3A_310 = arith.constant 12 : i32
      %dma_start3A_311 = arith.constant 0 : i32
      %dma_start3A_312 = arith.constant 0 : i32
      %dma_start3A_313 = arith.constant 0 : i32
      %dma_start3A_314 = tpu.memref_slice %arg9[%dma_start3A_311, %dma_start3A_312, %dma_start3A_313] : memref<2x128x128xf32, #tpu.memory_space<vmem>> -> memref<1x128x128xf32, #tpu.memory_space<vmem>>
      %dma_start3A_315 = tpu.memref_squeeze %dma_start3A_314 : memref<1x128x128xf32, #tpu.memory_space<vmem>> -> memref<128x128xf32, #tpu.memory_space<vmem>>
      %dma_start3A_316 = arith.constant 0 : i32
      %dma_start3A_317 = tpu.memref_slice %arg7[%dma_start3A_310, %dma_start3A_316] : memref<16x128xi32, #tpu.memory_space<vmem>> -> memref<1x128xi32, #tpu.memory_space<vmem>>
      %dma_start3A_318 = tpu.memref_squeeze %dma_start3A_317 : memref<1x128xi32, #tpu.memory_space<vmem>> -> memref<128xi32, #tpu.memory_space<vmem>>
      %dma_start3A_319 = arith.constant 0 : i32
      %dma_start3A_320 = arith.constant 0 : i32
      %dma_start3A_321 = tpu.memref_slice %arg2[%dma_start3A_319, %dma_start3A_320] : memref<10240x128xf32, #tpu.memory_space<hbm>> -> memref<10240x128xf32, #tpu.memory_space<hbm>>
      tpu.enqueue_indirect_dma source(%dma_start3A_321 : memref<10240x128xf32, #tpu.memory_space<hbm>>) target(%dma_start3A_315 : memref<128x128xf32, #tpu.memory_space<vmem>>) offsets(%dma_start3A_318 : memref<128xi32, #tpu.memory_space<vmem>>) semaphore(%arg11 : memref<!tpu.dma_semaphore, #tpu.memory_space<semaphore_mem>>)
      %dma_wait3A_322 = arith.constant 11 : i32
      %dma_wait3A_323 = arith.constant 1 : i32
      %dma_wait3A_324 = arith.constant 0 : i32
      %dma_wait3A_325 = arith.constant 0 : i32
      %dma_wait3A_326 = tpu.memref_slice %arg9[%dma_wait3A_323, %dma_wait3A_324, %dma_wait3A_325] : memref<2x128x128xf32, #tpu.memory_space<vmem>> -> memref<1x128x128xf32, #tpu.memory_space<vmem>>
      %dma_wait3A_327 = tpu.memref_squeeze %dma_wait3A_326 : memref<1x128x128xf32, #tpu.memory_space<vmem>> -> memref<128x128xf32, #tpu.memory_space<vmem>>
      %dma_wait3A_328 = arith.constant 0 : i32
      %dma_wait3A_329 = tpu.memref_slice %arg7[%dma_wait3A_322, %dma_wait3A_328] : memref<16x128xi32, #tpu.memory_space<vmem>> -> memref<1x128xi32, #tpu.memory_space<vmem>>
      %dma_wait3A_330 = tpu.memref_squeeze %dma_wait3A_329 : memref<1x128xi32, #tpu.memory_space<vmem>> -> memref<128xi32, #tpu.memory_space<vmem>>
      %dma_wait3A_331 = arith.constant 0 : i32
      %dma_wait3A_332 = arith.constant 0 : i32
      %dma_wait3A_333 = tpu.memref_slice %arg2[%dma_wait3A_331, %dma_wait3A_332] : memref<10240x128xf32, #tpu.memory_space<hbm>> -> memref<10240x128xf32, #tpu.memory_space<hbm>>
      tpu.wait_indirect_dma semaphore(%arg12 : memref<!tpu.dma_semaphore, #tpu.memory_space<semaphore_mem>>) src(%dma_wait3A_333 : memref<10240x128xf32, #tpu.memory_space<hbm>>) dst(%dma_wait3A_327 : memref<128x128xf32, #tpu.memory_space<vmem>>)
      %run_scoped3A_334 = arith.constant 1 : i32
      %run_scoped3A_335 = arith.constant 11 : i32
      "tpu.region"() ({
        %run_scoped3A_428 = tpu.sem_alloc : memref<!tpu.dma_semaphore, #tpu.memory_space<semaphore_mem>>
        %dma_start3A_429 = arith.constant 0 : i32
        %dma_start3A_430 = arith.constant 0 : i32
        %dma_start3A_431 = tpu.memref_slice %arg9[%run_scoped3A_334, %dma_start3A_429, %dma_start3A_430] : memref<2x128x128xf32, #tpu.memory_space<vmem>> -> memref<1x128x128xf32, #tpu.memory_space<vmem>>
        %dma_start3A_432 = tpu.memref_squeeze %dma_start3A_431 : memref<1x128x128xf32, #tpu.memory_space<vmem>> -> memref<128x128xf32, #tpu.memory_space<vmem>>
        %dma_start3A_433 = arith.constant 0 : i32
        %dma_start3A_434 = tpu.memref_slice %arg8[%run_scoped3A_335, %dma_start3A_433] : memref<16x128xi32, #tpu.memory_space<vmem>> -> memref<1x128xi32, #tpu.memory_space<vmem>>
        %dma_start3A_435 = tpu.memref_squeeze %dma_start3A_434 : memref<1x128xi32, #tpu.memory_space<vmem>> -> memref<128xi32, #tpu.memory_space<vmem>>
        %dma_start3A_436 = arith.constant 0 : i32
        %dma_start3A_437 = arith.constant 0 : i32
        %dma_start3A_438 = tpu.memref_slice %arg10[%dma_start3A_436, %dma_start3A_437] : memref<10240x128xf32, #tpu.memory_space<vmem_shared>> -> memref<10240x128xf32, #tpu.memory_space<vmem_shared>>
        tpu.enqueue_indirect_dma source(%dma_start3A_432 : memref<128x128xf32, #tpu.memory_space<vmem>>) target(%dma_start3A_438 : memref<10240x128xf32, #tpu.memory_space<vmem_shared>>) offsets(%dma_start3A_435 : memref<128xi32, #tpu.memory_space<vmem>>) semaphore(%run_scoped3A_428 : memref<!tpu.dma_semaphore, #tpu.memory_space<semaphore_mem>>) {add = true}
        %dma_wait3A_439 = arith.constant 0 : i32
        %dma_wait3A_440 = arith.constant 0 : i32
        %dma_wait3A_441 = tpu.memref_slice %arg9[%run_scoped3A_334, %dma_wait3A_439, %dma_wait3A_440] : memref<2x128x128xf32, #tpu.memory_space<vmem>> -> memref<1x128x128xf32, #tpu.memory_space<vmem>>
        %dma_wait3A_442 = tpu.memref_squeeze %dma_wait3A_441 : memref<1x128x128xf32, #tpu.memory_space<vmem>> -> memref<128x128xf32, #tpu.memory_space<vmem>>
        %dma_wait3A_443 = arith.constant 0 : i32
        %dma_wait3A_444 = tpu.memref_slice %arg8[%run_scoped3A_335, %dma_wait3A_443] : memref<16x128xi32, #tpu.memory_space<vmem>> -> memref<1x128xi32, #tpu.memory_space<vmem>>
        %dma_wait3A_445 = tpu.memref_squeeze %dma_wait3A_444 : memref<1x128xi32, #tpu.memory_space<vmem>> -> memref<128xi32, #tpu.memory_space<vmem>>
        %dma_wait3A_446 = arith.constant 0 : i32
        %dma_wait3A_447 = arith.constant 0 : i32
        %dma_wait3A_448 = tpu.memref_slice %arg10[%dma_wait3A_446, %dma_wait3A_447] : memref<10240x128xf32, #tpu.memory_space<vmem_shared>> -> memref<10240x128xf32, #tpu.memory_space<vmem_shared>>
        tpu.wait_indirect_dma semaphore(%run_scoped3A_428 : memref<!tpu.dma_semaphore, #tpu.memory_space<semaphore_mem>>) src(%dma_wait3A_442 : memref<128x128xf32, #tpu.memory_space<vmem>>) dst(%dma_wait3A_448 : memref<10240x128xf32, #tpu.memory_space<vmem_shared>>)
        tpu.yield
      }) : () -> ()
      %dma_start3A_336 = arith.constant 13 : i32
      %dma_start3A_337 = arith.constant 1 : i32
      %dma_start3A_338 = arith.constant 0 : i32
      %dma_start3A_339 = arith.constant 0 : i32
      %dma_start3A_340 = tpu.memref_slice %arg9[%dma_start3A_337, %dma_start3A_338, %dma_start3A_339] : memref<2x128x128xf32, #tpu.memory_space<vmem>> -> memref<1x128x128xf32, #tpu.memory_space<vmem>>
      %dma_start3A_341 = tpu.memref_squeeze %dma_start3A_340 : memref<1x128x128xf32, #tpu.memory_space<vmem>> -> memref<128x128xf32, #tpu.memory_space<vmem>>
      %dma_start3A_342 = arith.constant 0 : i32
      %dma_start3A_343 = tpu.memref_slice %arg7[%dma_start3A_336, %dma_start3A_342] : memref<16x128xi32, #tpu.memory_space<vmem>> -> memref<1x128xi32, #tpu.memory_space<vmem>>
      %dma_start3A_344 = tpu.memref_squeeze %dma_start3A_343 : memref<1x128xi32, #tpu.memory_space<vmem>> -> memref<128xi32, #tpu.memory_space<vmem>>
      %dma_start3A_345 = arith.constant 0 : i32
      %dma_start3A_346 = arith.constant 0 : i32
      %dma_start3A_347 = tpu.memref_slice %arg2[%dma_start3A_345, %dma_start3A_346] : memref<10240x128xf32, #tpu.memory_space<hbm>> -> memref<10240x128xf32, #tpu.memory_space<hbm>>
      tpu.enqueue_indirect_dma source(%dma_start3A_347 : memref<10240x128xf32, #tpu.memory_space<hbm>>) target(%dma_start3A_341 : memref<128x128xf32, #tpu.memory_space<vmem>>) offsets(%dma_start3A_344 : memref<128xi32, #tpu.memory_space<vmem>>) semaphore(%arg12 : memref<!tpu.dma_semaphore, #tpu.memory_space<semaphore_mem>>)
      %dma_wait3A_348 = arith.constant 12 : i32
      %dma_wait3A_349 = arith.constant 0 : i32
      %dma_wait3A_350 = arith.constant 0 : i32
      %dma_wait3A_351 = arith.constant 0 : i32
      %dma_wait3A_352 = tpu.memref_slice %arg9[%dma_wait3A_349, %dma_wait3A_350, %dma_wait3A_351] : memref<2x128x128xf32, #tpu.memory_space<vmem>> -> memref<1x128x128xf32, #tpu.memory_space<vmem>>
      %dma_wait3A_353 = tpu.memref_squeeze %dma_wait3A_352 : memref<1x128x128xf32, #tpu.memory_space<vmem>> -> memref<128x128xf32, #tpu.memory_space<vmem>>
      %dma_wait3A_354 = arith.constant 0 : i32
      %dma_wait3A_355 = tpu.memref_slice %arg7[%dma_wait3A_348, %dma_wait3A_354] : memref<16x128xi32, #tpu.memory_space<vmem>> -> memref<1x128xi32, #tpu.memory_space<vmem>>
      %dma_wait3A_356 = tpu.memref_squeeze %dma_wait3A_355 : memref<1x128xi32, #tpu.memory_space<vmem>> -> memref<128xi32, #tpu.memory_space<vmem>>
      %dma_wait3A_357 = arith.constant 0 : i32
      %dma_wait3A_358 = arith.constant 0 : i32
      %dma_wait3A_359 = tpu.memref_slice %arg2[%dma_wait3A_357, %dma_wait3A_358] : memref<10240x128xf32, #tpu.memory_space<hbm>> -> memref<10240x128xf32, #tpu.memory_space<hbm>>
      tpu.wait_indirect_dma semaphore(%arg11 : memref<!tpu.dma_semaphore, #tpu.memory_space<semaphore_mem>>) src(%dma_wait3A_359 : memref<10240x128xf32, #tpu.memory_space<hbm>>) dst(%dma_wait3A_353 : memref<128x128xf32, #tpu.memory_space<vmem>>)
      %run_scoped3A_360 = arith.constant 0 : i32
      %run_scoped3A_361 = arith.constant 12 : i32
      "tpu.region"() ({
        %run_scoped3A_428 = tpu.sem_alloc : memref<!tpu.dma_semaphore, #tpu.memory_space<semaphore_mem>>
        %dma_start3A_429 = arith.constant 0 : i32
        %dma_start3A_430 = arith.constant 0 : i32
        %dma_start3A_431 = tpu.memref_slice %arg9[%run_scoped3A_360, %dma_start3A_429, %dma_start3A_430] : memref<2x128x128xf32, #tpu.memory_space<vmem>> -> memref<1x128x128xf32, #tpu.memory_space<vmem>>
        %dma_start3A_432 = tpu.memref_squeeze %dma_start3A_431 : memref<1x128x128xf32, #tpu.memory_space<vmem>> -> memref<128x128xf32, #tpu.memory_space<vmem>>
        %dma_start3A_433 = arith.constant 0 : i32
        %dma_start3A_434 = tpu.memref_slice %arg8[%run_scoped3A_361, %dma_start3A_433] : memref<16x128xi32, #tpu.memory_space<vmem>> -> memref<1x128xi32, #tpu.memory_space<vmem>>
        %dma_start3A_435 = tpu.memref_squeeze %dma_start3A_434 : memref<1x128xi32, #tpu.memory_space<vmem>> -> memref<128xi32, #tpu.memory_space<vmem>>
        %dma_start3A_436 = arith.constant 0 : i32
        %dma_start3A_437 = arith.constant 0 : i32
        %dma_start3A_438 = tpu.memref_slice %arg10[%dma_start3A_436, %dma_start3A_437] : memref<10240x128xf32, #tpu.memory_space<vmem_shared>> -> memref<10240x128xf32, #tpu.memory_space<vmem_shared>>
        tpu.enqueue_indirect_dma source(%dma_start3A_432 : memref<128x128xf32, #tpu.memory_space<vmem>>) target(%dma_start3A_438 : memref<10240x128xf32, #tpu.memory_space<vmem_shared>>) offsets(%dma_start3A_435 : memref<128xi32, #tpu.memory_space<vmem>>) semaphore(%run_scoped3A_428 : memref<!tpu.dma_semaphore, #tpu.memory_space<semaphore_mem>>) {add = true}
        %dma_wait3A_439 = arith.constant 0 : i32
        %dma_wait3A_440 = arith.constant 0 : i32
        %dma_wait3A_441 = tpu.memref_slice %arg9[%run_scoped3A_360, %dma_wait3A_439, %dma_wait3A_440] : memref<2x128x128xf32, #tpu.memory_space<vmem>> -> memref<1x128x128xf32, #tpu.memory_space<vmem>>
        %dma_wait3A_442 = tpu.memref_squeeze %dma_wait3A_441 : memref<1x128x128xf32, #tpu.memory_space<vmem>> -> memref<128x128xf32, #tpu.memory_space<vmem>>
        %dma_wait3A_443 = arith.constant 0 : i32
        %dma_wait3A_444 = tpu.memref_slice %arg8[%run_scoped3A_361, %dma_wait3A_443] : memref<16x128xi32, #tpu.memory_space<vmem>> -> memref<1x128xi32, #tpu.memory_space<vmem>>
        %dma_wait3A_445 = tpu.memref_squeeze %dma_wait3A_444 : memref<1x128xi32, #tpu.memory_space<vmem>> -> memref<128xi32, #tpu.memory_space<vmem>>
        %dma_wait3A_446 = arith.constant 0 : i32
        %dma_wait3A_447 = arith.constant 0 : i32
        %dma_wait3A_448 = tpu.memref_slice %arg10[%dma_wait3A_446, %dma_wait3A_447] : memref<10240x128xf32, #tpu.memory_space<vmem_shared>> -> memref<10240x128xf32, #tpu.memory_space<vmem_shared>>
        tpu.wait_indirect_dma semaphore(%run_scoped3A_428 : memref<!tpu.dma_semaphore, #tpu.memory_space<semaphore_mem>>) src(%dma_wait3A_442 : memref<128x128xf32, #tpu.memory_space<vmem>>) dst(%dma_wait3A_448 : memref<10240x128xf32, #tpu.memory_space<vmem_shared>>)
        tpu.yield
      }) : () -> ()
      %dma_start3A_362 = arith.constant 14 : i32
      %dma_start3A_363 = arith.constant 0 : i32
      %dma_start3A_364 = arith.constant 0 : i32
      %dma_start3A_365 = arith.constant 0 : i32
      %dma_start3A_366 = tpu.memref_slice %arg9[%dma_start3A_363, %dma_start3A_364, %dma_start3A_365] : memref<2x128x128xf32, #tpu.memory_space<vmem>> -> memref<1x128x128xf32, #tpu.memory_space<vmem>>
      %dma_start3A_367 = tpu.memref_squeeze %dma_start3A_366 : memref<1x128x128xf32, #tpu.memory_space<vmem>> -> memref<128x128xf32, #tpu.memory_space<vmem>>
      %dma_start3A_368 = arith.constant 0 : i32
      %dma_start3A_369 = tpu.memref_slice %arg7[%dma_start3A_362, %dma_start3A_368] : memref<16x128xi32, #tpu.memory_space<vmem>> -> memref<1x128xi32, #tpu.memory_space<vmem>>
      %dma_start3A_370 = tpu.memref_squeeze %dma_start3A_369 : memref<1x128xi32, #tpu.memory_space<vmem>> -> memref<128xi32, #tpu.memory_space<vmem>>
      %dma_start3A_371 = arith.constant 0 : i32
      %dma_start3A_372 = arith.constant 0 : i32
      %dma_start3A_373 = tpu.memref_slice %arg2[%dma_start3A_371, %dma_start3A_372] : memref<10240x128xf32, #tpu.memory_space<hbm>> -> memref<10240x128xf32, #tpu.memory_space<hbm>>
      tpu.enqueue_indirect_dma source(%dma_start3A_373 : memref<10240x128xf32, #tpu.memory_space<hbm>>) target(%dma_start3A_367 : memref<128x128xf32, #tpu.memory_space<vmem>>) offsets(%dma_start3A_370 : memref<128xi32, #tpu.memory_space<vmem>>) semaphore(%arg11 : memref<!tpu.dma_semaphore, #tpu.memory_space<semaphore_mem>>)
      %dma_wait3A_374 = arith.constant 13 : i32
      %dma_wait3A_375 = arith.constant 1 : i32
      %dma_wait3A_376 = arith.constant 0 : i32
      %dma_wait3A_377 = arith.constant 0 : i32
      %dma_wait3A_378 = tpu.memref_slice %arg9[%dma_wait3A_375, %dma_wait3A_376, %dma_wait3A_377] : memref<2x128x128xf32, #tpu.memory_space<vmem>> -> memref<1x128x128xf32, #tpu.memory_space<vmem>>
      %dma_wait3A_379 = tpu.memref_squeeze %dma_wait3A_378 : memref<1x128x128xf32, #tpu.memory_space<vmem>> -> memref<128x128xf32, #tpu.memory_space<vmem>>
      %dma_wait3A_380 = arith.constant 0 : i32
      %dma_wait3A_381 = tpu.memref_slice %arg7[%dma_wait3A_374, %dma_wait3A_380] : memref<16x128xi32, #tpu.memory_space<vmem>> -> memref<1x128xi32, #tpu.memory_space<vmem>>
      %dma_wait3A_382 = tpu.memref_squeeze %dma_wait3A_381 : memref<1x128xi32, #tpu.memory_space<vmem>> -> memref<128xi32, #tpu.memory_space<vmem>>
      %dma_wait3A_383 = arith.constant 0 : i32
      %dma_wait3A_384 = arith.constant 0 : i32
      %dma_wait3A_385 = tpu.memref_slice %arg2[%dma_wait3A_383, %dma_wait3A_384] : memref<10240x128xf32, #tpu.memory_space<hbm>> -> memref<10240x128xf32, #tpu.memory_space<hbm>>
      tpu.wait_indirect_dma semaphore(%arg12 : memref<!tpu.dma_semaphore, #tpu.memory_space<semaphore_mem>>) src(%dma_wait3A_385 : memref<10240x128xf32, #tpu.memory_space<hbm>>) dst(%dma_wait3A_379 : memref<128x128xf32, #tpu.memory_space<vmem>>)
      %run_scoped3A_386 = arith.constant 1 : i32
      %run_scoped3A_387 = arith.constant 13 : i32
      "tpu.region"() ({
        %run_scoped3A_428 = tpu.sem_alloc : memref<!tpu.dma_semaphore, #tpu.memory_space<semaphore_mem>>
        %dma_start3A_429 = arith.constant 0 : i32
        %dma_start3A_430 = arith.constant 0 : i32
        %dma_start3A_431 = tpu.memref_slice %arg9[%run_scoped3A_386, %dma_start3A_429, %dma_start3A_430] : memref<2x128x128xf32, #tpu.memory_space<vmem>> -> memref<1x128x128xf32, #tpu.memory_space<vmem>>
        %dma_start3A_432 = tpu.memref_squeeze %dma_start3A_431 : memref<1x128x128xf32, #tpu.memory_space<vmem>> -> memref<128x128xf32, #tpu.memory_space<vmem>>
        %dma_start3A_433 = arith.constant 0 : i32
        %dma_start3A_434 = tpu.memref_slice %arg8[%run_scoped3A_387, %dma_start3A_433] : memref<16x128xi32, #tpu.memory_space<vmem>> -> memref<1x128xi32, #tpu.memory_space<vmem>>
        %dma_start3A_435 = tpu.memref_squeeze %dma_start3A_434 : memref<1x128xi32, #tpu.memory_space<vmem>> -> memref<128xi32, #tpu.memory_space<vmem>>
        %dma_start3A_436 = arith.constant 0 : i32
        %dma_start3A_437 = arith.constant 0 : i32
        %dma_start3A_438 = tpu.memref_slice %arg10[%dma_start3A_436, %dma_start3A_437] : memref<10240x128xf32, #tpu.memory_space<vmem_shared>> -> memref<10240x128xf32, #tpu.memory_space<vmem_shared>>
        tpu.enqueue_indirect_dma source(%dma_start3A_432 : memref<128x128xf32, #tpu.memory_space<vmem>>) target(%dma_start3A_438 : memref<10240x128xf32, #tpu.memory_space<vmem_shared>>) offsets(%dma_start3A_435 : memref<128xi32, #tpu.memory_space<vmem>>) semaphore(%run_scoped3A_428 : memref<!tpu.dma_semaphore, #tpu.memory_space<semaphore_mem>>) {add = true}
        %dma_wait3A_439 = arith.constant 0 : i32
        %dma_wait3A_440 = arith.constant 0 : i32
        %dma_wait3A_441 = tpu.memref_slice %arg9[%run_scoped3A_386, %dma_wait3A_439, %dma_wait3A_440] : memref<2x128x128xf32, #tpu.memory_space<vmem>> -> memref<1x128x128xf32, #tpu.memory_space<vmem>>
        %dma_wait3A_442 = tpu.memref_squeeze %dma_wait3A_441 : memref<1x128x128xf32, #tpu.memory_space<vmem>> -> memref<128x128xf32, #tpu.memory_space<vmem>>
        %dma_wait3A_443 = arith.constant 0 : i32
        %dma_wait3A_444 = tpu.memref_slice %arg8[%run_scoped3A_387, %dma_wait3A_443] : memref<16x128xi32, #tpu.memory_space<vmem>> -> memref<1x128xi32, #tpu.memory_space<vmem>>
        %dma_wait3A_445 = tpu.memref_squeeze %dma_wait3A_444 : memref<1x128xi32, #tpu.memory_space<vmem>> -> memref<128xi32, #tpu.memory_space<vmem>>
        %dma_wait3A_446 = arith.constant 0 : i32
        %dma_wait3A_447 = arith.constant 0 : i32
        %dma_wait3A_448 = tpu.memref_slice %arg10[%dma_wait3A_446, %dma_wait3A_447] : memref<10240x128xf32, #tpu.memory_space<vmem_shared>> -> memref<10240x128xf32, #tpu.memory_space<vmem_shared>>
        tpu.wait_indirect_dma semaphore(%run_scoped3A_428 : memref<!tpu.dma_semaphore, #tpu.memory_space<semaphore_mem>>) src(%dma_wait3A_442 : memref<128x128xf32, #tpu.memory_space<vmem>>) dst(%dma_wait3A_448 : memref<10240x128xf32, #tpu.memory_space<vmem_shared>>)
        tpu.yield
      }) : () -> ()
      %dma_start3A_388 = arith.constant 15 : i32
      %dma_start3A_389 = arith.constant 1 : i32
      %dma_start3A_390 = arith.constant 0 : i32
      %dma_start3A_391 = arith.constant 0 : i32
      %dma_start3A_392 = tpu.memref_slice %arg9[%dma_start3A_389, %dma_start3A_390, %dma_start3A_391] : memref<2x128x128xf32, #tpu.memory_space<vmem>> -> memref<1x128x128xf32, #tpu.memory_space<vmem>>
      %dma_start3A_393 = tpu.memref_squeeze %dma_start3A_392 : memref<1x128x128xf32, #tpu.memory_space<vmem>> -> memref<128x128xf32, #tpu.memory_space<vmem>>
      %dma_start3A_394 = arith.constant 0 : i32
      %dma_start3A_395 = tpu.memref_slice %arg7[%dma_start3A_388, %dma_start3A_394] : memref<16x128xi32, #tpu.memory_space<vmem>> -> memref<1x128xi32, #tpu.memory_space<vmem>>
      %dma_start3A_396 = tpu.memref_squeeze %dma_start3A_395 : memref<1x128xi32, #tpu.memory_space<vmem>> -> memref<128xi32, #tpu.memory_space<vmem>>
      %dma_start3A_397 = arith.constant 0 : i32
      %dma_start3A_398 = arith.constant 0 : i32
      %dma_start3A_399 = tpu.memref_slice %arg2[%dma_start3A_397, %dma_start3A_398] : memref<10240x128xf32, #tpu.memory_space<hbm>> -> memref<10240x128xf32, #tpu.memory_space<hbm>>
      tpu.enqueue_indirect_dma source(%dma_start3A_399 : memref<10240x128xf32, #tpu.memory_space<hbm>>) target(%dma_start3A_393 : memref<128x128xf32, #tpu.memory_space<vmem>>) offsets(%dma_start3A_396 : memref<128xi32, #tpu.memory_space<vmem>>) semaphore(%arg12 : memref<!tpu.dma_semaphore, #tpu.memory_space<semaphore_mem>>)
      %dma_wait3A_400 = arith.constant 14 : i32
      %dma_wait3A_401 = arith.constant 0 : i32
      %dma_wait3A_402 = arith.constant 0 : i32
      %dma_wait3A_403 = arith.constant 0 : i32
      %dma_wait3A_404 = tpu.memref_slice %arg9[%dma_wait3A_401, %dma_wait3A_402, %dma_wait3A_403] : memref<2x128x128xf32, #tpu.memory_space<vmem>> -> memref<1x128x128xf32, #tpu.memory_space<vmem>>
      %dma_wait3A_405 = tpu.memref_squeeze %dma_wait3A_404 : memref<1x128x128xf32, #tpu.memory_space<vmem>> -> memref<128x128xf32, #tpu.memory_space<vmem>>
      %dma_wait3A_406 = arith.constant 0 : i32
      %dma_wait3A_407 = tpu.memref_slice %arg7[%dma_wait3A_400, %dma_wait3A_406] : memref<16x128xi32, #tpu.memory_space<vmem>> -> memref<1x128xi32, #tpu.memory_space<vmem>>
      %dma_wait3A_408 = tpu.memref_squeeze %dma_wait3A_407 : memref<1x128xi32, #tpu.memory_space<vmem>> -> memref<128xi32, #tpu.memory_space<vmem>>
      %dma_wait3A_409 = arith.constant 0 : i32
      %dma_wait3A_410 = arith.constant 0 : i32
      %dma_wait3A_411 = tpu.memref_slice %arg2[%dma_wait3A_409, %dma_wait3A_410] : memref<10240x128xf32, #tpu.memory_space<hbm>> -> memref<10240x128xf32, #tpu.memory_space<hbm>>
      tpu.wait_indirect_dma semaphore(%arg11 : memref<!tpu.dma_semaphore, #tpu.memory_space<semaphore_mem>>) src(%dma_wait3A_411 : memref<10240x128xf32, #tpu.memory_space<hbm>>) dst(%dma_wait3A_405 : memref<128x128xf32, #tpu.memory_space<vmem>>)
      %run_scoped3A_412 = arith.constant 0 : i32
      %run_scoped3A_413 = arith.constant 14 : i32
      "tpu.region"() ({
        %run_scoped3A_428 = tpu.sem_alloc : memref<!tpu.dma_semaphore, #tpu.memory_space<semaphore_mem>>
        %dma_start3A_429 = arith.constant 0 : i32
        %dma_start3A_430 = arith.constant 0 : i32
        %dma_start3A_431 = tpu.memref_slice %arg9[%run_scoped3A_412, %dma_start3A_429, %dma_start3A_430] : memref<2x128x128xf32, #tpu.memory_space<vmem>> -> memref<1x128x128xf32, #tpu.memory_space<vmem>>
        %dma_start3A_432 = tpu.memref_squeeze %dma_start3A_431 : memref<1x128x128xf32, #tpu.memory_space<vmem>> -> memref<128x128xf32, #tpu.memory_space<vmem>>
        %dma_start3A_433 = arith.constant 0 : i32
        %dma_start3A_434 = tpu.memref_slice %arg8[%run_scoped3A_413, %dma_start3A_433] : memref<16x128xi32, #tpu.memory_space<vmem>> -> memref<1x128xi32, #tpu.memory_space<vmem>>
        %dma_start3A_435 = tpu.memref_squeeze %dma_start3A_434 : memref<1x128xi32, #tpu.memory_space<vmem>> -> memref<128xi32, #tpu.memory_space<vmem>>
        %dma_start3A_436 = arith.constant 0 : i32
        %dma_start3A_437 = arith.constant 0 : i32
        %dma_start3A_438 = tpu.memref_slice %arg10[%dma_start3A_436, %dma_start3A_437] : memref<10240x128xf32, #tpu.memory_space<vmem_shared>> -> memref<10240x128xf32, #tpu.memory_space<vmem_shared>>
        tpu.enqueue_indirect_dma source(%dma_start3A_432 : memref<128x128xf32, #tpu.memory_space<vmem>>) target(%dma_start3A_438 : memref<10240x128xf32, #tpu.memory_space<vmem_shared>>) offsets(%dma_start3A_435 : memref<128xi32, #tpu.memory_space<vmem>>) semaphore(%run_scoped3A_428 : memref<!tpu.dma_semaphore, #tpu.memory_space<semaphore_mem>>) {add = true}
        %dma_wait3A_439 = arith.constant 0 : i32
        %dma_wait3A_440 = arith.constant 0 : i32
        %dma_wait3A_441 = tpu.memref_slice %arg9[%run_scoped3A_412, %dma_wait3A_439, %dma_wait3A_440] : memref<2x128x128xf32, #tpu.memory_space<vmem>> -> memref<1x128x128xf32, #tpu.memory_space<vmem>>
        %dma_wait3A_442 = tpu.memref_squeeze %dma_wait3A_441 : memref<1x128x128xf32, #tpu.memory_space<vmem>> -> memref<128x128xf32, #tpu.memory_space<vmem>>
        %dma_wait3A_443 = arith.constant 0 : i32
        %dma_wait3A_444 = tpu.memref_slice %arg8[%run_scoped3A_413, %dma_wait3A_443] : memref<16x128xi32, #tpu.memory_space<vmem>> -> memref<1x128xi32, #tpu.memory_space<vmem>>
        %dma_wait3A_445 = tpu.memref_squeeze %dma_wait3A_444 : memref<1x128xi32, #tpu.memory_space<vmem>> -> memref<128xi32, #tpu.memory_space<vmem>>
        %dma_wait3A_446 = arith.constant 0 : i32
        %dma_wait3A_447 = arith.constant 0 : i32
        %dma_wait3A_448 = tpu.memref_slice %arg10[%dma_wait3A_446, %dma_wait3A_447] : memref<10240x128xf32, #tpu.memory_space<vmem_shared>> -> memref<10240x128xf32, #tpu.memory_space<vmem_shared>>
        tpu.wait_indirect_dma semaphore(%run_scoped3A_428 : memref<!tpu.dma_semaphore, #tpu.memory_space<semaphore_mem>>) src(%dma_wait3A_442 : memref<128x128xf32, #tpu.memory_space<vmem>>) dst(%dma_wait3A_448 : memref<10240x128xf32, #tpu.memory_space<vmem_shared>>)
        tpu.yield
      }) : () -> ()
      %dma_wait3A_414 = arith.constant 15 : i32
      %dma_wait3A_415 = arith.constant 1 : i32
      %dma_wait3A_416 = arith.constant 0 : i32
      %dma_wait3A_417 = arith.constant 0 : i32
      %dma_wait3A_418 = tpu.memref_slice %arg9[%dma_wait3A_415, %dma_wait3A_416, %dma_wait3A_417] : memref<2x128x128xf32, #tpu.memory_space<vmem>> -> memref<1x128x128xf32, #tpu.memory_space<vmem>>
      %dma_wait3A_419 = tpu.memref_squeeze %dma_wait3A_418 : memref<1x128x128xf32, #tpu.memory_space<vmem>> -> memref<128x128xf32, #tpu.memory_space<vmem>>
      %dma_wait3A_420 = arith.constant 0 : i32
      %dma_wait3A_421 = tpu.memref_slice %arg7[%dma_wait3A_414, %dma_wait3A_420] : memref<16x128xi32, #tpu.memory_space<vmem>> -> memref<1x128xi32, #tpu.memory_space<vmem>>
      %dma_wait3A_422 = tpu.memref_squeeze %dma_wait3A_421 : memref<1x128xi32, #tpu.memory_space<vmem>> -> memref<128xi32, #tpu.memory_space<vmem>>
      %dma_wait3A_423 = arith.constant 0 : i32
      %dma_wait3A_424 = arith.constant 0 : i32
      %dma_wait3A_425 = tpu.memref_slice %arg2[%dma_wait3A_423, %dma_wait3A_424] : memref<10240x128xf32, #tpu.memory_space<hbm>> -> memref<10240x128xf32, #tpu.memory_space<hbm>>
      tpu.wait_indirect_dma semaphore(%arg12 : memref<!tpu.dma_semaphore, #tpu.memory_space<semaphore_mem>>) src(%dma_wait3A_425 : memref<10240x128xf32, #tpu.memory_space<hbm>>) dst(%dma_wait3A_419 : memref<128x128xf32, #tpu.memory_space<vmem>>)
      %run_scoped3A_426 = arith.constant 1 : i32
      %run_scoped3A_427 = arith.constant 15 : i32
      "tpu.region"() ({
        %run_scoped3A_428 = tpu.sem_alloc : memref<!tpu.dma_semaphore, #tpu.memory_space<semaphore_mem>>
        %dma_start3A_429 = arith.constant 0 : i32
        %dma_start3A_430 = arith.constant 0 : i32
        %dma_start3A_431 = tpu.memref_slice %arg9[%run_scoped3A_426, %dma_start3A_429, %dma_start3A_430] : memref<2x128x128xf32, #tpu.memory_space<vmem>> -> memref<1x128x128xf32, #tpu.memory_space<vmem>>
        %dma_start3A_432 = tpu.memref_squeeze %dma_start3A_431 : memref<1x128x128xf32, #tpu.memory_space<vmem>> -> memref<128x128xf32, #tpu.memory_space<vmem>>
        %dma_start3A_433 = arith.constant 0 : i32
        %dma_start3A_434 = tpu.memref_slice %arg8[%run_scoped3A_427, %dma_start3A_433] : memref<16x128xi32, #tpu.memory_space<vmem>> -> memref<1x128xi32, #tpu.memory_space<vmem>>
        %dma_start3A_435 = tpu.memref_squeeze %dma_start3A_434 : memref<1x128xi32, #tpu.memory_space<vmem>> -> memref<128xi32, #tpu.memory_space<vmem>>
        %dma_start3A_436 = arith.constant 0 : i32
        %dma_start3A_437 = arith.constant 0 : i32
        %dma_start3A_438 = tpu.memref_slice %arg10[%dma_start3A_436, %dma_start3A_437] : memref<10240x128xf32, #tpu.memory_space<vmem_shared>> -> memref<10240x128xf32, #tpu.memory_space<vmem_shared>>
        tpu.enqueue_indirect_dma source(%dma_start3A_432 : memref<128x128xf32, #tpu.memory_space<vmem>>) target(%dma_start3A_438 : memref<10240x128xf32, #tpu.memory_space<vmem_shared>>) offsets(%dma_start3A_435 : memref<128xi32, #tpu.memory_space<vmem>>) semaphore(%run_scoped3A_428 : memref<!tpu.dma_semaphore, #tpu.memory_space<semaphore_mem>>) {add = true}
        %dma_wait3A_439 = arith.constant 0 : i32
        %dma_wait3A_440 = arith.constant 0 : i32
        %dma_wait3A_441 = tpu.memref_slice %arg9[%run_scoped3A_426, %dma_wait3A_439, %dma_wait3A_440] : memref<2x128x128xf32, #tpu.memory_space<vmem>> -> memref<1x128x128xf32, #tpu.memory_space<vmem>>
        %dma_wait3A_442 = tpu.memref_squeeze %dma_wait3A_441 : memref<1x128x128xf32, #tpu.memory_space<vmem>> -> memref<128x128xf32, #tpu.memory_space<vmem>>
        %dma_wait3A_443 = arith.constant 0 : i32
        %dma_wait3A_444 = tpu.memref_slice %arg8[%run_scoped3A_427, %dma_wait3A_443] : memref<16x128xi32, #tpu.memory_space<vmem>> -> memref<1x128xi32, #tpu.memory_space<vmem>>
        %dma_wait3A_445 = tpu.memref_squeeze %dma_wait3A_444 : memref<1x128xi32, #tpu.memory_space<vmem>> -> memref<128xi32, #tpu.memory_space<vmem>>
        %dma_wait3A_446 = arith.constant 0 : i32
        %dma_wait3A_447 = arith.constant 0 : i32
        %dma_wait3A_448 = tpu.memref_slice %arg10[%dma_wait3A_446, %dma_wait3A_447] : memref<10240x128xf32, #tpu.memory_space<vmem_shared>> -> memref<10240x128xf32, #tpu.memory_space<vmem_shared>>
        tpu.wait_indirect_dma semaphore(%run_scoped3A_428 : memref<!tpu.dma_semaphore, #tpu.memory_space<semaphore_mem>>) src(%dma_wait3A_442 : memref<128x128xf32, #tpu.memory_space<vmem>>) dst(%dma_wait3A_448 : memref<10240x128xf32, #tpu.memory_space<vmem_shared>>)
        tpu.yield
      }) : () -> ()
    }
    %scan3A_9 = arith.constant 5 : i32
    %barrier3A_10 = arith.constant 0 : index
    tpu.barrier barrier_id(%barrier3A_10)
    "tpu.region"() ({
      %run_scoped3A = tpu.sem_alloc : memref<!tpu.dma_semaphore, #tpu.memory_space<semaphore_mem>>
      %dma_start3A = arith.constant 0 : i32
      %dma_start3A_11 = tpu.memref_slice %arg6[%arg0, %mul3A_0, %dma_start3A] : memref<2x10240x128xf32, #tpu.memory_space<hbm>> -> memref<1x640x128xf32, #tpu.memory_space<hbm>>
      %dma_start3A_12 = tpu.memref_squeeze %dma_start3A_11 : memref<1x640x128xf32, #tpu.memory_space<hbm>> -> memref<640x128xf32, #tpu.memory_space<hbm>>
      %dma_start3A_13 = arith.constant 0 : i32
      %dma_start3A_14 = tpu.memref_slice %arg10[%mul3A_0, %dma_start3A_13] : memref<10240x128xf32, #tpu.memory_space<vmem_shared>> -> memref<640x128xf32, #tpu.memory_space<vmem_shared>>
      tpu.enqueue_dma source(%dma_start3A_14 : memref<640x128xf32, #tpu.memory_space<vmem_shared>>) target(%dma_start3A_12 : memref<640x128xf32, #tpu.memory_space<hbm>>) target_semaphore(%run_scoped3A : memref<!tpu.dma_semaphore, #tpu.memory_space<semaphore_mem>>)
      %dma_wait3A = arith.constant 0 : i32
      %dma_wait3A_15 = tpu.memref_slice %arg6[%arg0, %mul3A_0, %dma_wait3A] : memref<2x10240x128xf32, #tpu.memory_space<hbm>> -> memref<1x640x128xf32, #tpu.memory_space<hbm>>
      %dma_wait3A_16 = tpu.memref_squeeze %dma_wait3A_15 : memref<1x640x128xf32, #tpu.memory_space<hbm>> -> memref<640x128xf32, #tpu.memory_space<hbm>>
      %dma_wait3A_17 = arith.constant 0 : i32
      %dma_wait3A_18 = tpu.memref_slice %arg10[%mul3A_0, %dma_wait3A_17] : memref<10240x128xf32, #tpu.memory_space<vmem_shared>> -> memref<640x128xf32, #tpu.memory_space<vmem_shared>>
      tpu.wait_dma2 semaphore(%run_scoped3A : memref<!tpu.dma_semaphore, #tpu.memory_space<semaphore_mem>>) src(%dma_wait3A_18 : memref<640x128xf32, #tpu.memory_space<vmem_shared>>) dst(%dma_wait3A_16 : memref<640x128xf32, #tpu.memory_space<hbm>>)
      tpu.yield
    }) : () -> ()
    return
  }
}

#map = affine_map<(d0, d1) -> (0, 0)>
#map1 = affine_map<(d0, d1) -> (0, 0, 0)>
module attributes {stable_mosaic.version = 14 : i64} {
  func.func @_deg_sc(%arg0: i32, %arg1: i32, %arg2: memref<10240x64xi32, #tpu.memory_space<hbm>>, %arg3: memref<10240x128xf32, #tpu.memory_space<hbm>>, %arg4: memref<64x128xf32, #tpu.memory_space<hbm>>, %arg5: memref<2x10240x128xf32, #tpu.memory_space<hbm>>, %arg6: memref<16x64xi32, #tpu.memory_space<vmem>>, %arg7: memref<64x128xf32, #tpu.memory_space<vmem>>, %arg8: memref<10240x128xf32, #tpu.memory_space<vmem_shared>>, %arg9: memref<!tpu.dma_semaphore, #tpu.memory_space<semaphore_mem>>) attributes {dimension_semantics = [#tpu.dimension_semantics<core_parallel>, #tpu.dimension_semantics<subcore_parallel>], iteration_bounds = array<i64: 2, 16>, scalar_prefetch = 0 : i64, scratch_operands = 4 : i64, tpu.core_type = #tpu.core_type<sc_vector_subcore>, window_params = [{transform_indices = #map}, {transform_indices = #map}, {transform_indices = #map}, {transform_indices = #map1}]} {
    %mul3A = arith.constant 640 : i32
    %mul3A_0 = arith.muli %arg1, %mul3A : i32
    %mul3A_1 = arith.constant 5120 : i32
    %mul3A_2 = arith.muli %arg0, %mul3A_1 : i32
    %mul3A_3 = arith.constant 320 : i32
    %mul3A_4 = arith.muli %arg1, %mul3A_3 : i32
    %add3A = arith.addi %mul3A_2, %mul3A_4 : i32
    "tpu.region"() ({
      %run_scoped3A = tpu.sem_alloc : memref<!tpu.dma_semaphore, #tpu.memory_space<semaphore_mem>>
      tpu.enqueue_dma source(%arg4 : memref<64x128xf32, #tpu.memory_space<hbm>>) target(%arg7 : memref<64x128xf32, #tpu.memory_space<vmem>>) target_semaphore(%run_scoped3A : memref<!tpu.dma_semaphore, #tpu.memory_space<semaphore_mem>>)
      tpu.wait_dma2 semaphore(%run_scoped3A : memref<!tpu.dma_semaphore, #tpu.memory_space<semaphore_mem>>) src(%arg4 : memref<64x128xf32, #tpu.memory_space<hbm>>) dst(%arg7 : memref<64x128xf32, #tpu.memory_space<vmem>>)
      tpu.yield
    }) : () -> ()
    "tpu.region"() ({
      %run_scoped3A = tpu.sem_alloc : memref<!tpu.dma_semaphore, #tpu.memory_space<semaphore_mem>>
      %dma_start3A = arith.constant 0 : i32
      %dma_start3A_11 = tpu.memref_slice %arg8[%mul3A_0, %dma_start3A] : memref<10240x128xf32, #tpu.memory_space<vmem_shared>> -> memref<640x128xf32, #tpu.memory_space<vmem_shared>>
      %dma_start3A_12 = arith.constant 0 : i32
      %dma_start3A_13 = tpu.memref_slice %arg3[%mul3A_0, %dma_start3A_12] : memref<10240x128xf32, #tpu.memory_space<hbm>> -> memref<640x128xf32, #tpu.memory_space<hbm>>
      tpu.enqueue_dma source(%dma_start3A_13 : memref<640x128xf32, #tpu.memory_space<hbm>>) target(%dma_start3A_11 : memref<640x128xf32, #tpu.memory_space<vmem_shared>>) target_semaphore(%run_scoped3A : memref<!tpu.dma_semaphore, #tpu.memory_space<semaphore_mem>>)
      %dma_wait3A = arith.constant 0 : i32
      %dma_wait3A_14 = tpu.memref_slice %arg8[%mul3A_0, %dma_wait3A] : memref<10240x128xf32, #tpu.memory_space<vmem_shared>> -> memref<640x128xf32, #tpu.memory_space<vmem_shared>>
      %dma_wait3A_15 = arith.constant 0 : i32
      %dma_wait3A_16 = tpu.memref_slice %arg3[%mul3A_0, %dma_wait3A_15] : memref<10240x128xf32, #tpu.memory_space<hbm>> -> memref<640x128xf32, #tpu.memory_space<hbm>>
      tpu.wait_dma2 semaphore(%run_scoped3A : memref<!tpu.dma_semaphore, #tpu.memory_space<semaphore_mem>>) src(%dma_wait3A_16 : memref<640x128xf32, #tpu.memory_space<hbm>>) dst(%dma_wait3A_14 : memref<640x128xf32, #tpu.memory_space<vmem_shared>>)
      tpu.yield
    }) : () -> ()
    %barrier3A = arith.constant 0 : index
    tpu.barrier barrier_id(%barrier3A)
    %scan3A = arith.constant 0 : i32
    %scan3A_5 = arith.constant 0 : i32
    %scan3A_6 = arith.constant 20 : i32
    %scan3A_7 = arith.addi %scan3A_5, %scan3A_6 : i32
    %scan3A_8 = arith.constant 1 : i32
    scf.for %scan3A_11 = %scan3A_5 to %scan3A_7 step %scan3A_8  : i32 {
      %mul3A_12 = arith.constant 16 : i32
      %mul3A_13 = arith.muli %scan3A_11, %mul3A_12 : i32
      %add3A_14 = arith.addi %add3A, %mul3A_13 : i32
      "tpu.region"() ({
        %run_scoped3A = tpu.sem_alloc : memref<!tpu.dma_semaphore, #tpu.memory_space<semaphore_mem>>
        %dma_start3A_237 = arith.constant 0 : i32
        %dma_start3A_238 = tpu.memref_slice %arg2[%add3A_14, %dma_start3A_237] : memref<10240x64xi32, #tpu.memory_space<hbm>> -> memref<16x64xi32, #tpu.memory_space<hbm>>
        %dma_start3A_239 = arith.constant 0 : i32
        %dma_start3A_240 = tpu.memref_slice %arg2[%add3A_14, %dma_start3A_239] : memref<10240x64xi32, #tpu.memory_space<hbm>> -> memref<16x64xi32, #tpu.memory_space<hbm>>
        tpu.enqueue_dma source(%dma_start3A_240 : memref<16x64xi32, #tpu.memory_space<hbm>>) target(%arg6 : memref<16x64xi32, #tpu.memory_space<vmem>>) target_semaphore(%run_scoped3A : memref<!tpu.dma_semaphore, #tpu.memory_space<semaphore_mem>>)
        %dma_wait3A_241 = arith.constant 0 : i32
        %dma_wait3A_242 = tpu.memref_slice %arg2[%add3A_14, %dma_wait3A_241] : memref<10240x64xi32, #tpu.memory_space<hbm>> -> memref<16x64xi32, #tpu.memory_space<hbm>>
        %dma_wait3A_243 = arith.constant 0 : i32
        %dma_wait3A_244 = tpu.memref_slice %arg2[%add3A_14, %dma_wait3A_243] : memref<10240x64xi32, #tpu.memory_space<hbm>> -> memref<16x64xi32, #tpu.memory_space<hbm>>
        tpu.wait_dma2 semaphore(%run_scoped3A : memref<!tpu.dma_semaphore, #tpu.memory_space<semaphore_mem>>) src(%dma_wait3A_244 : memref<16x64xi32, #tpu.memory_space<hbm>>) dst(%arg6 : memref<16x64xi32, #tpu.memory_space<vmem>>)
        tpu.yield
      }) : () -> ()
      %dma_start3A = arith.constant 0 : i32
      %dma_start3A_15 = arith.constant 0 : i32
      %dma_start3A_16 = tpu.memref_slice %arg6[%dma_start3A, %dma_start3A_15] : memref<16x64xi32, #tpu.memory_space<vmem>> -> memref<1x64xi32, #tpu.memory_space<vmem>>
      %dma_start3A_17 = tpu.memref_squeeze %dma_start3A_16 : memref<1x64xi32, #tpu.memory_space<vmem>> -> memref<64xi32, #tpu.memory_space<vmem>>
      %dma_start3A_18 = arith.constant 0 : i32
      %dma_start3A_19 = arith.constant 0 : i32
      %dma_start3A_20 = tpu.memref_slice %arg8[%dma_start3A_18, %dma_start3A_19] : memref<10240x128xf32, #tpu.memory_space<vmem_shared>> -> memref<10240x128xf32, #tpu.memory_space<vmem_shared>>
      tpu.enqueue_indirect_dma source(%arg7 : memref<64x128xf32, #tpu.memory_space<vmem>>) target(%dma_start3A_20 : memref<10240x128xf32, #tpu.memory_space<vmem_shared>>) offsets(%dma_start3A_17 : memref<64xi32, #tpu.memory_space<vmem>>) semaphore(%arg9 : memref<!tpu.dma_semaphore, #tpu.memory_space<semaphore_mem>>) {add = true}
      %dma_start3A_21 = arith.constant 1 : i32
      %dma_start3A_22 = arith.constant 0 : i32
      %dma_start3A_23 = tpu.memref_slice %arg6[%dma_start3A_21, %dma_start3A_22] : memref<16x64xi32, #tpu.memory_space<vmem>> -> memref<1x64xi32, #tpu.memory_space<vmem>>
      %dma_start3A_24 = tpu.memref_squeeze %dma_start3A_23 : memref<1x64xi32, #tpu.memory_space<vmem>> -> memref<64xi32, #tpu.memory_space<vmem>>
      %dma_start3A_25 = arith.constant 0 : i32
      %dma_start3A_26 = arith.constant 0 : i32
      %dma_start3A_27 = tpu.memref_slice %arg8[%dma_start3A_25, %dma_start3A_26] : memref<10240x128xf32, #tpu.memory_space<vmem_shared>> -> memref<10240x128xf32, #tpu.memory_space<vmem_shared>>
      tpu.enqueue_indirect_dma source(%arg7 : memref<64x128xf32, #tpu.memory_space<vmem>>) target(%dma_start3A_27 : memref<10240x128xf32, #tpu.memory_space<vmem_shared>>) offsets(%dma_start3A_24 : memref<64xi32, #tpu.memory_space<vmem>>) semaphore(%arg9 : memref<!tpu.dma_semaphore, #tpu.memory_space<semaphore_mem>>) {add = true}
      %dma_start3A_28 = arith.constant 2 : i32
      %dma_start3A_29 = arith.constant 0 : i32
      %dma_start3A_30 = tpu.memref_slice %arg6[%dma_start3A_28, %dma_start3A_29] : memref<16x64xi32, #tpu.memory_space<vmem>> -> memref<1x64xi32, #tpu.memory_space<vmem>>
      %dma_start3A_31 = tpu.memref_squeeze %dma_start3A_30 : memref<1x64xi32, #tpu.memory_space<vmem>> -> memref<64xi32, #tpu.memory_space<vmem>>
      %dma_start3A_32 = arith.constant 0 : i32
      %dma_start3A_33 = arith.constant 0 : i32
      %dma_start3A_34 = tpu.memref_slice %arg8[%dma_start3A_32, %dma_start3A_33] : memref<10240x128xf32, #tpu.memory_space<vmem_shared>> -> memref<10240x128xf32, #tpu.memory_space<vmem_shared>>
      tpu.enqueue_indirect_dma source(%arg7 : memref<64x128xf32, #tpu.memory_space<vmem>>) target(%dma_start3A_34 : memref<10240x128xf32, #tpu.memory_space<vmem_shared>>) offsets(%dma_start3A_31 : memref<64xi32, #tpu.memory_space<vmem>>) semaphore(%arg9 : memref<!tpu.dma_semaphore, #tpu.memory_space<semaphore_mem>>) {add = true}
      %dma_start3A_35 = arith.constant 3 : i32
      %dma_start3A_36 = arith.constant 0 : i32
      %dma_start3A_37 = tpu.memref_slice %arg6[%dma_start3A_35, %dma_start3A_36] : memref<16x64xi32, #tpu.memory_space<vmem>> -> memref<1x64xi32, #tpu.memory_space<vmem>>
      %dma_start3A_38 = tpu.memref_squeeze %dma_start3A_37 : memref<1x64xi32, #tpu.memory_space<vmem>> -> memref<64xi32, #tpu.memory_space<vmem>>
      %dma_start3A_39 = arith.constant 0 : i32
      %dma_start3A_40 = arith.constant 0 : i32
      %dma_start3A_41 = tpu.memref_slice %arg8[%dma_start3A_39, %dma_start3A_40] : memref<10240x128xf32, #tpu.memory_space<vmem_shared>> -> memref<10240x128xf32, #tpu.memory_space<vmem_shared>>
      tpu.enqueue_indirect_dma source(%arg7 : memref<64x128xf32, #tpu.memory_space<vmem>>) target(%dma_start3A_41 : memref<10240x128xf32, #tpu.memory_space<vmem_shared>>) offsets(%dma_start3A_38 : memref<64xi32, #tpu.memory_space<vmem>>) semaphore(%arg9 : memref<!tpu.dma_semaphore, #tpu.memory_space<semaphore_mem>>) {add = true}
      %dma_start3A_42 = arith.constant 4 : i32
      %dma_start3A_43 = arith.constant 0 : i32
      %dma_start3A_44 = tpu.memref_slice %arg6[%dma_start3A_42, %dma_start3A_43] : memref<16x64xi32, #tpu.memory_space<vmem>> -> memref<1x64xi32, #tpu.memory_space<vmem>>
      %dma_start3A_45 = tpu.memref_squeeze %dma_start3A_44 : memref<1x64xi32, #tpu.memory_space<vmem>> -> memref<64xi32, #tpu.memory_space<vmem>>
      %dma_start3A_46 = arith.constant 0 : i32
      %dma_start3A_47 = arith.constant 0 : i32
      %dma_start3A_48 = tpu.memref_slice %arg8[%dma_start3A_46, %dma_start3A_47] : memref<10240x128xf32, #tpu.memory_space<vmem_shared>> -> memref<10240x128xf32, #tpu.memory_space<vmem_shared>>
      tpu.enqueue_indirect_dma source(%arg7 : memref<64x128xf32, #tpu.memory_space<vmem>>) target(%dma_start3A_48 : memref<10240x128xf32, #tpu.memory_space<vmem_shared>>) offsets(%dma_start3A_45 : memref<64xi32, #tpu.memory_space<vmem>>) semaphore(%arg9 : memref<!tpu.dma_semaphore, #tpu.memory_space<semaphore_mem>>) {add = true}
      %dma_start3A_49 = arith.constant 5 : i32
      %dma_start3A_50 = arith.constant 0 : i32
      %dma_start3A_51 = tpu.memref_slice %arg6[%dma_start3A_49, %dma_start3A_50] : memref<16x64xi32, #tpu.memory_space<vmem>> -> memref<1x64xi32, #tpu.memory_space<vmem>>
      %dma_start3A_52 = tpu.memref_squeeze %dma_start3A_51 : memref<1x64xi32, #tpu.memory_space<vmem>> -> memref<64xi32, #tpu.memory_space<vmem>>
      %dma_start3A_53 = arith.constant 0 : i32
      %dma_start3A_54 = arith.constant 0 : i32
      %dma_start3A_55 = tpu.memref_slice %arg8[%dma_start3A_53, %dma_start3A_54] : memref<10240x128xf32, #tpu.memory_space<vmem_shared>> -> memref<10240x128xf32, #tpu.memory_space<vmem_shared>>
      tpu.enqueue_indirect_dma source(%arg7 : memref<64x128xf32, #tpu.memory_space<vmem>>) target(%dma_start3A_55 : memref<10240x128xf32, #tpu.memory_space<vmem_shared>>) offsets(%dma_start3A_52 : memref<64xi32, #tpu.memory_space<vmem>>) semaphore(%arg9 : memref<!tpu.dma_semaphore, #tpu.memory_space<semaphore_mem>>) {add = true}
      %dma_start3A_56 = arith.constant 6 : i32
      %dma_start3A_57 = arith.constant 0 : i32
      %dma_start3A_58 = tpu.memref_slice %arg6[%dma_start3A_56, %dma_start3A_57] : memref<16x64xi32, #tpu.memory_space<vmem>> -> memref<1x64xi32, #tpu.memory_space<vmem>>
      %dma_start3A_59 = tpu.memref_squeeze %dma_start3A_58 : memref<1x64xi32, #tpu.memory_space<vmem>> -> memref<64xi32, #tpu.memory_space<vmem>>
      %dma_start3A_60 = arith.constant 0 : i32
      %dma_start3A_61 = arith.constant 0 : i32
      %dma_start3A_62 = tpu.memref_slice %arg8[%dma_start3A_60, %dma_start3A_61] : memref<10240x128xf32, #tpu.memory_space<vmem_shared>> -> memref<10240x128xf32, #tpu.memory_space<vmem_shared>>
      tpu.enqueue_indirect_dma source(%arg7 : memref<64x128xf32, #tpu.memory_space<vmem>>) target(%dma_start3A_62 : memref<10240x128xf32, #tpu.memory_space<vmem_shared>>) offsets(%dma_start3A_59 : memref<64xi32, #tpu.memory_space<vmem>>) semaphore(%arg9 : memref<!tpu.dma_semaphore, #tpu.memory_space<semaphore_mem>>) {add = true}
      %dma_start3A_63 = arith.constant 7 : i32
      %dma_start3A_64 = arith.constant 0 : i32
      %dma_start3A_65 = tpu.memref_slice %arg6[%dma_start3A_63, %dma_start3A_64] : memref<16x64xi32, #tpu.memory_space<vmem>> -> memref<1x64xi32, #tpu.memory_space<vmem>>
      %dma_start3A_66 = tpu.memref_squeeze %dma_start3A_65 : memref<1x64xi32, #tpu.memory_space<vmem>> -> memref<64xi32, #tpu.memory_space<vmem>>
      %dma_start3A_67 = arith.constant 0 : i32
      %dma_start3A_68 = arith.constant 0 : i32
      %dma_start3A_69 = tpu.memref_slice %arg8[%dma_start3A_67, %dma_start3A_68] : memref<10240x128xf32, #tpu.memory_space<vmem_shared>> -> memref<10240x128xf32, #tpu.memory_space<vmem_shared>>
      tpu.enqueue_indirect_dma source(%arg7 : memref<64x128xf32, #tpu.memory_space<vmem>>) target(%dma_start3A_69 : memref<10240x128xf32, #tpu.memory_space<vmem_shared>>) offsets(%dma_start3A_66 : memref<64xi32, #tpu.memory_space<vmem>>) semaphore(%arg9 : memref<!tpu.dma_semaphore, #tpu.memory_space<semaphore_mem>>) {add = true}
      %dma_start3A_70 = arith.constant 8 : i32
      %dma_start3A_71 = arith.constant 0 : i32
      %dma_start3A_72 = tpu.memref_slice %arg6[%dma_start3A_70, %dma_start3A_71] : memref<16x64xi32, #tpu.memory_space<vmem>> -> memref<1x64xi32, #tpu.memory_space<vmem>>
      %dma_start3A_73 = tpu.memref_squeeze %dma_start3A_72 : memref<1x64xi32, #tpu.memory_space<vmem>> -> memref<64xi32, #tpu.memory_space<vmem>>
      %dma_start3A_74 = arith.constant 0 : i32
      %dma_start3A_75 = arith.constant 0 : i32
      %dma_start3A_76 = tpu.memref_slice %arg8[%dma_start3A_74, %dma_start3A_75] : memref<10240x128xf32, #tpu.memory_space<vmem_shared>> -> memref<10240x128xf32, #tpu.memory_space<vmem_shared>>
      tpu.enqueue_indirect_dma source(%arg7 : memref<64x128xf32, #tpu.memory_space<vmem>>) target(%dma_start3A_76 : memref<10240x128xf32, #tpu.memory_space<vmem_shared>>) offsets(%dma_start3A_73 : memref<64xi32, #tpu.memory_space<vmem>>) semaphore(%arg9 : memref<!tpu.dma_semaphore, #tpu.memory_space<semaphore_mem>>) {add = true}
      %dma_start3A_77 = arith.constant 9 : i32
      %dma_start3A_78 = arith.constant 0 : i32
      %dma_start3A_79 = tpu.memref_slice %arg6[%dma_start3A_77, %dma_start3A_78] : memref<16x64xi32, #tpu.memory_space<vmem>> -> memref<1x64xi32, #tpu.memory_space<vmem>>
      %dma_start3A_80 = tpu.memref_squeeze %dma_start3A_79 : memref<1x64xi32, #tpu.memory_space<vmem>> -> memref<64xi32, #tpu.memory_space<vmem>>
      %dma_start3A_81 = arith.constant 0 : i32
      %dma_start3A_82 = arith.constant 0 : i32
      %dma_start3A_83 = tpu.memref_slice %arg8[%dma_start3A_81, %dma_start3A_82] : memref<10240x128xf32, #tpu.memory_space<vmem_shared>> -> memref<10240x128xf32, #tpu.memory_space<vmem_shared>>
      tpu.enqueue_indirect_dma source(%arg7 : memref<64x128xf32, #tpu.memory_space<vmem>>) target(%dma_start3A_83 : memref<10240x128xf32, #tpu.memory_space<vmem_shared>>) offsets(%dma_start3A_80 : memref<64xi32, #tpu.memory_space<vmem>>) semaphore(%arg9 : memref<!tpu.dma_semaphore, #tpu.memory_space<semaphore_mem>>) {add = true}
      %dma_start3A_84 = arith.constant 10 : i32
      %dma_start3A_85 = arith.constant 0 : i32
      %dma_start3A_86 = tpu.memref_slice %arg6[%dma_start3A_84, %dma_start3A_85] : memref<16x64xi32, #tpu.memory_space<vmem>> -> memref<1x64xi32, #tpu.memory_space<vmem>>
      %dma_start3A_87 = tpu.memref_squeeze %dma_start3A_86 : memref<1x64xi32, #tpu.memory_space<vmem>> -> memref<64xi32, #tpu.memory_space<vmem>>
      %dma_start3A_88 = arith.constant 0 : i32
      %dma_start3A_89 = arith.constant 0 : i32
      %dma_start3A_90 = tpu.memref_slice %arg8[%dma_start3A_88, %dma_start3A_89] : memref<10240x128xf32, #tpu.memory_space<vmem_shared>> -> memref<10240x128xf32, #tpu.memory_space<vmem_shared>>
      tpu.enqueue_indirect_dma source(%arg7 : memref<64x128xf32, #tpu.memory_space<vmem>>) target(%dma_start3A_90 : memref<10240x128xf32, #tpu.memory_space<vmem_shared>>) offsets(%dma_start3A_87 : memref<64xi32, #tpu.memory_space<vmem>>) semaphore(%arg9 : memref<!tpu.dma_semaphore, #tpu.memory_space<semaphore_mem>>) {add = true}
      %dma_start3A_91 = arith.constant 11 : i32
      %dma_start3A_92 = arith.constant 0 : i32
      %dma_start3A_93 = tpu.memref_slice %arg6[%dma_start3A_91, %dma_start3A_92] : memref<16x64xi32, #tpu.memory_space<vmem>> -> memref<1x64xi32, #tpu.memory_space<vmem>>
      %dma_start3A_94 = tpu.memref_squeeze %dma_start3A_93 : memref<1x64xi32, #tpu.memory_space<vmem>> -> memref<64xi32, #tpu.memory_space<vmem>>
      %dma_start3A_95 = arith.constant 0 : i32
      %dma_start3A_96 = arith.constant 0 : i32
      %dma_start3A_97 = tpu.memref_slice %arg8[%dma_start3A_95, %dma_start3A_96] : memref<10240x128xf32, #tpu.memory_space<vmem_shared>> -> memref<10240x128xf32, #tpu.memory_space<vmem_shared>>
      tpu.enqueue_indirect_dma source(%arg7 : memref<64x128xf32, #tpu.memory_space<vmem>>) target(%dma_start3A_97 : memref<10240x128xf32, #tpu.memory_space<vmem_shared>>) offsets(%dma_start3A_94 : memref<64xi32, #tpu.memory_space<vmem>>) semaphore(%arg9 : memref<!tpu.dma_semaphore, #tpu.memory_space<semaphore_mem>>) {add = true}
      %dma_start3A_98 = arith.constant 12 : i32
      %dma_start3A_99 = arith.constant 0 : i32
      %dma_start3A_100 = tpu.memref_slice %arg6[%dma_start3A_98, %dma_start3A_99] : memref<16x64xi32, #tpu.memory_space<vmem>> -> memref<1x64xi32, #tpu.memory_space<vmem>>
      %dma_start3A_101 = tpu.memref_squeeze %dma_start3A_100 : memref<1x64xi32, #tpu.memory_space<vmem>> -> memref<64xi32, #tpu.memory_space<vmem>>
      %dma_start3A_102 = arith.constant 0 : i32
      %dma_start3A_103 = arith.constant 0 : i32
      %dma_start3A_104 = tpu.memref_slice %arg8[%dma_start3A_102, %dma_start3A_103] : memref<10240x128xf32, #tpu.memory_space<vmem_shared>> -> memref<10240x128xf32, #tpu.memory_space<vmem_shared>>
      tpu.enqueue_indirect_dma source(%arg7 : memref<64x128xf32, #tpu.memory_space<vmem>>) target(%dma_start3A_104 : memref<10240x128xf32, #tpu.memory_space<vmem_shared>>) offsets(%dma_start3A_101 : memref<64xi32, #tpu.memory_space<vmem>>) semaphore(%arg9 : memref<!tpu.dma_semaphore, #tpu.memory_space<semaphore_mem>>) {add = true}
      %dma_start3A_105 = arith.constant 13 : i32
      %dma_start3A_106 = arith.constant 0 : i32
      %dma_start3A_107 = tpu.memref_slice %arg6[%dma_start3A_105, %dma_start3A_106] : memref<16x64xi32, #tpu.memory_space<vmem>> -> memref<1x64xi32, #tpu.memory_space<vmem>>
      %dma_start3A_108 = tpu.memref_squeeze %dma_start3A_107 : memref<1x64xi32, #tpu.memory_space<vmem>> -> memref<64xi32, #tpu.memory_space<vmem>>
      %dma_start3A_109 = arith.constant 0 : i32
      %dma_start3A_110 = arith.constant 0 : i32
      %dma_start3A_111 = tpu.memref_slice %arg8[%dma_start3A_109, %dma_start3A_110] : memref<10240x128xf32, #tpu.memory_space<vmem_shared>> -> memref<10240x128xf32, #tpu.memory_space<vmem_shared>>
      tpu.enqueue_indirect_dma source(%arg7 : memref<64x128xf32, #tpu.memory_space<vmem>>) target(%dma_start3A_111 : memref<10240x128xf32, #tpu.memory_space<vmem_shared>>) offsets(%dma_start3A_108 : memref<64xi32, #tpu.memory_space<vmem>>) semaphore(%arg9 : memref<!tpu.dma_semaphore, #tpu.memory_space<semaphore_mem>>) {add = true}
      %dma_start3A_112 = arith.constant 14 : i32
      %dma_start3A_113 = arith.constant 0 : i32
      %dma_start3A_114 = tpu.memref_slice %arg6[%dma_start3A_112, %dma_start3A_113] : memref<16x64xi32, #tpu.memory_space<vmem>> -> memref<1x64xi32, #tpu.memory_space<vmem>>
      %dma_start3A_115 = tpu.memref_squeeze %dma_start3A_114 : memref<1x64xi32, #tpu.memory_space<vmem>> -> memref<64xi32, #tpu.memory_space<vmem>>
      %dma_start3A_116 = arith.constant 0 : i32
      %dma_start3A_117 = arith.constant 0 : i32
      %dma_start3A_118 = tpu.memref_slice %arg8[%dma_start3A_116, %dma_start3A_117] : memref<10240x128xf32, #tpu.memory_space<vmem_shared>> -> memref<10240x128xf32, #tpu.memory_space<vmem_shared>>
      tpu.enqueue_indirect_dma source(%arg7 : memref<64x128xf32, #tpu.memory_space<vmem>>) target(%dma_start3A_118 : memref<10240x128xf32, #tpu.memory_space<vmem_shared>>) offsets(%dma_start3A_115 : memref<64xi32, #tpu.memory_space<vmem>>) semaphore(%arg9 : memref<!tpu.dma_semaphore, #tpu.memory_space<semaphore_mem>>) {add = true}
      %dma_start3A_119 = arith.constant 15 : i32
      %dma_start3A_120 = arith.constant 0 : i32
      %dma_start3A_121 = tpu.memref_slice %arg6[%dma_start3A_119, %dma_start3A_120] : memref<16x64xi32, #tpu.memory_space<vmem>> -> memref<1x64xi32, #tpu.memory_space<vmem>>
      %dma_start3A_122 = tpu.memref_squeeze %dma_start3A_121 : memref<1x64xi32, #tpu.memory_space<vmem>> -> memref<64xi32, #tpu.memory_space<vmem>>
      %dma_start3A_123 = arith.constant 0 : i32
      %dma_start3A_124 = arith.constant 0 : i32
      %dma_start3A_125 = tpu.memref_slice %arg8[%dma_start3A_123, %dma_start3A_124] : memref<10240x128xf32, #tpu.memory_space<vmem_shared>> -> memref<10240x128xf32, #tpu.memory_space<vmem_shared>>
      tpu.enqueue_indirect_dma source(%arg7 : memref<64x128xf32, #tpu.memory_space<vmem>>) target(%dma_start3A_125 : memref<10240x128xf32, #tpu.memory_space<vmem_shared>>) offsets(%dma_start3A_122 : memref<64xi32, #tpu.memory_space<vmem>>) semaphore(%arg9 : memref<!tpu.dma_semaphore, #tpu.memory_space<semaphore_mem>>) {add = true}
      %dma_wait3A = arith.constant 0 : i32
      %dma_wait3A_126 = arith.constant 0 : i32
      %dma_wait3A_127 = tpu.memref_slice %arg6[%dma_wait3A, %dma_wait3A_126] : memref<16x64xi32, #tpu.memory_space<vmem>> -> memref<1x64xi32, #tpu.memory_space<vmem>>
      %dma_wait3A_128 = tpu.memref_squeeze %dma_wait3A_127 : memref<1x64xi32, #tpu.memory_space<vmem>> -> memref<64xi32, #tpu.memory_space<vmem>>
      %dma_wait3A_129 = arith.constant 0 : i32
      %dma_wait3A_130 = arith.constant 0 : i32
      %dma_wait3A_131 = tpu.memref_slice %arg8[%dma_wait3A_129, %dma_wait3A_130] : memref<10240x128xf32, #tpu.memory_space<vmem_shared>> -> memref<10240x128xf32, #tpu.memory_space<vmem_shared>>
      tpu.wait_indirect_dma semaphore(%arg9 : memref<!tpu.dma_semaphore, #tpu.memory_space<semaphore_mem>>) src(%arg7 : memref<64x128xf32, #tpu.memory_space<vmem>>) dst(%dma_wait3A_131 : memref<10240x128xf32, #tpu.memory_space<vmem_shared>>)
      %dma_wait3A_132 = arith.constant 1 : i32
      %dma_wait3A_133 = arith.constant 0 : i32
      %dma_wait3A_134 = tpu.memref_slice %arg6[%dma_wait3A_132, %dma_wait3A_133] : memref<16x64xi32, #tpu.memory_space<vmem>> -> memref<1x64xi32, #tpu.memory_space<vmem>>
      %dma_wait3A_135 = tpu.memref_squeeze %dma_wait3A_134 : memref<1x64xi32, #tpu.memory_space<vmem>> -> memref<64xi32, #tpu.memory_space<vmem>>
      %dma_wait3A_136 = arith.constant 0 : i32
      %dma_wait3A_137 = arith.constant 0 : i32
      %dma_wait3A_138 = tpu.memref_slice %arg8[%dma_wait3A_136, %dma_wait3A_137] : memref<10240x128xf32, #tpu.memory_space<vmem_shared>> -> memref<10240x128xf32, #tpu.memory_space<vmem_shared>>
      tpu.wait_indirect_dma semaphore(%arg9 : memref<!tpu.dma_semaphore, #tpu.memory_space<semaphore_mem>>) src(%arg7 : memref<64x128xf32, #tpu.memory_space<vmem>>) dst(%dma_wait3A_138 : memref<10240x128xf32, #tpu.memory_space<vmem_shared>>)
      %dma_wait3A_139 = arith.constant 2 : i32
      %dma_wait3A_140 = arith.constant 0 : i32
      %dma_wait3A_141 = tpu.memref_slice %arg6[%dma_wait3A_139, %dma_wait3A_140] : memref<16x64xi32, #tpu.memory_space<vmem>> -> memref<1x64xi32, #tpu.memory_space<vmem>>
      %dma_wait3A_142 = tpu.memref_squeeze %dma_wait3A_141 : memref<1x64xi32, #tpu.memory_space<vmem>> -> memref<64xi32, #tpu.memory_space<vmem>>
      %dma_wait3A_143 = arith.constant 0 : i32
      %dma_wait3A_144 = arith.constant 0 : i32
      %dma_wait3A_145 = tpu.memref_slice %arg8[%dma_wait3A_143, %dma_wait3A_144] : memref<10240x128xf32, #tpu.memory_space<vmem_shared>> -> memref<10240x128xf32, #tpu.memory_space<vmem_shared>>
      tpu.wait_indirect_dma semaphore(%arg9 : memref<!tpu.dma_semaphore, #tpu.memory_space<semaphore_mem>>) src(%arg7 : memref<64x128xf32, #tpu.memory_space<vmem>>) dst(%dma_wait3A_145 : memref<10240x128xf32, #tpu.memory_space<vmem_shared>>)
      %dma_wait3A_146 = arith.constant 3 : i32
      %dma_wait3A_147 = arith.constant 0 : i32
      %dma_wait3A_148 = tpu.memref_slice %arg6[%dma_wait3A_146, %dma_wait3A_147] : memref<16x64xi32, #tpu.memory_space<vmem>> -> memref<1x64xi32, #tpu.memory_space<vmem>>
      %dma_wait3A_149 = tpu.memref_squeeze %dma_wait3A_148 : memref<1x64xi32, #tpu.memory_space<vmem>> -> memref<64xi32, #tpu.memory_space<vmem>>
      %dma_wait3A_150 = arith.constant 0 : i32
      %dma_wait3A_151 = arith.constant 0 : i32
      %dma_wait3A_152 = tpu.memref_slice %arg8[%dma_wait3A_150, %dma_wait3A_151] : memref<10240x128xf32, #tpu.memory_space<vmem_shared>> -> memref<10240x128xf32, #tpu.memory_space<vmem_shared>>
      tpu.wait_indirect_dma semaphore(%arg9 : memref<!tpu.dma_semaphore, #tpu.memory_space<semaphore_mem>>) src(%arg7 : memref<64x128xf32, #tpu.memory_space<vmem>>) dst(%dma_wait3A_152 : memref<10240x128xf32, #tpu.memory_space<vmem_shared>>)
      %dma_wait3A_153 = arith.constant 4 : i32
      %dma_wait3A_154 = arith.constant 0 : i32
      %dma_wait3A_155 = tpu.memref_slice %arg6[%dma_wait3A_153, %dma_wait3A_154] : memref<16x64xi32, #tpu.memory_space<vmem>> -> memref<1x64xi32, #tpu.memory_space<vmem>>
      %dma_wait3A_156 = tpu.memref_squeeze %dma_wait3A_155 : memref<1x64xi32, #tpu.memory_space<vmem>> -> memref<64xi32, #tpu.memory_space<vmem>>
      %dma_wait3A_157 = arith.constant 0 : i32
      %dma_wait3A_158 = arith.constant 0 : i32
      %dma_wait3A_159 = tpu.memref_slice %arg8[%dma_wait3A_157, %dma_wait3A_158] : memref<10240x128xf32, #tpu.memory_space<vmem_shared>> -> memref<10240x128xf32, #tpu.memory_space<vmem_shared>>
      tpu.wait_indirect_dma semaphore(%arg9 : memref<!tpu.dma_semaphore, #tpu.memory_space<semaphore_mem>>) src(%arg7 : memref<64x128xf32, #tpu.memory_space<vmem>>) dst(%dma_wait3A_159 : memref<10240x128xf32, #tpu.memory_space<vmem_shared>>)
      %dma_wait3A_160 = arith.constant 5 : i32
      %dma_wait3A_161 = arith.constant 0 : i32
      %dma_wait3A_162 = tpu.memref_slice %arg6[%dma_wait3A_160, %dma_wait3A_161] : memref<16x64xi32, #tpu.memory_space<vmem>> -> memref<1x64xi32, #tpu.memory_space<vmem>>
      %dma_wait3A_163 = tpu.memref_squeeze %dma_wait3A_162 : memref<1x64xi32, #tpu.memory_space<vmem>> -> memref<64xi32, #tpu.memory_space<vmem>>
      %dma_wait3A_164 = arith.constant 0 : i32
      %dma_wait3A_165 = arith.constant 0 : i32
      %dma_wait3A_166 = tpu.memref_slice %arg8[%dma_wait3A_164, %dma_wait3A_165] : memref<10240x128xf32, #tpu.memory_space<vmem_shared>> -> memref<10240x128xf32, #tpu.memory_space<vmem_shared>>
      tpu.wait_indirect_dma semaphore(%arg9 : memref<!tpu.dma_semaphore, #tpu.memory_space<semaphore_mem>>) src(%arg7 : memref<64x128xf32, #tpu.memory_space<vmem>>) dst(%dma_wait3A_166 : memref<10240x128xf32, #tpu.memory_space<vmem_shared>>)
      %dma_wait3A_167 = arith.constant 6 : i32
      %dma_wait3A_168 = arith.constant 0 : i32
      %dma_wait3A_169 = tpu.memref_slice %arg6[%dma_wait3A_167, %dma_wait3A_168] : memref<16x64xi32, #tpu.memory_space<vmem>> -> memref<1x64xi32, #tpu.memory_space<vmem>>
      %dma_wait3A_170 = tpu.memref_squeeze %dma_wait3A_169 : memref<1x64xi32, #tpu.memory_space<vmem>> -> memref<64xi32, #tpu.memory_space<vmem>>
      %dma_wait3A_171 = arith.constant 0 : i32
      %dma_wait3A_172 = arith.constant 0 : i32
      %dma_wait3A_173 = tpu.memref_slice %arg8[%dma_wait3A_171, %dma_wait3A_172] : memref<10240x128xf32, #tpu.memory_space<vmem_shared>> -> memref<10240x128xf32, #tpu.memory_space<vmem_shared>>
      tpu.wait_indirect_dma semaphore(%arg9 : memref<!tpu.dma_semaphore, #tpu.memory_space<semaphore_mem>>) src(%arg7 : memref<64x128xf32, #tpu.memory_space<vmem>>) dst(%dma_wait3A_173 : memref<10240x128xf32, #tpu.memory_space<vmem_shared>>)
      %dma_wait3A_174 = arith.constant 7 : i32
      %dma_wait3A_175 = arith.constant 0 : i32
      %dma_wait3A_176 = tpu.memref_slice %arg6[%dma_wait3A_174, %dma_wait3A_175] : memref<16x64xi32, #tpu.memory_space<vmem>> -> memref<1x64xi32, #tpu.memory_space<vmem>>
      %dma_wait3A_177 = tpu.memref_squeeze %dma_wait3A_176 : memref<1x64xi32, #tpu.memory_space<vmem>> -> memref<64xi32, #tpu.memory_space<vmem>>
      %dma_wait3A_178 = arith.constant 0 : i32
      %dma_wait3A_179 = arith.constant 0 : i32
      %dma_wait3A_180 = tpu.memref_slice %arg8[%dma_wait3A_178, %dma_wait3A_179] : memref<10240x128xf32, #tpu.memory_space<vmem_shared>> -> memref<10240x128xf32, #tpu.memory_space<vmem_shared>>
      tpu.wait_indirect_dma semaphore(%arg9 : memref<!tpu.dma_semaphore, #tpu.memory_space<semaphore_mem>>) src(%arg7 : memref<64x128xf32, #tpu.memory_space<vmem>>) dst(%dma_wait3A_180 : memref<10240x128xf32, #tpu.memory_space<vmem_shared>>)
      %dma_wait3A_181 = arith.constant 8 : i32
      %dma_wait3A_182 = arith.constant 0 : i32
      %dma_wait3A_183 = tpu.memref_slice %arg6[%dma_wait3A_181, %dma_wait3A_182] : memref<16x64xi32, #tpu.memory_space<vmem>> -> memref<1x64xi32, #tpu.memory_space<vmem>>
      %dma_wait3A_184 = tpu.memref_squeeze %dma_wait3A_183 : memref<1x64xi32, #tpu.memory_space<vmem>> -> memref<64xi32, #tpu.memory_space<vmem>>
      %dma_wait3A_185 = arith.constant 0 : i32
      %dma_wait3A_186 = arith.constant 0 : i32
      %dma_wait3A_187 = tpu.memref_slice %arg8[%dma_wait3A_185, %dma_wait3A_186] : memref<10240x128xf32, #tpu.memory_space<vmem_shared>> -> memref<10240x128xf32, #tpu.memory_space<vmem_shared>>
      tpu.wait_indirect_dma semaphore(%arg9 : memref<!tpu.dma_semaphore, #tpu.memory_space<semaphore_mem>>) src(%arg7 : memref<64x128xf32, #tpu.memory_space<vmem>>) dst(%dma_wait3A_187 : memref<10240x128xf32, #tpu.memory_space<vmem_shared>>)
      %dma_wait3A_188 = arith.constant 9 : i32
      %dma_wait3A_189 = arith.constant 0 : i32
      %dma_wait3A_190 = tpu.memref_slice %arg6[%dma_wait3A_188, %dma_wait3A_189] : memref<16x64xi32, #tpu.memory_space<vmem>> -> memref<1x64xi32, #tpu.memory_space<vmem>>
      %dma_wait3A_191 = tpu.memref_squeeze %dma_wait3A_190 : memref<1x64xi32, #tpu.memory_space<vmem>> -> memref<64xi32, #tpu.memory_space<vmem>>
      %dma_wait3A_192 = arith.constant 0 : i32
      %dma_wait3A_193 = arith.constant 0 : i32
      %dma_wait3A_194 = tpu.memref_slice %arg8[%dma_wait3A_192, %dma_wait3A_193] : memref<10240x128xf32, #tpu.memory_space<vmem_shared>> -> memref<10240x128xf32, #tpu.memory_space<vmem_shared>>
      tpu.wait_indirect_dma semaphore(%arg9 : memref<!tpu.dma_semaphore, #tpu.memory_space<semaphore_mem>>) src(%arg7 : memref<64x128xf32, #tpu.memory_space<vmem>>) dst(%dma_wait3A_194 : memref<10240x128xf32, #tpu.memory_space<vmem_shared>>)
      %dma_wait3A_195 = arith.constant 10 : i32
      %dma_wait3A_196 = arith.constant 0 : i32
      %dma_wait3A_197 = tpu.memref_slice %arg6[%dma_wait3A_195, %dma_wait3A_196] : memref<16x64xi32, #tpu.memory_space<vmem>> -> memref<1x64xi32, #tpu.memory_space<vmem>>
      %dma_wait3A_198 = tpu.memref_squeeze %dma_wait3A_197 : memref<1x64xi32, #tpu.memory_space<vmem>> -> memref<64xi32, #tpu.memory_space<vmem>>
      %dma_wait3A_199 = arith.constant 0 : i32
      %dma_wait3A_200 = arith.constant 0 : i32
      %dma_wait3A_201 = tpu.memref_slice %arg8[%dma_wait3A_199, %dma_wait3A_200] : memref<10240x128xf32, #tpu.memory_space<vmem_shared>> -> memref<10240x128xf32, #tpu.memory_space<vmem_shared>>
      tpu.wait_indirect_dma semaphore(%arg9 : memref<!tpu.dma_semaphore, #tpu.memory_space<semaphore_mem>>) src(%arg7 : memref<64x128xf32, #tpu.memory_space<vmem>>) dst(%dma_wait3A_201 : memref<10240x128xf32, #tpu.memory_space<vmem_shared>>)
      %dma_wait3A_202 = arith.constant 11 : i32
      %dma_wait3A_203 = arith.constant 0 : i32
      %dma_wait3A_204 = tpu.memref_slice %arg6[%dma_wait3A_202, %dma_wait3A_203] : memref<16x64xi32, #tpu.memory_space<vmem>> -> memref<1x64xi32, #tpu.memory_space<vmem>>
      %dma_wait3A_205 = tpu.memref_squeeze %dma_wait3A_204 : memref<1x64xi32, #tpu.memory_space<vmem>> -> memref<64xi32, #tpu.memory_space<vmem>>
      %dma_wait3A_206 = arith.constant 0 : i32
      %dma_wait3A_207 = arith.constant 0 : i32
      %dma_wait3A_208 = tpu.memref_slice %arg8[%dma_wait3A_206, %dma_wait3A_207] : memref<10240x128xf32, #tpu.memory_space<vmem_shared>> -> memref<10240x128xf32, #tpu.memory_space<vmem_shared>>
      tpu.wait_indirect_dma semaphore(%arg9 : memref<!tpu.dma_semaphore, #tpu.memory_space<semaphore_mem>>) src(%arg7 : memref<64x128xf32, #tpu.memory_space<vmem>>) dst(%dma_wait3A_208 : memref<10240x128xf32, #tpu.memory_space<vmem_shared>>)
      %dma_wait3A_209 = arith.constant 12 : i32
      %dma_wait3A_210 = arith.constant 0 : i32
      %dma_wait3A_211 = tpu.memref_slice %arg6[%dma_wait3A_209, %dma_wait3A_210] : memref<16x64xi32, #tpu.memory_space<vmem>> -> memref<1x64xi32, #tpu.memory_space<vmem>>
      %dma_wait3A_212 = tpu.memref_squeeze %dma_wait3A_211 : memref<1x64xi32, #tpu.memory_space<vmem>> -> memref<64xi32, #tpu.memory_space<vmem>>
      %dma_wait3A_213 = arith.constant 0 : i32
      %dma_wait3A_214 = arith.constant 0 : i32
      %dma_wait3A_215 = tpu.memref_slice %arg8[%dma_wait3A_213, %dma_wait3A_214] : memref<10240x128xf32, #tpu.memory_space<vmem_shared>> -> memref<10240x128xf32, #tpu.memory_space<vmem_shared>>
      tpu.wait_indirect_dma semaphore(%arg9 : memref<!tpu.dma_semaphore, #tpu.memory_space<semaphore_mem>>) src(%arg7 : memref<64x128xf32, #tpu.memory_space<vmem>>) dst(%dma_wait3A_215 : memref<10240x128xf32, #tpu.memory_space<vmem_shared>>)
      %dma_wait3A_216 = arith.constant 13 : i32
      %dma_wait3A_217 = arith.constant 0 : i32
      %dma_wait3A_218 = tpu.memref_slice %arg6[%dma_wait3A_216, %dma_wait3A_217] : memref<16x64xi32, #tpu.memory_space<vmem>> -> memref<1x64xi32, #tpu.memory_space<vmem>>
      %dma_wait3A_219 = tpu.memref_squeeze %dma_wait3A_218 : memref<1x64xi32, #tpu.memory_space<vmem>> -> memref<64xi32, #tpu.memory_space<vmem>>
      %dma_wait3A_220 = arith.constant 0 : i32
      %dma_wait3A_221 = arith.constant 0 : i32
      %dma_wait3A_222 = tpu.memref_slice %arg8[%dma_wait3A_220, %dma_wait3A_221] : memref<10240x128xf32, #tpu.memory_space<vmem_shared>> -> memref<10240x128xf32, #tpu.memory_space<vmem_shared>>
      tpu.wait_indirect_dma semaphore(%arg9 : memref<!tpu.dma_semaphore, #tpu.memory_space<semaphore_mem>>) src(%arg7 : memref<64x128xf32, #tpu.memory_space<vmem>>) dst(%dma_wait3A_222 : memref<10240x128xf32, #tpu.memory_space<vmem_shared>>)
      %dma_wait3A_223 = arith.constant 14 : i32
      %dma_wait3A_224 = arith.constant 0 : i32
      %dma_wait3A_225 = tpu.memref_slice %arg6[%dma_wait3A_223, %dma_wait3A_224] : memref<16x64xi32, #tpu.memory_space<vmem>> -> memref<1x64xi32, #tpu.memory_space<vmem>>
      %dma_wait3A_226 = tpu.memref_squeeze %dma_wait3A_225 : memref<1x64xi32, #tpu.memory_space<vmem>> -> memref<64xi32, #tpu.memory_space<vmem>>
      %dma_wait3A_227 = arith.constant 0 : i32
      %dma_wait3A_228 = arith.constant 0 : i32
      %dma_wait3A_229 = tpu.memref_slice %arg8[%dma_wait3A_227, %dma_wait3A_228] : memref<10240x128xf32, #tpu.memory_space<vmem_shared>> -> memref<10240x128xf32, #tpu.memory_space<vmem_shared>>
      tpu.wait_indirect_dma semaphore(%arg9 : memref<!tpu.dma_semaphore, #tpu.memory_space<semaphore_mem>>) src(%arg7 : memref<64x128xf32, #tpu.memory_space<vmem>>) dst(%dma_wait3A_229 : memref<10240x128xf32, #tpu.memory_space<vmem_shared>>)
      %dma_wait3A_230 = arith.constant 15 : i32
      %dma_wait3A_231 = arith.constant 0 : i32
      %dma_wait3A_232 = tpu.memref_slice %arg6[%dma_wait3A_230, %dma_wait3A_231] : memref<16x64xi32, #tpu.memory_space<vmem>> -> memref<1x64xi32, #tpu.memory_space<vmem>>
      %dma_wait3A_233 = tpu.memref_squeeze %dma_wait3A_232 : memref<1x64xi32, #tpu.memory_space<vmem>> -> memref<64xi32, #tpu.memory_space<vmem>>
      %dma_wait3A_234 = arith.constant 0 : i32
      %dma_wait3A_235 = arith.constant 0 : i32
      %dma_wait3A_236 = tpu.memref_slice %arg8[%dma_wait3A_234, %dma_wait3A_235] : memref<10240x128xf32, #tpu.memory_space<vmem_shared>> -> memref<10240x128xf32, #tpu.memory_space<vmem_shared>>
      tpu.wait_indirect_dma semaphore(%arg9 : memref<!tpu.dma_semaphore, #tpu.memory_space<semaphore_mem>>) src(%arg7 : memref<64x128xf32, #tpu.memory_space<vmem>>) dst(%dma_wait3A_236 : memref<10240x128xf32, #tpu.memory_space<vmem_shared>>)
    }
    %scan3A_9 = arith.constant 20 : i32
    %barrier3A_10 = arith.constant 0 : index
    tpu.barrier barrier_id(%barrier3A_10)
    "tpu.region"() ({
      %run_scoped3A = tpu.sem_alloc : memref<!tpu.dma_semaphore, #tpu.memory_space<semaphore_mem>>
      %dma_start3A = arith.constant 0 : i32
      %dma_start3A_11 = tpu.memref_slice %arg5[%arg0, %mul3A_0, %dma_start3A] : memref<2x10240x128xf32, #tpu.memory_space<hbm>> -> memref<1x640x128xf32, #tpu.memory_space<hbm>>
      %dma_start3A_12 = tpu.memref_squeeze %dma_start3A_11 : memref<1x640x128xf32, #tpu.memory_space<hbm>> -> memref<640x128xf32, #tpu.memory_space<hbm>>
      %dma_start3A_13 = arith.constant 0 : i32
      %dma_start3A_14 = tpu.memref_slice %arg8[%mul3A_0, %dma_start3A_13] : memref<10240x128xf32, #tpu.memory_space<vmem_shared>> -> memref<640x128xf32, #tpu.memory_space<vmem_shared>>
      tpu.enqueue_dma source(%dma_start3A_14 : memref<640x128xf32, #tpu.memory_space<vmem_shared>>) target(%dma_start3A_12 : memref<640x128xf32, #tpu.memory_space<hbm>>) target_semaphore(%run_scoped3A : memref<!tpu.dma_semaphore, #tpu.memory_space<semaphore_mem>>)
      %dma_wait3A = arith.constant 0 : i32
      %dma_wait3A_15 = tpu.memref_slice %arg5[%arg0, %mul3A_0, %dma_wait3A] : memref<2x10240x128xf32, #tpu.memory_space<hbm>> -> memref<1x640x128xf32, #tpu.memory_space<hbm>>
      %dma_wait3A_16 = tpu.memref_squeeze %dma_wait3A_15 : memref<1x640x128xf32, #tpu.memory_space<hbm>> -> memref<640x128xf32, #tpu.memory_space<hbm>>
      %dma_wait3A_17 = arith.constant 0 : i32
      %dma_wait3A_18 = tpu.memref_slice %arg8[%mul3A_0, %dma_wait3A_17] : memref<10240x128xf32, #tpu.memory_space<vmem_shared>> -> memref<640x128xf32, #tpu.memory_space<vmem_shared>>
      tpu.wait_dma2 semaphore(%run_scoped3A : memref<!tpu.dma_semaphore, #tpu.memory_space<semaphore_mem>>) src(%dma_wait3A_18 : memref<640x128xf32, #tpu.memory_space<vmem_shared>>) dst(%dma_wait3A_16 : memref<640x128xf32, #tpu.memory_space<hbm>>)
      tpu.yield
    }) : () -> ()
    return
  }
}

#map = affine_map<(d0, d1) -> (0, 0)>
#map1 = affine_map<(d0, d1) -> (0, 0, 0)>
module attributes {stable_mosaic.version = 14 : i64} {
  func.func @_agg_sc(%arg0: i32, %arg1: i32, %arg2: memref<10240x128xf32, #tpu.memory_space<hbm>>, %arg3: memref<2560x128xi32, #tpu.memory_space<hbm>>, %arg4: memref<2560x128xi32, #tpu.memory_space<hbm>>, %arg5: memref<10240x128xf32, #tpu.memory_space<hbm>>, %arg6: memref<2x10240x128xf32, #tpu.memory_space<hbm>>, %arg7: memref<16x128xi32, #tpu.memory_space<vmem>>, %arg8: memref<16x128xi32, #tpu.memory_space<vmem>>, %arg9: memref<2x128x128xf32, #tpu.memory_space<vmem>>, %arg10: memref<10240x128xf32, #tpu.memory_space<vmem_shared>>, %arg11: memref<!tpu.dma_semaphore, #tpu.memory_space<semaphore_mem>>, %arg12: memref<!tpu.dma_semaphore, #tpu.memory_space<semaphore_mem>>) attributes {dimension_semantics = [#tpu.dimension_semantics<core_parallel>, #tpu.dimension_semantics<subcore_parallel>], iteration_bounds = array<i64: 2, 16>, scalar_prefetch = 0 : i64, scratch_operands = 6 : i64, tpu.core_type = #tpu.core_type<sc_vector_subcore>, window_params = [{transform_indices = #map}, {transform_indices = #map}, {transform_indices = #map}, {transform_indices = #map}, {transform_indices = #map1}]} {
    %mul3A = arith.constant 640 : i32
    %mul3A_0 = arith.muli %arg1, %mul3A : i32
    %mul3A_1 = arith.constant 16 : i32
    %mul3A_2 = arith.muli %arg0, %mul3A_1 : i32
    %add3A = arith.addi %mul3A_2, %arg1 : i32
    %mul3A_3 = arith.constant 80 : i32
    %mul3A_4 = arith.muli %add3A, %mul3A_3 : i32
    "tpu.region"() ({
      %run_scoped3A = tpu.sem_alloc : memref<!tpu.dma_semaphore, #tpu.memory_space<semaphore_mem>>
      %dma_start3A = arith.constant 0 : i32
      %dma_start3A_11 = tpu.memref_slice %arg10[%mul3A_0, %dma_start3A] : memref<10240x128xf32, #tpu.memory_space<vmem_shared>> -> memref<640x128xf32, #tpu.memory_space<vmem_shared>>
      %dma_start3A_12 = arith.constant 0 : i32
      %dma_start3A_13 = tpu.memref_slice %arg5[%mul3A_0, %dma_start3A_12] : memref<10240x128xf32, #tpu.memory_space<hbm>> -> memref<640x128xf32, #tpu.memory_space<hbm>>
      tpu.enqueue_dma source(%dma_start3A_13 : memref<640x128xf32, #tpu.memory_space<hbm>>) target(%dma_start3A_11 : memref<640x128xf32, #tpu.memory_space<vmem_shared>>) target_semaphore(%run_scoped3A : memref<!tpu.dma_semaphore, #tpu.memory_space<semaphore_mem>>)
      %dma_wait3A = arith.constant 0 : i32
      %dma_wait3A_14 = tpu.memref_slice %arg10[%mul3A_0, %dma_wait3A] : memref<10240x128xf32, #tpu.memory_space<vmem_shared>> -> memref<640x128xf32, #tpu.memory_space<vmem_shared>>
      %dma_wait3A_15 = arith.constant 0 : i32
      %dma_wait3A_16 = tpu.memref_slice %arg5[%mul3A_0, %dma_wait3A_15] : memref<10240x128xf32, #tpu.memory_space<hbm>> -> memref<640x128xf32, #tpu.memory_space<hbm>>
      tpu.wait_dma2 semaphore(%run_scoped3A : memref<!tpu.dma_semaphore, #tpu.memory_space<semaphore_mem>>) src(%dma_wait3A_16 : memref<640x128xf32, #tpu.memory_space<hbm>>) dst(%dma_wait3A_14 : memref<640x128xf32, #tpu.memory_space<vmem_shared>>)
      tpu.yield
    }) : () -> ()
    %barrier3A = arith.constant 0 : index
    tpu.barrier barrier_id(%barrier3A)
    %scan3A = arith.constant 0 : i32
    %scan3A_5 = arith.constant 0 : i32
    %scan3A_6 = arith.constant 5 : i32
    %scan3A_7 = arith.addi %scan3A_5, %scan3A_6 : i32
    %scan3A_8 = arith.constant 1 : i32
    scf.for %scan3A_11 = %scan3A_5 to %scan3A_7 step %scan3A_8  : i32 {
      %mul3A_12 = arith.constant 16 : i32
      %mul3A_13 = arith.muli %scan3A_11, %mul3A_12 : i32
      %add3A_14 = arith.addi %mul3A_4, %mul3A_13 : i32
      "tpu.region"() ({
        %run_scoped3A_428 = tpu.sem_alloc : memref<!tpu.dma_semaphore, #tpu.memory_space<semaphore_mem>>
        %dma_start3A_429 = arith.constant 0 : i32
        %dma_start3A_430 = tpu.memref_slice %arg3[%add3A_14, %dma_start3A_429] : memref<2560x128xi32, #tpu.memory_space<hbm>> -> memref<16x128xi32, #tpu.memory_space<hbm>>
        %dma_start3A_431 = arith.constant 0 : i32
        %dma_start3A_432 = tpu.memref_slice %arg3[%add3A_14, %dma_start3A_431] : memref<2560x128xi32, #tpu.memory_space<hbm>> -> memref<16x128xi32, #tpu.memory_space<hbm>>
        tpu.enqueue_dma source(%dma_start3A_432 : memref<16x128xi32, #tpu.memory_space<hbm>>) target(%arg7 : memref<16x128xi32, #tpu.memory_space<vmem>>) target_semaphore(%run_scoped3A_428 : memref<!tpu.dma_semaphore, #tpu.memory_space<semaphore_mem>>)
        %dma_wait3A_433 = arith.constant 0 : i32
        %dma_wait3A_434 = tpu.memref_slice %arg3[%add3A_14, %dma_wait3A_433] : memref<2560x128xi32, #tpu.memory_space<hbm>> -> memref<16x128xi32, #tpu.memory_space<hbm>>
        %dma_wait3A_435 = arith.constant 0 : i32
        %dma_wait3A_436 = tpu.memref_slice %arg3[%add3A_14, %dma_wait3A_435] : memref<2560x128xi32, #tpu.memory_space<hbm>> -> memref<16x128xi32, #tpu.memory_space<hbm>>
        tpu.wait_dma2 semaphore(%run_scoped3A_428 : memref<!tpu.dma_semaphore, #tpu.memory_space<semaphore_mem>>) src(%dma_wait3A_436 : memref<16x128xi32, #tpu.memory_space<hbm>>) dst(%arg7 : memref<16x128xi32, #tpu.memory_space<vmem>>)
        tpu.yield
      }) : () -> ()
      "tpu.region"() ({
        %run_scoped3A_428 = tpu.sem_alloc : memref<!tpu.dma_semaphore, #tpu.memory_space<semaphore_mem>>
        %dma_start3A_429 = arith.constant 0 : i32
        %dma_start3A_430 = tpu.memref_slice %arg4[%add3A_14, %dma_start3A_429] : memref<2560x128xi32, #tpu.memory_space<hbm>> -> memref<16x128xi32, #tpu.memory_space<hbm>>
        %dma_start3A_431 = arith.constant 0 : i32
        %dma_start3A_432 = tpu.memref_slice %arg4[%add3A_14, %dma_start3A_431] : memref<2560x128xi32, #tpu.memory_space<hbm>> -> memref<16x128xi32, #tpu.memory_space<hbm>>
        tpu.enqueue_dma source(%dma_start3A_432 : memref<16x128xi32, #tpu.memory_space<hbm>>) target(%arg8 : memref<16x128xi32, #tpu.memory_space<vmem>>) target_semaphore(%run_scoped3A_428 : memref<!tpu.dma_semaphore, #tpu.memory_space<semaphore_mem>>)
        %dma_wait3A_433 = arith.constant 0 : i32
        %dma_wait3A_434 = tpu.memref_slice %arg4[%add3A_14, %dma_wait3A_433] : memref<2560x128xi32, #tpu.memory_space<hbm>> -> memref<16x128xi32, #tpu.memory_space<hbm>>
        %dma_wait3A_435 = arith.constant 0 : i32
        %dma_wait3A_436 = tpu.memref_slice %arg4[%add3A_14, %dma_wait3A_435] : memref<2560x128xi32, #tpu.memory_space<hbm>> -> memref<16x128xi32, #tpu.memory_space<hbm>>
        tpu.wait_dma2 semaphore(%run_scoped3A_428 : memref<!tpu.dma_semaphore, #tpu.memory_space<semaphore_mem>>) src(%dma_wait3A_436 : memref<16x128xi32, #tpu.memory_space<hbm>>) dst(%arg8 : memref<16x128xi32, #tpu.memory_space<vmem>>)
        tpu.yield
      }) : () -> ()
      %dma_start3A = arith.constant 0 : i32
      %dma_start3A_15 = arith.constant 0 : i32
      %dma_start3A_16 = arith.constant 0 : i32
      %dma_start3A_17 = arith.constant 0 : i32
      %dma_start3A_18 = tpu.memref_slice %arg9[%dma_start3A_15, %dma_start3A_16, %dma_start3A_17] : memref<2x128x128xf32, #tpu.memory_space<vmem>> -> memref<1x128x128xf32, #tpu.memory_space<vmem>>
      %dma_start3A_19 = tpu.memref_squeeze %dma_start3A_18 : memref<1x128x128xf32, #tpu.memory_space<vmem>> -> memref<128x128xf32, #tpu.memory_space<vmem>>
      %dma_start3A_20 = arith.constant 0 : i32
      %dma_start3A_21 = tpu.memref_slice %arg7[%dma_start3A, %dma_start3A_20] : memref<16x128xi32, #tpu.memory_space<vmem>> -> memref<1x128xi32, #tpu.memory_space<vmem>>
      %dma_start3A_22 = tpu.memref_squeeze %dma_start3A_21 : memref<1x128xi32, #tpu.memory_space<vmem>> -> memref<128xi32, #tpu.memory_space<vmem>>
      %dma_start3A_23 = arith.constant 0 : i32
      %dma_start3A_24 = arith.constant 0 : i32
      %dma_start3A_25 = tpu.memref_slice %arg2[%dma_start3A_23, %dma_start3A_24] : memref<10240x128xf32, #tpu.memory_space<hbm>> -> memref<10240x128xf32, #tpu.memory_space<hbm>>
      tpu.enqueue_indirect_dma source(%dma_start3A_25 : memref<10240x128xf32, #tpu.memory_space<hbm>>) target(%dma_start3A_19 : memref<128x128xf32, #tpu.memory_space<vmem>>) offsets(%dma_start3A_22 : memref<128xi32, #tpu.memory_space<vmem>>) semaphore(%arg11 : memref<!tpu.dma_semaphore, #tpu.memory_space<semaphore_mem>>)
      %dma_start3A_26 = arith.constant 1 : i32
      %dma_start3A_27 = arith.constant 1 : i32
      %dma_start3A_28 = arith.constant 0 : i32
      %dma_start3A_29 = arith.constant 0 : i32
      %dma_start3A_30 = tpu.memref_slice %arg9[%dma_start3A_27, %dma_start3A_28, %dma_start3A_29] : memref<2x128x128xf32, #tpu.memory_space<vmem>> -> memref<1x128x128xf32, #tpu.memory_space<vmem>>
      %dma_start3A_31 = tpu.memref_squeeze %dma_start3A_30 : memref<1x128x128xf32, #tpu.memory_space<vmem>> -> memref<128x128xf32, #tpu.memory_space<vmem>>
      %dma_start3A_32 = arith.constant 0 : i32
      %dma_start3A_33 = tpu.memref_slice %arg7[%dma_start3A_26, %dma_start3A_32] : memref<16x128xi32, #tpu.memory_space<vmem>> -> memref<1x128xi32, #tpu.memory_space<vmem>>
      %dma_start3A_34 = tpu.memref_squeeze %dma_start3A_33 : memref<1x128xi32, #tpu.memory_space<vmem>> -> memref<128xi32, #tpu.memory_space<vmem>>
      %dma_start3A_35 = arith.constant 0 : i32
      %dma_start3A_36 = arith.constant 0 : i32
      %dma_start3A_37 = tpu.memref_slice %arg2[%dma_start3A_35, %dma_start3A_36] : memref<10240x128xf32, #tpu.memory_space<hbm>> -> memref<10240x128xf32, #tpu.memory_space<hbm>>
      tpu.enqueue_indirect_dma source(%dma_start3A_37 : memref<10240x128xf32, #tpu.memory_space<hbm>>) target(%dma_start3A_31 : memref<128x128xf32, #tpu.memory_space<vmem>>) offsets(%dma_start3A_34 : memref<128xi32, #tpu.memory_space<vmem>>) semaphore(%arg12 : memref<!tpu.dma_semaphore, #tpu.memory_space<semaphore_mem>>)
      %dma_wait3A = arith.constant 0 : i32
      %dma_wait3A_38 = arith.constant 0 : i32
      %dma_wait3A_39 = arith.constant 0 : i32
      %dma_wait3A_40 = arith.constant 0 : i32
      %dma_wait3A_41 = tpu.memref_slice %arg9[%dma_wait3A_38, %dma_wait3A_39, %dma_wait3A_40] : memref<2x128x128xf32, #tpu.memory_space<vmem>> -> memref<1x128x128xf32, #tpu.memory_space<vmem>>
      %dma_wait3A_42 = tpu.memref_squeeze %dma_wait3A_41 : memref<1x128x128xf32, #tpu.memory_space<vmem>> -> memref<128x128xf32, #tpu.memory_space<vmem>>
      %dma_wait3A_43 = arith.constant 0 : i32
      %dma_wait3A_44 = tpu.memref_slice %arg7[%dma_wait3A, %dma_wait3A_43] : memref<16x128xi32, #tpu.memory_space<vmem>> -> memref<1x128xi32, #tpu.memory_space<vmem>>
      %dma_wait3A_45 = tpu.memref_squeeze %dma_wait3A_44 : memref<1x128xi32, #tpu.memory_space<vmem>> -> memref<128xi32, #tpu.memory_space<vmem>>
      %dma_wait3A_46 = arith.constant 0 : i32
      %dma_wait3A_47 = arith.constant 0 : i32
      %dma_wait3A_48 = tpu.memref_slice %arg2[%dma_wait3A_46, %dma_wait3A_47] : memref<10240x128xf32, #tpu.memory_space<hbm>> -> memref<10240x128xf32, #tpu.memory_space<hbm>>
      tpu.wait_indirect_dma semaphore(%arg11 : memref<!tpu.dma_semaphore, #tpu.memory_space<semaphore_mem>>) src(%dma_wait3A_48 : memref<10240x128xf32, #tpu.memory_space<hbm>>) dst(%dma_wait3A_42 : memref<128x128xf32, #tpu.memory_space<vmem>>)
      %run_scoped3A = arith.constant 0 : i32
      %run_scoped3A_49 = arith.constant 0 : i32
      "tpu.region"() ({
        %run_scoped3A_428 = tpu.sem_alloc : memref<!tpu.dma_semaphore, #tpu.memory_space<semaphore_mem>>
        %dma_start3A_429 = arith.constant 0 : i32
        %dma_start3A_430 = arith.constant 0 : i32
        %dma_start3A_431 = tpu.memref_slice %arg9[%run_scoped3A, %dma_start3A_429, %dma_start3A_430] : memref<2x128x128xf32, #tpu.memory_space<vmem>> -> memref<1x128x128xf32, #tpu.memory_space<vmem>>
        %dma_start3A_432 = tpu.memref_squeeze %dma_start3A_431 : memref<1x128x128xf32, #tpu.memory_space<vmem>> -> memref<128x128xf32, #tpu.memory_space<vmem>>
        %dma_start3A_433 = arith.constant 0 : i32
        %dma_start3A_434 = tpu.memref_slice %arg8[%run_scoped3A_49, %dma_start3A_433] : memref<16x128xi32, #tpu.memory_space<vmem>> -> memref<1x128xi32, #tpu.memory_space<vmem>>
        %dma_start3A_435 = tpu.memref_squeeze %dma_start3A_434 : memref<1x128xi32, #tpu.memory_space<vmem>> -> memref<128xi32, #tpu.memory_space<vmem>>
        %dma_start3A_436 = arith.constant 0 : i32
        %dma_start3A_437 = arith.constant 0 : i32
        %dma_start3A_438 = tpu.memref_slice %arg10[%dma_start3A_436, %dma_start3A_437] : memref<10240x128xf32, #tpu.memory_space<vmem_shared>> -> memref<10240x128xf32, #tpu.memory_space<vmem_shared>>
        tpu.enqueue_indirect_dma source(%dma_start3A_432 : memref<128x128xf32, #tpu.memory_space<vmem>>) target(%dma_start3A_438 : memref<10240x128xf32, #tpu.memory_space<vmem_shared>>) offsets(%dma_start3A_435 : memref<128xi32, #tpu.memory_space<vmem>>) semaphore(%run_scoped3A_428 : memref<!tpu.dma_semaphore, #tpu.memory_space<semaphore_mem>>) {add = true}
        %dma_wait3A_439 = arith.constant 0 : i32
        %dma_wait3A_440 = arith.constant 0 : i32
        %dma_wait3A_441 = tpu.memref_slice %arg9[%run_scoped3A, %dma_wait3A_439, %dma_wait3A_440] : memref<2x128x128xf32, #tpu.memory_space<vmem>> -> memref<1x128x128xf32, #tpu.memory_space<vmem>>
        %dma_wait3A_442 = tpu.memref_squeeze %dma_wait3A_441 : memref<1x128x128xf32, #tpu.memory_space<vmem>> -> memref<128x128xf32, #tpu.memory_space<vmem>>
        %dma_wait3A_443 = arith.constant 0 : i32
        %dma_wait3A_444 = tpu.memref_slice %arg8[%run_scoped3A_49, %dma_wait3A_443] : memref<16x128xi32, #tpu.memory_space<vmem>> -> memref<1x128xi32, #tpu.memory_space<vmem>>
        %dma_wait3A_445 = tpu.memref_squeeze %dma_wait3A_444 : memref<1x128xi32, #tpu.memory_space<vmem>> -> memref<128xi32, #tpu.memory_space<vmem>>
        %dma_wait3A_446 = arith.constant 0 : i32
        %dma_wait3A_447 = arith.constant 0 : i32
        %dma_wait3A_448 = tpu.memref_slice %arg10[%dma_wait3A_446, %dma_wait3A_447] : memref<10240x128xf32, #tpu.memory_space<vmem_shared>> -> memref<10240x128xf32, #tpu.memory_space<vmem_shared>>
        tpu.wait_indirect_dma semaphore(%run_scoped3A_428 : memref<!tpu.dma_semaphore, #tpu.memory_space<semaphore_mem>>) src(%dma_wait3A_442 : memref<128x128xf32, #tpu.memory_space<vmem>>) dst(%dma_wait3A_448 : memref<10240x128xf32, #tpu.memory_space<vmem_shared>>)
        tpu.yield
      }) : () -> ()
      %dma_start3A_50 = arith.constant 2 : i32
      %dma_start3A_51 = arith.constant 0 : i32
      %dma_start3A_52 = arith.constant 0 : i32
      %dma_start3A_53 = arith.constant 0 : i32
      %dma_start3A_54 = tpu.memref_slice %arg9[%dma_start3A_51, %dma_start3A_52, %dma_start3A_53] : memref<2x128x128xf32, #tpu.memory_space<vmem>> -> memref<1x128x128xf32, #tpu.memory_space<vmem>>
      %dma_start3A_55 = tpu.memref_squeeze %dma_start3A_54 : memref<1x128x128xf32, #tpu.memory_space<vmem>> -> memref<128x128xf32, #tpu.memory_space<vmem>>
      %dma_start3A_56 = arith.constant 0 : i32
      %dma_start3A_57 = tpu.memref_slice %arg7[%dma_start3A_50, %dma_start3A_56] : memref<16x128xi32, #tpu.memory_space<vmem>> -> memref<1x128xi32, #tpu.memory_space<vmem>>
      %dma_start3A_58 = tpu.memref_squeeze %dma_start3A_57 : memref<1x128xi32, #tpu.memory_space<vmem>> -> memref<128xi32, #tpu.memory_space<vmem>>
      %dma_start3A_59 = arith.constant 0 : i32
      %dma_start3A_60 = arith.constant 0 : i32
      %dma_start3A_61 = tpu.memref_slice %arg2[%dma_start3A_59, %dma_start3A_60] : memref<10240x128xf32, #tpu.memory_space<hbm>> -> memref<10240x128xf32, #tpu.memory_space<hbm>>
      tpu.enqueue_indirect_dma source(%dma_start3A_61 : memref<10240x128xf32, #tpu.memory_space<hbm>>) target(%dma_start3A_55 : memref<128x128xf32, #tpu.memory_space<vmem>>) offsets(%dma_start3A_58 : memref<128xi32, #tpu.memory_space<vmem>>) semaphore(%arg11 : memref<!tpu.dma_semaphore, #tpu.memory_space<semaphore_mem>>)
      %dma_wait3A_62 = arith.constant 1 : i32
      %dma_wait3A_63 = arith.constant 1 : i32
      %dma_wait3A_64 = arith.constant 0 : i32
      %dma_wait3A_65 = arith.constant 0 : i32
      %dma_wait3A_66 = tpu.memref_slice %arg9[%dma_wait3A_63, %dma_wait3A_64, %dma_wait3A_65] : memref<2x128x128xf32, #tpu.memory_space<vmem>> -> memref<1x128x128xf32, #tpu.memory_space<vmem>>
      %dma_wait3A_67 = tpu.memref_squeeze %dma_wait3A_66 : memref<1x128x128xf32, #tpu.memory_space<vmem>> -> memref<128x128xf32, #tpu.memory_space<vmem>>
      %dma_wait3A_68 = arith.constant 0 : i32
      %dma_wait3A_69 = tpu.memref_slice %arg7[%dma_wait3A_62, %dma_wait3A_68] : memref<16x128xi32, #tpu.memory_space<vmem>> -> memref<1x128xi32, #tpu.memory_space<vmem>>
      %dma_wait3A_70 = tpu.memref_squeeze %dma_wait3A_69 : memref<1x128xi32, #tpu.memory_space<vmem>> -> memref<128xi32, #tpu.memory_space<vmem>>
      %dma_wait3A_71 = arith.constant 0 : i32
      %dma_wait3A_72 = arith.constant 0 : i32
      %dma_wait3A_73 = tpu.memref_slice %arg2[%dma_wait3A_71, %dma_wait3A_72] : memref<10240x128xf32, #tpu.memory_space<hbm>> -> memref<10240x128xf32, #tpu.memory_space<hbm>>
      tpu.wait_indirect_dma semaphore(%arg12 : memref<!tpu.dma_semaphore, #tpu.memory_space<semaphore_mem>>) src(%dma_wait3A_73 : memref<10240x128xf32, #tpu.memory_space<hbm>>) dst(%dma_wait3A_67 : memref<128x128xf32, #tpu.memory_space<vmem>>)
      %run_scoped3A_74 = arith.constant 1 : i32
      %run_scoped3A_75 = arith.constant 1 : i32
      "tpu.region"() ({
        %run_scoped3A_428 = tpu.sem_alloc : memref<!tpu.dma_semaphore, #tpu.memory_space<semaphore_mem>>
        %dma_start3A_429 = arith.constant 0 : i32
        %dma_start3A_430 = arith.constant 0 : i32
        %dma_start3A_431 = tpu.memref_slice %arg9[%run_scoped3A_74, %dma_start3A_429, %dma_start3A_430] : memref<2x128x128xf32, #tpu.memory_space<vmem>> -> memref<1x128x128xf32, #tpu.memory_space<vmem>>
        %dma_start3A_432 = tpu.memref_squeeze %dma_start3A_431 : memref<1x128x128xf32, #tpu.memory_space<vmem>> -> memref<128x128xf32, #tpu.memory_space<vmem>>
        %dma_start3A_433 = arith.constant 0 : i32
        %dma_start3A_434 = tpu.memref_slice %arg8[%run_scoped3A_75, %dma_start3A_433] : memref<16x128xi32, #tpu.memory_space<vmem>> -> memref<1x128xi32, #tpu.memory_space<vmem>>
        %dma_start3A_435 = tpu.memref_squeeze %dma_start3A_434 : memref<1x128xi32, #tpu.memory_space<vmem>> -> memref<128xi32, #tpu.memory_space<vmem>>
        %dma_start3A_436 = arith.constant 0 : i32
        %dma_start3A_437 = arith.constant 0 : i32
        %dma_start3A_438 = tpu.memref_slice %arg10[%dma_start3A_436, %dma_start3A_437] : memref<10240x128xf32, #tpu.memory_space<vmem_shared>> -> memref<10240x128xf32, #tpu.memory_space<vmem_shared>>
        tpu.enqueue_indirect_dma source(%dma_start3A_432 : memref<128x128xf32, #tpu.memory_space<vmem>>) target(%dma_start3A_438 : memref<10240x128xf32, #tpu.memory_space<vmem_shared>>) offsets(%dma_start3A_435 : memref<128xi32, #tpu.memory_space<vmem>>) semaphore(%run_scoped3A_428 : memref<!tpu.dma_semaphore, #tpu.memory_space<semaphore_mem>>) {add = true}
        %dma_wait3A_439 = arith.constant 0 : i32
        %dma_wait3A_440 = arith.constant 0 : i32
        %dma_wait3A_441 = tpu.memref_slice %arg9[%run_scoped3A_74, %dma_wait3A_439, %dma_wait3A_440] : memref<2x128x128xf32, #tpu.memory_space<vmem>> -> memref<1x128x128xf32, #tpu.memory_space<vmem>>
        %dma_wait3A_442 = tpu.memref_squeeze %dma_wait3A_441 : memref<1x128x128xf32, #tpu.memory_space<vmem>> -> memref<128x128xf32, #tpu.memory_space<vmem>>
        %dma_wait3A_443 = arith.constant 0 : i32
        %dma_wait3A_444 = tpu.memref_slice %arg8[%run_scoped3A_75, %dma_wait3A_443] : memref<16x128xi32, #tpu.memory_space<vmem>> -> memref<1x128xi32, #tpu.memory_space<vmem>>
        %dma_wait3A_445 = tpu.memref_squeeze %dma_wait3A_444 : memref<1x128xi32, #tpu.memory_space<vmem>> -> memref<128xi32, #tpu.memory_space<vmem>>
        %dma_wait3A_446 = arith.constant 0 : i32
        %dma_wait3A_447 = arith.constant 0 : i32
        %dma_wait3A_448 = tpu.memref_slice %arg10[%dma_wait3A_446, %dma_wait3A_447] : memref<10240x128xf32, #tpu.memory_space<vmem_shared>> -> memref<10240x128xf32, #tpu.memory_space<vmem_shared>>
        tpu.wait_indirect_dma semaphore(%run_scoped3A_428 : memref<!tpu.dma_semaphore, #tpu.memory_space<semaphore_mem>>) src(%dma_wait3A_442 : memref<128x128xf32, #tpu.memory_space<vmem>>) dst(%dma_wait3A_448 : memref<10240x128xf32, #tpu.memory_space<vmem_shared>>)
        tpu.yield
      }) : () -> ()
      %dma_start3A_76 = arith.constant 3 : i32
      %dma_start3A_77 = arith.constant 1 : i32
      %dma_start3A_78 = arith.constant 0 : i32
      %dma_start3A_79 = arith.constant 0 : i32
      %dma_start3A_80 = tpu.memref_slice %arg9[%dma_start3A_77, %dma_start3A_78, %dma_start3A_79] : memref<2x128x128xf32, #tpu.memory_space<vmem>> -> memref<1x128x128xf32, #tpu.memory_space<vmem>>
      %dma_start3A_81 = tpu.memref_squeeze %dma_start3A_80 : memref<1x128x128xf32, #tpu.memory_space<vmem>> -> memref<128x128xf32, #tpu.memory_space<vmem>>
      %dma_start3A_82 = arith.constant 0 : i32
      %dma_start3A_83 = tpu.memref_slice %arg7[%dma_start3A_76, %dma_start3A_82] : memref<16x128xi32, #tpu.memory_space<vmem>> -> memref<1x128xi32, #tpu.memory_space<vmem>>
      %dma_start3A_84 = tpu.memref_squeeze %dma_start3A_83 : memref<1x128xi32, #tpu.memory_space<vmem>> -> memref<128xi32, #tpu.memory_space<vmem>>
      %dma_start3A_85 = arith.constant 0 : i32
      %dma_start3A_86 = arith.constant 0 : i32
      %dma_start3A_87 = tpu.memref_slice %arg2[%dma_start3A_85, %dma_start3A_86] : memref<10240x128xf32, #tpu.memory_space<hbm>> -> memref<10240x128xf32, #tpu.memory_space<hbm>>
      tpu.enqueue_indirect_dma source(%dma_start3A_87 : memref<10240x128xf32, #tpu.memory_space<hbm>>) target(%dma_start3A_81 : memref<128x128xf32, #tpu.memory_space<vmem>>) offsets(%dma_start3A_84 : memref<128xi32, #tpu.memory_space<vmem>>) semaphore(%arg12 : memref<!tpu.dma_semaphore, #tpu.memory_space<semaphore_mem>>)
      %dma_wait3A_88 = arith.constant 2 : i32
      %dma_wait3A_89 = arith.constant 0 : i32
      %dma_wait3A_90 = arith.constant 0 : i32
      %dma_wait3A_91 = arith.constant 0 : i32
      %dma_wait3A_92 = tpu.memref_slice %arg9[%dma_wait3A_89, %dma_wait3A_90, %dma_wait3A_91] : memref<2x128x128xf32, #tpu.memory_space<vmem>> -> memref<1x128x128xf32, #tpu.memory_space<vmem>>
      %dma_wait3A_93 = tpu.memref_squeeze %dma_wait3A_92 : memref<1x128x128xf32, #tpu.memory_space<vmem>> -> memref<128x128xf32, #tpu.memory_space<vmem>>
      %dma_wait3A_94 = arith.constant 0 : i32
      %dma_wait3A_95 = tpu.memref_slice %arg7[%dma_wait3A_88, %dma_wait3A_94] : memref<16x128xi32, #tpu.memory_space<vmem>> -> memref<1x128xi32, #tpu.memory_space<vmem>>
      %dma_wait3A_96 = tpu.memref_squeeze %dma_wait3A_95 : memref<1x128xi32, #tpu.memory_space<vmem>> -> memref<128xi32, #tpu.memory_space<vmem>>
      %dma_wait3A_97 = arith.constant 0 : i32
      %dma_wait3A_98 = arith.constant 0 : i32
      %dma_wait3A_99 = tpu.memref_slice %arg2[%dma_wait3A_97, %dma_wait3A_98] : memref<10240x128xf32, #tpu.memory_space<hbm>> -> memref<10240x128xf32, #tpu.memory_space<hbm>>
      tpu.wait_indirect_dma semaphore(%arg11 : memref<!tpu.dma_semaphore, #tpu.memory_space<semaphore_mem>>) src(%dma_wait3A_99 : memref<10240x128xf32, #tpu.memory_space<hbm>>) dst(%dma_wait3A_93 : memref<128x128xf32, #tpu.memory_space<vmem>>)
      %run_scoped3A_100 = arith.constant 0 : i32
      %run_scoped3A_101 = arith.constant 2 : i32
      "tpu.region"() ({
        %run_scoped3A_428 = tpu.sem_alloc : memref<!tpu.dma_semaphore, #tpu.memory_space<semaphore_mem>>
        %dma_start3A_429 = arith.constant 0 : i32
        %dma_start3A_430 = arith.constant 0 : i32
        %dma_start3A_431 = tpu.memref_slice %arg9[%run_scoped3A_100, %dma_start3A_429, %dma_start3A_430] : memref<2x128x128xf32, #tpu.memory_space<vmem>> -> memref<1x128x128xf32, #tpu.memory_space<vmem>>
        %dma_start3A_432 = tpu.memref_squeeze %dma_start3A_431 : memref<1x128x128xf32, #tpu.memory_space<vmem>> -> memref<128x128xf32, #tpu.memory_space<vmem>>
        %dma_start3A_433 = arith.constant 0 : i32
        %dma_start3A_434 = tpu.memref_slice %arg8[%run_scoped3A_101, %dma_start3A_433] : memref<16x128xi32, #tpu.memory_space<vmem>> -> memref<1x128xi32, #tpu.memory_space<vmem>>
        %dma_start3A_435 = tpu.memref_squeeze %dma_start3A_434 : memref<1x128xi32, #tpu.memory_space<vmem>> -> memref<128xi32, #tpu.memory_space<vmem>>
        %dma_start3A_436 = arith.constant 0 : i32
        %dma_start3A_437 = arith.constant 0 : i32
        %dma_start3A_438 = tpu.memref_slice %arg10[%dma_start3A_436, %dma_start3A_437] : memref<10240x128xf32, #tpu.memory_space<vmem_shared>> -> memref<10240x128xf32, #tpu.memory_space<vmem_shared>>
        tpu.enqueue_indirect_dma source(%dma_start3A_432 : memref<128x128xf32, #tpu.memory_space<vmem>>) target(%dma_start3A_438 : memref<10240x128xf32, #tpu.memory_space<vmem_shared>>) offsets(%dma_start3A_435 : memref<128xi32, #tpu.memory_space<vmem>>) semaphore(%run_scoped3A_428 : memref<!tpu.dma_semaphore, #tpu.memory_space<semaphore_mem>>) {add = true}
        %dma_wait3A_439 = arith.constant 0 : i32
        %dma_wait3A_440 = arith.constant 0 : i32
        %dma_wait3A_441 = tpu.memref_slice %arg9[%run_scoped3A_100, %dma_wait3A_439, %dma_wait3A_440] : memref<2x128x128xf32, #tpu.memory_space<vmem>> -> memref<1x128x128xf32, #tpu.memory_space<vmem>>
        %dma_wait3A_442 = tpu.memref_squeeze %dma_wait3A_441 : memref<1x128x128xf32, #tpu.memory_space<vmem>> -> memref<128x128xf32, #tpu.memory_space<vmem>>
        %dma_wait3A_443 = arith.constant 0 : i32
        %dma_wait3A_444 = tpu.memref_slice %arg8[%run_scoped3A_101, %dma_wait3A_443] : memref<16x128xi32, #tpu.memory_space<vmem>> -> memref<1x128xi32, #tpu.memory_space<vmem>>
        %dma_wait3A_445 = tpu.memref_squeeze %dma_wait3A_444 : memref<1x128xi32, #tpu.memory_space<vmem>> -> memref<128xi32, #tpu.memory_space<vmem>>
        %dma_wait3A_446 = arith.constant 0 : i32
        %dma_wait3A_447 = arith.constant 0 : i32
        %dma_wait3A_448 = tpu.memref_slice %arg10[%dma_wait3A_446, %dma_wait3A_447] : memref<10240x128xf32, #tpu.memory_space<vmem_shared>> -> memref<10240x128xf32, #tpu.memory_space<vmem_shared>>
        tpu.wait_indirect_dma semaphore(%run_scoped3A_428 : memref<!tpu.dma_semaphore, #tpu.memory_space<semaphore_mem>>) src(%dma_wait3A_442 : memref<128x128xf32, #tpu.memory_space<vmem>>) dst(%dma_wait3A_448 : memref<10240x128xf32, #tpu.memory_space<vmem_shared>>)
        tpu.yield
      }) : () -> ()
      %dma_start3A_102 = arith.constant 4 : i32
      %dma_start3A_103 = arith.constant 0 : i32
      %dma_start3A_104 = arith.constant 0 : i32
      %dma_start3A_105 = arith.constant 0 : i32
      %dma_start3A_106 = tpu.memref_slice %arg9[%dma_start3A_103, %dma_start3A_104, %dma_start3A_105] : memref<2x128x128xf32, #tpu.memory_space<vmem>> -> memref<1x128x128xf32, #tpu.memory_space<vmem>>
      %dma_start3A_107 = tpu.memref_squeeze %dma_start3A_106 : memref<1x128x128xf32, #tpu.memory_space<vmem>> -> memref<128x128xf32, #tpu.memory_space<vmem>>
      %dma_start3A_108 = arith.constant 0 : i32
      %dma_start3A_109 = tpu.memref_slice %arg7[%dma_start3A_102, %dma_start3A_108] : memref<16x128xi32, #tpu.memory_space<vmem>> -> memref<1x128xi32, #tpu.memory_space<vmem>>
      %dma_start3A_110 = tpu.memref_squeeze %dma_start3A_109 : memref<1x128xi32, #tpu.memory_space<vmem>> -> memref<128xi32, #tpu.memory_space<vmem>>
      %dma_start3A_111 = arith.constant 0 : i32
      %dma_start3A_112 = arith.constant 0 : i32
      %dma_start3A_113 = tpu.memref_slice %arg2[%dma_start3A_111, %dma_start3A_112] : memref<10240x128xf32, #tpu.memory_space<hbm>> -> memref<10240x128xf32, #tpu.memory_space<hbm>>
      tpu.enqueue_indirect_dma source(%dma_start3A_113 : memref<10240x128xf32, #tpu.memory_space<hbm>>) target(%dma_start3A_107 : memref<128x128xf32, #tpu.memory_space<vmem>>) offsets(%dma_start3A_110 : memref<128xi32, #tpu.memory_space<vmem>>) semaphore(%arg11 : memref<!tpu.dma_semaphore, #tpu.memory_space<semaphore_mem>>)
      %dma_wait3A_114 = arith.constant 3 : i32
      %dma_wait3A_115 = arith.constant 1 : i32
      %dma_wait3A_116 = arith.constant 0 : i32
      %dma_wait3A_117 = arith.constant 0 : i32
      %dma_wait3A_118 = tpu.memref_slice %arg9[%dma_wait3A_115, %dma_wait3A_116, %dma_wait3A_117] : memref<2x128x128xf32, #tpu.memory_space<vmem>> -> memref<1x128x128xf32, #tpu.memory_space<vmem>>
      %dma_wait3A_119 = tpu.memref_squeeze %dma_wait3A_118 : memref<1x128x128xf32, #tpu.memory_space<vmem>> -> memref<128x128xf32, #tpu.memory_space<vmem>>
      %dma_wait3A_120 = arith.constant 0 : i32
      %dma_wait3A_121 = tpu.memref_slice %arg7[%dma_wait3A_114, %dma_wait3A_120] : memref<16x128xi32, #tpu.memory_space<vmem>> -> memref<1x128xi32, #tpu.memory_space<vmem>>
      %dma_wait3A_122 = tpu.memref_squeeze %dma_wait3A_121 : memref<1x128xi32, #tpu.memory_space<vmem>> -> memref<128xi32, #tpu.memory_space<vmem>>
      %dma_wait3A_123 = arith.constant 0 : i32
      %dma_wait3A_124 = arith.constant 0 : i32
      %dma_wait3A_125 = tpu.memref_slice %arg2[%dma_wait3A_123, %dma_wait3A_124] : memref<10240x128xf32, #tpu.memory_space<hbm>> -> memref<10240x128xf32, #tpu.memory_space<hbm>>
      tpu.wait_indirect_dma semaphore(%arg12 : memref<!tpu.dma_semaphore, #tpu.memory_space<semaphore_mem>>) src(%dma_wait3A_125 : memref<10240x128xf32, #tpu.memory_space<hbm>>) dst(%dma_wait3A_119 : memref<128x128xf32, #tpu.memory_space<vmem>>)
      %run_scoped3A_126 = arith.constant 1 : i32
      %run_scoped3A_127 = arith.constant 3 : i32
      "tpu.region"() ({
        %run_scoped3A_428 = tpu.sem_alloc : memref<!tpu.dma_semaphore, #tpu.memory_space<semaphore_mem>>
        %dma_start3A_429 = arith.constant 0 : i32
        %dma_start3A_430 = arith.constant 0 : i32
        %dma_start3A_431 = tpu.memref_slice %arg9[%run_scoped3A_126, %dma_start3A_429, %dma_start3A_430] : memref<2x128x128xf32, #tpu.memory_space<vmem>> -> memref<1x128x128xf32, #tpu.memory_space<vmem>>
        %dma_start3A_432 = tpu.memref_squeeze %dma_start3A_431 : memref<1x128x128xf32, #tpu.memory_space<vmem>> -> memref<128x128xf32, #tpu.memory_space<vmem>>
        %dma_start3A_433 = arith.constant 0 : i32
        %dma_start3A_434 = tpu.memref_slice %arg8[%run_scoped3A_127, %dma_start3A_433] : memref<16x128xi32, #tpu.memory_space<vmem>> -> memref<1x128xi32, #tpu.memory_space<vmem>>
        %dma_start3A_435 = tpu.memref_squeeze %dma_start3A_434 : memref<1x128xi32, #tpu.memory_space<vmem>> -> memref<128xi32, #tpu.memory_space<vmem>>
        %dma_start3A_436 = arith.constant 0 : i32
        %dma_start3A_437 = arith.constant 0 : i32
        %dma_start3A_438 = tpu.memref_slice %arg10[%dma_start3A_436, %dma_start3A_437] : memref<10240x128xf32, #tpu.memory_space<vmem_shared>> -> memref<10240x128xf32, #tpu.memory_space<vmem_shared>>
        tpu.enqueue_indirect_dma source(%dma_start3A_432 : memref<128x128xf32, #tpu.memory_space<vmem>>) target(%dma_start3A_438 : memref<10240x128xf32, #tpu.memory_space<vmem_shared>>) offsets(%dma_start3A_435 : memref<128xi32, #tpu.memory_space<vmem>>) semaphore(%run_scoped3A_428 : memref<!tpu.dma_semaphore, #tpu.memory_space<semaphore_mem>>) {add = true}
        %dma_wait3A_439 = arith.constant 0 : i32
        %dma_wait3A_440 = arith.constant 0 : i32
        %dma_wait3A_441 = tpu.memref_slice %arg9[%run_scoped3A_126, %dma_wait3A_439, %dma_wait3A_440] : memref<2x128x128xf32, #tpu.memory_space<vmem>> -> memref<1x128x128xf32, #tpu.memory_space<vmem>>
        %dma_wait3A_442 = tpu.memref_squeeze %dma_wait3A_441 : memref<1x128x128xf32, #tpu.memory_space<vmem>> -> memref<128x128xf32, #tpu.memory_space<vmem>>
        %dma_wait3A_443 = arith.constant 0 : i32
        %dma_wait3A_444 = tpu.memref_slice %arg8[%run_scoped3A_127, %dma_wait3A_443] : memref<16x128xi32, #tpu.memory_space<vmem>> -> memref<1x128xi32, #tpu.memory_space<vmem>>
        %dma_wait3A_445 = tpu.memref_squeeze %dma_wait3A_444 : memref<1x128xi32, #tpu.memory_space<vmem>> -> memref<128xi32, #tpu.memory_space<vmem>>
        %dma_wait3A_446 = arith.constant 0 : i32
        %dma_wait3A_447 = arith.constant 0 : i32
        %dma_wait3A_448 = tpu.memref_slice %arg10[%dma_wait3A_446, %dma_wait3A_447] : memref<10240x128xf32, #tpu.memory_space<vmem_shared>> -> memref<10240x128xf32, #tpu.memory_space<vmem_shared>>
        tpu.wait_indirect_dma semaphore(%run_scoped3A_428 : memref<!tpu.dma_semaphore, #tpu.memory_space<semaphore_mem>>) src(%dma_wait3A_442 : memref<128x128xf32, #tpu.memory_space<vmem>>) dst(%dma_wait3A_448 : memref<10240x128xf32, #tpu.memory_space<vmem_shared>>)
        tpu.yield
      }) : () -> ()
      %dma_start3A_128 = arith.constant 5 : i32
      %dma_start3A_129 = arith.constant 1 : i32
      %dma_start3A_130 = arith.constant 0 : i32
      %dma_start3A_131 = arith.constant 0 : i32
      %dma_start3A_132 = tpu.memref_slice %arg9[%dma_start3A_129, %dma_start3A_130, %dma_start3A_131] : memref<2x128x128xf32, #tpu.memory_space<vmem>> -> memref<1x128x128xf32, #tpu.memory_space<vmem>>
      %dma_start3A_133 = tpu.memref_squeeze %dma_start3A_132 : memref<1x128x128xf32, #tpu.memory_space<vmem>> -> memref<128x128xf32, #tpu.memory_space<vmem>>
      %dma_start3A_134 = arith.constant 0 : i32
      %dma_start3A_135 = tpu.memref_slice %arg7[%dma_start3A_128, %dma_start3A_134] : memref<16x128xi32, #tpu.memory_space<vmem>> -> memref<1x128xi32, #tpu.memory_space<vmem>>
      %dma_start3A_136 = tpu.memref_squeeze %dma_start3A_135 : memref<1x128xi32, #tpu.memory_space<vmem>> -> memref<128xi32, #tpu.memory_space<vmem>>
      %dma_start3A_137 = arith.constant 0 : i32
      %dma_start3A_138 = arith.constant 0 : i32
      %dma_start3A_139 = tpu.memref_slice %arg2[%dma_start3A_137, %dma_start3A_138] : memref<10240x128xf32, #tpu.memory_space<hbm>> -> memref<10240x128xf32, #tpu.memory_space<hbm>>
      tpu.enqueue_indirect_dma source(%dma_start3A_139 : memref<10240x128xf32, #tpu.memory_space<hbm>>) target(%dma_start3A_133 : memref<128x128xf32, #tpu.memory_space<vmem>>) offsets(%dma_start3A_136 : memref<128xi32, #tpu.memory_space<vmem>>) semaphore(%arg12 : memref<!tpu.dma_semaphore, #tpu.memory_space<semaphore_mem>>)
      %dma_wait3A_140 = arith.constant 4 : i32
      %dma_wait3A_141 = arith.constant 0 : i32
      %dma_wait3A_142 = arith.constant 0 : i32
      %dma_wait3A_143 = arith.constant 0 : i32
      %dma_wait3A_144 = tpu.memref_slice %arg9[%dma_wait3A_141, %dma_wait3A_142, %dma_wait3A_143] : memref<2x128x128xf32, #tpu.memory_space<vmem>> -> memref<1x128x128xf32, #tpu.memory_space<vmem>>
      %dma_wait3A_145 = tpu.memref_squeeze %dma_wait3A_144 : memref<1x128x128xf32, #tpu.memory_space<vmem>> -> memref<128x128xf32, #tpu.memory_space<vmem>>
      %dma_wait3A_146 = arith.constant 0 : i32
      %dma_wait3A_147 = tpu.memref_slice %arg7[%dma_wait3A_140, %dma_wait3A_146] : memref<16x128xi32, #tpu.memory_space<vmem>> -> memref<1x128xi32, #tpu.memory_space<vmem>>
      %dma_wait3A_148 = tpu.memref_squeeze %dma_wait3A_147 : memref<1x128xi32, #tpu.memory_space<vmem>> -> memref<128xi32, #tpu.memory_space<vmem>>
      %dma_wait3A_149 = arith.constant 0 : i32
      %dma_wait3A_150 = arith.constant 0 : i32
      %dma_wait3A_151 = tpu.memref_slice %arg2[%dma_wait3A_149, %dma_wait3A_150] : memref<10240x128xf32, #tpu.memory_space<hbm>> -> memref<10240x128xf32, #tpu.memory_space<hbm>>
      tpu.wait_indirect_dma semaphore(%arg11 : memref<!tpu.dma_semaphore, #tpu.memory_space<semaphore_mem>>) src(%dma_wait3A_151 : memref<10240x128xf32, #tpu.memory_space<hbm>>) dst(%dma_wait3A_145 : memref<128x128xf32, #tpu.memory_space<vmem>>)
      %run_scoped3A_152 = arith.constant 0 : i32
      %run_scoped3A_153 = arith.constant 4 : i32
      "tpu.region"() ({
        %run_scoped3A_428 = tpu.sem_alloc : memref<!tpu.dma_semaphore, #tpu.memory_space<semaphore_mem>>
        %dma_start3A_429 = arith.constant 0 : i32
        %dma_start3A_430 = arith.constant 0 : i32
        %dma_start3A_431 = tpu.memref_slice %arg9[%run_scoped3A_152, %dma_start3A_429, %dma_start3A_430] : memref<2x128x128xf32, #tpu.memory_space<vmem>> -> memref<1x128x128xf32, #tpu.memory_space<vmem>>
        %dma_start3A_432 = tpu.memref_squeeze %dma_start3A_431 : memref<1x128x128xf32, #tpu.memory_space<vmem>> -> memref<128x128xf32, #tpu.memory_space<vmem>>
        %dma_start3A_433 = arith.constant 0 : i32
        %dma_start3A_434 = tpu.memref_slice %arg8[%run_scoped3A_153, %dma_start3A_433] : memref<16x128xi32, #tpu.memory_space<vmem>> -> memref<1x128xi32, #tpu.memory_space<vmem>>
        %dma_start3A_435 = tpu.memref_squeeze %dma_start3A_434 : memref<1x128xi32, #tpu.memory_space<vmem>> -> memref<128xi32, #tpu.memory_space<vmem>>
        %dma_start3A_436 = arith.constant 0 : i32
        %dma_start3A_437 = arith.constant 0 : i32
        %dma_start3A_438 = tpu.memref_slice %arg10[%dma_start3A_436, %dma_start3A_437] : memref<10240x128xf32, #tpu.memory_space<vmem_shared>> -> memref<10240x128xf32, #tpu.memory_space<vmem_shared>>
        tpu.enqueue_indirect_dma source(%dma_start3A_432 : memref<128x128xf32, #tpu.memory_space<vmem>>) target(%dma_start3A_438 : memref<10240x128xf32, #tpu.memory_space<vmem_shared>>) offsets(%dma_start3A_435 : memref<128xi32, #tpu.memory_space<vmem>>) semaphore(%run_scoped3A_428 : memref<!tpu.dma_semaphore, #tpu.memory_space<semaphore_mem>>) {add = true}
        %dma_wait3A_439 = arith.constant 0 : i32
        %dma_wait3A_440 = arith.constant 0 : i32
        %dma_wait3A_441 = tpu.memref_slice %arg9[%run_scoped3A_152, %dma_wait3A_439, %dma_wait3A_440] : memref<2x128x128xf32, #tpu.memory_space<vmem>> -> memref<1x128x128xf32, #tpu.memory_space<vmem>>
        %dma_wait3A_442 = tpu.memref_squeeze %dma_wait3A_441 : memref<1x128x128xf32, #tpu.memory_space<vmem>> -> memref<128x128xf32, #tpu.memory_space<vmem>>
        %dma_wait3A_443 = arith.constant 0 : i32
        %dma_wait3A_444 = tpu.memref_slice %arg8[%run_scoped3A_153, %dma_wait3A_443] : memref<16x128xi32, #tpu.memory_space<vmem>> -> memref<1x128xi32, #tpu.memory_space<vmem>>
        %dma_wait3A_445 = tpu.memref_squeeze %dma_wait3A_444 : memref<1x128xi32, #tpu.memory_space<vmem>> -> memref<128xi32, #tpu.memory_space<vmem>>
        %dma_wait3A_446 = arith.constant 0 : i32
        %dma_wait3A_447 = arith.constant 0 : i32
        %dma_wait3A_448 = tpu.memref_slice %arg10[%dma_wait3A_446, %dma_wait3A_447] : memref<10240x128xf32, #tpu.memory_space<vmem_shared>> -> memref<10240x128xf32, #tpu.memory_space<vmem_shared>>
        tpu.wait_indirect_dma semaphore(%run_scoped3A_428 : memref<!tpu.dma_semaphore, #tpu.memory_space<semaphore_mem>>) src(%dma_wait3A_442 : memref<128x128xf32, #tpu.memory_space<vmem>>) dst(%dma_wait3A_448 : memref<10240x128xf32, #tpu.memory_space<vmem_shared>>)
        tpu.yield
      }) : () -> ()
      %dma_start3A_154 = arith.constant 6 : i32
      %dma_start3A_155 = arith.constant 0 : i32
      %dma_start3A_156 = arith.constant 0 : i32
      %dma_start3A_157 = arith.constant 0 : i32
      %dma_start3A_158 = tpu.memref_slice %arg9[%dma_start3A_155, %dma_start3A_156, %dma_start3A_157] : memref<2x128x128xf32, #tpu.memory_space<vmem>> -> memref<1x128x128xf32, #tpu.memory_space<vmem>>
      %dma_start3A_159 = tpu.memref_squeeze %dma_start3A_158 : memref<1x128x128xf32, #tpu.memory_space<vmem>> -> memref<128x128xf32, #tpu.memory_space<vmem>>
      %dma_start3A_160 = arith.constant 0 : i32
      %dma_start3A_161 = tpu.memref_slice %arg7[%dma_start3A_154, %dma_start3A_160] : memref<16x128xi32, #tpu.memory_space<vmem>> -> memref<1x128xi32, #tpu.memory_space<vmem>>
      %dma_start3A_162 = tpu.memref_squeeze %dma_start3A_161 : memref<1x128xi32, #tpu.memory_space<vmem>> -> memref<128xi32, #tpu.memory_space<vmem>>
      %dma_start3A_163 = arith.constant 0 : i32
      %dma_start3A_164 = arith.constant 0 : i32
      %dma_start3A_165 = tpu.memref_slice %arg2[%dma_start3A_163, %dma_start3A_164] : memref<10240x128xf32, #tpu.memory_space<hbm>> -> memref<10240x128xf32, #tpu.memory_space<hbm>>
      tpu.enqueue_indirect_dma source(%dma_start3A_165 : memref<10240x128xf32, #tpu.memory_space<hbm>>) target(%dma_start3A_159 : memref<128x128xf32, #tpu.memory_space<vmem>>) offsets(%dma_start3A_162 : memref<128xi32, #tpu.memory_space<vmem>>) semaphore(%arg11 : memref<!tpu.dma_semaphore, #tpu.memory_space<semaphore_mem>>)
      %dma_wait3A_166 = arith.constant 5 : i32
      %dma_wait3A_167 = arith.constant 1 : i32
      %dma_wait3A_168 = arith.constant 0 : i32
      %dma_wait3A_169 = arith.constant 0 : i32
      %dma_wait3A_170 = tpu.memref_slice %arg9[%dma_wait3A_167, %dma_wait3A_168, %dma_wait3A_169] : memref<2x128x128xf32, #tpu.memory_space<vmem>> -> memref<1x128x128xf32, #tpu.memory_space<vmem>>
      %dma_wait3A_171 = tpu.memref_squeeze %dma_wait3A_170 : memref<1x128x128xf32, #tpu.memory_space<vmem>> -> memref<128x128xf32, #tpu.memory_space<vmem>>
      %dma_wait3A_172 = arith.constant 0 : i32
      %dma_wait3A_173 = tpu.memref_slice %arg7[%dma_wait3A_166, %dma_wait3A_172] : memref<16x128xi32, #tpu.memory_space<vmem>> -> memref<1x128xi32, #tpu.memory_space<vmem>>
      %dma_wait3A_174 = tpu.memref_squeeze %dma_wait3A_173 : memref<1x128xi32, #tpu.memory_space<vmem>> -> memref<128xi32, #tpu.memory_space<vmem>>
      %dma_wait3A_175 = arith.constant 0 : i32
      %dma_wait3A_176 = arith.constant 0 : i32
      %dma_wait3A_177 = tpu.memref_slice %arg2[%dma_wait3A_175, %dma_wait3A_176] : memref<10240x128xf32, #tpu.memory_space<hbm>> -> memref<10240x128xf32, #tpu.memory_space<hbm>>
      tpu.wait_indirect_dma semaphore(%arg12 : memref<!tpu.dma_semaphore, #tpu.memory_space<semaphore_mem>>) src(%dma_wait3A_177 : memref<10240x128xf32, #tpu.memory_space<hbm>>) dst(%dma_wait3A_171 : memref<128x128xf32, #tpu.memory_space<vmem>>)
      %run_scoped3A_178 = arith.constant 1 : i32
      %run_scoped3A_179 = arith.constant 5 : i32
      "tpu.region"() ({
        %run_scoped3A_428 = tpu.sem_alloc : memref<!tpu.dma_semaphore, #tpu.memory_space<semaphore_mem>>
        %dma_start3A_429 = arith.constant 0 : i32
        %dma_start3A_430 = arith.constant 0 : i32
        %dma_start3A_431 = tpu.memref_slice %arg9[%run_scoped3A_178, %dma_start3A_429, %dma_start3A_430] : memref<2x128x128xf32, #tpu.memory_space<vmem>> -> memref<1x128x128xf32, #tpu.memory_space<vmem>>
        %dma_start3A_432 = tpu.memref_squeeze %dma_start3A_431 : memref<1x128x128xf32, #tpu.memory_space<vmem>> -> memref<128x128xf32, #tpu.memory_space<vmem>>
        %dma_start3A_433 = arith.constant 0 : i32
        %dma_start3A_434 = tpu.memref_slice %arg8[%run_scoped3A_179, %dma_start3A_433] : memref<16x128xi32, #tpu.memory_space<vmem>> -> memref<1x128xi32, #tpu.memory_space<vmem>>
        %dma_start3A_435 = tpu.memref_squeeze %dma_start3A_434 : memref<1x128xi32, #tpu.memory_space<vmem>> -> memref<128xi32, #tpu.memory_space<vmem>>
        %dma_start3A_436 = arith.constant 0 : i32
        %dma_start3A_437 = arith.constant 0 : i32
        %dma_start3A_438 = tpu.memref_slice %arg10[%dma_start3A_436, %dma_start3A_437] : memref<10240x128xf32, #tpu.memory_space<vmem_shared>> -> memref<10240x128xf32, #tpu.memory_space<vmem_shared>>
        tpu.enqueue_indirect_dma source(%dma_start3A_432 : memref<128x128xf32, #tpu.memory_space<vmem>>) target(%dma_start3A_438 : memref<10240x128xf32, #tpu.memory_space<vmem_shared>>) offsets(%dma_start3A_435 : memref<128xi32, #tpu.memory_space<vmem>>) semaphore(%run_scoped3A_428 : memref<!tpu.dma_semaphore, #tpu.memory_space<semaphore_mem>>) {add = true}
        %dma_wait3A_439 = arith.constant 0 : i32
        %dma_wait3A_440 = arith.constant 0 : i32
        %dma_wait3A_441 = tpu.memref_slice %arg9[%run_scoped3A_178, %dma_wait3A_439, %dma_wait3A_440] : memref<2x128x128xf32, #tpu.memory_space<vmem>> -> memref<1x128x128xf32, #tpu.memory_space<vmem>>
        %dma_wait3A_442 = tpu.memref_squeeze %dma_wait3A_441 : memref<1x128x128xf32, #tpu.memory_space<vmem>> -> memref<128x128xf32, #tpu.memory_space<vmem>>
        %dma_wait3A_443 = arith.constant 0 : i32
        %dma_wait3A_444 = tpu.memref_slice %arg8[%run_scoped3A_179, %dma_wait3A_443] : memref<16x128xi32, #tpu.memory_space<vmem>> -> memref<1x128xi32, #tpu.memory_space<vmem>>
        %dma_wait3A_445 = tpu.memref_squeeze %dma_wait3A_444 : memref<1x128xi32, #tpu.memory_space<vmem>> -> memref<128xi32, #tpu.memory_space<vmem>>
        %dma_wait3A_446 = arith.constant 0 : i32
        %dma_wait3A_447 = arith.constant 0 : i32
        %dma_wait3A_448 = tpu.memref_slice %arg10[%dma_wait3A_446, %dma_wait3A_447] : memref<10240x128xf32, #tpu.memory_space<vmem_shared>> -> memref<10240x128xf32, #tpu.memory_space<vmem_shared>>
        tpu.wait_indirect_dma semaphore(%run_scoped3A_428 : memref<!tpu.dma_semaphore, #tpu.memory_space<semaphore_mem>>) src(%dma_wait3A_442 : memref<128x128xf32, #tpu.memory_space<vmem>>) dst(%dma_wait3A_448 : memref<10240x128xf32, #tpu.memory_space<vmem_shared>>)
        tpu.yield
      }) : () -> ()
      %dma_start3A_180 = arith.constant 7 : i32
      %dma_start3A_181 = arith.constant 1 : i32
      %dma_start3A_182 = arith.constant 0 : i32
      %dma_start3A_183 = arith.constant 0 : i32
      %dma_start3A_184 = tpu.memref_slice %arg9[%dma_start3A_181, %dma_start3A_182, %dma_start3A_183] : memref<2x128x128xf32, #tpu.memory_space<vmem>> -> memref<1x128x128xf32, #tpu.memory_space<vmem>>
      %dma_start3A_185 = tpu.memref_squeeze %dma_start3A_184 : memref<1x128x128xf32, #tpu.memory_space<vmem>> -> memref<128x128xf32, #tpu.memory_space<vmem>>
      %dma_start3A_186 = arith.constant 0 : i32
      %dma_start3A_187 = tpu.memref_slice %arg7[%dma_start3A_180, %dma_start3A_186] : memref<16x128xi32, #tpu.memory_space<vmem>> -> memref<1x128xi32, #tpu.memory_space<vmem>>
      %dma_start3A_188 = tpu.memref_squeeze %dma_start3A_187 : memref<1x128xi32, #tpu.memory_space<vmem>> -> memref<128xi32, #tpu.memory_space<vmem>>
      %dma_start3A_189 = arith.constant 0 : i32
      %dma_start3A_190 = arith.constant 0 : i32
      %dma_start3A_191 = tpu.memref_slice %arg2[%dma_start3A_189, %dma_start3A_190] : memref<10240x128xf32, #tpu.memory_space<hbm>> -> memref<10240x128xf32, #tpu.memory_space<hbm>>
      tpu.enqueue_indirect_dma source(%dma_start3A_191 : memref<10240x128xf32, #tpu.memory_space<hbm>>) target(%dma_start3A_185 : memref<128x128xf32, #tpu.memory_space<vmem>>) offsets(%dma_start3A_188 : memref<128xi32, #tpu.memory_space<vmem>>) semaphore(%arg12 : memref<!tpu.dma_semaphore, #tpu.memory_space<semaphore_mem>>)
      %dma_wait3A_192 = arith.constant 6 : i32
      %dma_wait3A_193 = arith.constant 0 : i32
      %dma_wait3A_194 = arith.constant 0 : i32
      %dma_wait3A_195 = arith.constant 0 : i32
      %dma_wait3A_196 = tpu.memref_slice %arg9[%dma_wait3A_193, %dma_wait3A_194, %dma_wait3A_195] : memref<2x128x128xf32, #tpu.memory_space<vmem>> -> memref<1x128x128xf32, #tpu.memory_space<vmem>>
      %dma_wait3A_197 = tpu.memref_squeeze %dma_wait3A_196 : memref<1x128x128xf32, #tpu.memory_space<vmem>> -> memref<128x128xf32, #tpu.memory_space<vmem>>
      %dma_wait3A_198 = arith.constant 0 : i32
      %dma_wait3A_199 = tpu.memref_slice %arg7[%dma_wait3A_192, %dma_wait3A_198] : memref<16x128xi32, #tpu.memory_space<vmem>> -> memref<1x128xi32, #tpu.memory_space<vmem>>
      %dma_wait3A_200 = tpu.memref_squeeze %dma_wait3A_199 : memref<1x128xi32, #tpu.memory_space<vmem>> -> memref<128xi32, #tpu.memory_space<vmem>>
      %dma_wait3A_201 = arith.constant 0 : i32
      %dma_wait3A_202 = arith.constant 0 : i32
      %dma_wait3A_203 = tpu.memref_slice %arg2[%dma_wait3A_201, %dma_wait3A_202] : memref<10240x128xf32, #tpu.memory_space<hbm>> -> memref<10240x128xf32, #tpu.memory_space<hbm>>
      tpu.wait_indirect_dma semaphore(%arg11 : memref<!tpu.dma_semaphore, #tpu.memory_space<semaphore_mem>>) src(%dma_wait3A_203 : memref<10240x128xf32, #tpu.memory_space<hbm>>) dst(%dma_wait3A_197 : memref<128x128xf32, #tpu.memory_space<vmem>>)
      %run_scoped3A_204 = arith.constant 0 : i32
      %run_scoped3A_205 = arith.constant 6 : i32
      "tpu.region"() ({
        %run_scoped3A_428 = tpu.sem_alloc : memref<!tpu.dma_semaphore, #tpu.memory_space<semaphore_mem>>
        %dma_start3A_429 = arith.constant 0 : i32
        %dma_start3A_430 = arith.constant 0 : i32
        %dma_start3A_431 = tpu.memref_slice %arg9[%run_scoped3A_204, %dma_start3A_429, %dma_start3A_430] : memref<2x128x128xf32, #tpu.memory_space<vmem>> -> memref<1x128x128xf32, #tpu.memory_space<vmem>>
        %dma_start3A_432 = tpu.memref_squeeze %dma_start3A_431 : memref<1x128x128xf32, #tpu.memory_space<vmem>> -> memref<128x128xf32, #tpu.memory_space<vmem>>
        %dma_start3A_433 = arith.constant 0 : i32
        %dma_start3A_434 = tpu.memref_slice %arg8[%run_scoped3A_205, %dma_start3A_433] : memref<16x128xi32, #tpu.memory_space<vmem>> -> memref<1x128xi32, #tpu.memory_space<vmem>>
        %dma_start3A_435 = tpu.memref_squeeze %dma_start3A_434 : memref<1x128xi32, #tpu.memory_space<vmem>> -> memref<128xi32, #tpu.memory_space<vmem>>
        %dma_start3A_436 = arith.constant 0 : i32
        %dma_start3A_437 = arith.constant 0 : i32
        %dma_start3A_438 = tpu.memref_slice %arg10[%dma_start3A_436, %dma_start3A_437] : memref<10240x128xf32, #tpu.memory_space<vmem_shared>> -> memref<10240x128xf32, #tpu.memory_space<vmem_shared>>
        tpu.enqueue_indirect_dma source(%dma_start3A_432 : memref<128x128xf32, #tpu.memory_space<vmem>>) target(%dma_start3A_438 : memref<10240x128xf32, #tpu.memory_space<vmem_shared>>) offsets(%dma_start3A_435 : memref<128xi32, #tpu.memory_space<vmem>>) semaphore(%run_scoped3A_428 : memref<!tpu.dma_semaphore, #tpu.memory_space<semaphore_mem>>) {add = true}
        %dma_wait3A_439 = arith.constant 0 : i32
        %dma_wait3A_440 = arith.constant 0 : i32
        %dma_wait3A_441 = tpu.memref_slice %arg9[%run_scoped3A_204, %dma_wait3A_439, %dma_wait3A_440] : memref<2x128x128xf32, #tpu.memory_space<vmem>> -> memref<1x128x128xf32, #tpu.memory_space<vmem>>
        %dma_wait3A_442 = tpu.memref_squeeze %dma_wait3A_441 : memref<1x128x128xf32, #tpu.memory_space<vmem>> -> memref<128x128xf32, #tpu.memory_space<vmem>>
        %dma_wait3A_443 = arith.constant 0 : i32
        %dma_wait3A_444 = tpu.memref_slice %arg8[%run_scoped3A_205, %dma_wait3A_443] : memref<16x128xi32, #tpu.memory_space<vmem>> -> memref<1x128xi32, #tpu.memory_space<vmem>>
        %dma_wait3A_445 = tpu.memref_squeeze %dma_wait3A_444 : memref<1x128xi32, #tpu.memory_space<vmem>> -> memref<128xi32, #tpu.memory_space<vmem>>
        %dma_wait3A_446 = arith.constant 0 : i32
        %dma_wait3A_447 = arith.constant 0 : i32
        %dma_wait3A_448 = tpu.memref_slice %arg10[%dma_wait3A_446, %dma_wait3A_447] : memref<10240x128xf32, #tpu.memory_space<vmem_shared>> -> memref<10240x128xf32, #tpu.memory_space<vmem_shared>>
        tpu.wait_indirect_dma semaphore(%run_scoped3A_428 : memref<!tpu.dma_semaphore, #tpu.memory_space<semaphore_mem>>) src(%dma_wait3A_442 : memref<128x128xf32, #tpu.memory_space<vmem>>) dst(%dma_wait3A_448 : memref<10240x128xf32, #tpu.memory_space<vmem_shared>>)
        tpu.yield
      }) : () -> ()
      %dma_start3A_206 = arith.constant 8 : i32
      %dma_start3A_207 = arith.constant 0 : i32
      %dma_start3A_208 = arith.constant 0 : i32
      %dma_start3A_209 = arith.constant 0 : i32
      %dma_start3A_210 = tpu.memref_slice %arg9[%dma_start3A_207, %dma_start3A_208, %dma_start3A_209] : memref<2x128x128xf32, #tpu.memory_space<vmem>> -> memref<1x128x128xf32, #tpu.memory_space<vmem>>
      %dma_start3A_211 = tpu.memref_squeeze %dma_start3A_210 : memref<1x128x128xf32, #tpu.memory_space<vmem>> -> memref<128x128xf32, #tpu.memory_space<vmem>>
      %dma_start3A_212 = arith.constant 0 : i32
      %dma_start3A_213 = tpu.memref_slice %arg7[%dma_start3A_206, %dma_start3A_212] : memref<16x128xi32, #tpu.memory_space<vmem>> -> memref<1x128xi32, #tpu.memory_space<vmem>>
      %dma_start3A_214 = tpu.memref_squeeze %dma_start3A_213 : memref<1x128xi32, #tpu.memory_space<vmem>> -> memref<128xi32, #tpu.memory_space<vmem>>
      %dma_start3A_215 = arith.constant 0 : i32
      %dma_start3A_216 = arith.constant 0 : i32
      %dma_start3A_217 = tpu.memref_slice %arg2[%dma_start3A_215, %dma_start3A_216] : memref<10240x128xf32, #tpu.memory_space<hbm>> -> memref<10240x128xf32, #tpu.memory_space<hbm>>
      tpu.enqueue_indirect_dma source(%dma_start3A_217 : memref<10240x128xf32, #tpu.memory_space<hbm>>) target(%dma_start3A_211 : memref<128x128xf32, #tpu.memory_space<vmem>>) offsets(%dma_start3A_214 : memref<128xi32, #tpu.memory_space<vmem>>) semaphore(%arg11 : memref<!tpu.dma_semaphore, #tpu.memory_space<semaphore_mem>>)
      %dma_wait3A_218 = arith.constant 7 : i32
      %dma_wait3A_219 = arith.constant 1 : i32
      %dma_wait3A_220 = arith.constant 0 : i32
      %dma_wait3A_221 = arith.constant 0 : i32
      %dma_wait3A_222 = tpu.memref_slice %arg9[%dma_wait3A_219, %dma_wait3A_220, %dma_wait3A_221] : memref<2x128x128xf32, #tpu.memory_space<vmem>> -> memref<1x128x128xf32, #tpu.memory_space<vmem>>
      %dma_wait3A_223 = tpu.memref_squeeze %dma_wait3A_222 : memref<1x128x128xf32, #tpu.memory_space<vmem>> -> memref<128x128xf32, #tpu.memory_space<vmem>>
      %dma_wait3A_224 = arith.constant 0 : i32
      %dma_wait3A_225 = tpu.memref_slice %arg7[%dma_wait3A_218, %dma_wait3A_224] : memref<16x128xi32, #tpu.memory_space<vmem>> -> memref<1x128xi32, #tpu.memory_space<vmem>>
      %dma_wait3A_226 = tpu.memref_squeeze %dma_wait3A_225 : memref<1x128xi32, #tpu.memory_space<vmem>> -> memref<128xi32, #tpu.memory_space<vmem>>
      %dma_wait3A_227 = arith.constant 0 : i32
      %dma_wait3A_228 = arith.constant 0 : i32
      %dma_wait3A_229 = tpu.memref_slice %arg2[%dma_wait3A_227, %dma_wait3A_228] : memref<10240x128xf32, #tpu.memory_space<hbm>> -> memref<10240x128xf32, #tpu.memory_space<hbm>>
      tpu.wait_indirect_dma semaphore(%arg12 : memref<!tpu.dma_semaphore, #tpu.memory_space<semaphore_mem>>) src(%dma_wait3A_229 : memref<10240x128xf32, #tpu.memory_space<hbm>>) dst(%dma_wait3A_223 : memref<128x128xf32, #tpu.memory_space<vmem>>)
      %run_scoped3A_230 = arith.constant 1 : i32
      %run_scoped3A_231 = arith.constant 7 : i32
      "tpu.region"() ({
        %run_scoped3A_428 = tpu.sem_alloc : memref<!tpu.dma_semaphore, #tpu.memory_space<semaphore_mem>>
        %dma_start3A_429 = arith.constant 0 : i32
        %dma_start3A_430 = arith.constant 0 : i32
        %dma_start3A_431 = tpu.memref_slice %arg9[%run_scoped3A_230, %dma_start3A_429, %dma_start3A_430] : memref<2x128x128xf32, #tpu.memory_space<vmem>> -> memref<1x128x128xf32, #tpu.memory_space<vmem>>
        %dma_start3A_432 = tpu.memref_squeeze %dma_start3A_431 : memref<1x128x128xf32, #tpu.memory_space<vmem>> -> memref<128x128xf32, #tpu.memory_space<vmem>>
        %dma_start3A_433 = arith.constant 0 : i32
        %dma_start3A_434 = tpu.memref_slice %arg8[%run_scoped3A_231, %dma_start3A_433] : memref<16x128xi32, #tpu.memory_space<vmem>> -> memref<1x128xi32, #tpu.memory_space<vmem>>
        %dma_start3A_435 = tpu.memref_squeeze %dma_start3A_434 : memref<1x128xi32, #tpu.memory_space<vmem>> -> memref<128xi32, #tpu.memory_space<vmem>>
        %dma_start3A_436 = arith.constant 0 : i32
        %dma_start3A_437 = arith.constant 0 : i32
        %dma_start3A_438 = tpu.memref_slice %arg10[%dma_start3A_436, %dma_start3A_437] : memref<10240x128xf32, #tpu.memory_space<vmem_shared>> -> memref<10240x128xf32, #tpu.memory_space<vmem_shared>>
        tpu.enqueue_indirect_dma source(%dma_start3A_432 : memref<128x128xf32, #tpu.memory_space<vmem>>) target(%dma_start3A_438 : memref<10240x128xf32, #tpu.memory_space<vmem_shared>>) offsets(%dma_start3A_435 : memref<128xi32, #tpu.memory_space<vmem>>) semaphore(%run_scoped3A_428 : memref<!tpu.dma_semaphore, #tpu.memory_space<semaphore_mem>>) {add = true}
        %dma_wait3A_439 = arith.constant 0 : i32
        %dma_wait3A_440 = arith.constant 0 : i32
        %dma_wait3A_441 = tpu.memref_slice %arg9[%run_scoped3A_230, %dma_wait3A_439, %dma_wait3A_440] : memref<2x128x128xf32, #tpu.memory_space<vmem>> -> memref<1x128x128xf32, #tpu.memory_space<vmem>>
        %dma_wait3A_442 = tpu.memref_squeeze %dma_wait3A_441 : memref<1x128x128xf32, #tpu.memory_space<vmem>> -> memref<128x128xf32, #tpu.memory_space<vmem>>
        %dma_wait3A_443 = arith.constant 0 : i32
        %dma_wait3A_444 = tpu.memref_slice %arg8[%run_scoped3A_231, %dma_wait3A_443] : memref<16x128xi32, #tpu.memory_space<vmem>> -> memref<1x128xi32, #tpu.memory_space<vmem>>
        %dma_wait3A_445 = tpu.memref_squeeze %dma_wait3A_444 : memref<1x128xi32, #tpu.memory_space<vmem>> -> memref<128xi32, #tpu.memory_space<vmem>>
        %dma_wait3A_446 = arith.constant 0 : i32
        %dma_wait3A_447 = arith.constant 0 : i32
        %dma_wait3A_448 = tpu.memref_slice %arg10[%dma_wait3A_446, %dma_wait3A_447] : memref<10240x128xf32, #tpu.memory_space<vmem_shared>> -> memref<10240x128xf32, #tpu.memory_space<vmem_shared>>
        tpu.wait_indirect_dma semaphore(%run_scoped3A_428 : memref<!tpu.dma_semaphore, #tpu.memory_space<semaphore_mem>>) src(%dma_wait3A_442 : memref<128x128xf32, #tpu.memory_space<vmem>>) dst(%dma_wait3A_448 : memref<10240x128xf32, #tpu.memory_space<vmem_shared>>)
        tpu.yield
      }) : () -> ()
      %dma_start3A_232 = arith.constant 9 : i32
      %dma_start3A_233 = arith.constant 1 : i32
      %dma_start3A_234 = arith.constant 0 : i32
      %dma_start3A_235 = arith.constant 0 : i32
      %dma_start3A_236 = tpu.memref_slice %arg9[%dma_start3A_233, %dma_start3A_234, %dma_start3A_235] : memref<2x128x128xf32, #tpu.memory_space<vmem>> -> memref<1x128x128xf32, #tpu.memory_space<vmem>>
      %dma_start3A_237 = tpu.memref_squeeze %dma_start3A_236 : memref<1x128x128xf32, #tpu.memory_space<vmem>> -> memref<128x128xf32, #tpu.memory_space<vmem>>
      %dma_start3A_238 = arith.constant 0 : i32
      %dma_start3A_239 = tpu.memref_slice %arg7[%dma_start3A_232, %dma_start3A_238] : memref<16x128xi32, #tpu.memory_space<vmem>> -> memref<1x128xi32, #tpu.memory_space<vmem>>
      %dma_start3A_240 = tpu.memref_squeeze %dma_start3A_239 : memref<1x128xi32, #tpu.memory_space<vmem>> -> memref<128xi32, #tpu.memory_space<vmem>>
      %dma_start3A_241 = arith.constant 0 : i32
      %dma_start3A_242 = arith.constant 0 : i32
      %dma_start3A_243 = tpu.memref_slice %arg2[%dma_start3A_241, %dma_start3A_242] : memref<10240x128xf32, #tpu.memory_space<hbm>> -> memref<10240x128xf32, #tpu.memory_space<hbm>>
      tpu.enqueue_indirect_dma source(%dma_start3A_243 : memref<10240x128xf32, #tpu.memory_space<hbm>>) target(%dma_start3A_237 : memref<128x128xf32, #tpu.memory_space<vmem>>) offsets(%dma_start3A_240 : memref<128xi32, #tpu.memory_space<vmem>>) semaphore(%arg12 : memref<!tpu.dma_semaphore, #tpu.memory_space<semaphore_mem>>)
      %dma_wait3A_244 = arith.constant 8 : i32
      %dma_wait3A_245 = arith.constant 0 : i32
      %dma_wait3A_246 = arith.constant 0 : i32
      %dma_wait3A_247 = arith.constant 0 : i32
      %dma_wait3A_248 = tpu.memref_slice %arg9[%dma_wait3A_245, %dma_wait3A_246, %dma_wait3A_247] : memref<2x128x128xf32, #tpu.memory_space<vmem>> -> memref<1x128x128xf32, #tpu.memory_space<vmem>>
      %dma_wait3A_249 = tpu.memref_squeeze %dma_wait3A_248 : memref<1x128x128xf32, #tpu.memory_space<vmem>> -> memref<128x128xf32, #tpu.memory_space<vmem>>
      %dma_wait3A_250 = arith.constant 0 : i32
      %dma_wait3A_251 = tpu.memref_slice %arg7[%dma_wait3A_244, %dma_wait3A_250] : memref<16x128xi32, #tpu.memory_space<vmem>> -> memref<1x128xi32, #tpu.memory_space<vmem>>
      %dma_wait3A_252 = tpu.memref_squeeze %dma_wait3A_251 : memref<1x128xi32, #tpu.memory_space<vmem>> -> memref<128xi32, #tpu.memory_space<vmem>>
      %dma_wait3A_253 = arith.constant 0 : i32
      %dma_wait3A_254 = arith.constant 0 : i32
      %dma_wait3A_255 = tpu.memref_slice %arg2[%dma_wait3A_253, %dma_wait3A_254] : memref<10240x128xf32, #tpu.memory_space<hbm>> -> memref<10240x128xf32, #tpu.memory_space<hbm>>
      tpu.wait_indirect_dma semaphore(%arg11 : memref<!tpu.dma_semaphore, #tpu.memory_space<semaphore_mem>>) src(%dma_wait3A_255 : memref<10240x128xf32, #tpu.memory_space<hbm>>) dst(%dma_wait3A_249 : memref<128x128xf32, #tpu.memory_space<vmem>>)
      %run_scoped3A_256 = arith.constant 0 : i32
      %run_scoped3A_257 = arith.constant 8 : i32
      "tpu.region"() ({
        %run_scoped3A_428 = tpu.sem_alloc : memref<!tpu.dma_semaphore, #tpu.memory_space<semaphore_mem>>
        %dma_start3A_429 = arith.constant 0 : i32
        %dma_start3A_430 = arith.constant 0 : i32
        %dma_start3A_431 = tpu.memref_slice %arg9[%run_scoped3A_256, %dma_start3A_429, %dma_start3A_430] : memref<2x128x128xf32, #tpu.memory_space<vmem>> -> memref<1x128x128xf32, #tpu.memory_space<vmem>>
        %dma_start3A_432 = tpu.memref_squeeze %dma_start3A_431 : memref<1x128x128xf32, #tpu.memory_space<vmem>> -> memref<128x128xf32, #tpu.memory_space<vmem>>
        %dma_start3A_433 = arith.constant 0 : i32
        %dma_start3A_434 = tpu.memref_slice %arg8[%run_scoped3A_257, %dma_start3A_433] : memref<16x128xi32, #tpu.memory_space<vmem>> -> memref<1x128xi32, #tpu.memory_space<vmem>>
        %dma_start3A_435 = tpu.memref_squeeze %dma_start3A_434 : memref<1x128xi32, #tpu.memory_space<vmem>> -> memref<128xi32, #tpu.memory_space<vmem>>
        %dma_start3A_436 = arith.constant 0 : i32
        %dma_start3A_437 = arith.constant 0 : i32
        %dma_start3A_438 = tpu.memref_slice %arg10[%dma_start3A_436, %dma_start3A_437] : memref<10240x128xf32, #tpu.memory_space<vmem_shared>> -> memref<10240x128xf32, #tpu.memory_space<vmem_shared>>
        tpu.enqueue_indirect_dma source(%dma_start3A_432 : memref<128x128xf32, #tpu.memory_space<vmem>>) target(%dma_start3A_438 : memref<10240x128xf32, #tpu.memory_space<vmem_shared>>) offsets(%dma_start3A_435 : memref<128xi32, #tpu.memory_space<vmem>>) semaphore(%run_scoped3A_428 : memref<!tpu.dma_semaphore, #tpu.memory_space<semaphore_mem>>) {add = true}
        %dma_wait3A_439 = arith.constant 0 : i32
        %dma_wait3A_440 = arith.constant 0 : i32
        %dma_wait3A_441 = tpu.memref_slice %arg9[%run_scoped3A_256, %dma_wait3A_439, %dma_wait3A_440] : memref<2x128x128xf32, #tpu.memory_space<vmem>> -> memref<1x128x128xf32, #tpu.memory_space<vmem>>
        %dma_wait3A_442 = tpu.memref_squeeze %dma_wait3A_441 : memref<1x128x128xf32, #tpu.memory_space<vmem>> -> memref<128x128xf32, #tpu.memory_space<vmem>>
        %dma_wait3A_443 = arith.constant 0 : i32
        %dma_wait3A_444 = tpu.memref_slice %arg8[%run_scoped3A_257, %dma_wait3A_443] : memref<16x128xi32, #tpu.memory_space<vmem>> -> memref<1x128xi32, #tpu.memory_space<vmem>>
        %dma_wait3A_445 = tpu.memref_squeeze %dma_wait3A_444 : memref<1x128xi32, #tpu.memory_space<vmem>> -> memref<128xi32, #tpu.memory_space<vmem>>
        %dma_wait3A_446 = arith.constant 0 : i32
        %dma_wait3A_447 = arith.constant 0 : i32
        %dma_wait3A_448 = tpu.memref_slice %arg10[%dma_wait3A_446, %dma_wait3A_447] : memref<10240x128xf32, #tpu.memory_space<vmem_shared>> -> memref<10240x128xf32, #tpu.memory_space<vmem_shared>>
        tpu.wait_indirect_dma semaphore(%run_scoped3A_428 : memref<!tpu.dma_semaphore, #tpu.memory_space<semaphore_mem>>) src(%dma_wait3A_442 : memref<128x128xf32, #tpu.memory_space<vmem>>) dst(%dma_wait3A_448 : memref<10240x128xf32, #tpu.memory_space<vmem_shared>>)
        tpu.yield
      }) : () -> ()
      %dma_start3A_258 = arith.constant 10 : i32
      %dma_start3A_259 = arith.constant 0 : i32
      %dma_start3A_260 = arith.constant 0 : i32
      %dma_start3A_261 = arith.constant 0 : i32
      %dma_start3A_262 = tpu.memref_slice %arg9[%dma_start3A_259, %dma_start3A_260, %dma_start3A_261] : memref<2x128x128xf32, #tpu.memory_space<vmem>> -> memref<1x128x128xf32, #tpu.memory_space<vmem>>
      %dma_start3A_263 = tpu.memref_squeeze %dma_start3A_262 : memref<1x128x128xf32, #tpu.memory_space<vmem>> -> memref<128x128xf32, #tpu.memory_space<vmem>>
      %dma_start3A_264 = arith.constant 0 : i32
      %dma_start3A_265 = tpu.memref_slice %arg7[%dma_start3A_258, %dma_start3A_264] : memref<16x128xi32, #tpu.memory_space<vmem>> -> memref<1x128xi32, #tpu.memory_space<vmem>>
      %dma_start3A_266 = tpu.memref_squeeze %dma_start3A_265 : memref<1x128xi32, #tpu.memory_space<vmem>> -> memref<128xi32, #tpu.memory_space<vmem>>
      %dma_start3A_267 = arith.constant 0 : i32
      %dma_start3A_268 = arith.constant 0 : i32
      %dma_start3A_269 = tpu.memref_slice %arg2[%dma_start3A_267, %dma_start3A_268] : memref<10240x128xf32, #tpu.memory_space<hbm>> -> memref<10240x128xf32, #tpu.memory_space<hbm>>
      tpu.enqueue_indirect_dma source(%dma_start3A_269 : memref<10240x128xf32, #tpu.memory_space<hbm>>) target(%dma_start3A_263 : memref<128x128xf32, #tpu.memory_space<vmem>>) offsets(%dma_start3A_266 : memref<128xi32, #tpu.memory_space<vmem>>) semaphore(%arg11 : memref<!tpu.dma_semaphore, #tpu.memory_space<semaphore_mem>>)
      %dma_wait3A_270 = arith.constant 9 : i32
      %dma_wait3A_271 = arith.constant 1 : i32
      %dma_wait3A_272 = arith.constant 0 : i32
      %dma_wait3A_273 = arith.constant 0 : i32
      %dma_wait3A_274 = tpu.memref_slice %arg9[%dma_wait3A_271, %dma_wait3A_272, %dma_wait3A_273] : memref<2x128x128xf32, #tpu.memory_space<vmem>> -> memref<1x128x128xf32, #tpu.memory_space<vmem>>
      %dma_wait3A_275 = tpu.memref_squeeze %dma_wait3A_274 : memref<1x128x128xf32, #tpu.memory_space<vmem>> -> memref<128x128xf32, #tpu.memory_space<vmem>>
      %dma_wait3A_276 = arith.constant 0 : i32
      %dma_wait3A_277 = tpu.memref_slice %arg7[%dma_wait3A_270, %dma_wait3A_276] : memref<16x128xi32, #tpu.memory_space<vmem>> -> memref<1x128xi32, #tpu.memory_space<vmem>>
      %dma_wait3A_278 = tpu.memref_squeeze %dma_wait3A_277 : memref<1x128xi32, #tpu.memory_space<vmem>> -> memref<128xi32, #tpu.memory_space<vmem>>
      %dma_wait3A_279 = arith.constant 0 : i32
      %dma_wait3A_280 = arith.constant 0 : i32
      %dma_wait3A_281 = tpu.memref_slice %arg2[%dma_wait3A_279, %dma_wait3A_280] : memref<10240x128xf32, #tpu.memory_space<hbm>> -> memref<10240x128xf32, #tpu.memory_space<hbm>>
      tpu.wait_indirect_dma semaphore(%arg12 : memref<!tpu.dma_semaphore, #tpu.memory_space<semaphore_mem>>) src(%dma_wait3A_281 : memref<10240x128xf32, #tpu.memory_space<hbm>>) dst(%dma_wait3A_275 : memref<128x128xf32, #tpu.memory_space<vmem>>)
      %run_scoped3A_282 = arith.constant 1 : i32
      %run_scoped3A_283 = arith.constant 9 : i32
      "tpu.region"() ({
        %run_scoped3A_428 = tpu.sem_alloc : memref<!tpu.dma_semaphore, #tpu.memory_space<semaphore_mem>>
        %dma_start3A_429 = arith.constant 0 : i32
        %dma_start3A_430 = arith.constant 0 : i32
        %dma_start3A_431 = tpu.memref_slice %arg9[%run_scoped3A_282, %dma_start3A_429, %dma_start3A_430] : memref<2x128x128xf32, #tpu.memory_space<vmem>> -> memref<1x128x128xf32, #tpu.memory_space<vmem>>
        %dma_start3A_432 = tpu.memref_squeeze %dma_start3A_431 : memref<1x128x128xf32, #tpu.memory_space<vmem>> -> memref<128x128xf32, #tpu.memory_space<vmem>>
        %dma_start3A_433 = arith.constant 0 : i32
        %dma_start3A_434 = tpu.memref_slice %arg8[%run_scoped3A_283, %dma_start3A_433] : memref<16x128xi32, #tpu.memory_space<vmem>> -> memref<1x128xi32, #tpu.memory_space<vmem>>
        %dma_start3A_435 = tpu.memref_squeeze %dma_start3A_434 : memref<1x128xi32, #tpu.memory_space<vmem>> -> memref<128xi32, #tpu.memory_space<vmem>>
        %dma_start3A_436 = arith.constant 0 : i32
        %dma_start3A_437 = arith.constant 0 : i32
        %dma_start3A_438 = tpu.memref_slice %arg10[%dma_start3A_436, %dma_start3A_437] : memref<10240x128xf32, #tpu.memory_space<vmem_shared>> -> memref<10240x128xf32, #tpu.memory_space<vmem_shared>>
        tpu.enqueue_indirect_dma source(%dma_start3A_432 : memref<128x128xf32, #tpu.memory_space<vmem>>) target(%dma_start3A_438 : memref<10240x128xf32, #tpu.memory_space<vmem_shared>>) offsets(%dma_start3A_435 : memref<128xi32, #tpu.memory_space<vmem>>) semaphore(%run_scoped3A_428 : memref<!tpu.dma_semaphore, #tpu.memory_space<semaphore_mem>>) {add = true}
        %dma_wait3A_439 = arith.constant 0 : i32
        %dma_wait3A_440 = arith.constant 0 : i32
        %dma_wait3A_441 = tpu.memref_slice %arg9[%run_scoped3A_282, %dma_wait3A_439, %dma_wait3A_440] : memref<2x128x128xf32, #tpu.memory_space<vmem>> -> memref<1x128x128xf32, #tpu.memory_space<vmem>>
        %dma_wait3A_442 = tpu.memref_squeeze %dma_wait3A_441 : memref<1x128x128xf32, #tpu.memory_space<vmem>> -> memref<128x128xf32, #tpu.memory_space<vmem>>
        %dma_wait3A_443 = arith.constant 0 : i32
        %dma_wait3A_444 = tpu.memref_slice %arg8[%run_scoped3A_283, %dma_wait3A_443] : memref<16x128xi32, #tpu.memory_space<vmem>> -> memref<1x128xi32, #tpu.memory_space<vmem>>
        %dma_wait3A_445 = tpu.memref_squeeze %dma_wait3A_444 : memref<1x128xi32, #tpu.memory_space<vmem>> -> memref<128xi32, #tpu.memory_space<vmem>>
        %dma_wait3A_446 = arith.constant 0 : i32
        %dma_wait3A_447 = arith.constant 0 : i32
        %dma_wait3A_448 = tpu.memref_slice %arg10[%dma_wait3A_446, %dma_wait3A_447] : memref<10240x128xf32, #tpu.memory_space<vmem_shared>> -> memref<10240x128xf32, #tpu.memory_space<vmem_shared>>
        tpu.wait_indirect_dma semaphore(%run_scoped3A_428 : memref<!tpu.dma_semaphore, #tpu.memory_space<semaphore_mem>>) src(%dma_wait3A_442 : memref<128x128xf32, #tpu.memory_space<vmem>>) dst(%dma_wait3A_448 : memref<10240x128xf32, #tpu.memory_space<vmem_shared>>)
        tpu.yield
      }) : () -> ()
      %dma_start3A_284 = arith.constant 11 : i32
      %dma_start3A_285 = arith.constant 1 : i32
      %dma_start3A_286 = arith.constant 0 : i32
      %dma_start3A_287 = arith.constant 0 : i32
      %dma_start3A_288 = tpu.memref_slice %arg9[%dma_start3A_285, %dma_start3A_286, %dma_start3A_287] : memref<2x128x128xf32, #tpu.memory_space<vmem>> -> memref<1x128x128xf32, #tpu.memory_space<vmem>>
      %dma_start3A_289 = tpu.memref_squeeze %dma_start3A_288 : memref<1x128x128xf32, #tpu.memory_space<vmem>> -> memref<128x128xf32, #tpu.memory_space<vmem>>
      %dma_start3A_290 = arith.constant 0 : i32
      %dma_start3A_291 = tpu.memref_slice %arg7[%dma_start3A_284, %dma_start3A_290] : memref<16x128xi32, #tpu.memory_space<vmem>> -> memref<1x128xi32, #tpu.memory_space<vmem>>
      %dma_start3A_292 = tpu.memref_squeeze %dma_start3A_291 : memref<1x128xi32, #tpu.memory_space<vmem>> -> memref<128xi32, #tpu.memory_space<vmem>>
      %dma_start3A_293 = arith.constant 0 : i32
      %dma_start3A_294 = arith.constant 0 : i32
      %dma_start3A_295 = tpu.memref_slice %arg2[%dma_start3A_293, %dma_start3A_294] : memref<10240x128xf32, #tpu.memory_space<hbm>> -> memref<10240x128xf32, #tpu.memory_space<hbm>>
      tpu.enqueue_indirect_dma source(%dma_start3A_295 : memref<10240x128xf32, #tpu.memory_space<hbm>>) target(%dma_start3A_289 : memref<128x128xf32, #tpu.memory_space<vmem>>) offsets(%dma_start3A_292 : memref<128xi32, #tpu.memory_space<vmem>>) semaphore(%arg12 : memref<!tpu.dma_semaphore, #tpu.memory_space<semaphore_mem>>)
      %dma_wait3A_296 = arith.constant 10 : i32
      %dma_wait3A_297 = arith.constant 0 : i32
      %dma_wait3A_298 = arith.constant 0 : i32
      %dma_wait3A_299 = arith.constant 0 : i32
      %dma_wait3A_300 = tpu.memref_slice %arg9[%dma_wait3A_297, %dma_wait3A_298, %dma_wait3A_299] : memref<2x128x128xf32, #tpu.memory_space<vmem>> -> memref<1x128x128xf32, #tpu.memory_space<vmem>>
      %dma_wait3A_301 = tpu.memref_squeeze %dma_wait3A_300 : memref<1x128x128xf32, #tpu.memory_space<vmem>> -> memref<128x128xf32, #tpu.memory_space<vmem>>
      %dma_wait3A_302 = arith.constant 0 : i32
      %dma_wait3A_303 = tpu.memref_slice %arg7[%dma_wait3A_296, %dma_wait3A_302] : memref<16x128xi32, #tpu.memory_space<vmem>> -> memref<1x128xi32, #tpu.memory_space<vmem>>
      %dma_wait3A_304 = tpu.memref_squeeze %dma_wait3A_303 : memref<1x128xi32, #tpu.memory_space<vmem>> -> memref<128xi32, #tpu.memory_space<vmem>>
      %dma_wait3A_305 = arith.constant 0 : i32
      %dma_wait3A_306 = arith.constant 0 : i32
      %dma_wait3A_307 = tpu.memref_slice %arg2[%dma_wait3A_305, %dma_wait3A_306] : memref<10240x128xf32, #tpu.memory_space<hbm>> -> memref<10240x128xf32, #tpu.memory_space<hbm>>
      tpu.wait_indirect_dma semaphore(%arg11 : memref<!tpu.dma_semaphore, #tpu.memory_space<semaphore_mem>>) src(%dma_wait3A_307 : memref<10240x128xf32, #tpu.memory_space<hbm>>) dst(%dma_wait3A_301 : memref<128x128xf32, #tpu.memory_space<vmem>>)
      %run_scoped3A_308 = arith.constant 0 : i32
      %run_scoped3A_309 = arith.constant 10 : i32
      "tpu.region"() ({
        %run_scoped3A_428 = tpu.sem_alloc : memref<!tpu.dma_semaphore, #tpu.memory_space<semaphore_mem>>
        %dma_start3A_429 = arith.constant 0 : i32
        %dma_start3A_430 = arith.constant 0 : i32
        %dma_start3A_431 = tpu.memref_slice %arg9[%run_scoped3A_308, %dma_start3A_429, %dma_start3A_430] : memref<2x128x128xf32, #tpu.memory_space<vmem>> -> memref<1x128x128xf32, #tpu.memory_space<vmem>>
        %dma_start3A_432 = tpu.memref_squeeze %dma_start3A_431 : memref<1x128x128xf32, #tpu.memory_space<vmem>> -> memref<128x128xf32, #tpu.memory_space<vmem>>
        %dma_start3A_433 = arith.constant 0 : i32
        %dma_start3A_434 = tpu.memref_slice %arg8[%run_scoped3A_309, %dma_start3A_433] : memref<16x128xi32, #tpu.memory_space<vmem>> -> memref<1x128xi32, #tpu.memory_space<vmem>>
        %dma_start3A_435 = tpu.memref_squeeze %dma_start3A_434 : memref<1x128xi32, #tpu.memory_space<vmem>> -> memref<128xi32, #tpu.memory_space<vmem>>
        %dma_start3A_436 = arith.constant 0 : i32
        %dma_start3A_437 = arith.constant 0 : i32
        %dma_start3A_438 = tpu.memref_slice %arg10[%dma_start3A_436, %dma_start3A_437] : memref<10240x128xf32, #tpu.memory_space<vmem_shared>> -> memref<10240x128xf32, #tpu.memory_space<vmem_shared>>
        tpu.enqueue_indirect_dma source(%dma_start3A_432 : memref<128x128xf32, #tpu.memory_space<vmem>>) target(%dma_start3A_438 : memref<10240x128xf32, #tpu.memory_space<vmem_shared>>) offsets(%dma_start3A_435 : memref<128xi32, #tpu.memory_space<vmem>>) semaphore(%run_scoped3A_428 : memref<!tpu.dma_semaphore, #tpu.memory_space<semaphore_mem>>) {add = true}
        %dma_wait3A_439 = arith.constant 0 : i32
        %dma_wait3A_440 = arith.constant 0 : i32
        %dma_wait3A_441 = tpu.memref_slice %arg9[%run_scoped3A_308, %dma_wait3A_439, %dma_wait3A_440] : memref<2x128x128xf32, #tpu.memory_space<vmem>> -> memref<1x128x128xf32, #tpu.memory_space<vmem>>
        %dma_wait3A_442 = tpu.memref_squeeze %dma_wait3A_441 : memref<1x128x128xf32, #tpu.memory_space<vmem>> -> memref<128x128xf32, #tpu.memory_space<vmem>>
        %dma_wait3A_443 = arith.constant 0 : i32
        %dma_wait3A_444 = tpu.memref_slice %arg8[%run_scoped3A_309, %dma_wait3A_443] : memref<16x128xi32, #tpu.memory_space<vmem>> -> memref<1x128xi32, #tpu.memory_space<vmem>>
        %dma_wait3A_445 = tpu.memref_squeeze %dma_wait3A_444 : memref<1x128xi32, #tpu.memory_space<vmem>> -> memref<128xi32, #tpu.memory_space<vmem>>
        %dma_wait3A_446 = arith.constant 0 : i32
        %dma_wait3A_447 = arith.constant 0 : i32
        %dma_wait3A_448 = tpu.memref_slice %arg10[%dma_wait3A_446, %dma_wait3A_447] : memref<10240x128xf32, #tpu.memory_space<vmem_shared>> -> memref<10240x128xf32, #tpu.memory_space<vmem_shared>>
        tpu.wait_indirect_dma semaphore(%run_scoped3A_428 : memref<!tpu.dma_semaphore, #tpu.memory_space<semaphore_mem>>) src(%dma_wait3A_442 : memref<128x128xf32, #tpu.memory_space<vmem>>) dst(%dma_wait3A_448 : memref<10240x128xf32, #tpu.memory_space<vmem_shared>>)
        tpu.yield
      }) : () -> ()
      %dma_start3A_310 = arith.constant 12 : i32
      %dma_start3A_311 = arith.constant 0 : i32
      %dma_start3A_312 = arith.constant 0 : i32
      %dma_start3A_313 = arith.constant 0 : i32
      %dma_start3A_314 = tpu.memref_slice %arg9[%dma_start3A_311, %dma_start3A_312, %dma_start3A_313] : memref<2x128x128xf32, #tpu.memory_space<vmem>> -> memref<1x128x128xf32, #tpu.memory_space<vmem>>
      %dma_start3A_315 = tpu.memref_squeeze %dma_start3A_314 : memref<1x128x128xf32, #tpu.memory_space<vmem>> -> memref<128x128xf32, #tpu.memory_space<vmem>>
      %dma_start3A_316 = arith.constant 0 : i32
      %dma_start3A_317 = tpu.memref_slice %arg7[%dma_start3A_310, %dma_start3A_316] : memref<16x128xi32, #tpu.memory_space<vmem>> -> memref<1x128xi32, #tpu.memory_space<vmem>>
      %dma_start3A_318 = tpu.memref_squeeze %dma_start3A_317 : memref<1x128xi32, #tpu.memory_space<vmem>> -> memref<128xi32, #tpu.memory_space<vmem>>
      %dma_start3A_319 = arith.constant 0 : i32
      %dma_start3A_320 = arith.constant 0 : i32
      %dma_start3A_321 = tpu.memref_slice %arg2[%dma_start3A_319, %dma_start3A_320] : memref<10240x128xf32, #tpu.memory_space<hbm>> -> memref<10240x128xf32, #tpu.memory_space<hbm>>
      tpu.enqueue_indirect_dma source(%dma_start3A_321 : memref<10240x128xf32, #tpu.memory_space<hbm>>) target(%dma_start3A_315 : memref<128x128xf32, #tpu.memory_space<vmem>>) offsets(%dma_start3A_318 : memref<128xi32, #tpu.memory_space<vmem>>) semaphore(%arg11 : memref<!tpu.dma_semaphore, #tpu.memory_space<semaphore_mem>>)
      %dma_wait3A_322 = arith.constant 11 : i32
      %dma_wait3A_323 = arith.constant 1 : i32
      %dma_wait3A_324 = arith.constant 0 : i32
      %dma_wait3A_325 = arith.constant 0 : i32
      %dma_wait3A_326 = tpu.memref_slice %arg9[%dma_wait3A_323, %dma_wait3A_324, %dma_wait3A_325] : memref<2x128x128xf32, #tpu.memory_space<vmem>> -> memref<1x128x128xf32, #tpu.memory_space<vmem>>
      %dma_wait3A_327 = tpu.memref_squeeze %dma_wait3A_326 : memref<1x128x128xf32, #tpu.memory_space<vmem>> -> memref<128x128xf32, #tpu.memory_space<vmem>>
      %dma_wait3A_328 = arith.constant 0 : i32
      %dma_wait3A_329 = tpu.memref_slice %arg7[%dma_wait3A_322, %dma_wait3A_328] : memref<16x128xi32, #tpu.memory_space<vmem>> -> memref<1x128xi32, #tpu.memory_space<vmem>>
      %dma_wait3A_330 = tpu.memref_squeeze %dma_wait3A_329 : memref<1x128xi32, #tpu.memory_space<vmem>> -> memref<128xi32, #tpu.memory_space<vmem>>
      %dma_wait3A_331 = arith.constant 0 : i32
      %dma_wait3A_332 = arith.constant 0 : i32
      %dma_wait3A_333 = tpu.memref_slice %arg2[%dma_wait3A_331, %dma_wait3A_332] : memref<10240x128xf32, #tpu.memory_space<hbm>> -> memref<10240x128xf32, #tpu.memory_space<hbm>>
      tpu.wait_indirect_dma semaphore(%arg12 : memref<!tpu.dma_semaphore, #tpu.memory_space<semaphore_mem>>) src(%dma_wait3A_333 : memref<10240x128xf32, #tpu.memory_space<hbm>>) dst(%dma_wait3A_327 : memref<128x128xf32, #tpu.memory_space<vmem>>)
      %run_scoped3A_334 = arith.constant 1 : i32
      %run_scoped3A_335 = arith.constant 11 : i32
      "tpu.region"() ({
        %run_scoped3A_428 = tpu.sem_alloc : memref<!tpu.dma_semaphore, #tpu.memory_space<semaphore_mem>>
        %dma_start3A_429 = arith.constant 0 : i32
        %dma_start3A_430 = arith.constant 0 : i32
        %dma_start3A_431 = tpu.memref_slice %arg9[%run_scoped3A_334, %dma_start3A_429, %dma_start3A_430] : memref<2x128x128xf32, #tpu.memory_space<vmem>> -> memref<1x128x128xf32, #tpu.memory_space<vmem>>
        %dma_start3A_432 = tpu.memref_squeeze %dma_start3A_431 : memref<1x128x128xf32, #tpu.memory_space<vmem>> -> memref<128x128xf32, #tpu.memory_space<vmem>>
        %dma_start3A_433 = arith.constant 0 : i32
        %dma_start3A_434 = tpu.memref_slice %arg8[%run_scoped3A_335, %dma_start3A_433] : memref<16x128xi32, #tpu.memory_space<vmem>> -> memref<1x128xi32, #tpu.memory_space<vmem>>
        %dma_start3A_435 = tpu.memref_squeeze %dma_start3A_434 : memref<1x128xi32, #tpu.memory_space<vmem>> -> memref<128xi32, #tpu.memory_space<vmem>>
        %dma_start3A_436 = arith.constant 0 : i32
        %dma_start3A_437 = arith.constant 0 : i32
        %dma_start3A_438 = tpu.memref_slice %arg10[%dma_start3A_436, %dma_start3A_437] : memref<10240x128xf32, #tpu.memory_space<vmem_shared>> -> memref<10240x128xf32, #tpu.memory_space<vmem_shared>>
        tpu.enqueue_indirect_dma source(%dma_start3A_432 : memref<128x128xf32, #tpu.memory_space<vmem>>) target(%dma_start3A_438 : memref<10240x128xf32, #tpu.memory_space<vmem_shared>>) offsets(%dma_start3A_435 : memref<128xi32, #tpu.memory_space<vmem>>) semaphore(%run_scoped3A_428 : memref<!tpu.dma_semaphore, #tpu.memory_space<semaphore_mem>>) {add = true}
        %dma_wait3A_439 = arith.constant 0 : i32
        %dma_wait3A_440 = arith.constant 0 : i32
        %dma_wait3A_441 = tpu.memref_slice %arg9[%run_scoped3A_334, %dma_wait3A_439, %dma_wait3A_440] : memref<2x128x128xf32, #tpu.memory_space<vmem>> -> memref<1x128x128xf32, #tpu.memory_space<vmem>>
        %dma_wait3A_442 = tpu.memref_squeeze %dma_wait3A_441 : memref<1x128x128xf32, #tpu.memory_space<vmem>> -> memref<128x128xf32, #tpu.memory_space<vmem>>
        %dma_wait3A_443 = arith.constant 0 : i32
        %dma_wait3A_444 = tpu.memref_slice %arg8[%run_scoped3A_335, %dma_wait3A_443] : memref<16x128xi32, #tpu.memory_space<vmem>> -> memref<1x128xi32, #tpu.memory_space<vmem>>
        %dma_wait3A_445 = tpu.memref_squeeze %dma_wait3A_444 : memref<1x128xi32, #tpu.memory_space<vmem>> -> memref<128xi32, #tpu.memory_space<vmem>>
        %dma_wait3A_446 = arith.constant 0 : i32
        %dma_wait3A_447 = arith.constant 0 : i32
        %dma_wait3A_448 = tpu.memref_slice %arg10[%dma_wait3A_446, %dma_wait3A_447] : memref<10240x128xf32, #tpu.memory_space<vmem_shared>> -> memref<10240x128xf32, #tpu.memory_space<vmem_shared>>
        tpu.wait_indirect_dma semaphore(%run_scoped3A_428 : memref<!tpu.dma_semaphore, #tpu.memory_space<semaphore_mem>>) src(%dma_wait3A_442 : memref<128x128xf32, #tpu.memory_space<vmem>>) dst(%dma_wait3A_448 : memref<10240x128xf32, #tpu.memory_space<vmem_shared>>)
        tpu.yield
      }) : () -> ()
      %dma_start3A_336 = arith.constant 13 : i32
      %dma_start3A_337 = arith.constant 1 : i32
      %dma_start3A_338 = arith.constant 0 : i32
      %dma_start3A_339 = arith.constant 0 : i32
      %dma_start3A_340 = tpu.memref_slice %arg9[%dma_start3A_337, %dma_start3A_338, %dma_start3A_339] : memref<2x128x128xf32, #tpu.memory_space<vmem>> -> memref<1x128x128xf32, #tpu.memory_space<vmem>>
      %dma_start3A_341 = tpu.memref_squeeze %dma_start3A_340 : memref<1x128x128xf32, #tpu.memory_space<vmem>> -> memref<128x128xf32, #tpu.memory_space<vmem>>
      %dma_start3A_342 = arith.constant 0 : i32
      %dma_start3A_343 = tpu.memref_slice %arg7[%dma_start3A_336, %dma_start3A_342] : memref<16x128xi32, #tpu.memory_space<vmem>> -> memref<1x128xi32, #tpu.memory_space<vmem>>
      %dma_start3A_344 = tpu.memref_squeeze %dma_start3A_343 : memref<1x128xi32, #tpu.memory_space<vmem>> -> memref<128xi32, #tpu.memory_space<vmem>>
      %dma_start3A_345 = arith.constant 0 : i32
      %dma_start3A_346 = arith.constant 0 : i32
      %dma_start3A_347 = tpu.memref_slice %arg2[%dma_start3A_345, %dma_start3A_346] : memref<10240x128xf32, #tpu.memory_space<hbm>> -> memref<10240x128xf32, #tpu.memory_space<hbm>>
      tpu.enqueue_indirect_dma source(%dma_start3A_347 : memref<10240x128xf32, #tpu.memory_space<hbm>>) target(%dma_start3A_341 : memref<128x128xf32, #tpu.memory_space<vmem>>) offsets(%dma_start3A_344 : memref<128xi32, #tpu.memory_space<vmem>>) semaphore(%arg12 : memref<!tpu.dma_semaphore, #tpu.memory_space<semaphore_mem>>)
      %dma_wait3A_348 = arith.constant 12 : i32
      %dma_wait3A_349 = arith.constant 0 : i32
      %dma_wait3A_350 = arith.constant 0 : i32
      %dma_wait3A_351 = arith.constant 0 : i32
      %dma_wait3A_352 = tpu.memref_slice %arg9[%dma_wait3A_349, %dma_wait3A_350, %dma_wait3A_351] : memref<2x128x128xf32, #tpu.memory_space<vmem>> -> memref<1x128x128xf32, #tpu.memory_space<vmem>>
      %dma_wait3A_353 = tpu.memref_squeeze %dma_wait3A_352 : memref<1x128x128xf32, #tpu.memory_space<vmem>> -> memref<128x128xf32, #tpu.memory_space<vmem>>
      %dma_wait3A_354 = arith.constant 0 : i32
      %dma_wait3A_355 = tpu.memref_slice %arg7[%dma_wait3A_348, %dma_wait3A_354] : memref<16x128xi32, #tpu.memory_space<vmem>> -> memref<1x128xi32, #tpu.memory_space<vmem>>
      %dma_wait3A_356 = tpu.memref_squeeze %dma_wait3A_355 : memref<1x128xi32, #tpu.memory_space<vmem>> -> memref<128xi32, #tpu.memory_space<vmem>>
      %dma_wait3A_357 = arith.constant 0 : i32
      %dma_wait3A_358 = arith.constant 0 : i32
      %dma_wait3A_359 = tpu.memref_slice %arg2[%dma_wait3A_357, %dma_wait3A_358] : memref<10240x128xf32, #tpu.memory_space<hbm>> -> memref<10240x128xf32, #tpu.memory_space<hbm>>
      tpu.wait_indirect_dma semaphore(%arg11 : memref<!tpu.dma_semaphore, #tpu.memory_space<semaphore_mem>>) src(%dma_wait3A_359 : memref<10240x128xf32, #tpu.memory_space<hbm>>) dst(%dma_wait3A_353 : memref<128x128xf32, #tpu.memory_space<vmem>>)
      %run_scoped3A_360 = arith.constant 0 : i32
      %run_scoped3A_361 = arith.constant 12 : i32
      "tpu.region"() ({
        %run_scoped3A_428 = tpu.sem_alloc : memref<!tpu.dma_semaphore, #tpu.memory_space<semaphore_mem>>
        %dma_start3A_429 = arith.constant 0 : i32
        %dma_start3A_430 = arith.constant 0 : i32
        %dma_start3A_431 = tpu.memref_slice %arg9[%run_scoped3A_360, %dma_start3A_429, %dma_start3A_430] : memref<2x128x128xf32, #tpu.memory_space<vmem>> -> memref<1x128x128xf32, #tpu.memory_space<vmem>>
        %dma_start3A_432 = tpu.memref_squeeze %dma_start3A_431 : memref<1x128x128xf32, #tpu.memory_space<vmem>> -> memref<128x128xf32, #tpu.memory_space<vmem>>
        %dma_start3A_433 = arith.constant 0 : i32
        %dma_start3A_434 = tpu.memref_slice %arg8[%run_scoped3A_361, %dma_start3A_433] : memref<16x128xi32, #tpu.memory_space<vmem>> -> memref<1x128xi32, #tpu.memory_space<vmem>>
        %dma_start3A_435 = tpu.memref_squeeze %dma_start3A_434 : memref<1x128xi32, #tpu.memory_space<vmem>> -> memref<128xi32, #tpu.memory_space<vmem>>
        %dma_start3A_436 = arith.constant 0 : i32
        %dma_start3A_437 = arith.constant 0 : i32
        %dma_start3A_438 = tpu.memref_slice %arg10[%dma_start3A_436, %dma_start3A_437] : memref<10240x128xf32, #tpu.memory_space<vmem_shared>> -> memref<10240x128xf32, #tpu.memory_space<vmem_shared>>
        tpu.enqueue_indirect_dma source(%dma_start3A_432 : memref<128x128xf32, #tpu.memory_space<vmem>>) target(%dma_start3A_438 : memref<10240x128xf32, #tpu.memory_space<vmem_shared>>) offsets(%dma_start3A_435 : memref<128xi32, #tpu.memory_space<vmem>>) semaphore(%run_scoped3A_428 : memref<!tpu.dma_semaphore, #tpu.memory_space<semaphore_mem>>) {add = true}
        %dma_wait3A_439 = arith.constant 0 : i32
        %dma_wait3A_440 = arith.constant 0 : i32
        %dma_wait3A_441 = tpu.memref_slice %arg9[%run_scoped3A_360, %dma_wait3A_439, %dma_wait3A_440] : memref<2x128x128xf32, #tpu.memory_space<vmem>> -> memref<1x128x128xf32, #tpu.memory_space<vmem>>
        %dma_wait3A_442 = tpu.memref_squeeze %dma_wait3A_441 : memref<1x128x128xf32, #tpu.memory_space<vmem>> -> memref<128x128xf32, #tpu.memory_space<vmem>>
        %dma_wait3A_443 = arith.constant 0 : i32
        %dma_wait3A_444 = tpu.memref_slice %arg8[%run_scoped3A_361, %dma_wait3A_443] : memref<16x128xi32, #tpu.memory_space<vmem>> -> memref<1x128xi32, #tpu.memory_space<vmem>>
        %dma_wait3A_445 = tpu.memref_squeeze %dma_wait3A_444 : memref<1x128xi32, #tpu.memory_space<vmem>> -> memref<128xi32, #tpu.memory_space<vmem>>
        %dma_wait3A_446 = arith.constant 0 : i32
        %dma_wait3A_447 = arith.constant 0 : i32
        %dma_wait3A_448 = tpu.memref_slice %arg10[%dma_wait3A_446, %dma_wait3A_447] : memref<10240x128xf32, #tpu.memory_space<vmem_shared>> -> memref<10240x128xf32, #tpu.memory_space<vmem_shared>>
        tpu.wait_indirect_dma semaphore(%run_scoped3A_428 : memref<!tpu.dma_semaphore, #tpu.memory_space<semaphore_mem>>) src(%dma_wait3A_442 : memref<128x128xf32, #tpu.memory_space<vmem>>) dst(%dma_wait3A_448 : memref<10240x128xf32, #tpu.memory_space<vmem_shared>>)
        tpu.yield
      }) : () -> ()
      %dma_start3A_362 = arith.constant 14 : i32
      %dma_start3A_363 = arith.constant 0 : i32
      %dma_start3A_364 = arith.constant 0 : i32
      %dma_start3A_365 = arith.constant 0 : i32
      %dma_start3A_366 = tpu.memref_slice %arg9[%dma_start3A_363, %dma_start3A_364, %dma_start3A_365] : memref<2x128x128xf32, #tpu.memory_space<vmem>> -> memref<1x128x128xf32, #tpu.memory_space<vmem>>
      %dma_start3A_367 = tpu.memref_squeeze %dma_start3A_366 : memref<1x128x128xf32, #tpu.memory_space<vmem>> -> memref<128x128xf32, #tpu.memory_space<vmem>>
      %dma_start3A_368 = arith.constant 0 : i32
      %dma_start3A_369 = tpu.memref_slice %arg7[%dma_start3A_362, %dma_start3A_368] : memref<16x128xi32, #tpu.memory_space<vmem>> -> memref<1x128xi32, #tpu.memory_space<vmem>>
      %dma_start3A_370 = tpu.memref_squeeze %dma_start3A_369 : memref<1x128xi32, #tpu.memory_space<vmem>> -> memref<128xi32, #tpu.memory_space<vmem>>
      %dma_start3A_371 = arith.constant 0 : i32
      %dma_start3A_372 = arith.constant 0 : i32
      %dma_start3A_373 = tpu.memref_slice %arg2[%dma_start3A_371, %dma_start3A_372] : memref<10240x128xf32, #tpu.memory_space<hbm>> -> memref<10240x128xf32, #tpu.memory_space<hbm>>
      tpu.enqueue_indirect_dma source(%dma_start3A_373 : memref<10240x128xf32, #tpu.memory_space<hbm>>) target(%dma_start3A_367 : memref<128x128xf32, #tpu.memory_space<vmem>>) offsets(%dma_start3A_370 : memref<128xi32, #tpu.memory_space<vmem>>) semaphore(%arg11 : memref<!tpu.dma_semaphore, #tpu.memory_space<semaphore_mem>>)
      %dma_wait3A_374 = arith.constant 13 : i32
      %dma_wait3A_375 = arith.constant 1 : i32
      %dma_wait3A_376 = arith.constant 0 : i32
      %dma_wait3A_377 = arith.constant 0 : i32
      %dma_wait3A_378 = tpu.memref_slice %arg9[%dma_wait3A_375, %dma_wait3A_376, %dma_wait3A_377] : memref<2x128x128xf32, #tpu.memory_space<vmem>> -> memref<1x128x128xf32, #tpu.memory_space<vmem>>
      %dma_wait3A_379 = tpu.memref_squeeze %dma_wait3A_378 : memref<1x128x128xf32, #tpu.memory_space<vmem>> -> memref<128x128xf32, #tpu.memory_space<vmem>>
      %dma_wait3A_380 = arith.constant 0 : i32
      %dma_wait3A_381 = tpu.memref_slice %arg7[%dma_wait3A_374, %dma_wait3A_380] : memref<16x128xi32, #tpu.memory_space<vmem>> -> memref<1x128xi32, #tpu.memory_space<vmem>>
      %dma_wait3A_382 = tpu.memref_squeeze %dma_wait3A_381 : memref<1x128xi32, #tpu.memory_space<vmem>> -> memref<128xi32, #tpu.memory_space<vmem>>
      %dma_wait3A_383 = arith.constant 0 : i32
      %dma_wait3A_384 = arith.constant 0 : i32
      %dma_wait3A_385 = tpu.memref_slice %arg2[%dma_wait3A_383, %dma_wait3A_384] : memref<10240x128xf32, #tpu.memory_space<hbm>> -> memref<10240x128xf32, #tpu.memory_space<hbm>>
      tpu.wait_indirect_dma semaphore(%arg12 : memref<!tpu.dma_semaphore, #tpu.memory_space<semaphore_mem>>) src(%dma_wait3A_385 : memref<10240x128xf32, #tpu.memory_space<hbm>>) dst(%dma_wait3A_379 : memref<128x128xf32, #tpu.memory_space<vmem>>)
      %run_scoped3A_386 = arith.constant 1 : i32
      %run_scoped3A_387 = arith.constant 13 : i32
      "tpu.region"() ({
        %run_scoped3A_428 = tpu.sem_alloc : memref<!tpu.dma_semaphore, #tpu.memory_space<semaphore_mem>>
        %dma_start3A_429 = arith.constant 0 : i32
        %dma_start3A_430 = arith.constant 0 : i32
        %dma_start3A_431 = tpu.memref_slice %arg9[%run_scoped3A_386, %dma_start3A_429, %dma_start3A_430] : memref<2x128x128xf32, #tpu.memory_space<vmem>> -> memref<1x128x128xf32, #tpu.memory_space<vmem>>
        %dma_start3A_432 = tpu.memref_squeeze %dma_start3A_431 : memref<1x128x128xf32, #tpu.memory_space<vmem>> -> memref<128x128xf32, #tpu.memory_space<vmem>>
        %dma_start3A_433 = arith.constant 0 : i32
        %dma_start3A_434 = tpu.memref_slice %arg8[%run_scoped3A_387, %dma_start3A_433] : memref<16x128xi32, #tpu.memory_space<vmem>> -> memref<1x128xi32, #tpu.memory_space<vmem>>
        %dma_start3A_435 = tpu.memref_squeeze %dma_start3A_434 : memref<1x128xi32, #tpu.memory_space<vmem>> -> memref<128xi32, #tpu.memory_space<vmem>>
        %dma_start3A_436 = arith.constant 0 : i32
        %dma_start3A_437 = arith.constant 0 : i32
        %dma_start3A_438 = tpu.memref_slice %arg10[%dma_start3A_436, %dma_start3A_437] : memref<10240x128xf32, #tpu.memory_space<vmem_shared>> -> memref<10240x128xf32, #tpu.memory_space<vmem_shared>>
        tpu.enqueue_indirect_dma source(%dma_start3A_432 : memref<128x128xf32, #tpu.memory_space<vmem>>) target(%dma_start3A_438 : memref<10240x128xf32, #tpu.memory_space<vmem_shared>>) offsets(%dma_start3A_435 : memref<128xi32, #tpu.memory_space<vmem>>) semaphore(%run_scoped3A_428 : memref<!tpu.dma_semaphore, #tpu.memory_space<semaphore_mem>>) {add = true}
        %dma_wait3A_439 = arith.constant 0 : i32
        %dma_wait3A_440 = arith.constant 0 : i32
        %dma_wait3A_441 = tpu.memref_slice %arg9[%run_scoped3A_386, %dma_wait3A_439, %dma_wait3A_440] : memref<2x128x128xf32, #tpu.memory_space<vmem>> -> memref<1x128x128xf32, #tpu.memory_space<vmem>>
        %dma_wait3A_442 = tpu.memref_squeeze %dma_wait3A_441 : memref<1x128x128xf32, #tpu.memory_space<vmem>> -> memref<128x128xf32, #tpu.memory_space<vmem>>
        %dma_wait3A_443 = arith.constant 0 : i32
        %dma_wait3A_444 = tpu.memref_slice %arg8[%run_scoped3A_387, %dma_wait3A_443] : memref<16x128xi32, #tpu.memory_space<vmem>> -> memref<1x128xi32, #tpu.memory_space<vmem>>
        %dma_wait3A_445 = tpu.memref_squeeze %dma_wait3A_444 : memref<1x128xi32, #tpu.memory_space<vmem>> -> memref<128xi32, #tpu.memory_space<vmem>>
        %dma_wait3A_446 = arith.constant 0 : i32
        %dma_wait3A_447 = arith.constant 0 : i32
        %dma_wait3A_448 = tpu.memref_slice %arg10[%dma_wait3A_446, %dma_wait3A_447] : memref<10240x128xf32, #tpu.memory_space<vmem_shared>> -> memref<10240x128xf32, #tpu.memory_space<vmem_shared>>
        tpu.wait_indirect_dma semaphore(%run_scoped3A_428 : memref<!tpu.dma_semaphore, #tpu.memory_space<semaphore_mem>>) src(%dma_wait3A_442 : memref<128x128xf32, #tpu.memory_space<vmem>>) dst(%dma_wait3A_448 : memref<10240x128xf32, #tpu.memory_space<vmem_shared>>)
        tpu.yield
      }) : () -> ()
      %dma_start3A_388 = arith.constant 15 : i32
      %dma_start3A_389 = arith.constant 1 : i32
      %dma_start3A_390 = arith.constant 0 : i32
      %dma_start3A_391 = arith.constant 0 : i32
      %dma_start3A_392 = tpu.memref_slice %arg9[%dma_start3A_389, %dma_start3A_390, %dma_start3A_391] : memref<2x128x128xf32, #tpu.memory_space<vmem>> -> memref<1x128x128xf32, #tpu.memory_space<vmem>>
      %dma_start3A_393 = tpu.memref_squeeze %dma_start3A_392 : memref<1x128x128xf32, #tpu.memory_space<vmem>> -> memref<128x128xf32, #tpu.memory_space<vmem>>
      %dma_start3A_394 = arith.constant 0 : i32
      %dma_start3A_395 = tpu.memref_slice %arg7[%dma_start3A_388, %dma_start3A_394] : memref<16x128xi32, #tpu.memory_space<vmem>> -> memref<1x128xi32, #tpu.memory_space<vmem>>
      %dma_start3A_396 = tpu.memref_squeeze %dma_start3A_395 : memref<1x128xi32, #tpu.memory_space<vmem>> -> memref<128xi32, #tpu.memory_space<vmem>>
      %dma_start3A_397 = arith.constant 0 : i32
      %dma_start3A_398 = arith.constant 0 : i32
      %dma_start3A_399 = tpu.memref_slice %arg2[%dma_start3A_397, %dma_start3A_398] : memref<10240x128xf32, #tpu.memory_space<hbm>> -> memref<10240x128xf32, #tpu.memory_space<hbm>>
      tpu.enqueue_indirect_dma source(%dma_start3A_399 : memref<10240x128xf32, #tpu.memory_space<hbm>>) target(%dma_start3A_393 : memref<128x128xf32, #tpu.memory_space<vmem>>) offsets(%dma_start3A_396 : memref<128xi32, #tpu.memory_space<vmem>>) semaphore(%arg12 : memref<!tpu.dma_semaphore, #tpu.memory_space<semaphore_mem>>)
      %dma_wait3A_400 = arith.constant 14 : i32
      %dma_wait3A_401 = arith.constant 0 : i32
      %dma_wait3A_402 = arith.constant 0 : i32
      %dma_wait3A_403 = arith.constant 0 : i32
      %dma_wait3A_404 = tpu.memref_slice %arg9[%dma_wait3A_401, %dma_wait3A_402, %dma_wait3A_403] : memref<2x128x128xf32, #tpu.memory_space<vmem>> -> memref<1x128x128xf32, #tpu.memory_space<vmem>>
      %dma_wait3A_405 = tpu.memref_squeeze %dma_wait3A_404 : memref<1x128x128xf32, #tpu.memory_space<vmem>> -> memref<128x128xf32, #tpu.memory_space<vmem>>
      %dma_wait3A_406 = arith.constant 0 : i32
      %dma_wait3A_407 = tpu.memref_slice %arg7[%dma_wait3A_400, %dma_wait3A_406] : memref<16x128xi32, #tpu.memory_space<vmem>> -> memref<1x128xi32, #tpu.memory_space<vmem>>
      %dma_wait3A_408 = tpu.memref_squeeze %dma_wait3A_407 : memref<1x128xi32, #tpu.memory_space<vmem>> -> memref<128xi32, #tpu.memory_space<vmem>>
      %dma_wait3A_409 = arith.constant 0 : i32
      %dma_wait3A_410 = arith.constant 0 : i32
      %dma_wait3A_411 = tpu.memref_slice %arg2[%dma_wait3A_409, %dma_wait3A_410] : memref<10240x128xf32, #tpu.memory_space<hbm>> -> memref<10240x128xf32, #tpu.memory_space<hbm>>
      tpu.wait_indirect_dma semaphore(%arg11 : memref<!tpu.dma_semaphore, #tpu.memory_space<semaphore_mem>>) src(%dma_wait3A_411 : memref<10240x128xf32, #tpu.memory_space<hbm>>) dst(%dma_wait3A_405 : memref<128x128xf32, #tpu.memory_space<vmem>>)
      %run_scoped3A_412 = arith.constant 0 : i32
      %run_scoped3A_413 = arith.constant 14 : i32
      "tpu.region"() ({
        %run_scoped3A_428 = tpu.sem_alloc : memref<!tpu.dma_semaphore, #tpu.memory_space<semaphore_mem>>
        %dma_start3A_429 = arith.constant 0 : i32
        %dma_start3A_430 = arith.constant 0 : i32
        %dma_start3A_431 = tpu.memref_slice %arg9[%run_scoped3A_412, %dma_start3A_429, %dma_start3A_430] : memref<2x128x128xf32, #tpu.memory_space<vmem>> -> memref<1x128x128xf32, #tpu.memory_space<vmem>>
        %dma_start3A_432 = tpu.memref_squeeze %dma_start3A_431 : memref<1x128x128xf32, #tpu.memory_space<vmem>> -> memref<128x128xf32, #tpu.memory_space<vmem>>
        %dma_start3A_433 = arith.constant 0 : i32
        %dma_start3A_434 = tpu.memref_slice %arg8[%run_scoped3A_413, %dma_start3A_433] : memref<16x128xi32, #tpu.memory_space<vmem>> -> memref<1x128xi32, #tpu.memory_space<vmem>>
        %dma_start3A_435 = tpu.memref_squeeze %dma_start3A_434 : memref<1x128xi32, #tpu.memory_space<vmem>> -> memref<128xi32, #tpu.memory_space<vmem>>
        %dma_start3A_436 = arith.constant 0 : i32
        %dma_start3A_437 = arith.constant 0 : i32
        %dma_start3A_438 = tpu.memref_slice %arg10[%dma_start3A_436, %dma_start3A_437] : memref<10240x128xf32, #tpu.memory_space<vmem_shared>> -> memref<10240x128xf32, #tpu.memory_space<vmem_shared>>
        tpu.enqueue_indirect_dma source(%dma_start3A_432 : memref<128x128xf32, #tpu.memory_space<vmem>>) target(%dma_start3A_438 : memref<10240x128xf32, #tpu.memory_space<vmem_shared>>) offsets(%dma_start3A_435 : memref<128xi32, #tpu.memory_space<vmem>>) semaphore(%run_scoped3A_428 : memref<!tpu.dma_semaphore, #tpu.memory_space<semaphore_mem>>) {add = true}
        %dma_wait3A_439 = arith.constant 0 : i32
        %dma_wait3A_440 = arith.constant 0 : i32
        %dma_wait3A_441 = tpu.memref_slice %arg9[%run_scoped3A_412, %dma_wait3A_439, %dma_wait3A_440] : memref<2x128x128xf32, #tpu.memory_space<vmem>> -> memref<1x128x128xf32, #tpu.memory_space<vmem>>
        %dma_wait3A_442 = tpu.memref_squeeze %dma_wait3A_441 : memref<1x128x128xf32, #tpu.memory_space<vmem>> -> memref<128x128xf32, #tpu.memory_space<vmem>>
        %dma_wait3A_443 = arith.constant 0 : i32
        %dma_wait3A_444 = tpu.memref_slice %arg8[%run_scoped3A_413, %dma_wait3A_443] : memref<16x128xi32, #tpu.memory_space<vmem>> -> memref<1x128xi32, #tpu.memory_space<vmem>>
        %dma_wait3A_445 = tpu.memref_squeeze %dma_wait3A_444 : memref<1x128xi32, #tpu.memory_space<vmem>> -> memref<128xi32, #tpu.memory_space<vmem>>
        %dma_wait3A_446 = arith.constant 0 : i32
        %dma_wait3A_447 = arith.constant 0 : i32
        %dma_wait3A_448 = tpu.memref_slice %arg10[%dma_wait3A_446, %dma_wait3A_447] : memref<10240x128xf32, #tpu.memory_space<vmem_shared>> -> memref<10240x128xf32, #tpu.memory_space<vmem_shared>>
        tpu.wait_indirect_dma semaphore(%run_scoped3A_428 : memref<!tpu.dma_semaphore, #tpu.memory_space<semaphore_mem>>) src(%dma_wait3A_442 : memref<128x128xf32, #tpu.memory_space<vmem>>) dst(%dma_wait3A_448 : memref<10240x128xf32, #tpu.memory_space<vmem_shared>>)
        tpu.yield
      }) : () -> ()
      %dma_wait3A_414 = arith.constant 15 : i32
      %dma_wait3A_415 = arith.constant 1 : i32
      %dma_wait3A_416 = arith.constant 0 : i32
      %dma_wait3A_417 = arith.constant 0 : i32
      %dma_wait3A_418 = tpu.memref_slice %arg9[%dma_wait3A_415, %dma_wait3A_416, %dma_wait3A_417] : memref<2x128x128xf32, #tpu.memory_space<vmem>> -> memref<1x128x128xf32, #tpu.memory_space<vmem>>
      %dma_wait3A_419 = tpu.memref_squeeze %dma_wait3A_418 : memref<1x128x128xf32, #tpu.memory_space<vmem>> -> memref<128x128xf32, #tpu.memory_space<vmem>>
      %dma_wait3A_420 = arith.constant 0 : i32
      %dma_wait3A_421 = tpu.memref_slice %arg7[%dma_wait3A_414, %dma_wait3A_420] : memref<16x128xi32, #tpu.memory_space<vmem>> -> memref<1x128xi32, #tpu.memory_space<vmem>>
      %dma_wait3A_422 = tpu.memref_squeeze %dma_wait3A_421 : memref<1x128xi32, #tpu.memory_space<vmem>> -> memref<128xi32, #tpu.memory_space<vmem>>
      %dma_wait3A_423 = arith.constant 0 : i32
      %dma_wait3A_424 = arith.constant 0 : i32
      %dma_wait3A_425 = tpu.memref_slice %arg2[%dma_wait3A_423, %dma_wait3A_424] : memref<10240x128xf32, #tpu.memory_space<hbm>> -> memref<10240x128xf32, #tpu.memory_space<hbm>>
      tpu.wait_indirect_dma semaphore(%arg12 : memref<!tpu.dma_semaphore, #tpu.memory_space<semaphore_mem>>) src(%dma_wait3A_425 : memref<10240x128xf32, #tpu.memory_space<hbm>>) dst(%dma_wait3A_419 : memref<128x128xf32, #tpu.memory_space<vmem>>)
      %run_scoped3A_426 = arith.constant 1 : i32
      %run_scoped3A_427 = arith.constant 15 : i32
      "tpu.region"() ({
        %run_scoped3A_428 = tpu.sem_alloc : memref<!tpu.dma_semaphore, #tpu.memory_space<semaphore_mem>>
        %dma_start3A_429 = arith.constant 0 : i32
        %dma_start3A_430 = arith.constant 0 : i32
        %dma_start3A_431 = tpu.memref_slice %arg9[%run_scoped3A_426, %dma_start3A_429, %dma_start3A_430] : memref<2x128x128xf32, #tpu.memory_space<vmem>> -> memref<1x128x128xf32, #tpu.memory_space<vmem>>
        %dma_start3A_432 = tpu.memref_squeeze %dma_start3A_431 : memref<1x128x128xf32, #tpu.memory_space<vmem>> -> memref<128x128xf32, #tpu.memory_space<vmem>>
        %dma_start3A_433 = arith.constant 0 : i32
        %dma_start3A_434 = tpu.memref_slice %arg8[%run_scoped3A_427, %dma_start3A_433] : memref<16x128xi32, #tpu.memory_space<vmem>> -> memref<1x128xi32, #tpu.memory_space<vmem>>
        %dma_start3A_435 = tpu.memref_squeeze %dma_start3A_434 : memref<1x128xi32, #tpu.memory_space<vmem>> -> memref<128xi32, #tpu.memory_space<vmem>>
        %dma_start3A_436 = arith.constant 0 : i32
        %dma_start3A_437 = arith.constant 0 : i32
        %dma_start3A_438 = tpu.memref_slice %arg10[%dma_start3A_436, %dma_start3A_437] : memref<10240x128xf32, #tpu.memory_space<vmem_shared>> -> memref<10240x128xf32, #tpu.memory_space<vmem_shared>>
        tpu.enqueue_indirect_dma source(%dma_start3A_432 : memref<128x128xf32, #tpu.memory_space<vmem>>) target(%dma_start3A_438 : memref<10240x128xf32, #tpu.memory_space<vmem_shared>>) offsets(%dma_start3A_435 : memref<128xi32, #tpu.memory_space<vmem>>) semaphore(%run_scoped3A_428 : memref<!tpu.dma_semaphore, #tpu.memory_space<semaphore_mem>>) {add = true}
        %dma_wait3A_439 = arith.constant 0 : i32
        %dma_wait3A_440 = arith.constant 0 : i32
        %dma_wait3A_441 = tpu.memref_slice %arg9[%run_scoped3A_426, %dma_wait3A_439, %dma_wait3A_440] : memref<2x128x128xf32, #tpu.memory_space<vmem>> -> memref<1x128x128xf32, #tpu.memory_space<vmem>>
        %dma_wait3A_442 = tpu.memref_squeeze %dma_wait3A_441 : memref<1x128x128xf32, #tpu.memory_space<vmem>> -> memref<128x128xf32, #tpu.memory_space<vmem>>
        %dma_wait3A_443 = arith.constant 0 : i32
        %dma_wait3A_444 = tpu.memref_slice %arg8[%run_scoped3A_427, %dma_wait3A_443] : memref<16x128xi32, #tpu.memory_space<vmem>> -> memref<1x128xi32, #tpu.memory_space<vmem>>
        %dma_wait3A_445 = tpu.memref_squeeze %dma_wait3A_444 : memref<1x128xi32, #tpu.memory_space<vmem>> -> memref<128xi32, #tpu.memory_space<vmem>>
        %dma_wait3A_446 = arith.constant 0 : i32
        %dma_wait3A_447 = arith.constant 0 : i32
        %dma_wait3A_448 = tpu.memref_slice %arg10[%dma_wait3A_446, %dma_wait3A_447] : memref<10240x128xf32, #tpu.memory_space<vmem_shared>> -> memref<10240x128xf32, #tpu.memory_space<vmem_shared>>
        tpu.wait_indirect_dma semaphore(%run_scoped3A_428 : memref<!tpu.dma_semaphore, #tpu.memory_space<semaphore_mem>>) src(%dma_wait3A_442 : memref<128x128xf32, #tpu.memory_space<vmem>>) dst(%dma_wait3A_448 : memref<10240x128xf32, #tpu.memory_space<vmem_shared>>)
        tpu.yield
      }) : () -> ()
    }
    %scan3A_9 = arith.constant 5 : i32
    %barrier3A_10 = arith.constant 0 : index
    tpu.barrier barrier_id(%barrier3A_10)
    "tpu.region"() ({
      %run_scoped3A = tpu.sem_alloc : memref<!tpu.dma_semaphore, #tpu.memory_space<semaphore_mem>>
      %dma_start3A = arith.constant 0 : i32
      %dma_start3A_11 = tpu.memref_slice %arg6[%arg0, %mul3A_0, %dma_start3A] : memref<2x10240x128xf32, #tpu.memory_space<hbm>> -> memref<1x640x128xf32, #tpu.memory_space<hbm>>
      %dma_start3A_12 = tpu.memref_squeeze %dma_start3A_11 : memref<1x640x128xf32, #tpu.memory_space<hbm>> -> memref<640x128xf32, #tpu.memory_space<hbm>>
      %dma_start3A_13 = arith.constant 0 : i32
      %dma_start3A_14 = tpu.memref_slice %arg10[%mul3A_0, %dma_start3A_13] : memref<10240x128xf32, #tpu.memory_space<vmem_shared>> -> memref<640x128xf32, #tpu.memory_space<vmem_shared>>
      tpu.enqueue_dma source(%dma_start3A_14 : memref<640x128xf32, #tpu.memory_space<vmem_shared>>) target(%dma_start3A_12 : memref<640x128xf32, #tpu.memory_space<hbm>>) target_semaphore(%run_scoped3A : memref<!tpu.dma_semaphore, #tpu.memory_space<semaphore_mem>>)
      %dma_wait3A = arith.constant 0 : i32
      %dma_wait3A_15 = tpu.memref_slice %arg6[%arg0, %mul3A_0, %dma_wait3A] : memref<2x10240x128xf32, #tpu.memory_space<hbm>> -> memref<1x640x128xf32, #tpu.memory_space<hbm>>
      %dma_wait3A_16 = tpu.memref_squeeze %dma_wait3A_15 : memref<1x640x128xf32, #tpu.memory_space<hbm>> -> memref<640x128xf32, #tpu.memory_space<hbm>>
      %dma_wait3A_17 = arith.constant 0 : i32
      %dma_wait3A_18 = tpu.memref_slice %arg10[%mul3A_0, %dma_wait3A_17] : memref<10240x128xf32, #tpu.memory_space<vmem_shared>> -> memref<640x128xf32, #tpu.memory_space<vmem_shared>>
      tpu.wait_dma2 semaphore(%run_scoped3A : memref<!tpu.dma_semaphore, #tpu.memory_space<semaphore_mem>>) src(%dma_wait3A_18 : memref<640x128xf32, #tpu.memory_space<vmem_shared>>) dst(%dma_wait3A_16 : memref<640x128xf32, #tpu.memory_space<hbm>>)
      tpu.yield
    }) : () -> ()
    return
  }
}

module attributes {stable_mosaic.version = 14 : i64} {
  func.func @_prep1_body(%arg0: i32, %arg1: memref<256x128xi32, #tpu.memory_space<vmem>>, %arg2: memref<1x256x128xf32, #tpu.memory_space<vmem>>, %arg3: memref<128x128xf32, #tpu.memory_space<vmem>>, %arg4: memref<256x128xf32, #tpu.memory_space<vmem>>) attributes {dimension_semantics = [#tpu.dimension_semantics<arbitrary>], iteration_bounds = array<i64: 40>, scalar_prefetch = 0 : i64, scratch_operands = 0 : i64, tpu.core_type = #tpu.core_type<tc>, window_params = [{transform_indices = @transform_0, window_bounds = array<i64: 256, 128>}, {transform_indices = @transform_1, window_bounds = array<i64: 1, 256, 128>}, {pipeline_mode = #tpu.pipeline_mode<synchronous>, transform_indices = @transform_2, window_bounds = array<i64: 128, 128>}, {transform_indices = @transform_3, window_bounds = array<i64: 256, 128>}]} {
    %get3A = arith.constant 0 : index
    %get3A_0 = arith.constant 0 : index
    %get3A_1 = vector.load %arg1[%get3A, %get3A_0] : memref<256x128xi32, #tpu.memory_space<vmem>>, vector<256x128xi32>
    %iota3A = tpu.iota {dimensions = array<i32: 1>} : vector<256x128xi32>
    %broadcast_in_dim3A = arith.constant 0.000000e+00 : f32
    %broadcast_in_dim3A_2 = vector.broadcast %broadcast_in_dim3A : f32 to vector<256x128xf32>
    %slice3A = vector.extract_strided_slice %get3A_1 {offsets = [0, 0], sizes = [256, 1], strides = [1, 1]} : vector<256x128xi32> to vector<256x1xi32>
    %squeeze3A = vector.shape_cast %slice3A : vector<256x1xi32> to vector<256xi32>
    %broadcast_in_dim3A_3 = vector.shape_cast %squeeze3A : vector<256xi32> to vector<256x1xi32>
    %eq3A = vector.broadcast %broadcast_in_dim3A_3 : vector<256x1xi32> to vector<256x128xi32>
    %eq3A_4 = arith.cmpi eq, %eq3A, %iota3A : vector<256x128xi32>
    %convert_element_type3A = arith.extui %eq3A_4 : vector<256x128xi1> to vector<256x128xi32>
    %convert_element_type3A_5 = arith.sitofp %convert_element_type3A : vector<256x128xi32> to vector<256x128xf32>
    %add3A = arith.addf %broadcast_in_dim3A_2, %convert_element_type3A_5 : vector<256x128xf32>
    %slice3A_6 = vector.extract_strided_slice %get3A_1 {offsets = [0, 1], sizes = [256, 1], strides = [1, 1]} : vector<256x128xi32> to vector<256x1xi32>
    %squeeze3A_7 = vector.shape_cast %slice3A_6 : vector<256x1xi32> to vector<256xi32>
    %broadcast_in_dim3A_8 = vector.shape_cast %squeeze3A_7 : vector<256xi32> to vector<256x1xi32>
    %eq3A_9 = vector.broadcast %broadcast_in_dim3A_8 : vector<256x1xi32> to vector<256x128xi32>
    %eq3A_10 = arith.cmpi eq, %eq3A_9, %iota3A : vector<256x128xi32>
    %convert_element_type3A_11 = arith.extui %eq3A_10 : vector<256x128xi1> to vector<256x128xi32>
    %convert_element_type3A_12 = arith.sitofp %convert_element_type3A_11 : vector<256x128xi32> to vector<256x128xf32>
    %add3A_13 = arith.addf %add3A, %convert_element_type3A_12 : vector<256x128xf32>
    %slice3A_14 = vector.extract_strided_slice %get3A_1 {offsets = [0, 2], sizes = [256, 1], strides = [1, 1]} : vector<256x128xi32> to vector<256x1xi32>
    %squeeze3A_15 = vector.shape_cast %slice3A_14 : vector<256x1xi32> to vector<256xi32>
    %broadcast_in_dim3A_16 = vector.shape_cast %squeeze3A_15 : vector<256xi32> to vector<256x1xi32>
    %eq3A_17 = vector.broadcast %broadcast_in_dim3A_16 : vector<256x1xi32> to vector<256x128xi32>
    %eq3A_18 = arith.cmpi eq, %eq3A_17, %iota3A : vector<256x128xi32>
    %convert_element_type3A_19 = arith.extui %eq3A_18 : vector<256x128xi1> to vector<256x128xi32>
    %convert_element_type3A_20 = arith.sitofp %convert_element_type3A_19 : vector<256x128xi32> to vector<256x128xf32>
    %add3A_21 = arith.addf %add3A_13, %convert_element_type3A_20 : vector<256x128xf32>
    %slice3A_22 = vector.extract_strided_slice %get3A_1 {offsets = [0, 3], sizes = [256, 1], strides = [1, 1]} : vector<256x128xi32> to vector<256x1xi32>
    %squeeze3A_23 = vector.shape_cast %slice3A_22 : vector<256x1xi32> to vector<256xi32>
    %broadcast_in_dim3A_24 = vector.shape_cast %squeeze3A_23 : vector<256xi32> to vector<256x1xi32>
    %eq3A_25 = vector.broadcast %broadcast_in_dim3A_24 : vector<256x1xi32> to vector<256x128xi32>
    %eq3A_26 = arith.cmpi eq, %eq3A_25, %iota3A : vector<256x128xi32>
    %convert_element_type3A_27 = arith.extui %eq3A_26 : vector<256x128xi1> to vector<256x128xi32>
    %convert_element_type3A_28 = arith.sitofp %convert_element_type3A_27 : vector<256x128xi32> to vector<256x128xf32>
    %add3A_29 = arith.addf %add3A_21, %convert_element_type3A_28 : vector<256x128xf32>
    %get3A_30 = arith.constant 0 : index
    %get3A_31 = arith.constant 0 : index
    %get3A_32 = vector.load %arg3[%get3A_30, %get3A_31] : memref<128x128xf32, #tpu.memory_space<vmem>>, vector<128x128xf32>
    %dot_general3A = arith.constant dense<0.000000e+00> : vector<256x128xf32>
    %dot_general3A_33 = tpu.matmul %add3A_29, %get3A_32, %dot_general3A {dimension_numbers = #tpu.dot_dimension_numbers<[1], [0], [0], [1], [0, 0, 1, 1], [], []>, transpose_lhs_hint = false} : vector<256x128xf32>, vector<128x128xf32>, vector<256x128xf32> -> vector<256x128xf32>
    %get3A_34 = arith.constant 0 : index
    %get3A_35 = arith.constant 0 : index
    %get3A_36 = arith.constant 0 : index
    %get3A_37 = vector.load %arg2[%get3A_34, %get3A_35, %get3A_36] : memref<1x256x128xf32, #tpu.memory_space<vmem>>, vector<1x256x128xf32>
    %get3A_38 = vector.shape_cast %get3A_37 : vector<1x256x128xf32> to vector<256x128xf32>
    %slice3A_39 = vector.extract_strided_slice %get3A_38 {offsets = [0, 0], sizes = [256, 1], strides = [1, 1]} : vector<256x128xf32> to vector<256x1xf32>
    %max3A = arith.constant 1.000000e+00 : f32
    %max3A_40 = vector.broadcast %max3A : f32 to vector<256x1xf32>
    %max3A_41 = arith.maximumf %slice3A_39, %max3A_40 : vector<256x1xf32>
    %rsqrt3A = math.rsqrt %max3A_41 : vector<256x1xf32>
    %mul3A = vector.broadcast %rsqrt3A : vector<256x1xf32> to vector<256x128xf32>
    %mul3A_42 = arith.mulf %dot_general3A_33, %mul3A : vector<256x128xf32>
    %swap3A = arith.constant 0 : index
    %swap3A_43 = arith.constant 0 : index
    %swap3A_44 = vector.load %arg4[%swap3A, %swap3A_43] : memref<256x128xf32, #tpu.memory_space<vmem>>, vector<256x128xf32>
    tpu.vector_store %arg4[%swap3A, %swap3A_43], %mul3A_42 {strides = array<i32>} : memref<256x128xf32, #tpu.memory_space<vmem>>, vector<256x128xf32>,
    return
  }
  func.func @transform_0(%arg0: i32) -> (i32, i32) {
    %c0_i32 = arith.constant 0 : i32
    %c0_i32_0 = arith.constant 0 : i32
    return %arg0, %c0_i32 : i32, i32
  }
  func.func @transform_1(%arg0: i32) -> (i32, i32, i32) {
    %c0_i32 = arith.constant 0 : i32
    %c0_i32_0 = arith.constant 0 : i32
    %c0_i32_1 = arith.constant 0 : i32
    return %c0_i32, %arg0, %c0_i32_0 : i32, i32, i32
  }
  func.func @transform_2(%arg0: i32) -> (i32, i32) {
    %c0_i32 = arith.constant 0 : i32
    %c0_i32_0 = arith.constant 0 : i32
    %c0_i32_1 = arith.constant 0 : i32
    return %c0_i32, %c0_i32_0 : i32, i32
  }
  func.func @transform_3(%arg0: i32) -> (i32, i32) {
    %c0_i32 = arith.constant 0 : i32
    %c0_i32_0 = arith.constant 0 : i32
    return %arg0, %c0_i32 : i32, i32
  }
}

module attributes {stable_mosaic.version = 14 : i64} {
  func.func @_mid_body(%arg0: i32, %arg1: memref<2x256x128xf32, #tpu.memory_space<vmem>>, %arg2: memref<2x256x128xf32, #tpu.memory_space<vmem>>, %arg3: memref<1x128xf32, #tpu.memory_space<vmem>>, %arg4: memref<128x128xf32, #tpu.memory_space<vmem>>, %arg5: memref<256x128xf32, #tpu.memory_space<vmem>>) attributes {dimension_semantics = [#tpu.dimension_semantics<arbitrary>], iteration_bounds = array<i64: 40>, scalar_prefetch = 0 : i64, scratch_operands = 0 : i64, tpu.core_type = #tpu.core_type<tc>, window_params = [{transform_indices = @transform_0, window_bounds = array<i64: 2, 256, 128>}, {transform_indices = @transform_1, window_bounds = array<i64: 2, 256, 128>}, {pipeline_mode = #tpu.pipeline_mode<synchronous>, transform_indices = @transform_2, window_bounds = array<i64: 1, 128>}, {pipeline_mode = #tpu.pipeline_mode<synchronous>, transform_indices = @transform_3, window_bounds = array<i64: 128, 128>}, {transform_indices = @transform_4, window_bounds = array<i64: 256, 128>}]} {
    %get3A = arith.constant 0 : index
    %get3A_0 = arith.constant 0 : index
    %get3A_1 = arith.constant 0 : index
    %get3A_2 = vector.load %arg1[%get3A, %get3A_0, %get3A_1] : memref<2x256x128xf32, #tpu.memory_space<vmem>>, vector<1x256x128xf32>
    %get3A_3 = vector.shape_cast %get3A_2 : vector<1x256x128xf32> to vector<256x128xf32>
    %get3A_4 = arith.constant 1 : index
    %get3A_5 = arith.constant 0 : index
    %get3A_6 = arith.constant 0 : index
    %get3A_7 = vector.load %arg1[%get3A_4, %get3A_5, %get3A_6] : memref<2x256x128xf32, #tpu.memory_space<vmem>>, vector<1x256x128xf32>
    %get3A_8 = vector.shape_cast %get3A_7 : vector<1x256x128xf32> to vector<256x128xf32>
    %add3A = arith.addf %get3A_3, %get3A_8 : vector<256x128xf32>
    %get3A_9 = arith.constant 1 : index
    %get3A_10 = arith.constant 0 : index
    %get3A_11 = arith.constant 0 : index
    %get3A_12 = vector.load %arg2[%get3A_9, %get3A_10, %get3A_11] : memref<2x256x128xf32, #tpu.memory_space<vmem>>, vector<1x256x128xf32>
    %get3A_13 = vector.shape_cast %get3A_12 : vector<1x256x128xf32> to vector<256x128xf32>
    %slice3A = vector.extract_strided_slice %get3A_13 {offsets = [0, 0], sizes = [256, 1], strides = [1, 1]} : vector<256x128xf32> to vector<256x1xf32>
    %max3A = arith.constant 1.000000e+00 : f32
    %max3A_14 = vector.broadcast %max3A : f32 to vector<256x1xf32>
    %max3A_15 = arith.maximumf %slice3A, %max3A_14 : vector<256x1xf32>
    %rsqrt3A = math.rsqrt %max3A_15 : vector<256x1xf32>
    %mul3A = vector.broadcast %rsqrt3A : vector<256x1xf32> to vector<256x128xf32>
    %mul3A_16 = arith.mulf %add3A, %mul3A : vector<256x128xf32>
    %get3A_17 = arith.constant 0 : index
    %get3A_18 = arith.constant 0 : index
    %get3A_19 = vector.load %arg3[%get3A_17, %get3A_18] : memref<1x128xf32, #tpu.memory_space<vmem>>, vector<1x128xf32>
    %add3A_20 = vector.broadcast %get3A_19 : vector<1x128xf32> to vector<256x128xf32>
    %add3A_21 = arith.addf %mul3A_16, %add3A_20 : vector<256x128xf32>
    %max3A_22 = arith.constant 0.000000e+00 : f32
    %max3A_23 = vector.broadcast %max3A_22 : f32 to vector<256x128xf32>
    %max3A_24 = arith.maximumf %add3A_21, %max3A_23 : vector<256x128xf32>
    %get3A_25 = arith.constant 0 : index
    %get3A_26 = arith.constant 0 : index
    %get3A_27 = vector.load %arg4[%get3A_25, %get3A_26] : memref<128x128xf32, #tpu.memory_space<vmem>>, vector<128x128xf32>
    %dot_general3A = arith.constant dense<0.000000e+00> : vector<256x128xf32>
    %dot_general3A_28 = tpu.matmul %max3A_24, %get3A_27, %dot_general3A {dimension_numbers = #tpu.dot_dimension_numbers<[1], [0], [0], [1], [0, 0, 1, 1], [], []>, transpose_lhs_hint = false} : vector<256x128xf32>, vector<128x128xf32>, vector<256x128xf32> -> vector<256x128xf32>
    %get3A_29 = arith.constant 0 : index
    %get3A_30 = arith.constant 0 : index
    %get3A_31 = arith.constant 0 : index
    %get3A_32 = vector.load %arg2[%get3A_29, %get3A_30, %get3A_31] : memref<2x256x128xf32, #tpu.memory_space<vmem>>, vector<1x256x128xf32>
    %get3A_33 = vector.shape_cast %get3A_32 : vector<1x256x128xf32> to vector<256x128xf32>
    %slice3A_34 = vector.extract_strided_slice %get3A_33 {offsets = [0, 0], sizes = [256, 1], strides = [1, 1]} : vector<256x128xf32> to vector<256x1xf32>
    %max3A_35 = arith.constant 1.000000e+00 : f32
    %max3A_36 = vector.broadcast %max3A_35 : f32 to vector<256x1xf32>
    %max3A_37 = arith.maximumf %slice3A_34, %max3A_36 : vector<256x1xf32>
    %rsqrt3A_38 = math.rsqrt %max3A_37 : vector<256x1xf32>
    %mul3A_39 = vector.broadcast %rsqrt3A_38 : vector<256x1xf32> to vector<256x128xf32>
    %mul3A_40 = arith.mulf %dot_general3A_28, %mul3A_39 : vector<256x128xf32>
    %swap3A = arith.constant 0 : index
    %swap3A_41 = arith.constant 0 : index
    %swap3A_42 = vector.load %arg5[%swap3A, %swap3A_41] : memref<256x128xf32, #tpu.memory_space<vmem>>, vector<256x128xf32>
    tpu.vector_store %arg5[%swap3A, %swap3A_41], %mul3A_40 {strides = array<i32>} : memref<256x128xf32, #tpu.memory_space<vmem>>, vector<256x128xf32>,
    return
  }
  func.func @transform_0(%arg0: i32) -> (i32, i32, i32) {
    %c0_i32 = arith.constant 0 : i32
    %c0_i32_0 = arith.constant 0 : i32
    %c0_i32_1 = arith.constant 0 : i32
    return %c0_i32, %arg0, %c0_i32_0 : i32, i32, i32
  }
  func.func @transform_1(%arg0: i32) -> (i32, i32, i32) {
    %c0_i32 = arith.constant 0 : i32
    %c0_i32_0 = arith.constant 0 : i32
    %c0_i32_1 = arith.constant 0 : i32
    return %c0_i32, %arg0, %c0_i32_0 : i32, i32, i32
  }
  func.func @transform_2(%arg0: i32) -> (i32, i32) {
    %c0_i32 = arith.constant 0 : i32
    %c0_i32_0 = arith.constant 0 : i32
    %c0_i32_1 = arith.constant 0 : i32
    return %c0_i32, %c0_i32_0 : i32, i32
  }
  func.func @transform_3(%arg0: i32) -> (i32, i32) {
    %c0_i32 = arith.constant 0 : i32
    %c0_i32_0 = arith.constant 0 : i32
    %c0_i32_1 = arith.constant 0 : i32
    return %c0_i32, %c0_i32_0 : i32, i32
  }
  func.func @transform_4(%arg0: i32) -> (i32, i32) {
    %c0_i32 = arith.constant 0 : i32
    %c0_i32_0 = arith.constant 0 : i32
    return %arg0, %c0_i32 : i32, i32
  }
}

module attributes {stable_mosaic.version = 14 : i64} {
  func.func @_final_body(%arg0: i32, %arg1: memref<2x256x128xf32, #tpu.memory_space<vmem>>, %arg2: memref<1x256x128xf32, #tpu.memory_space<vmem>>, %arg3: memref<1x128xf32, #tpu.memory_space<vmem>>, %arg4: memref<1x1x256xi32, #tpu.memory_space<vmem>>, %arg5: memref<64x128xf32, #tpu.memory_space<vmem>>, %arg6: memref<8x128xf32, #tpu.memory_space<vmem>>) attributes {dimension_semantics = [#tpu.dimension_semantics<arbitrary>], iteration_bounds = array<i64: 40>, scalar_prefetch = 0 : i64, scratch_operands = 0 : i64, tpu.core_type = #tpu.core_type<tc>, window_params = [{transform_indices = @transform_0, window_bounds = array<i64: 2, 256, 128>}, {transform_indices = @transform_1, window_bounds = array<i64: 1, 256, 128>}, {pipeline_mode = #tpu.pipeline_mode<synchronous>, transform_indices = @transform_2, window_bounds = array<i64: 1, 128>}, {transform_indices = @transform_3, window_bounds = array<i64: 1, 1, 256>}, {pipeline_mode = #tpu.pipeline_mode<synchronous>, transform_indices = @transform_4, window_bounds = array<i64: 64, 128>}, {pipeline_mode = #tpu.pipeline_mode<synchronous>, transform_indices = @transform_5, window_bounds = array<i64: 8, 128>}]} {
    %get3A = arith.constant 0 : index
    %get3A_0 = arith.constant 0 : index
    %get3A_1 = arith.constant 0 : index
    %get3A_2 = vector.load %arg1[%get3A, %get3A_0, %get3A_1] : memref<2x256x128xf32, #tpu.memory_space<vmem>>, vector<1x256x128xf32>
    %get3A_3 = vector.shape_cast %get3A_2 : vector<1x256x128xf32> to vector<256x128xf32>
    %get3A_4 = arith.constant 1 : index
    %get3A_5 = arith.constant 0 : index
    %get3A_6 = arith.constant 0 : index
    %get3A_7 = vector.load %arg1[%get3A_4, %get3A_5, %get3A_6] : memref<2x256x128xf32, #tpu.memory_space<vmem>>, vector<1x256x128xf32>
    %get3A_8 = vector.shape_cast %get3A_7 : vector<1x256x128xf32> to vector<256x128xf32>
    %add3A = arith.addf %get3A_3, %get3A_8 : vector<256x128xf32>
    %get3A_9 = arith.constant 0 : index
    %get3A_10 = arith.constant 0 : index
    %get3A_11 = arith.constant 0 : index
    %get3A_12 = vector.load %arg2[%get3A_9, %get3A_10, %get3A_11] : memref<1x256x128xf32, #tpu.memory_space<vmem>>, vector<1x256x128xf32>
    %get3A_13 = vector.shape_cast %get3A_12 : vector<1x256x128xf32> to vector<256x128xf32>
    %slice3A = vector.extract_strided_slice %get3A_13 {offsets = [0, 0], sizes = [256, 1], strides = [1, 1]} : vector<256x128xf32> to vector<256x1xf32>
    %max3A = arith.constant 1.000000e+00 : f32
    %max3A_14 = vector.broadcast %max3A : f32 to vector<256x1xf32>
    %max3A_15 = arith.maximumf %slice3A, %max3A_14 : vector<256x1xf32>
    %rsqrt3A = math.rsqrt %max3A_15 : vector<256x1xf32>
    %mul3A = vector.broadcast %rsqrt3A : vector<256x1xf32> to vector<256x128xf32>
    %mul3A_16 = arith.mulf %add3A, %mul3A : vector<256x128xf32>
    %get3A_17 = arith.constant 0 : index
    %get3A_18 = arith.constant 0 : index
    %get3A_19 = vector.load %arg3[%get3A_17, %get3A_18] : memref<1x128xf32, #tpu.memory_space<vmem>>, vector<1x128xf32>
    %add3A_20 = vector.broadcast %get3A_19 : vector<1x128xf32> to vector<256x128xf32>
    %add3A_21 = arith.addf %mul3A_16, %add3A_20 : vector<256x128xf32>
    %iota3A = tpu.iota {dimensions = array<i32: 0>} : vector<256x1xi32>
    %mul3A_22 = arith.constant 256 : i32
    %mul3A_23 = arith.muli %arg0, %mul3A_22 : i32
    %add3A_24 = vector.broadcast %mul3A_23 : i32 to vector<256x1xi32>
    %add3A_25 = arith.addi %iota3A, %add3A_24 : vector<256x1xi32>
    %lt3A = arith.constant 10000 : i32
    %lt3A_26 = vector.broadcast %lt3A : i32 to vector<256x1xi32>
    %lt3A_27 = arith.cmpi slt, %add3A_25, %lt3A_26 : vector<256x1xi32>
    %jit3A = arith.constant 0.000000e+00 : f32
    %broadcast_in_dim3A = vector.shape_cast %lt3A_27 : vector<256x1xi1> to vector<256x1xi1>
    %broadcast_in_dim3A_28 = vector.broadcast %broadcast_in_dim3A : vector<256x1xi1> to vector<256x128xi1>
    %broadcast_in_dim3A_29 = vector.broadcast %jit3A : f32 to vector<256x128xf32>
    %select_n3A = arith.select %broadcast_in_dim3A_28, %add3A_21, %broadcast_in_dim3A_29 : vector<256x128xi1>, vector<256x128xf32>
    %mul3A_30 = arith.mulf %select_n3A, %select_n3A : vector<256x128xf32>
    %reduce_sum3A = arith.constant dense<0.000000e+00> : vector<256xf32>
    %reduce_sum3A_31 = vector.multi_reduction <add>, %mul3A_30, %reduce_sum3A [1] : vector<256x128xf32> to vector<256xf32>
    %broadcast_in_dim3A_32 = vector.shape_cast %reduce_sum3A_31 : vector<256xf32> to vector<256x1xf32>
    %sqrt3A = math.sqrt %broadcast_in_dim3A_32 : vector<256x1xf32>
    %reduce_sum3A_33 = vector.shape_cast %sqrt3A : vector<256x1xf32> to vector<1x256x1xf32>
    %reduce_sum3A_34 = arith.constant dense<0.000000e+00> : vector<1xf32>
    %reduce_sum3A_35 = vector.multi_reduction <add>, %reduce_sum3A_33, %reduce_sum3A_34 [1, 2] : vector<1x256x1xf32> to vector<1xf32>
    %reduce_sum3A_36 = vector.shape_cast %reduce_sum3A_35 : vector<1xf32> to vector<1x1x1xf32>
    %reduce_sum3A_37 = vector.extract %reduce_sum3A_36[0, 0, 0] : f32 from vector<1x1x1xf32>
    %get3A_38 = arith.constant 0 : index
    %get3A_39 = arith.constant 0 : index
    %get3A_40 = arith.constant 0 : index
    %get3A_41 = vector.load %arg4[%get3A_38, %get3A_39, %get3A_40] : memref<1x1x256xi32, #tpu.memory_space<vmem>>, vector<1x1x256xi32>
    %get3A_42 = vector.shape_cast %get3A_41 : vector<1x1x256xi32> to vector<256xi32>
    %broadcast_in_dim3A_43 = vector.shape_cast %get3A_42 : vector<256xi32> to vector<256x1xi32>
    %iota3A_44 = tpu.iota {dimensions = array<i32: 1>} : vector<256x64xi32>
    %eq3A = vector.broadcast %broadcast_in_dim3A_43 : vector<256x1xi32> to vector<256x64xi32>
    %eq3A_45 = arith.cmpi eq, %eq3A, %iota3A_44 : vector<256x64xi32>
    %convert_element_type3A = arith.extui %eq3A_45 : vector<256x64xi1> to vector<256x64xi32>
    %convert_element_type3A_46 = arith.sitofp %convert_element_type3A : vector<256x64xi32> to vector<256x64xf32>
    %dot_general3A = arith.constant dense<0.000000e+00> : vector<64x128xf32>
    %dot_general3A_47 = tpu.matmul %convert_element_type3A_46, %select_n3A, %dot_general3A {dimension_numbers = #tpu.dot_dimension_numbers<[0], [0], [1], [1], [0, 1, 1, 1], [], []>, transpose_lhs_hint = false} : vector<256x64xf32>, vector<256x128xf32>, vector<64x128xf32> -> vector<64x128xf32>
    %eq3A_48 = arith.constant 0 : i32
    %eq3A_49 = arith.cmpi eq, %arg0, %eq3A_48 : i32
    %convert_element_type3A_50 = arith.extui %eq3A_49 : i1 to i32
    %cond3A = arith.constant 0 : i32
    %cond3A_51 = arith.cmpi ne, %convert_element_type3A_50, %cond3A : i32
    scf.if %cond3A_51 {
      %broadcast_in_dim3A_66 = arith.constant 0.000000e+00 : f32
      %broadcast_in_dim3A_67 = vector.broadcast %broadcast_in_dim3A_66 : f32 to vector<64x128xf32>
      %swap3A_68 = arith.constant 0 : index
      %swap3A_69 = arith.constant 0 : index
      %swap3A_70 = vector.load %arg5[%swap3A_68, %swap3A_69] : memref<64x128xf32, #tpu.memory_space<vmem>>, vector<64x128xf32>
      tpu.vector_store %arg5[%swap3A_68, %swap3A_69], %broadcast_in_dim3A_67 {strides = array<i32>} : memref<64x128xf32, #tpu.memory_space<vmem>>, vector<64x128xf32>,
      %broadcast_in_dim3A_71 = arith.constant 0.000000e+00 : f32
      %broadcast_in_dim3A_72 = vector.broadcast %broadcast_in_dim3A_71 : f32 to vector<8x128xf32>
      %swap3A_73 = arith.constant 0 : index
      %swap3A_74 = arith.constant 0 : index
      %swap3A_75 = vector.load %arg6[%swap3A_73, %swap3A_74] : memref<8x128xf32, #tpu.memory_space<vmem>>, vector<8x128xf32>
      tpu.vector_store %arg6[%swap3A_73, %swap3A_74], %broadcast_in_dim3A_72 {strides = array<i32>} : memref<8x128xf32, #tpu.memory_space<vmem>>, vector<8x128xf32>,
    } else {
    }
    %get3A_52 = arith.constant 0 : index
    %get3A_53 = arith.constant 0 : index
    %get3A_54 = vector.load %arg5[%get3A_52, %get3A_53] : memref<64x128xf32, #tpu.memory_space<vmem>>, vector<64x128xf32>
    %add3A_55 = arith.addf %get3A_54, %dot_general3A_47 : vector<64x128xf32>
    %swap3A = arith.constant 0 : index
    %swap3A_56 = arith.constant 0 : index
    %swap3A_57 = vector.load %arg5[%swap3A, %swap3A_56] : memref<64x128xf32, #tpu.memory_space<vmem>>, vector<64x128xf32>
    tpu.vector_store %arg5[%swap3A, %swap3A_56], %add3A_55 {strides = array<i32>} : memref<64x128xf32, #tpu.memory_space<vmem>>, vector<64x128xf32>,
    %get3A_58 = arith.constant 0 : index
    %get3A_59 = arith.constant 0 : index
    %get3A_60 = vector.load %arg6[%get3A_58, %get3A_59] : memref<8x128xf32, #tpu.memory_space<vmem>>, vector<8x128xf32>
    %add3A_61 = vector.broadcast %reduce_sum3A_37 : f32 to vector<8x128xf32>
    %add3A_62 = arith.addf %get3A_60, %add3A_61 : vector<8x128xf32>
    %swap3A_63 = arith.constant 0 : index
    %swap3A_64 = arith.constant 0 : index
    %swap3A_65 = vector.load %arg6[%swap3A_63, %swap3A_64] : memref<8x128xf32, #tpu.memory_space<vmem>>, vector<8x128xf32>
    tpu.vector_store %arg6[%swap3A_63, %swap3A_64], %add3A_62 {strides = array<i32>} : memref<8x128xf32, #tpu.memory_space<vmem>>, vector<8x128xf32>,
    return
  }
  func.func @transform_0(%arg0: i32) -> (i32, i32, i32) {
    %c0_i32 = arith.constant 0 : i32
    %c0_i32_0 = arith.constant 0 : i32
    %c0_i32_1 = arith.constant 0 : i32
    return %c0_i32, %arg0, %c0_i32_0 : i32, i32, i32
  }
  func.func @transform_1(%arg0: i32) -> (i32, i32, i32) {
    %c1_i32 = arith.constant 1 : i32
    %c0_i32 = arith.constant 0 : i32
    %c0_i32_0 = arith.constant 0 : i32
    return %c1_i32, %arg0, %c0_i32 : i32, i32, i32
  }
  func.func @transform_2(%arg0: i32) -> (i32, i32) {
    %c0_i32 = arith.constant 0 : i32
    %c0_i32_0 = arith.constant 0 : i32
    %c0_i32_1 = arith.constant 0 : i32
    return %c0_i32, %c0_i32_0 : i32, i32
  }
  func.func @transform_3(%arg0: i32) -> (i32, i32, i32) {
    %c0_i32 = arith.constant 0 : i32
    %c0_i32_0 = arith.constant 0 : i32
    %c0_i32_1 = arith.constant 0 : i32
    return %arg0, %c0_i32, %c0_i32_0 : i32, i32, i32
  }
  func.func @transform_4(%arg0: i32) -> (i32, i32) {
    %c0_i32 = arith.constant 0 : i32
    %c0_i32_0 = arith.constant 0 : i32
    %c0_i32_1 = arith.constant 0 : i32
    return %c0_i32, %c0_i32_0 : i32, i32
  }
  func.func @transform_5(%arg0: i32) -> (i32, i32) {
    %c0_i32 = arith.constant 0 : i32
    %c0_i32_0 = arith.constant 0 : i32
    %c0_i32_1 = arith.constant 0 : i32
    return %c0_i32, %c0_i32_0 : i32, i32
  }
}

</mosaic_0001>

<sc_bundles>
// kernel: kernel.11.cloned.1.call-start
scs
__scs_entry_jumppad:
0x0: {  	(pc) =	sbr.rel $0x88, $3  }
0x1: {  	(tag) =	ssettag $0x0;
	lr =	simm.s32 $0x1  }
0x2: {  	[smem:$0x3F9A] =	sst lr;
	_ =	strace $0xD0000000  }
0x3: {  	_ = 	snop  }
0x4: {  	_ = 	snop  }
0x5: {  	_ = 	snop  }
0x6: {  	_ = 	snop  }
0x7: {  	_ = 	snop  }
__scs_overlays_trampoline_lowered:
0x8: {  	[smem:$0x3FA9] =	sst s0  }
0x9: {  	[smem:$0x3FAA] =	sst s1  }
0xa: {  	[smem:$0x3FAB] =	sst s2  }
0xb: {  	[smem:$0x3FAC] =	sst s3  }
0xc: {  	[smem:$0x3FAD] =	sst s4  }
0xd: {  	[smem:$0x3FAE] =	sst s5  }
0xe: {  	[smem:$0x3FAF] =	sst s6  }
0xf: {  	[smem:$0x3FB0] =	sst s7  }
0x10: {  	[smem:$0x3FB1] =	sst s8  }
0x11: {  	[smem:$0x3FB2] =	sst s9;
	s0 =	simm.s32 @!p0 $0x0  }
0x12: {  	s1 =	sld [smem:$0x3F98];
	s0 =	simm.s32 @p0 $0x1  }
0x13: {  	[smem:$0x3FB3] =	sst s0;
	s0 =	simm.s32 @!p1 $0x0  }
0x14: {  	s2 =	sld [smem:$0x3F97];
	s0 =	simm.s32 @p1 $0x1  }
0x15: {  	[smem:$0x3FB4] =	sst s0;
	s0 =	simm.s32 @!p2 $0x0  }
0x16: {  	s3 =	sld [smem:$0x3FDB];
	s0 =	simm.s32 @p2 $0x1  }
0x17: {  	s4 =	simm.s32 $0x1BF5;
	[smem:$0x3FB6] =	sst s0  }
0x18: {  	s0 =	sld [smem:$0x3F99];
	_ =	swait.ge [sflag:s4], $0x0  }
0x19: {  	s7 =	sld [smem:$0x3F9A]  }
0x1a: {  	s8 =	sadd.s32 $0xFFFFE003, lr  }
0x1b: {  	s9 =	sadd.s32 $0xFFFFFEF7, lr;
	s5 =	simm.s32 $0xFFFFFFFF;
	p2 =	slt.u32 s8, $0xFFFFF086  }
0x1c: {  	p1 =	slt.u32 s9, $0xF7A;
	s5 =	simm.s32 @!p2 $0x0  }
0x1d: {  	s5 =	simm.s32 @p1 $0x1;
	p0 =	seq.s32 s7, s2  }
0x1e: {  	s7 =	smul.u32 @!p0 $0xF7A, s2;
	p2 =	seq.s32 @!p0 s5, $0x0  }
0x1f: {  	s9 =	smul.u32 $0xF7A, s1;
	s8 =	simm.s32 @!p0 $0x1BF5;
	p2 =	por !p2, p0  }
0x20: {  	[sflag:s8] =	ssyncset.s32 @!p0 $0xFFFFF086;
	s6 =	sadd.s32 @!p0 s3, s7;
	s7 =	simm.s32 @!p0 $0x108  }
0x21: {  	s3 =	sadd.s32 s3, s9;
	s6 =	sadd.s32 @!p0 $0x88, s6;
	s7 =	simm.s32 @p2 $0x1082  }
0x22: {  	[simem:s7], [sflag:s8] =	dma.local @!p0 [hbm:s6], $0xF7A  }
0x23: {  	s9 =	sor.u32 $0xD0000000, s2;
	s6 =	simm.s32 $0x108;
	_ =	swait.ge @!p0 [sflag:s8], $0x0  }
0x24: {  	s3 =	sadd.s32 $0x88, s3;
	s6 =	simm.s32 @!p1 $0x1082;
	[sflag:s4] =	ssyncset.s32 $0xFFFFF086  }
0x25: {  	[simem:s6], [sflag:s4] =	dma.local [hbm:s3], $0xF7A  }
0x26: {  	[smem:$0x3F9A] =	sst s1;
	(tag) =	ssettag s2;
	_ =	strace s9  }
0x27: {  	s1 =	sld [smem:$0x3FAA]  }
0x28: {  	s2 =	sld [smem:$0x3FAB]  }
0x29: {  	s4 =	sld [smem:$0x3FAD]  }
0x2a: {  	p0 =	seq.s32 s5, $0x0;
	s5 =	sld [smem:$0x3FAE]  }
0x2b: {  	s6 =	sld [smem:$0x3FAF]  }
0x2c: {  	s7 =	sld [smem:$0x3FB0]  }
0x2d: {  	s3 =	simm.s32 $0x108;
	s8 =	sld [smem:$0x3FB1]  }
0x2e: {  	s3 =	simm.s32 @!p0 $0x1082;
	s9 =	sld [smem:$0x3FB2]  }
0x2f: {  	lr =	sadd.s32 s0, s3;
	s0 =	sld [smem:$0x3FA9]  }
0x30: {  	s3 =	sld [smem:$0x3FAC]  }
0x31: {  	[smem:$0x3FB5] =	sst s10  }
0x32: {  	s10 =	sld [smem:$0x3FB3];
	_ =	sdelay $0x3  }
0x33: {  	p0 =	seq.s32 s10, $0x1;
	s10 =	sld [smem:$0x3FB5];
	_ =	sdelay $0x3  }
0x34: {  	[smem:$0x3FB5] =	sst s10  }
0x35: {  	s10 =	sld [smem:$0x3FB4];
	_ =	sdelay $0x3  }
0x36: {  	p1 =	seq.s32 s10, $0x1;
	s10 =	sld [smem:$0x3FB5];
	_ =	sdelay $0x3  }
0x37: {  	[smem:$0x3FB5] =	sst s10  }
0x38: {  	s10 =	sld [smem:$0x3FB6]  }
0x39: {  	_ = 	snop;
	(pc) =	sbr.ind lr, $3  }
0x3a: {  	_ = 	snop  }
0x3b: {  	_ = 	snop  }
0x3c: {  	p2 =	seq.s32 s10, $0x1;
	s10 =	sld [smem:$0x3FB5]  }
0x3d: {  	_ =	shalt  }
0x3e: {  	_ =	shalt  }
0x3f: {  	_ =	shalt  }
0x40: {  	_ =	shalt  }
0x41: {  	_ =	shalt  }
0x42: {  	_ =	shalt  }
0x43: {  	_ =	shalt  }
0x44: {  	_ =	shalt  }
0x45: {  	_ =	shalt  }
0x46: {  	_ =	shalt  }
0x47: {  	_ =	shalt  }
0x48: {  	_ =	shalt  }
0x49: {  	_ =	shalt  }
0x4a: {  	_ =	shalt  }
0x4b: {  	_ =	shalt  }
0x4c: {  	_ =	shalt  }
0x4d: {  	_ =	shalt  }
0x4e: {  	_ =	shalt  }
0x4f: {  	_ =	shalt  }
0x50: {  	_ =	shalt  }
0x51: {  	_ =	shalt  }
0x52: {  	_ =	shalt  }
0x53: {  	_ =	shalt  }
0x54: {  	_ =	shalt  }
0x55: {  	_ =	shalt  }
0x56: {  	_ =	shalt  }
0x57: {  	_ =	shalt  }
0x58: {  	_ =	shalt  }
0x59: {  	_ =	shalt  }
0x5a: {  	_ =	shalt  }
0x5b: {  	_ =	shalt  }
0x5c: {  	_ =	shalt  }
0x5d: {  	_ =	shalt  }
0x5e: {  	_ =	shalt  }
0x5f: {  	_ =	shalt  }
0x60: {  	_ =	shalt  }
0x61: {  	_ =	shalt  }
0x62: {  	_ =	shalt  }
0x63: {  	_ =	shalt  }
0x64: {  	_ =	shalt  }
0x65: {  	_ =	shalt  }
0x66: {  	_ =	shalt  }
0x67: {  	_ =	shalt  }
0x68: {  	_ =	shalt  }
0x69: {  	_ =	shalt  }
0x6a: {  	_ =	shalt  }
0x6b: {  	_ =	shalt  }
0x6c: {  	_ =	shalt  }
0x6d: {  	_ =	shalt  }
0x6e: {  	_ =	shalt  }
0x6f: {  	_ =	shalt  }
0x70: {  	_ =	shalt  }
0x71: {  	_ =	shalt  }
0x72: {  	_ =	shalt  }
0x73: {  	_ =	shalt  }
0x74: {  	_ =	shalt  }
0x75: {  	_ =	shalt  }
0x76: {  	_ =	shalt  }
0x77: {  	_ =	shalt  }
0x78: {  	_ =	shalt  }
0x79: {  	_ =	shalt  }
0x7a: {  	_ =	shalt  }
0x7b: {  	_ =	shalt  }
0x7c: {  	_ =	shalt  }
0x7d: {  	_ =	shalt  }
0x7e: {  	_ =	shalt  }
0x7f: {  	_ =	shalt  }
0x80: {  	_ =	shalt  }
0x81: {  	_ =	shalt  }
0x82: {  	_ =	shalt  }
0x83: {  	_ =	shalt  }
0x84: {  	_ =	shalt  }
0x85: {  	_ =	shalt  }
0x86: {  	_ =	shalt  }
0x87: {  	_ =	shalt  }
.Lfunc_end0:
.L_simem_size_0:
called_computation.1_lowered:
.L_overlay_start_0:
0x88: {  	s2 =	sld [smem:$0x3FD9]  }
0x89: {  	s3 =	sld [smem:$0x3FFE];
	_ =	sdelay $0x1  }
0x8a: {  	s1 =	srdreg.scid  }
0x8b: {  	s0 =	sand.u32 $0x1, s1  }
0x8c: {  	s16 =	sshll.u32 s0, $0xA;
	s2 =	sadd.s32 s3, s2  }
0x8d: {  	s2 =	sadd.s32 s2, s16  }
0x8e: {  	[smem:$0x3FC1] =	sst s2  }
0x8f: {  	_ = 	snop  }
0x90: {  	(tm) =	ssettm $0x1  }
0x91: {  	s17 =	sld [smem:$0x3FFB];
	_ =	sdelay $0x3  }
0x92: {  	_ =	strace s17  }
0x93: {  	s2 =	sld [smem:$0x3FFC];
	_ =	sdelay $0x3  }
0x94: {  	_ =	strace s2  }
0x95: {  	s2 =	sld [smem:$0x3FFD];
	_ =	sdelay $0x3  }
0x96: {  	_ =	strace s2  }
0x97: {  	_ =	strace $0x8FFFFFFF  }
0x98: {  	s18 =	sld [smem:$0x3FDB];
	_ =	sdelay $0x1  }
0x99: {  	s19 =	simm.s32 $_scs_section_size  }
0x9a: {  	s4 =	simm.s32 $_size__tile_overlayer_lowered;
	s5 =	simm.s32 $_tile_overlayer_lowered  }
0x9b: {  	s22 =	simm.s32 $0x1BFF;
	s21 =	sshll.u32 s5, $0x1;
	s2 =	sadd.s32 s19, s18  }
0x9c: {  	s6 =	simm.s32 $0x0;
	s20 =	sshll.u32 s4, $0x1;
	s4 =	sadd.s32 s21, s2  }
0x9d: {  	[timem:s6], [sflag:s22] =	dma.local [hbm:s4], s20  }
0x9e: {  	_ =	swait.ge [sflag:s22], s20  }
0x9f: {  	s3 =	ssub.s32 $0x0, s20;
	[sflag:s22] =	ssyncset.done $0x0  }
0xa0: {  	[sflag:s22] =	ssyncadd.s32 s3;
	_ =	sdelay $0x1  }
0xa1: {  	s23 =	simm.s32 $0x1B8B  }
0xa2: {  	_ =	swait.ge [sflag:s23], $0x1  }
0xa3: {  	[sflag:s23] =	ssyncset.done $0x0  }
0xa4: {  	s25 =	simm.s32 $0x1B8E;
	s24 =	sld [smem:$0x3FFE];
	[sflag:s23] =	ssyncadd.s32 $0xFFFFFFFF  }
0xa5: {  	s26 =	simm.s32 $execute0_lowered;
	[smem:$0x3FD2] =	sst s25  }
0xa6: {  	s4 =	sshll.u32 s26, $0x1;
	_ =	strace $0x80000049;
	[dreg:$0x1] =	wrdreg $0xFFFFFFFF  }
0xa7: {  	s28 =	simm.s32 $_size_execute0_lowered;
	s2 =	sadd.s32 s2, s4;
	[dreg:$0x0] =	wrdreg $0x0  }
0xa8: {  	s4 =	sshll.u32 s28, $0x1;
	[dreg:$0x2] =	wrdreg s2  }
0xa9: {  	[dreg:$0x3] =	wrdreg s4  }
0xaa: {  	[dreg:$0x4] =	wrdreg $0xC0  }
0xab: {  	_ =	task [dreg:s6], $0x5FFFF  }
0xac: {  	[dreg:$0x1] =	wrdreg $0xFFFFFFFF  }
0xad: {  	[dreg:$0x0] =	wrdreg $0x60  }
0xae: {  	[dreg:$0x2] =	wrdreg s24  }
0xaf: {  	[dreg:$0x3] =	wrdreg $0x90000  }
0xb0: {  	[dreg:$0x4] =	wrdreg $0x9  }
0xb1: {  	_ =	task.clear_ibuf [dreg:s6], $0x5FFFF;
	_ =	strace $0x90000049  }
0xb2: {  	s29 =	simm.s32 $0x9;
	_ =	strace $0x8000004B  }
0xb3: {  	_ =	swait.ge [sflag:s29], $0x1  }
0xb4: {  	[sflag:s29] =	ssyncadd.s32 $0xFFFFFFFF  }
0xb5: {  	_ =	strace $0x9000004B  }
0xb6: {  	_ =	sfence  }
0xb7: {  	s30 =	sld [smem:$0x0];
	_ =	sdelay $0x2  }
0xb8: {  	s31 =	sshll.u32 s1, $0xD;
	s1 =	sshrl.u32 s1, $0x2  }
0xb9: {  	s3 =	sand.u32 $0x4000, s31;
	s1 =	sadd.s32 s1, s30  }
0xba: {  	s0 =	sor.u32 s3, s0;
	s1 =	sshll.u32 s1, $0x11  }
0xbb: {  	s0 =	sor.u32 s1, s0  }
0xbc: {  	s0 =	sadd.s32 $0x8F2B, s0  }
0xbd: {  	[sflag:s0] =	ssyncadd.remote.s32 $0x1  }
0xbe: {  	_ =	sfence.sel $0xFFFF  }
0xbf: {  	[dreg:$0x0] =	wrdreg $0xFFFFFFFF;
	(pc) =	sbr.abs _section_cstart, $3  }
0xc0: {  	[dreg:$0x1] =	wrdreg $0xFFFFFFFF  }
0xc1: {  	_ =	task.clear_ibuf [dreg:s6], $0x2FFFF;
	_ =	strace $0x9FFFFFFF  }
0xc2: {  	(tm) =	ssettm $0x7FFFFFFF  }
0xc3: {  	_ =	shalt  }
tec
execute0_lowered:
.L_overlay_start_1:
0x0: {  	(tag) =	ssettag $0x1  }
0x1: {  	s0 =	srdreg.scid;
	s1 =	rddreg [dreg:$0x0]  }
0x2: {  	s10 =	stileid.u32;
	s2 =	rddreg [dreg:$0x1]  }
0x3: {  	s3 =	simm.s32 $0x0;
	s13 =	simm.s32 $0x100;
	s15 =	simm.s32 $0x880  }
0x4: {  	s17 =	simm.s32 $0x180;
	s18 =	simm.s32 $0x900;
	s19 =	simm.s32 $0x200  }
0x5: {  	s20 =	simm.s32 $0x980;
	s21 =	simm.s32 $0x280;
	[smem:$0x7FF] =	sst s3  }
0x6: {  	s22 =	simm.s32 $0xA00;
	_ =	strace $0x8000004A;
	[dreg:$0x5] =	wrdreg s13  }
0x7: {  	s23 =	simm.s32 $0x300;
	s24 =	simm.s32 $0xA80;
	[dreg:$0x6] =	wrdreg s15  }
0x8: {  	s28 =	simm.s32 $0x680;
	s29 =	simm.s32 $0xE00;
	[dreg:$0x7] =	wrdreg s17  }
0x9: {  	s30 =	simm.s32 $0x700;
	s5 =	smul.u32 $0x2800, s10;
	[dreg:$0x8] =	wrdreg s18  }
0xa: {  	s31 =	simm.s32 $0xE80;
	s25 =	smul.u32 $0x14000, s10;
	[dreg:$0x9] =	wrdreg s19  }
0xb: {  	s0 =	sand.u32 $0x1, s0;
	s9 =	smul.u32 $0x50000, s10;
	[dreg:$0xa] =	wrdreg s20  }
0xc: {  	s16 =	sshll.u32 s10, $0x6;
	s4 =	smul.u32 $0x28000, s0;
	[dreg:$0xb] =	wrdreg s21  }
0xd: {  	s10 =	simm.s32 $0x3;
	s7 =	smul.u32 $0x140000, s0;
	[dreg:$0xc] =	wrdreg s22  }
0xe: {  	s0 =	ssub.s32 $0x2, s0;
	[dreg:$0xd] =	wrdreg s23;
	s13 =	simm.s32 $0x1000  }
0xf: {  	[dreg:$0xe] =	wrdreg s24;
	s15 =	simm.s32 $0x1;
	s17 =	simm.s32 $0x400  }
0x10: {  	s18 =	simm.s32 $0xB80;
	s19 =	simm.s32 $0x480;
	s20 =	simm.s32 $0xC00  }
0x11: {  	s21 =	simm.s32 $0x500;
	s22 =	simm.s32 $0xC80;
	s23 =	simm.s32 $0x580  }
0x12: {  	s24 =	simm.s32 $0xD00;
	s8 =	sshrl.u32 s25, $0x3;
	s26 =	sshrl.u32 s0, $0x1  }
0x13: {  	s9 =	sshrl.u32 s9, $0x2;
	s4 =	sadd.s32 s5, s4;
	s8 =	sadd.s32 s8, s1  }
0x14: {  	s5 =	sadd.s32 s25, s7;
	s0 =	ssub.s32 s0, s26;
	s12 =	sadd.s32 s9, s2  }
0x15: {  	s25 =	simm.s32 $0x380;
	s26 =	simm.s32 $0xB00;
	s9 =	simm.s32 $0x0  }
0x16: {  	s6 =	sshrl.u32 s4, $0x3;
	s4 =	sadd.s32 $0x16E00, s1;
	s5 =	sshrl.u32 s5, $0x3  }
0x17: {  	s14 =	sadd.s32 $0x3EE00, s8;
	s0 =	smax.u32 s0, $0x1;
	[dreg:$0xf] =	wrdreg s25  }
0x18: {  	s8 =	sshrl.u32 s12, $0x3;
	s12 =	simm.s32 $0x80;
	[dreg:$0x10] =	wrdreg s26  }
0x19: {  	s25 =	simm.s32 $0x600;
	s26 =	simm.s32 $0xD80;
	[dreg:$0x11] =	wrdreg s14  }
0x1a: {  	s6 =	sadd.s32 s6, s1;
	s1 =	sadd.s32 s5, s1;
	[dreg:$0x14] =	wrdreg s0  }
0x1b: {  	s14 =	simm.s32 $0x5000;
	[dreg:$0x15] =	wrdreg s8;
	s7 =	sadd.s32 $0xCE00, s6  }
0x1c: {  	s0 =	simm.s32 $0xF00;
	s11 =	sadd.s32 $0x2E00, s6;
	[dreg:$0x3] =	wrdreg s7  }
0x1d: {  	s5 =	simm.s32 $0xF80;
	s1 =	sadd.s32 $0xB6E00, s1;
	[dreg:$0x4] =	wrdreg s11  }
0x1e: {  	s7 =	sor.u32 $0x1C03, s16;
	[dreg:$0x13] =	wrdreg s1;
	s11 =	simm.s32 $0x800  }
0x1f: {  	s16 =	simm.s32 $0x2;
	s1 =	simm.s32 $0x780;
	[dreg:$0x12] =	wrdreg s7  }
.LBB2_1:
0x20: {  	[dreg:$0x16] =	wrdreg s9  }
0x21: {  	s6 =	rddreg [dreg:$0x11]  }
0x22: {  	[spmem:s8], [sflag:s7] =	dma.local [hbm:s6], $0x2800  }
0x23: {  	_ =	swait.ge [sflag:s10], $0x2800  }
0x24: {  	[sflag:s10] =	ssyncset.done $0x0  }
0x25: {  	[sflag:s10] =	ssyncadd.s32 $0xFFFFD800  }
0x26: {  	[bflag:$0x0] =	sbarrier.arrive $0xFFFF  }
0x27: {  	s8 =	rddreg [dreg:$0x4]  }
0x28: {  	s6 =	sadd.s32 $0x0, s8  }
0x29: {  	[tilespmem:s3], [sflag:$0x3] =	stream.linear.gather [hbm4b:s6+s3], $0x800, $0x38;
	[tilespmem:$0x1D000] =	vst v63  }
0x2a: {  	_ =	swait.ge [sflag:s10], $0x800  }
0x2b: {  	s9 =	rddreg [dreg:$0x3];
	[sflag:s10] =	ssyncset.done $0x0  }
0x2c: {  	[sflag:s10] =	ssyncadd.s32 $0xFFFFF800;
	s6 =	sadd.s32 $0x0, s9  }
0x2d: {  	[tilespmem:s11], [sflag:$0x3] =	stream.linear.gather [hbm4b:s6+s3], $0x800, $0x38;
	[tilespmem:$0x1D000] =	vst v63  }
0x2e: {  	_ =	swait.ge [sflag:s10], $0x800  }
0x2f: {  	[sflag:s10] =	ssyncset.done $0x0  }
0x30: {  	[sflag:s10] =	ssyncadd.s32 $0xFFFFF800  }
0x31: {  	[tilespmem:s13], [sflag:$0x1] =	stream.indirect.gather [hbm4b:s4+s12], $0x80, s3, s12, $0xb8;
	[tilespmem:$0x1D000] =	vst v63  }
0x32: {  	_ = 	snop  }
0x33: {  	[tilespmem:s14], [sflag:$0x2] =	stream.indirect.gather [hbm4b:s4+s12], $0x80, s12, s12, $0xb8;
	[tilespmem:$0x1D000] =	vst v63  }
0x34: {  	_ =	swait.ge [sflag:s15], $0x4000  }
0x35: {  	[sflag:s15] =	ssyncset.done $0x0  }
0x36: {  	[sflag:s15] =	ssyncadd.s32 $0xFFFFC000  }
0x37: {  	[spmem:s2] =	stream.indirect.scatter.add.f32 [tilespmem:s13], [sflag:$0x3], $0x80, s11, s12, $0xb8;
	[tilespmem:$0x1D000] =	vst v63  }
0x38: {  	_ =	swait.ge [sflag:s10], $0x4000  }
0x39: {  	[sflag:s10] =	ssyncset.done $0x0  }
0x3a: {  	s7 =	rddreg [dreg:$0x5];
	[sflag:s10] =	ssyncadd.s32 $0xFFFFC000  }
0x3b: {  	[tilespmem:s13], [sflag:$0x1] =	stream.indirect.gather [hbm4b:s4+s12], $0x80, s7, s12, $0xb8;
	[tilespmem:$0x1D000] =	vst v63  }
0x3c: {  	_ =	swait.ge [sflag:s16], $0x4000  }
0x3d: {  	[sflag:s16] =	ssyncset.done $0x0  }
0x3e: {  	s8 =	rddreg [dreg:$0x6];
	[sflag:s16] =	ssyncadd.s32 $0xFFFFC000  }
0x3f: {  	[spmem:s2] =	stream.indirect.scatter.add.f32 [tilespmem:s14], [sflag:$0x3], $0x80, s8, s12, $0xb8;
	[tilespmem:$0x1D000] =	vst v63  }
0x40: {  	_ =	swait.ge [sflag:s10], $0x4000  }
0x41: {  	[sflag:s10] =	ssyncset.done $0x0  }
0x42: {  	s9 =	rddreg [dreg:$0x7];
	[sflag:s10] =	ssyncadd.s32 $0xFFFFC000  }
0x43: {  	[tilespmem:s14], [sflag:$0x2] =	stream.indirect.gather [hbm4b:s4+s12], $0x80, s9, s12, $0xb8;
	[tilespmem:$0x1D000] =	vst v63  }
0x44: {  	_ =	swait.ge [sflag:s15], $0x4000  }
0x45: {  	[sflag:s15] =	ssyncset.done $0x0  }
0x46: {  	s7 =	rddreg [dreg:$0x8];
	[sflag:s15] =	ssyncadd.s32 $0xFFFFC000  }
0x47: {  	[spmem:s2] =	stream.indirect.scatter.add.f32 [tilespmem:s13], [sflag:$0x3], $0x80, s7, s12, $0xb8;
	[tilespmem:$0x1D000] =	vst v63  }
0x48: {  	_ =	swait.ge [sflag:s10], $0x4000  }
0x49: {  	[sflag:s10] =	ssyncset.done $0x0  }
0x4a: {  	s8 =	rddreg [dreg:$0x9];
	[sflag:s10] =	ssyncadd.s32 $0xFFFFC000  }
0x4b: {  	[tilespmem:s13], [sflag:$0x1] =	stream.indirect.gather [hbm4b:s4+s12], $0x80, s8, s12, $0xb8;
	[tilespmem:$0x1D000] =	vst v63  }
0x4c: {  	_ =	swait.ge [sflag:s16], $0x4000  }
0x4d: {  	[sflag:s16] =	ssyncset.done $0x0  }
0x4e: {  	s9 =	rddreg [dreg:$0xa];
	[sflag:s16] =	ssyncadd.s32 $0xFFFFC000  }
0x4f: {  	[spmem:s2] =	stream.indirect.scatter.add.f32 [tilespmem:s14], [sflag:$0x3], $0x80, s9, s12, $0xb8;
	[tilespmem:$0x1D000] =	vst v63  }
0x50: {  	_ =	swait.ge [sflag:s10], $0x4000  }
0x51: {  	[sflag:s10] =	ssyncset.done $0x0  }
0x52: {  	s7 =	rddreg [dreg:$0xb];
	[sflag:s10] =	ssyncadd.s32 $0xFFFFC000  }
0x53: {  	[tilespmem:s14], [sflag:$0x2] =	stream.indirect.gather [hbm4b:s4+s12], $0x80, s7, s12, $0xb8;
	[tilespmem:$0x1D000] =	vst v63  }
0x54: {  	_ =	swait.ge [sflag:s15], $0x4000  }
0x55: {  	[sflag:s15] =	ssyncset.done $0x0  }
0x56: {  	s8 =	rddreg [dreg:$0xc];
	[sflag:s15] =	ssyncadd.s32 $0xFFFFC000  }
0x57: {  	[spmem:s2] =	stream.indirect.scatter.add.f32 [tilespmem:s13], [sflag:$0x3], $0x80, s8, s12, $0xb8;
	[tilespmem:$0x1D000] =	vst v63  }
0x58: {  	_ =	swait.ge [sflag:s10], $0x4000  }
0x59: {  	[sflag:s10] =	ssyncset.done $0x0  }
0x5a: {  	s9 =	rddreg [dreg:$0xd];
	[sflag:s10] =	ssyncadd.s32 $0xFFFFC000  }
0x5b: {  	[tilespmem:s13], [sflag:$0x1] =	stream.indirect.gather [hbm4b:s4+s12], $0x80, s9, s12, $0xb8;
	[tilespmem:$0x1D000] =	vst v63  }
0x5c: {  	_ =	swait.ge [sflag:s16], $0x4000  }
0x5d: {  	[sflag:s16] =	ssyncset.done $0x0  }
0x5e: {  	s7 =	rddreg [dreg:$0xe];
	[sflag:s16] =	ssyncadd.s32 $0xFFFFC000  }
0x5f: {  	[spmem:s2] =	stream.indirect.scatter.add.f32 [tilespmem:s14], [sflag:$0x3], $0x80, s7, s12, $0xb8;
	[tilespmem:$0x1D000] =	vst v63  }
0x60: {  	_ =	swait.ge [sflag:s10], $0x4000  }
0x61: {  	[sflag:s10] =	ssyncset.done $0x0  }
0x62: {  	s8 =	rddreg [dreg:$0xf];
	[sflag:s10] =	ssyncadd.s32 $0xFFFFC000  }
0x63: {  	[tilespmem:s14], [sflag:$0x2] =	stream.indirect.gather [hbm4b:s4+s12], $0x80, s8, s12, $0xb8;
	[tilespmem:$0x1D000] =	vst v63  }
0x64: {  	_ =	swait.ge [sflag:s15], $0x4000  }
0x65: {  	[sflag:s15] =	ssyncset.done $0x0  }
0x66: {  	s9 =	rddreg [dreg:$0x10];
	[sflag:s15] =	ssyncadd.s32 $0xFFFFC000  }
0x67: {  	[spmem:s2] =	stream.indirect.scatter.add.f32 [tilespmem:s13], [sflag:$0x3], $0x80, s9, s12, $0xb8;
	[tilespmem:$0x1D000] =	vst v63  }
0x68: {  	_ =	swait.ge [sflag:s10], $0x4000  }
0x69: {  	[sflag:s10] =	ssyncset.done $0x0  }
0x6a: {  	[sflag:s10] =	ssyncadd.s32 $0xFFFFC000  }
0x6b: {  	[tilespmem:s13], [sflag:$0x1] =	stream.indirect.gather [hbm4b:s4+s12], $0x80, s17, s12, $0xb8;
	[tilespmem:$0x1D000] =	vst v63  }
0x6c: {  	_ =	swait.ge [sflag:s16], $0x4000  }
0x6d: {  	[sflag:s16] =	ssyncset.done $0x0  }
0x6e: {  	[sflag:s16] =	ssyncadd.s32 $0xFFFFC000  }
0x6f: {  	[spmem:s2] =	stream.indirect.scatter.add.f32 [tilespmem:s14], [sflag:$0x3], $0x80, s18, s12, $0xb8;
	[tilespmem:$0x1D000] =	vst v63  }
0x70: {  	_ =	swait.ge [sflag:s10], $0x4000  }
0x71: {  	[sflag:s10] =	ssyncset.done $0x0  }
0x72: {  	[sflag:s10] =	ssyncadd.s32 $0xFFFFC000  }
0x73: {  	[tilespmem:s14], [sflag:$0x2] =	stream.indirect.gather [hbm4b:s4+s12], $0x80, s19, s12, $0xb8;
	[tilespmem:$0x1D000] =	vst v63  }
0x74: {  	_ =	swait.ge [sflag:s15], $0x4000  }
0x75: {  	[sflag:s15] =	ssyncset.done $0x0  }
0x76: {  	[sflag:s15] =	ssyncadd.s32 $0xFFFFC000  }
0x77: {  	[spmem:s2] =	stream.indirect.scatter.add.f32 [tilespmem:s13], [sflag:$0x3], $0x80, s20, s12, $0xb8;
	[tilespmem:$0x1D000] =	vst v63  }
0x78: {  	_ =	swait.ge [sflag:s10], $0x4000  }
0x79: {  	[sflag:s10] =	ssyncset.done $0x0  }
0x7a: {  	[sflag:s10] =	ssyncadd.s32 $0xFFFFC000  }
0x7b: {  	[tilespmem:s13], [sflag:$0x1] =	stream.indirect.gather [hbm4b:s4+s12], $0x80, s21, s12, $0xb8;
	[tilespmem:$0x1D000] =	vst v63  }
0x7c: {  	_ =	swait.ge [sflag:s16], $0x4000  }
0x7d: {  	[sflag:s16] =	ssyncset.done $0x0  }
0x7e: {  	[sflag:s16] =	ssyncadd.s32 $0xFFFFC000  }
0x7f: {  	[spmem:s2] =	stream.indirect.scatter.add.f32 [tilespmem:s14], [sflag:$0x3], $0x80, s22, s12, $0xb8;
	[tilespmem:$0x1D000] =	vst v63  }
0x80: {  	_ =	swait.ge [sflag:s10], $0x4000  }
0x81: {  	[sflag:s10] =	ssyncset.done $0x0  }
0x82: {  	[sflag:s10] =	ssyncadd.s32 $0xFFFFC000  }
0x83: {  	[tilespmem:s14], [sflag:$0x2] =	stream.indirect.gather [hbm4b:s4+s12], $0x80, s23, s12, $0xb8;
	[tilespmem:$0x1D000] =	vst v63  }
0x84: {  	_ =	swait.ge [sflag:s15], $0x4000  }
0x85: {  	[sflag:s15] =	ssyncset.done $0x0  }
0x86: {  	[sflag:s15] =	ssyncadd.s32 $0xFFFFC000  }
0x87: {  	[spmem:s2] =	stream.indirect.scatter.add.f32 [tilespmem:s13], [sflag:$0x3], $0x80, s24, s12, $0xb8;
	[tilespmem:$0x1D000] =	vst v63  }
0x88: {  	_ =	swait.ge [sflag:s10], $0x4000  }
0x89: {  	[sflag:s10] =	ssyncset.done $0x0  }
0x8a: {  	[sflag:s10] =	ssyncadd.s32 $0xFFFFC000  }
0x8b: {  	[tilespmem:s13], [sflag:$0x1] =	stream.indirect.gather [hbm4b:s4+s12], $0x80, s25, s12, $0xb8;
	[tilespmem:$0x1D000] =	vst v63  }
0x8c: {  	_ =	swait.ge [sflag:s16], $0x4000  }
0x8d: {  	[sflag:s16] =	ssyncset.done $0x0  }
0x8e: {  	[sflag:s16] =	ssyncadd.s32 $0xFFFFC000  }
0x8f: {  	[spmem:s2] =	stream.indirect.scatter.add.f32 [tilespmem:s14], [sflag:$0x3], $0x80, s26, s12, $0xb8;
	[tilespmem:$0x1D000] =	vst v63  }
0x90: {  	_ =	swait.ge [sflag:s10], $0x4000  }
0x91: {  	[sflag:s10] =	ssyncset.done $0x0  }
0x92: {  	[sflag:s10] =	ssyncadd.s32 $0xFFFFC000  }
0x93: {  	[tilespmem:s14], [sflag:$0x2] =	stream.indirect.gather [hbm4b:s4+s12], $0x80, s28, s12, $0xb8;
	[tilespmem:$0x1D000] =	vst v63  }
0x94: {  	_ =	swait.ge [sflag:s15], $0x4000  }
0x95: {  	[sflag:s15] =	ssyncset.done $0x0  }
0x96: {  	[sflag:s15] =	ssyncadd.s32 $0xFFFFC000  }
0x97: {  	[spmem:s2] =	stream.indirect.scatter.add.f32 [tilespmem:s13], [sflag:$0x3], $0x80, s29, s12, $0xb8;
	[tilespmem:$0x1D000] =	vst v63  }
0x98: {  	_ =	swait.ge [sflag:s10], $0x4000  }
0x99: {  	[sflag:s10] =	ssyncset.done $0x0  }
0x9a: {  	[sflag:s10] =	ssyncadd.s32 $0xFFFFC000  }
0x9b: {  	[tilespmem:s13], [sflag:$0x1] =	stream.indirect.gather [hbm4b:s4+s12], $0x80, s30, s12, $0xb8;
	[tilespmem:$0x1D000] =	vst v63  }
0x9c: {  	_ =	swait.ge [sflag:s16], $0x4000  }
0x9d: {  	[sflag:s16] =	ssyncset.done $0x0  }
0x9e: {  	[sflag:s16] =	ssyncadd.s32 $0xFFFFC000  }
0x9f: {  	[spmem:s2] =	stream.indirect.scatter.add.f32 [tilespmem:s14], [sflag:$0x3], $0x80, s31, s12, $0xb8;
	[tilespmem:$0x1D000] =	vst v63  }
0xa0: {  	_ =	swait.ge [sflag:s10], $0x4000  }
0xa1: {  	[sflag:s10] =	ssyncset.done $0x0  }
0xa2: {  	[sflag:s10] =	ssyncadd.s32 $0xFFFFC000  }
0xa3: {  	[tilespmem:s14], [sflag:$0x2] =	stream.indirect.gather [hbm4b:s4+s12], $0x80, s1, s12, $0xb8;
	[tilespmem:$0x1D000] =	vst v63  }
0xa4: {  	_ =	swait.ge [sflag:s15], $0x4000  }
0xa5: {  	[sflag:s15] =	ssyncset.done $0x0  }
0xa6: {  	[sflag:s15] =	ssyncadd.s32 $0xFFFFC000  }
0xa7: {  	[spmem:s2] =	stream.indirect.scatter.add.f32 [tilespmem:s13], [sflag:$0x3], $0x80, s0, s12, $0xb8;
	[tilespmem:$0x1D000] =	vst v63  }
0xa8: {  	_ =	swait.ge [sflag:s10], $0x4000  }
0xa9: {  	[sflag:s10] =	ssyncset.done $0x0  }
0xaa: {  	[sflag:s10] =	ssyncadd.s32 $0xFFFFC000  }
0xab: {  	_ =	swait.ge [sflag:s16], $0x4000  }
0xac: {  	[sflag:s16] =	ssyncset.done $0x0  }
0xad: {  	[sflag:s16] =	ssyncadd.s32 $0xFFFFC000  }
0xae: {  	[spmem:s2] =	stream.indirect.scatter.add.f32 [tilespmem:s14], [sflag:$0x3], $0x80, s5, s12, $0xb8;
	[tilespmem:$0x1D000] =	vst v63  }
0xaf: {  	s6 =	simm.s32 $0x200;
	_ =	swait.ge [sflag:s10], $0x4000  }
0xb0: {  	s8 =	simm.s32 $0x100;
	s9 =	rddreg [dreg:$0x4];
	[sflag:s10] =	ssyncset.done $0x0  }
.LBB2_2:
0xb1: {  	[sflag:s10] =	ssyncadd.s32 $0xFFFFC000;
	s9 =	sadd.s32 s8, s9  }
0xb2: {  	[tilespmem:s3], [sflag:$0x3] =	stream.linear.gather [hbm4b:s9+s3], $0x800, $0x38;
	[tilespmem:$0x1D000] =	vst v63  }
0xb3: {  	_ =	swait.ge [sflag:s10], $0x800  }
0xb4: {  	s9 =	rddreg [dreg:$0x3];
	[sflag:s10] =	ssyncset.done $0x0  }
0xb5: {  	[sflag:s10] =	ssyncadd.s32 $0xFFFFF800;
	s9 =	sadd.s32 s8, s9  }
0xb6: {  	[tilespmem:s11], [sflag:$0x3] =	stream.linear.gather [hbm4b:s9+s3], $0x800, $0x38;
	[tilespmem:$0x1D000] =	vst v63  }
0xb7: {  	_ =	swait.ge [sflag:s10], $0x800  }
0xb8: {  	[sflag:s10] =	ssyncset.done $0x0  }
0xb9: {  	[sflag:s10] =	ssyncadd.s32 $0xFFFFF800  }
0xba: {  	[tilespmem:s13], [sflag:$0x1] =	stream.indirect.gather [hbm4b:s4+s12], $0x80, s3, s12, $0xb8;
	[tilespmem:$0x1D000] =	vst v63  }
0xbb: {  	_ = 	snop  }
0xbc: {  	[tilespmem:s14], [sflag:$0x2] =	stream.indirect.gather [hbm4b:s4+s12], $0x80, s12, s12, $0xb8;
	[tilespmem:$0x1D000] =	vst v63  }
0xbd: {  	_ =	swait.ge [sflag:s15], $0x4000  }
0xbe: {  	[sflag:s15] =	ssyncset.done $0x0  }
0xbf: {  	[sflag:s15] =	ssyncadd.s32 $0xFFFFC000  }
0xc0: {  	[spmem:s2] =	stream.indirect.scatter.add.f32 [tilespmem:s13], [sflag:$0x3], $0x80, s11, s12, $0xb8;
	[tilespmem:$0x1D000] =	vst v63  }
0xc1: {  	_ =	swait.ge [sflag:s10], $0x4000  }
0xc2: {  	[sflag:s10] =	ssyncset.done $0x0  }
0xc3: {  	s9 =	rddreg [dreg:$0x5];
	[sflag:s10] =	ssyncadd.s32 $0xFFFFC000  }
0xc4: {  	[tilespmem:s13], [sflag:$0x1] =	stream.indirect.gather [hbm4b:s4+s12], $0x80, s9, s12, $0xb8;
	[tilespmem:$0x1D000] =	vst v63  }
0xc5: {  	_ =	swait.ge [sflag:s16], $0x4000  }
0xc6: {  	[sflag:s16] =	ssyncset.done $0x0  }
0xc7: {  	s9 =	rddreg [dreg:$0x6];
	[sflag:s16] =	ssyncadd.s32 $0xFFFFC000  }
0xc8: {  	[spmem:s2] =	stream.indirect.scatter.add.f32 [tilespmem:s14], [sflag:$0x3], $0x80, s9, s12, $0xb8;
	[tilespmem:$0x1D000] =	vst v63  }
0xc9: {  	_ =	swait.ge [sflag:s10], $0x4000  }
0xca: {  	[sflag:s10] =	ssyncset.done $0x0  }
0xcb: {  	s9 =	rddreg [dreg:$0x7];
	[sflag:s10] =	ssyncadd.s32 $0xFFFFC000  }
0xcc: {  	[tilespmem:s14], [sflag:$0x2] =	stream.indirect.gather [hbm4b:s4+s12], $0x80, s9, s12, $0xb8;
	[tilespmem:$0x1D000] =	vst v63  }
0xcd: {  	_ =	swait.ge [sflag:s15], $0x4000  }
0xce: {  	[sflag:s15] =	ssyncset.done $0x0  }
0xcf: {  	s9 =	rddreg [dreg:$0x8];
	[sflag:s15] =	ssyncadd.s32 $0xFFFFC000  }
0xd0: {  	[spmem:s2] =	stream.indirect.scatter.add.f32 [tilespmem:s13], [sflag:$0x3], $0x80, s9, s12, $0xb8;
	[tilespmem:$0x1D000] =	vst v63  }
0xd1: {  	_ =	swait.ge [sflag:s10], $0x4000  }
0xd2: {  	[sflag:s10] =	ssyncset.done $0x0  }
0xd3: {  	s9 =	rddreg [dreg:$0x9];
	[sflag:s10] =	ssyncadd.s32 $0xFFFFC000  }
0xd4: {  	[tilespmem:s13], [sflag:$0x1] =	stream.indirect.gather [hbm4b:s4+s12], $0x80, s9, s12, $0xb8;
	[tilespmem:$0x1D000] =	vst v63  }
0xd5: {  	_ =	swait.ge [sflag:s16], $0x4000  }
0xd6: {  	[sflag:s16] =	ssyncset.done $0x0  }
0xd7: {  	s9 =	rddreg [dreg:$0xa];
	[sflag:s16] =	ssyncadd.s32 $0xFFFFC000  }
0xd8: {  	[spmem:s2] =	stream.indirect.scatter.add.f32 [tilespmem:s14], [sflag:$0x3], $0x80, s9, s12, $0xb8;
	[tilespmem:$0x1D000] =	vst v63  }
0xd9: {  	_ =	swait.ge [sflag:s10], $0x4000  }
0xda: {  	[sflag:s10] =	ssyncset.done $0x0  }
0xdb: {  	s9 =	rddreg [dreg:$0xb];
	[sflag:s10] =	ssyncadd.s32 $0xFFFFC000  }
0xdc: {  	[tilespmem:s14], [sflag:$0x2] =	stream.indirect.gather [hbm4b:s4+s12], $0x80, s9, s12, $0xb8;
	[tilespmem:$0x1D000] =	vst v63  }
0xdd: {  	_ =	swait.ge [sflag:s15], $0x4000  }
0xde: {  	[sflag:s15] =	ssyncset.done $0x0  }
0xdf: {  	s9 =	rddreg [dreg:$0xc];
	[sflag:s15] =	ssyncadd.s32 $0xFFFFC000  }
0xe0: {  	[spmem:s2] =	stream.indirect.scatter.add.f32 [tilespmem:s13], [sflag:$0x3], $0x80, s9, s12, $0xb8;
	[tilespmem:$0x1D000] =	vst v63  }
0xe1: {  	_ =	swait.ge [sflag:s10], $0x4000  }
0xe2: {  	[sflag:s10] =	ssyncset.done $0x0  }
0xe3: {  	s9 =	rddreg [dreg:$0xd];
	[sflag:s10] =	ssyncadd.s32 $0xFFFFC000  }
0xe4: {  	[tilespmem:s13], [sflag:$0x1] =	stream.indirect.gather [hbm4b:s4+s12], $0x80, s9, s12, $0xb8;
	[tilespmem:$0x1D000] =	vst v63  }
0xe5: {  	_ =	swait.ge [sflag:s16], $0x4000  }
0xe6: {  	[sflag:s16] =	ssyncset.done $0x0  }
0xe7: {  	s9 =	rddreg [dreg:$0xe];
	[sflag:s16] =	ssyncadd.s32 $0xFFFFC000  }
0xe8: {  	[spmem:s2] =	stream.indirect.scatter.add.f32 [tilespmem:s14], [sflag:$0x3], $0x80, s9, s12, $0xb8;
	[tilespmem:$0x1D000] =	vst v63  }
0xe9: {  	_ =	swait.ge [sflag:s10], $0x4000  }
0xea: {  	[sflag:s10] =	ssyncset.done $0x0  }
0xeb: {  	s9 =	rddreg [dreg:$0xf];
	[sflag:s10] =	ssyncadd.s32 $0xFFFFC000  }
0xec: {  	[tilespmem:s14], [sflag:$0x2] =	stream.indirect.gather [hbm4b:s4+s12], $0x80, s9, s12, $0xb8;
	[tilespmem:$0x1D000] =	vst v63  }
0xed: {  	_ =	swait.ge [sflag:s15], $0x4000  }
0xee: {  	[sflag:s15] =	ssyncset.done $0x0  }
0xef: {  	s9 =	rddreg [dreg:$0x10];
	[sflag:s15] =	ssyncadd.s32 $0xFFFFC000  }
0xf0: {  	[spmem:s2] =	stream.indirect.scatter.add.f32 [tilespmem:s13], [sflag:$0x3], $0x80, s9, s12, $0xb8;
	[tilespmem:$0x1D000] =	vst v63  }
0xf1: {  	_ =	swait.ge [sflag:s10], $0x4000  }
0xf2: {  	[sflag:s10] =	ssyncset.done $0x0  }
0xf3: {  	[sflag:s10] =	ssyncadd.s32 $0xFFFFC000  }
0xf4: {  	[tilespmem:s13], [sflag:$0x1] =	stream.indirect.gather [hbm4b:s4+s12], $0x80, s17, s12, $0xb8;
	[tilespmem:$0x1D000] =	vst v63  }
0xf5: {  	_ =	swait.ge [sflag:s16], $0x4000  }
0xf6: {  	[sflag:s16] =	ssyncset.done $0x0  }
0xf7: {  	[sflag:s16] =	ssyncadd.s32 $0xFFFFC000  }
0xf8: {  	[spmem:s2] =	stream.indirect.scatter.add.f32 [tilespmem:s14], [sflag:$0x3], $0x80, s18, s12, $0xb8;
	[tilespmem:$0x1D000] =	vst v63  }
0xf9: {  	_ =	swait.ge [sflag:s10], $0x4000  }
0xfa: {  	[sflag:s10] =	ssyncset.done $0x0  }
0xfb: {  	[sflag:s10] =	ssyncadd.s32 $0xFFFFC000  }
0xfc: {  	[tilespmem:s14], [sflag:$0x2] =	stream.indirect.gather [hbm4b:s4+s12], $0x80, s19, s12, $0xb8;
	[tilespmem:$0x1D000] =	vst v63  }
0xfd: {  	_ =	swait.ge [sflag:s15], $0x4000  }
0xfe: {  	[sflag:s15] =	ssyncset.done $0x0  }
0xff: {  	[sflag:s15] =	ssyncadd.s32 $0xFFFFC000  }
0x100: {  	[spmem:s2] =	stream.indirect.scatter.add.f32 [tilespmem:s13], [sflag:$0x3], $0x80, s20, s12, $0xb8;
	[tilespmem:$0x1D000] =	vst v63  }
0x101: {  	_ =	swait.ge [sflag:s10], $0x4000  }
0x102: {  	[sflag:s10] =	ssyncset.done $0x0  }
0x103: {  	[sflag:s10] =	ssyncadd.s32 $0xFFFFC000  }
0x104: {  	[tilespmem:s13], [sflag:$0x1] =	stream.indirect.gather [hbm4b:s4+s12], $0x80, s21, s12, $0xb8;
	[tilespmem:$0x1D000] =	vst v63  }
0x105: {  	_ =	swait.ge [sflag:s16], $0x4000  }
0x106: {  	[sflag:s16] =	ssyncset.done $0x0  }
0x107: {  	[sflag:s16] =	ssyncadd.s32 $0xFFFFC000  }
0x108: {  	[spmem:s2] =	stream.indirect.scatter.add.f32 [tilespmem:s14], [sflag:$0x3], $0x80, s22, s12, $0xb8;
	[tilespmem:$0x1D000] =	vst v63  }
0x109: {  	_ =	swait.ge [sflag:s10], $0x4000  }
0x10a: {  	[sflag:s10] =	ssyncset.done $0x0  }
0x10b: {  	[sflag:s10] =	ssyncadd.s32 $0xFFFFC000  }
0x10c: {  	[tilespmem:s14], [sflag:$0x2] =	stream.indirect.gather [hbm4b:s4+s12], $0x80, s23, s12, $0xb8;
	[tilespmem:$0x1D000] =	vst v63  }
0x10d: {  	_ =	swait.ge [sflag:s15], $0x4000  }
0x10e: {  	[sflag:s15] =	ssyncset.done $0x0  }
0x10f: {  	[sflag:s15] =	ssyncadd.s32 $0xFFFFC000  }
0x110: {  	[spmem:s2] =	stream.indirect.scatter.add.f32 [tilespmem:s13], [sflag:$0x3], $0x80, s24, s12, $0xb8;
	[tilespmem:$0x1D000] =	vst v63  }
0x111: {  	_ =	swait.ge [sflag:s10], $0x4000  }
0x112: {  	[sflag:s10] =	ssyncset.done $0x0  }
0x113: {  	[sflag:s10] =	ssyncadd.s32 $0xFFFFC000  }
0x114: {  	[tilespmem:s13], [sflag:$0x1] =	stream.indirect.gather [hbm4b:s4+s12], $0x80, s25, s12, $0xb8;
	[tilespmem:$0x1D000] =	vst v63  }
0x115: {  	_ =	swait.ge [sflag:s16], $0x4000  }
0x116: {  	[sflag:s16] =	ssyncset.done $0x0  }
0x117: {  	[sflag:s16] =	ssyncadd.s32 $0xFFFFC000  }
0x118: {  	[spmem:s2] =	stream.indirect.scatter.add.f32 [tilespmem:s14], [sflag:$0x3], $0x80, s26, s12, $0xb8;
	[tilespmem:$0x1D000] =	vst v63  }
0x119: {  	_ =	swait.ge [sflag:s10], $0x4000  }
0x11a: {  	[sflag:s10] =	ssyncset.done $0x0  }
0x11b: {  	[sflag:s10] =	ssyncadd.s32 $0xFFFFC000  }
0x11c: {  	[tilespmem:s14], [sflag:$0x2] =	stream.indirect.gather [hbm4b:s4+s12], $0x80, s28, s12, $0xb8;
	[tilespmem:$0x1D000] =	vst v63  }
0x11d: {  	_ =	swait.ge [sflag:s15], $0x4000  }
0x11e: {  	[sflag:s15] =	ssyncset.done $0x0  }
0x11f: {  	[sflag:s15] =	ssyncadd.s32 $0xFFFFC000  }
0x120: {  	[spmem:s2] =	stream.indirect.scatter.add.f32 [tilespmem:s13], [sflag:$0x3], $0x80, s29, s12, $0xb8;
	[tilespmem:$0x1D000] =	vst v63  }
0x121: {  	_ =	swait.ge [sflag:s10], $0x4000  }
0x122: {  	[sflag:s10] =	ssyncset.done $0x0  }
0x123: {  	[sflag:s10] =	ssyncadd.s32 $0xFFFFC000  }
0x124: {  	[tilespmem:s13], [sflag:$0x1] =	stream.indirect.gather [hbm4b:s4+s12], $0x80, s30, s12, $0xb8;
	[tilespmem:$0x1D000] =	vst v63  }
0x125: {  	_ =	swait.ge [sflag:s16], $0x4000  }
0x126: {  	[sflag:s16] =	ssyncset.done $0x0  }
0x127: {  	[sflag:s16] =	ssyncadd.s32 $0xFFFFC000  }
0x128: {  	[spmem:s2] =	stream.indirect.scatter.add.f32 [tilespmem:s14], [sflag:$0x3], $0x80, s31, s12, $0xb8;
	[tilespmem:$0x1D000] =	vst v63  }
0x129: {  	_ =	swait.ge [sflag:s10], $0x4000  }
0x12a: {  	[sflag:s10] =	ssyncset.done $0x0  }
0x12b: {  	[sflag:s10] =	ssyncadd.s32 $0xFFFFC000  }
0x12c: {  	[tilespmem:s14], [sflag:$0x2] =	stream.indirect.gather [hbm4b:s4+s12], $0x80, s1, s12, $0xb8;
	[tilespmem:$0x1D000] =	vst v63  }
0x12d: {  	_ =	swait.ge [sflag:s15], $0x4000  }
0x12e: {  	[sflag:s15] =	ssyncset.done $0x0  }
0x12f: {  	[sflag:s15] =	ssyncadd.s32 $0xFFFFC000  }
0x130: {  	[spmem:s2] =	stream.indirect.scatter.add.f32 [tilespmem:s13], [sflag:$0x3], $0x80, s0, s12, $0xb8;
	[tilespmem:$0x1D000] =	vst v63  }
0x131: {  	_ =	swait.ge [sflag:s10], $0x4000  }
0x132: {  	[sflag:s10] =	ssyncset.done $0x0  }
0x133: {  	[sflag:s10] =	ssyncadd.s32 $0xFFFFC000  }
0x134: {  	p0 =	sne.s32 s6, $0x400;
	_ =	swait.ge [sflag:s16], $0x4000  }
.Ltmp0:
0x135: {  	[sflag:s16] =	ssyncset.done $0x0;
	(pc) =	sbr.rel @p0 .LBB2_2-.Ltmp0, $4  }
0x136: {  	[sflag:s16] =	ssyncadd.s32 $0xFFFFC000  }
0x137: {  	[spmem:s2] =	stream.indirect.scatter.add.f32 [tilespmem:s14], [sflag:$0x3], $0x80, s5, s12, $0xb8;
	[tilespmem:$0x1D000] =	vst v63  }
0x138: {  	s7 =	smov.u32 s6;
	s6 =	sadd.s32 $0x100, s6;
	_ =	swait.ge [sflag:s10], $0x4000  }
0x139: {  	s8 =	smov.u32 s7;
	s9 =	rddreg [dreg:$0x4];
	[sflag:s10] =	ssyncset.done $0x0  }
0x13a: {  	[sflag:s10] =	ssyncadd.s32 $0xFFFFC000;
	s6 =	sadd.s32 s8, s9  }
0x13b: {  	[tilespmem:s3], [sflag:$0x3] =	stream.linear.gather [hbm4b:s6+s3], $0x800, $0x38;
	[tilespmem:$0x1D000] =	vst v63  }
0x13c: {  	_ =	swait.ge [sflag:s10], $0x800  }
0x13d: {  	s7 =	rddreg [dreg:$0x3];
	[sflag:s10] =	ssyncset.done $0x0  }
0x13e: {  	s6 =	sadd.s32 s8, s7;
	[sflag:s10] =	ssyncadd.s32 $0xFFFFF800  }
0x13f: {  	[tilespmem:s11], [sflag:$0x3] =	stream.linear.gather [hbm4b:s6+s3], $0x800, $0x38;
	[tilespmem:$0x1D000] =	vst v63  }
0x140: {  	_ =	swait.ge [sflag:s10], $0x800  }
0x141: {  	[sflag:s10] =	ssyncset.done $0x0  }
0x142: {  	[sflag:s10] =	ssyncadd.s32 $0xFFFFF800  }
0x143: {  	[tilespmem:s13], [sflag:$0x1] =	stream.indirect.gather [hbm4b:s4+s12], $0x80, s3, s12, $0xb8;
	[tilespmem:$0x1D000] =	vst v63  }
0x144: {  	_ = 	snop  }
0x145: {  	[tilespmem:s14], [sflag:$0x2] =	stream.indirect.gather [hbm4b:s4+s12], $0x80, s12, s12, $0xb8;
	[tilespmem:$0x1D000] =	vst v63  }
0x146: {  	_ =	swait.ge [sflag:s15], $0x4000  }
0x147: {  	[sflag:s15] =	ssyncset.done $0x0  }
0x148: {  	[sflag:s15] =	ssyncadd.s32 $0xFFFFC000  }
0x149: {  	[spmem:s2] =	stream.indirect.scatter.add.f32 [tilespmem:s13], [sflag:$0x3], $0x80, s11, s12, $0xb8;
	[tilespmem:$0x1D000] =	vst v63  }
0x14a: {  	_ =	swait.ge [sflag:s10], $0x4000  }
0x14b: {  	[sflag:s10] =	ssyncset.done $0x0  }
0x14c: {  	s9 =	rddreg [dreg:$0x5];
	[sflag:s10] =	ssyncadd.s32 $0xFFFFC000  }
0x14d: {  	[tilespmem:s13], [sflag:$0x1] =	stream.indirect.gather [hbm4b:s4+s12], $0x80, s9, s12, $0xb8;
	[tilespmem:$0x1D000] =	vst v63  }
0x14e: {  	_ =	swait.ge [sflag:s16], $0x4000  }
0x14f: {  	[sflag:s16] =	ssyncset.done $0x0  }
0x150: {  	s7 =	rddreg [dreg:$0x6];
	[sflag:s16] =	ssyncadd.s32 $0xFFFFC000  }
0x151: {  	[spmem:s2] =	stream.indirect.scatter.add.f32 [tilespmem:s14], [sflag:$0x3], $0x80, s7, s12, $0xb8;
	[tilespmem:$0x1D000] =	vst v63  }
0x152: {  	_ =	swait.ge [sflag:s10], $0x4000  }
0x153: {  	[sflag:s10] =	ssyncset.done $0x0  }
0x154: {  	s8 =	rddreg [dreg:$0x7];
	[sflag:s10] =	ssyncadd.s32 $0xFFFFC000  }
0x155: {  	[tilespmem:s14], [sflag:$0x2] =	stream.indirect.gather [hbm4b:s4+s12], $0x80, s8, s12, $0xb8;
	[tilespmem:$0x1D000] =	vst v63  }
0x156: {  	_ =	swait.ge [sflag:s15], $0x4000  }
0x157: {  	[sflag:s15] =	ssyncset.done $0x0  }
0x158: {  	s9 =	rddreg [dreg:$0x8];
	[sflag:s15] =	ssyncadd.s32 $0xFFFFC000  }
0x159: {  	[spmem:s2] =	stream.indirect.scatter.add.f32 [tilespmem:s13], [sflag:$0x3], $0x80, s9, s12, $0xb8;
	[tilespmem:$0x1D000] =	vst v63  }
0x15a: {  	_ =	swait.ge [sflag:s10], $0x4000  }
0x15b: {  	[sflag:s10] =	ssyncset.done $0x0  }
0x15c: {  	s7 =	rddreg [dreg:$0x9];
	[sflag:s10] =	ssyncadd.s32 $0xFFFFC000  }
0x15d: {  	[tilespmem:s13], [sflag:$0x1] =	stream.indirect.gather [hbm4b:s4+s12], $0x80, s7, s12, $0xb8;
	[tilespmem:$0x1D000] =	vst v63  }
0x15e: {  	_ =	swait.ge [sflag:s16], $0x4000  }
0x15f: {  	[sflag:s16] =	ssyncset.done $0x0  }
0x160: {  	s8 =	rddreg [dreg:$0xa];
	[sflag:s16] =	ssyncadd.s32 $0xFFFFC000  }
0x161: {  	[spmem:s2] =	stream.indirect.scatter.add.f32 [tilespmem:s14], [sflag:$0x3], $0x80, s8, s12, $0xb8;
	[tilespmem:$0x1D000] =	vst v63  }
0x162: {  	_ =	swait.ge [sflag:s10], $0x4000  }
0x163: {  	[sflag:s10] =	ssyncset.done $0x0  }
0x164: {  	s9 =	rddreg [dreg:$0xb];
	[sflag:s10] =	ssyncadd.s32 $0xFFFFC000  }
0x165: {  	[tilespmem:s14], [sflag:$0x2] =	stream.indirect.gather [hbm4b:s4+s12], $0x80, s9, s12, $0xb8;
	[tilespmem:$0x1D000] =	vst v63  }
0x166: {  	_ =	swait.ge [sflag:s15], $0x4000  }
0x167: {  	[sflag:s15] =	ssyncset.done $0x0  }
0x168: {  	s7 =	rddreg [dreg:$0xc];
	[sflag:s15] =	ssyncadd.s32 $0xFFFFC000  }
0x169: {  	[spmem:s2] =	stream.indirect.scatter.add.f32 [tilespmem:s13], [sflag:$0x3], $0x80, s7, s12, $0xb8;
	[tilespmem:$0x1D000] =	vst v63  }
0x16a: {  	_ =	swait.ge [sflag:s10], $0x4000  }
0x16b: {  	[sflag:s10] =	ssyncset.done $0x0  }
0x16c: {  	s8 =	rddreg [dreg:$0xd];
	[sflag:s10] =	ssyncadd.s32 $0xFFFFC000  }
0x16d: {  	[tilespmem:s13], [sflag:$0x1] =	stream.indirect.gather [hbm4b:s4+s12], $0x80, s8, s12, $0xb8;
	[tilespmem:$0x1D000] =	vst v63  }
0x16e: {  	_ =	swait.ge [sflag:s16], $0x4000  }
0x16f: {  	[sflag:s16] =	ssyncset.done $0x0  }
0x170: {  	s9 =	rddreg [dreg:$0xe];
	[sflag:s16] =	ssyncadd.s32 $0xFFFFC000  }
0x171: {  	[spmem:s2] =	stream.indirect.scatter.add.f32 [tilespmem:s14], [sflag:$0x3], $0x80, s9, s12, $0xb8;
	[tilespmem:$0x1D000] =	vst v63  }
0x172: {  	_ =	swait.ge [sflag:s10], $0x4000  }
0x173: {  	[sflag:s10] =	ssyncset.done $0x0  }
0x174: {  	s7 =	rddreg [dreg:$0xf];
	[sflag:s10] =	ssyncadd.s32 $0xFFFFC000  }
0x175: {  	[tilespmem:s14], [sflag:$0x2] =	stream.indirect.gather [hbm4b:s4+s12], $0x80, s7, s12, $0xb8;
	[tilespmem:$0x1D000] =	vst v63  }
0x176: {  	_ =	swait.ge [sflag:s15], $0x4000  }
0x177: {  	[sflag:s15] =	ssyncset.done $0x0  }
0x178: {  	s8 =	rddreg [dreg:$0x10];
	[sflag:s15] =	ssyncadd.s32 $0xFFFFC000  }
0x179: {  	[spmem:s2] =	stream.indirect.scatter.add.f32 [tilespmem:s13], [sflag:$0x3], $0x80, s8, s12, $0xb8;
	[tilespmem:$0x1D000] =	vst v63  }
0x17a: {  	_ =	swait.ge [sflag:s10], $0x4000  }
0x17b: {  	[sflag:s10] =	ssyncset.done $0x0  }
0x17c: {  	[sflag:s10] =	ssyncadd.s32 $0xFFFFC000  }
0x17d: {  	[tilespmem:s13], [sflag:$0x1] =	stream.indirect.gather [hbm4b:s4+s12], $0x80, s17, s12, $0xb8;
	[tilespmem:$0x1D000] =	vst v63  }
0x17e: {  	_ =	swait.ge [sflag:s16], $0x4000  }
0x17f: {  	[sflag:s16] =	ssyncset.done $0x0  }
0x180: {  	[sflag:s16] =	ssyncadd.s32 $0xFFFFC000  }
0x181: {  	[spmem:s2] =	stream.indirect.scatter.add.f32 [tilespmem:s14], [sflag:$0x3], $0x80, s18, s12, $0xb8;
	[tilespmem:$0x1D000] =	vst v63  }
0x182: {  	_ =	swait.ge [sflag:s10], $0x4000  }
0x183: {  	[sflag:s10] =	ssyncset.done $0x0  }
0x184: {  	[sflag:s10] =	ssyncadd.s32 $0xFFFFC000  }
0x185: {  	[tilespmem:s14], [sflag:$0x2] =	stream.indirect.gather [hbm4b:s4+s12], $0x80, s19, s12, $0xb8;
	[tilespmem:$0x1D000] =	vst v63  }
0x186: {  	_ =	swait.ge [sflag:s15], $0x4000  }
0x187: {  	[sflag:s15] =	ssyncset.done $0x0  }
0x188: {  	[sflag:s15] =	ssyncadd.s32 $0xFFFFC000  }
0x189: {  	[spmem:s2] =	stream.indirect.scatter.add.f32 [tilespmem:s13], [sflag:$0x3], $0x80, s20, s12, $0xb8;
	[tilespmem:$0x1D000] =	vst v63  }
0x18a: {  	_ =	swait.ge [sflag:s10], $0x4000  }
0x18b: {  	[sflag:s10] =	ssyncset.done $0x0  }
0x18c: {  	[sflag:s10] =	ssyncadd.s32 $0xFFFFC000  }
0x18d: {  	[tilespmem:s13], [sflag:$0x1] =	stream.indirect.gather [hbm4b:s4+s12], $0x80, s21, s12, $0xb8;
	[tilespmem:$0x1D000] =	vst v63  }
0x18e: {  	_ =	swait.ge [sflag:s16], $0x4000  }
0x18f: {  	[sflag:s16] =	ssyncset.done $0x0  }
0x190: {  	[sflag:s16] =	ssyncadd.s32 $0xFFFFC000  }
0x191: {  	[spmem:s2] =	stream.indirect.scatter.add.f32 [tilespmem:s14], [sflag:$0x3], $0x80, s22, s12, $0xb8;
	[tilespmem:$0x1D000] =	vst v63  }
0x192: {  	_ =	swait.ge [sflag:s10], $0x4000  }
0x193: {  	[sflag:s10] =	ssyncset.done $0x0  }
0x194: {  	[sflag:s10] =	ssyncadd.s32 $0xFFFFC000  }
0x195: {  	[tilespmem:s14], [sflag:$0x2] =	stream.indirect.gather [hbm4b:s4+s12], $0x80, s23, s12, $0xb8;
	[tilespmem:$0x1D000] =	vst v63  }
0x196: {  	_ =	swait.ge [sflag:s15], $0x4000  }
0x197: {  	[sflag:s15] =	ssyncset.done $0x0  }
0x198: {  	[sflag:s15] =	ssyncadd.s32 $0xFFFFC000  }
0x199: {  	[spmem:s2] =	stream.indirect.scatter.add.f32 [tilespmem:s13], [sflag:$0x3], $0x80, s24, s12, $0xb8;
	[tilespmem:$0x1D000] =	vst v63  }
0x19a: {  	_ =	swait.ge [sflag:s10], $0x4000  }
0x19b: {  	[sflag:s10] =	ssyncset.done $0x0  }
0x19c: {  	[sflag:s10] =	ssyncadd.s32 $0xFFFFC000  }
0x19d: {  	[tilespmem:s13], [sflag:$0x1] =	stream.indirect.gather [hbm4b:s4+s12], $0x80, s25, s12, $0xb8;
	[tilespmem:$0x1D000] =	vst v63  }
0x19e: {  	_ =	swait.ge [sflag:s16], $0x4000  }
0x19f: {  	[sflag:s16] =	ssyncset.done $0x0  }
0x1a0: {  	[sflag:s16] =	ssyncadd.s32 $0xFFFFC000  }
0x1a1: {  	[spmem:s2] =	stream.indirect.scatter.add.f32 [tilespmem:s14], [sflag:$0x3], $0x80, s26, s12, $0xb8;
	[tilespmem:$0x1D000] =	vst v63  }
0x1a2: {  	_ =	swait.ge [sflag:s10], $0x4000  }
0x1a3: {  	[sflag:s10] =	ssyncset.done $0x0  }
0x1a4: {  	[sflag:s10] =	ssyncadd.s32 $0xFFFFC000  }
0x1a5: {  	[tilespmem:s14], [sflag:$0x2] =	stream.indirect.gather [hbm4b:s4+s12], $0x80, s28, s12, $0xb8;
	[tilespmem:$0x1D000] =	vst v63  }
0x1a6: {  	_ =	swait.ge [sflag:s15], $0x4000  }
0x1a7: {  	[sflag:s15] =	ssyncset.done $0x0  }
0x1a8: {  	[sflag:s15] =	ssyncadd.s32 $0xFFFFC000  }
0x1a9: {  	[spmem:s2] =	stream.indirect.scatter.add.f32 [tilespmem:s13], [sflag:$0x3], $0x80, s29, s12, $0xb8;
	[tilespmem:$0x1D000] =	vst v63  }
0x1aa: {  	_ =	swait.ge [sflag:s10], $0x4000  }
0x1ab: {  	[sflag:s10] =	ssyncset.done $0x0  }
0x1ac: {  	[sflag:s10] =	ssyncadd.s32 $0xFFFFC000  }
0x1ad: {  	[tilespmem:s13], [sflag:$0x1] =	stream.indirect.gather [hbm4b:s4+s12], $0x80, s30, s12, $0xb8;
	[tilespmem:$0x1D000] =	vst v63  }
0x1ae: {  	_ =	swait.ge [sflag:s16], $0x4000  }
0x1af: {  	[sflag:s16] =	ssyncset.done $0x0  }
0x1b0: {  	[sflag:s16] =	ssyncadd.s32 $0xFFFFC000  }
0x1b1: {  	[spmem:s2] =	stream.indirect.scatter.add.f32 [tilespmem:s14], [sflag:$0x3], $0x80, s31, s12, $0xb8;
	[tilespmem:$0x1D000] =	vst v63  }
0x1b2: {  	_ =	swait.ge [sflag:s10], $0x4000  }
0x1b3: {  	[sflag:s10] =	ssyncset.done $0x0  }
0x1b4: {  	[sflag:s10] =	ssyncadd.s32 $0xFFFFC000  }
0x1b5: {  	[tilespmem:s14], [sflag:$0x2] =	stream.indirect.gather [hbm4b:s4+s12], $0x80, s1, s12, $0xb8;
	[tilespmem:$0x1D000] =	vst v63  }
0x1b6: {  	_ =	swait.ge [sflag:s15], $0x4000  }
0x1b7: {  	[sflag:s15] =	ssyncset.done $0x0  }
0x1b8: {  	[sflag:s15] =	ssyncadd.s32 $0xFFFFC000  }
0x1b9: {  	[spmem:s2] =	stream.indirect.scatter.add.f32 [tilespmem:s13], [sflag:$0x3], $0x80, s0, s12, $0xb8;
	[tilespmem:$0x1D000] =	vst v63  }
0x1ba: {  	_ =	swait.ge [sflag:s10], $0x4000  }
0x1bb: {  	[sflag:s10] =	ssyncset.done $0x0  }
0x1bc: {  	[sflag:s10] =	ssyncadd.s32 $0xFFFFC000  }
0x1bd: {  	_ =	swait.ge [sflag:s16], $0x4000  }
0x1be: {  	[sflag:s16] =	ssyncset.done $0x0  }
0x1bf: {  	[sflag:s16] =	ssyncadd.s32 $0xFFFFC000  }
0x1c0: {  	[spmem:s2] =	stream.indirect.scatter.add.f32 [tilespmem:s14], [sflag:$0x3], $0x80, s5, s12, $0xb8;
	[tilespmem:$0x1D000] =	vst v63  }
0x1c1: {  	_ =	swait.ge [sflag:s10], $0x4000  }
0x1c2: {  	[sflag:s10] =	ssyncset.done $0x0  }
0x1c3: {  	[sflag:s10] =	ssyncadd.s32 $0xFFFFC000  }
0x1c4: {  	[bflag:$0x0] =	sbarrier.arrive $0xFFFF  }
0x1c5: {  	s7 =	rddreg [dreg:$0x12]  }
0x1c6: {  	s9 =	rddreg [dreg:$0x13]  }
0x1c7: {  	s8 =	rddreg [dreg:$0x15]  }
0x1c8: {  	[hbm:s9], [sflag:s7] =	dma.local [spmem:s8], $0x2800  }
0x1c9: {  	_ =	swait.ge [sflag:s10], $0x2800  }
0x1ca: {  	s6 =	rddreg [dreg:$0x16]  }
0x1cb: {  	s9 =	sadd.s32 $0x1, s6;
	s6 =	rddreg [dreg:$0x14]  }
0x1cc: {  	p0 =	sne.s32 s9, s6  }
.Ltmp1:
0x1cd: {  	_ = 	snop;
	(pc) =	sbr.rel @p0 .LBB2_1-.Ltmp1, $3  }
0x1ce: {  	_ =	sdelay $0x1  }
0x1cf: {  	[sflag:s10] =	ssyncset.done $0x0  }
0x1d0: {  	[sflag:s10] =	ssyncadd.s32 $0xFFFFD800  }
0x1d1: {  	_ =	sfence.sel $0x180000  }
0x1d2: {  	[bflag:$0x0] =	sbarrier.arrive $0xFFFF  }
0x1d3: {  	_ =	strace $0x9000004A  }
0x1d4: {  	s0 =	stileid.u32;
	[bflag:$0x2] =	sbarrier.arrive $0xFFFF  }
0x1d5: {  	p0 =	sne.s32 s0, $0x0;
	s0 =	rddreg [dreg:$0x2]  }
0x1d6: {  	s0 =	sadd.s32 @!p0 $0x100000, s0  }
0x1d7: {  	[sflag:s0] =	ssyncadd.tile.s32 @!p0 $0x1;
	_ =	shalt  }
.Lfunc_end2:
_tile_overlayer_lowered:
.L_overlay_start_2:
0x1d8: {  	(tag) =	ssettag $0x2  }
0x1d9: {  	s0 =	rddreg [dreg:$0x0];
	s2 =	stileid.u32  }
0x1da: {  	s1 =	rddreg [dreg:$0x1];
	p0 =	sne.s32 s2, $0x0  }
0x1db: {  	s3 =	rddreg [dreg:$0x2];
	[bflag:$0x3] =	sbarrier.arrive $0xFFFF;
	s2 =	simm.s32 @!p0 $0x1C03  }
0x1dc: {  	[timem:s3], [sflag:s2] =	dma.local @!p0 [hbm:s0], s1  }
0x1dd: {  	s0 =	simm.s32 @!p0 $0x3  }
0x1de: {  	_ =	swait.ge @!p0 [sflag:s0], s1  }
0x1df: {  	s1 =	ssub.s32 @!p0 $0x0, s1;
	[sflag:s0] =	ssyncset.done @!p0 $0x0  }
0x1e0: {  	[sflag:s0] =	ssyncadd.s32 @!p0 s1  }
0x1e1: {  	[bflag:$0x3] =	sbarrier.arrive $0xFFFF  }
0x1e2: {  	_ =	shalt  }

// kernel: kernel.14.cloned.1.call-start
scs
__scs_entry_jumppad:
0x0: {  	(pc) =	sbr.rel $0x88, $3  }
0x1: {  	(tag) =	ssettag $0x0;
	lr =	simm.s32 $0x1  }
0x2: {  	[smem:$0x3F9A] =	sst lr;
	_ =	strace $0xD0000000  }
0x3: {  	_ = 	snop  }
0x4: {  	_ = 	snop  }
0x5: {  	_ = 	snop  }
0x6: {  	_ = 	snop  }
0x7: {  	_ = 	snop  }
__scs_overlays_trampoline_lowered:
0x8: {  	[smem:$0x3FA9] =	sst s0  }
0x9: {  	[smem:$0x3FAA] =	sst s1  }
0xa: {  	[smem:$0x3FAB] =	sst s2  }
0xb: {  	[smem:$0x3FAC] =	sst s3  }
0xc: {  	[smem:$0x3FAD] =	sst s4  }
0xd: {  	[smem:$0x3FAE] =	sst s5  }
0xe: {  	[smem:$0x3FAF] =	sst s6  }
0xf: {  	[smem:$0x3FB0] =	sst s7  }
0x10: {  	[smem:$0x3FB1] =	sst s8  }
0x11: {  	[smem:$0x3FB2] =	sst s9;
	s0 =	simm.s32 @!p0 $0x0  }
0x12: {  	s1 =	sld [smem:$0x3F98];
	s0 =	simm.s32 @p0 $0x1  }
0x13: {  	[smem:$0x3FB3] =	sst s0;
	s0 =	simm.s32 @!p1 $0x0  }
0x14: {  	s2 =	sld [smem:$0x3F97];
	s0 =	simm.s32 @p1 $0x1  }
0x15: {  	[smem:$0x3FB4] =	sst s0;
	s0 =	simm.s32 @!p2 $0x0  }
0x16: {  	s3 =	sld [smem:$0x3FDB];
	s0 =	simm.s32 @p2 $0x1  }
0x17: {  	s4 =	simm.s32 $0x1BF5;
	[smem:$0x3FB6] =	sst s0  }
0x18: {  	s0 =	sld [smem:$0x3F99];
	_ =	swait.ge [sflag:s4], $0x0  }
0x19: {  	s7 =	sld [smem:$0x3F9A]  }
0x1a: {  	s8 =	sadd.s32 $0xFFFFE003, lr  }
0x1b: {  	s9 =	sadd.s32 $0xFFFFFEF7, lr;
	s5 =	simm.s32 $0xFFFFFFFF;
	p2 =	slt.u32 s8, $0xFFFFF086  }
0x1c: {  	p1 =	slt.u32 s9, $0xF7A;
	s5 =	simm.s32 @!p2 $0x0  }
0x1d: {  	s5 =	simm.s32 @p1 $0x1;
	p0 =	seq.s32 s7, s2  }
0x1e: {  	s7 =	smul.u32 @!p0 $0xF7A, s2;
	p2 =	seq.s32 @!p0 s5, $0x0  }
0x1f: {  	s9 =	smul.u32 $0xF7A, s1;
	s8 =	simm.s32 @!p0 $0x1BF5;
	p2 =	por !p2, p0  }
0x20: {  	[sflag:s8] =	ssyncset.s32 @!p0 $0xFFFFF086;
	s6 =	sadd.s32 @!p0 s3, s7;
	s7 =	simm.s32 @!p0 $0x108  }
0x21: {  	s3 =	sadd.s32 s3, s9;
	s6 =	sadd.s32 @!p0 $0x88, s6;
	s7 =	simm.s32 @p2 $0x1082  }
0x22: {  	[simem:s7], [sflag:s8] =	dma.local @!p0 [hbm:s6], $0xF7A  }
0x23: {  	s9 =	sor.u32 $0xD0000000, s2;
	s6 =	simm.s32 $0x108;
	_ =	swait.ge @!p0 [sflag:s8], $0x0  }
0x24: {  	s3 =	sadd.s32 $0x88, s3;
	s6 =	simm.s32 @!p1 $0x1082;
	[sflag:s4] =	ssyncset.s32 $0xFFFFF086  }
0x25: {  	[simem:s6], [sflag:s4] =	dma.local [hbm:s3], $0xF7A  }
0x26: {  	[smem:$0x3F9A] =	sst s1;
	(tag) =	ssettag s2;
	_ =	strace s9  }
0x27: {  	s1 =	sld [smem:$0x3FAA]  }
0x28: {  	s2 =	sld [smem:$0x3FAB]  }
0x29: {  	s4 =	sld [smem:$0x3FAD]  }
0x2a: {  	p0 =	seq.s32 s5, $0x0;
	s5 =	sld [smem:$0x3FAE]  }
0x2b: {  	s6 =	sld [smem:$0x3FAF]  }
0x2c: {  	s7 =	sld [smem:$0x3FB0]  }
0x2d: {  	s3 =	simm.s32 $0x108;
	s8 =	sld [smem:$0x3FB1]  }
0x2e: {  	s3 =	simm.s32 @!p0 $0x1082;
	s9 =	sld [smem:$0x3FB2]  }
0x2f: {  	lr =	sadd.s32 s0, s3;
	s0 =	sld [smem:$0x3FA9]  }
0x30: {  	s3 =	sld [smem:$0x3FAC]  }
0x31: {  	[smem:$0x3FB5] =	sst s10  }
0x32: {  	s10 =	sld [smem:$0x3FB3];
	_ =	sdelay $0x3  }
0x33: {  	p0 =	seq.s32 s10, $0x1;
	s10 =	sld [smem:$0x3FB5];
	_ =	sdelay $0x3  }
0x34: {  	[smem:$0x3FB5] =	sst s10  }
0x35: {  	s10 =	sld [smem:$0x3FB4];
	_ =	sdelay $0x3  }
0x36: {  	p1 =	seq.s32 s10, $0x1;
	s10 =	sld [smem:$0x3FB5];
	_ =	sdelay $0x3  }
0x37: {  	[smem:$0x3FB5] =	sst s10  }
0x38: {  	s10 =	sld [smem:$0x3FB6]  }
0x39: {  	_ = 	snop;
	(pc) =	sbr.ind lr, $3  }
0x3a: {  	_ = 	snop  }
0x3b: {  	_ = 	snop  }
0x3c: {  	p2 =	seq.s32 s10, $0x1;
	s10 =	sld [smem:$0x3FB5]  }
0x3d: {  	_ =	shalt  }
0x3e: {  	_ =	shalt  }
0x3f: {  	_ =	shalt  }
0x40: {  	_ =	shalt  }
0x41: {  	_ =	shalt  }
0x42: {  	_ =	shalt  }
0x43: {  	_ =	shalt  }
0x44: {  	_ =	shalt  }
0x45: {  	_ =	shalt  }
0x46: {  	_ =	shalt  }
0x47: {  	_ =	shalt  }
0x48: {  	_ =	shalt  }
0x49: {  	_ =	shalt  }
0x4a: {  	_ =	shalt  }
0x4b: {  	_ =	shalt  }
0x4c: {  	_ =	shalt  }
0x4d: {  	_ =	shalt  }
0x4e: {  	_ =	shalt  }
0x4f: {  	_ =	shalt  }
0x50: {  	_ =	shalt  }
0x51: {  	_ =	shalt  }
0x52: {  	_ =	shalt  }
0x53: {  	_ =	shalt  }
0x54: {  	_ =	shalt  }
0x55: {  	_ =	shalt  }
0x56: {  	_ =	shalt  }
0x57: {  	_ =	shalt  }
0x58: {  	_ =	shalt  }
0x59: {  	_ =	shalt  }
0x5a: {  	_ =	shalt  }
0x5b: {  	_ =	shalt  }
0x5c: {  	_ =	shalt  }
0x5d: {  	_ =	shalt  }
0x5e: {  	_ =	shalt  }
0x5f: {  	_ =	shalt  }
0x60: {  	_ =	shalt  }
0x61: {  	_ =	shalt  }
0x62: {  	_ =	shalt  }
0x63: {  	_ =	shalt  }
0x64: {  	_ =	shalt  }
0x65: {  	_ =	shalt  }
0x66: {  	_ =	shalt  }
0x67: {  	_ =	shalt  }
0x68: {  	_ =	shalt  }
0x69: {  	_ =	shalt  }
0x6a: {  	_ =	shalt  }
0x6b: {  	_ =	shalt  }
0x6c: {  	_ =	shalt  }
0x6d: {  	_ =	shalt  }
0x6e: {  	_ =	shalt  }
0x6f: {  	_ =	shalt  }
0x70: {  	_ =	shalt  }
0x71: {  	_ =	shalt  }
0x72: {  	_ =	shalt  }
0x73: {  	_ =	shalt  }
0x74: {  	_ =	shalt  }
0x75: {  	_ =	shalt  }
0x76: {  	_ =	shalt  }
0x77: {  	_ =	shalt  }
0x78: {  	_ =	shalt  }
0x79: {  	_ =	shalt  }
0x7a: {  	_ =	shalt  }
0x7b: {  	_ =	shalt  }
0x7c: {  	_ =	shalt  }
0x7d: {  	_ =	shalt  }
0x7e: {  	_ =	shalt  }
0x7f: {  	_ =	shalt  }
0x80: {  	_ =	shalt  }
0x81: {  	_ =	shalt  }
0x82: {  	_ =	shalt  }
0x83: {  	_ =	shalt  }
0x84: {  	_ =	shalt  }
0x85: {  	_ =	shalt  }
0x86: {  	_ =	shalt  }
0x87: {  	_ =	shalt  }
.Lfunc_end0:
.L_simem_size_0:
called_computation.2_lowered:
.L_overlay_start_0:
0x88: {  	s2 =	sld [smem:$0x3FD9]  }
0x89: {  	s3 =	sld [smem:$0x3FFE];
	_ =	sdelay $0x1  }
0x8a: {  	s1 =	srdreg.scid  }
0x8b: {  	s0 =	sand.u32 $0x1, s1  }
0x8c: {  	s16 =	sshll.u32 s0, $0xA;
	s2 =	sadd.s32 s3, s2  }
0x8d: {  	s2 =	sadd.s32 s2, s16  }
0x8e: {  	[smem:$0x3FC1] =	sst s2  }
0x8f: {  	_ = 	snop  }
0x90: {  	(tm) =	ssettm $0x1  }
0x91: {  	s17 =	sld [smem:$0x3FFB];
	_ =	sdelay $0x3  }
0x92: {  	_ =	strace s17  }
0x93: {  	s2 =	sld [smem:$0x3FFC];
	_ =	sdelay $0x3  }
0x94: {  	_ =	strace s2  }
0x95: {  	s2 =	sld [smem:$0x3FFD];
	_ =	sdelay $0x3  }
0x96: {  	_ =	strace s2  }
0x97: {  	_ =	strace $0x8FFFFFFF  }
0x98: {  	s18 =	sld [smem:$0x3FDB];
	_ =	sdelay $0x1  }
0x99: {  	s19 =	simm.s32 $_scs_section_size  }
0x9a: {  	s4 =	simm.s32 $_size__tile_overlayer_lowered;
	s5 =	simm.s32 $_tile_overlayer_lowered  }
0x9b: {  	s22 =	simm.s32 $0x1BFF;
	s21 =	sshll.u32 s5, $0x1;
	s2 =	sadd.s32 s19, s18  }
0x9c: {  	s6 =	simm.s32 $0x0;
	s20 =	sshll.u32 s4, $0x1;
	s4 =	sadd.s32 s21, s2  }
0x9d: {  	[timem:s6], [sflag:s22] =	dma.local [hbm:s4], s20  }
0x9e: {  	_ =	swait.ge [sflag:s22], s20  }
0x9f: {  	s3 =	ssub.s32 $0x0, s20;
	[sflag:s22] =	ssyncset.done $0x0  }
0xa0: {  	[sflag:s22] =	ssyncadd.s32 s3;
	_ =	sdelay $0x1  }
0xa1: {  	s23 =	simm.s32 $0x1B8B  }
0xa2: {  	_ =	swait.ge [sflag:s23], $0x1  }
0xa3: {  	[sflag:s23] =	ssyncset.done $0x0  }
0xa4: {  	s25 =	simm.s32 $0x1B8E;
	s24 =	sld [smem:$0x3FFE];
	[sflag:s23] =	ssyncadd.s32 $0xFFFFFFFF  }
0xa5: {  	s26 =	simm.s32 $execute0_lowered;
	[smem:$0x3FD2] =	sst s25  }
0xa6: {  	s4 =	sshll.u32 s26, $0x1;
	_ =	strace $0x8000004C;
	[dreg:$0x1] =	wrdreg $0xFFFFFFFF  }
0xa7: {  	s28 =	simm.s32 $_size_execute0_lowered;
	s2 =	sadd.s32 s2, s4;
	[dreg:$0x0] =	wrdreg $0x0  }
0xa8: {  	s4 =	sshll.u32 s28, $0x1;
	[dreg:$0x2] =	wrdreg s2  }
0xa9: {  	[dreg:$0x3] =	wrdreg s4  }
0xaa: {  	[dreg:$0x4] =	wrdreg $0xC0  }
0xab: {  	_ =	task [dreg:s6], $0x5FFFF  }
0xac: {  	[dreg:$0x1] =	wrdreg $0xFFFFFFFF  }
0xad: {  	[dreg:$0x0] =	wrdreg $0x60  }
0xae: {  	[dreg:$0x2] =	wrdreg s24  }
0xaf: {  	[dreg:$0x3] =	wrdreg $0x90000  }
0xb0: {  	[dreg:$0x4] =	wrdreg $0x9  }
0xb1: {  	_ =	task.clear_ibuf [dreg:s6], $0x5FFFF;
	_ =	strace $0x9000004C  }
0xb2: {  	s29 =	simm.s32 $0x9;
	_ =	strace $0x8000004E  }
0xb3: {  	_ =	swait.ge [sflag:s29], $0x1  }
0xb4: {  	[sflag:s29] =	ssyncadd.s32 $0xFFFFFFFF  }
0xb5: {  	_ =	strace $0x9000004E  }
0xb6: {  	_ =	sfence  }
0xb7: {  	s30 =	sld [smem:$0x0];
	_ =	sdelay $0x2  }
0xb8: {  	s31 =	sshll.u32 s1, $0xD;
	s1 =	sshrl.u32 s1, $0x2  }
0xb9: {  	s3 =	sand.u32 $0x4000, s31;
	s1 =	sadd.s32 s1, s30  }
0xba: {  	s0 =	sor.u32 s3, s0;
	s1 =	sshll.u32 s1, $0x11  }
0xbb: {  	s0 =	sor.u32 s1, s0  }
0xbc: {  	s0 =	sadd.s32 $0x8F2B, s0  }
0xbd: {  	[sflag:s0] =	ssyncadd.remote.s32 $0x1  }
0xbe: {  	_ =	sfence.sel $0xFFFF  }
0xbf: {  	[dreg:$0x0] =	wrdreg $0xFFFFFFFF;
	(pc) =	sbr.abs _section_cstart, $3  }
0xc0: {  	[dreg:$0x1] =	wrdreg $0xFFFFFFFF  }
0xc1: {  	_ =	task.clear_ibuf [dreg:s6], $0x2FFFF;
	_ =	strace $0x9FFFFFFF  }
0xc2: {  	(tm) =	ssettm $0x7FFFFFFF  }
0xc3: {  	_ =	shalt  }
tec
execute0_lowered:
.L_overlay_start_1:
0x0: {  	(tag) =	ssettag $0x1  }
0x1: {  	s0 =	srdreg.scid;
	s1 =	rddreg [dreg:$0x0]  }
0x2: {  	s10 =	stileid.u32;
	s2 =	rddreg [dreg:$0x1]  }
0x3: {  	s3 =	simm.s32 $0x0;
	s13 =	simm.s32 $0x100;
	s15 =	simm.s32 $0x880  }
0x4: {  	s17 =	simm.s32 $0x180;
	s18 =	simm.s32 $0x900;
	s19 =	simm.s32 $0x200  }
0x5: {  	s20 =	simm.s32 $0x980;
	s21 =	simm.s32 $0x280;
	[smem:$0x7FF] =	sst s3  }
0x6: {  	s22 =	simm.s32 $0xA00;
	_ =	strace $0x8000004D;
	[dreg:$0x5] =	wrdreg s13  }
0x7: {  	s23 =	simm.s32 $0x300;
	s24 =	simm.s32 $0xA80;
	[dreg:$0x6] =	wrdreg s15  }
0x8: {  	s28 =	simm.s32 $0x680;
	s29 =	simm.s32 $0xE00;
	[dreg:$0x7] =	wrdreg s17  }
0x9: {  	s30 =	simm.s32 $0x700;
	s5 =	smul.u32 $0x2800, s10;
	[dreg:$0x8] =	wrdreg s18  }
0xa: {  	s31 =	simm.s32 $0xE80;
	s25 =	smul.u32 $0x14000, s10;
	[dreg:$0x9] =	wrdreg s19  }
0xb: {  	s0 =	sand.u32 $0x1, s0;
	s9 =	smul.u32 $0x50000, s10;
	[dreg:$0xa] =	wrdreg s20  }
0xc: {  	s16 =	sshll.u32 s10, $0x6;
	s4 =	smul.u32 $0x28000, s0;
	[dreg:$0xb] =	wrdreg s21  }
0xd: {  	s10 =	simm.s32 $0x3;
	s7 =	smul.u32 $0x140000, s0;
	[dreg:$0xc] =	wrdreg s22  }
0xe: {  	s0 =	ssub.s32 $0x2, s0;
	[dreg:$0xd] =	wrdreg s23;
	s13 =	simm.s32 $0x1000  }
0xf: {  	[dreg:$0xe] =	wrdreg s24;
	s15 =	simm.s32 $0x1;
	s17 =	simm.s32 $0x400  }
0x10: {  	s18 =	simm.s32 $0xB80;
	s19 =	simm.s32 $0x480;
	s20 =	simm.s32 $0xC00  }
0x11: {  	s21 =	simm.s32 $0x500;
	s22 =	simm.s32 $0xC80;
	s23 =	simm.s32 $0x580  }
0x12: {  	s24 =	simm.s32 $0xD00;
	s8 =	sshrl.u32 s25, $0x3;
	s26 =	sshrl.u32 s0, $0x1  }
0x13: {  	s9 =	sshrl.u32 s9, $0x2;
	s4 =	sadd.s32 s5, s4;
	s8 =	sadd.s32 s8, s1  }
0x14: {  	s5 =	sadd.s32 s25, s7;
	s0 =	ssub.s32 s0, s26;
	s12 =	sadd.s32 s9, s2  }
0x15: {  	s25 =	simm.s32 $0x380;
	s26 =	simm.s32 $0xB00;
	s9 =	simm.s32 $0x0  }
0x16: {  	s6 =	sshrl.u32 s4, $0x3;
	s4 =	sadd.s32 $0x16E00, s1;
	s5 =	sshrl.u32 s5, $0x3  }
0x17: {  	s14 =	sadd.s32 $0x3EE00, s8;
	s0 =	smax.u32 s0, $0x1;
	[dreg:$0xf] =	wrdreg s25  }
0x18: {  	s8 =	sshrl.u32 s12, $0x3;
	s12 =	simm.s32 $0x80;
	[dreg:$0x10] =	wrdreg s26  }
0x19: {  	s25 =	simm.s32 $0x600;
	s26 =	simm.s32 $0xD80;
	[dreg:$0x11] =	wrdreg s14  }
0x1a: {  	s6 =	sadd.s32 s6, s1;
	s1 =	sadd.s32 s5, s1;
	[dreg:$0x14] =	wrdreg s0  }
0x1b: {  	s14 =	simm.s32 $0x5000;
	[dreg:$0x15] =	wrdreg s8;
	s7 =	sadd.s32 $0xCE00, s6  }
0x1c: {  	s0 =	simm.s32 $0xF00;
	s11 =	sadd.s32 $0x2E00, s6;
	[dreg:$0x3] =	wrdreg s7  }
0x1d: {  	s5 =	simm.s32 $0xF80;
	s1 =	sadd.s32 $0xB6E00, s1;
	[dreg:$0x4] =	wrdreg s11  }
0x1e: {  	s7 =	sor.u32 $0x1C03, s16;
	[dreg:$0x13] =	wrdreg s1;
	s11 =	simm.s32 $0x800  }
0x1f: {  	s16 =	simm.s32 $0x2;
	s1 =	simm.s32 $0x780;
	[dreg:$0x12] =	wrdreg s7  }
.LBB2_1:
0x20: {  	[dreg:$0x16] =	wrdreg s9  }
0x21: {  	s6 =	rddreg [dreg:$0x11]  }
0x22: {  	[spmem:s8], [sflag:s7] =	dma.local [hbm:s6], $0x2800  }
0x23: {  	_ =	swait.ge [sflag:s10], $0x2800  }
0x24: {  	[sflag:s10] =	ssyncset.done $0x0  }
0x25: {  	[sflag:s10] =	ssyncadd.s32 $0xFFFFD800  }
0x26: {  	[bflag:$0x0] =	sbarrier.arrive $0xFFFF  }
0x27: {  	s8 =	rddreg [dreg:$0x4]  }
0x28: {  	s6 =	sadd.s32 $0x0, s8  }
0x29: {  	[tilespmem:s3], [sflag:$0x3] =	stream.linear.gather [hbm4b:s6+s3], $0x800, $0x38;
	[tilespmem:$0x1D000] =	vst v63  }
0x2a: {  	_ =	swait.ge [sflag:s10], $0x800  }
0x2b: {  	s9 =	rddreg [dreg:$0x3];
	[sflag:s10] =	ssyncset.done $0x0  }
0x2c: {  	[sflag:s10] =	ssyncadd.s32 $0xFFFFF800;
	s6 =	sadd.s32 $0x0, s9  }
0x2d: {  	[tilespmem:s11], [sflag:$0x3] =	stream.linear.gather [hbm4b:s6+s3], $0x800, $0x38;
	[tilespmem:$0x1D000] =	vst v63  }
0x2e: {  	_ =	swait.ge [sflag:s10], $0x800  }
0x2f: {  	[sflag:s10] =	ssyncset.done $0x0  }
0x30: {  	[sflag:s10] =	ssyncadd.s32 $0xFFFFF800  }
0x31: {  	[tilespmem:s13], [sflag:$0x1] =	stream.indirect.gather [hbm4b:s4+s12], $0x80, s3, s12, $0xb8;
	[tilespmem:$0x1D000] =	vst v63  }
0x32: {  	_ = 	snop  }
0x33: {  	[tilespmem:s14], [sflag:$0x2] =	stream.indirect.gather [hbm4b:s4+s12], $0x80, s12, s12, $0xb8;
	[tilespmem:$0x1D000] =	vst v63  }
0x34: {  	_ =	swait.ge [sflag:s15], $0x4000  }
0x35: {  	[sflag:s15] =	ssyncset.done $0x0  }
0x36: {  	[sflag:s15] =	ssyncadd.s32 $0xFFFFC000  }
0x37: {  	[spmem:s2] =	stream.indirect.scatter.add.f32 [tilespmem:s13], [sflag:$0x3], $0x80, s11, s12, $0xb8;
	[tilespmem:$0x1D000] =	vst v63  }
0x38: {  	_ =	swait.ge [sflag:s10], $0x4000  }
0x39: {  	[sflag:s10] =	ssyncset.done $0x0  }
0x3a: {  	s7 =	rddreg [dreg:$0x5];
	[sflag:s10] =	ssyncadd.s32 $0xFFFFC000  }
0x3b: {  	[tilespmem:s13], [sflag:$0x1] =	stream.indirect.gather [hbm4b:s4+s12], $0x80, s7, s12, $0xb8;
	[tilespmem:$0x1D000] =	vst v63  }
0x3c: {  	_ =	swait.ge [sflag:s16], $0x4000  }
0x3d: {  	[sflag:s16] =	ssyncset.done $0x0  }
0x3e: {  	s8 =	rddreg [dreg:$0x6];
	[sflag:s16] =	ssyncadd.s32 $0xFFFFC000  }
0x3f: {  	[spmem:s2] =	stream.indirect.scatter.add.f32 [tilespmem:s14], [sflag:$0x3], $0x80, s8, s12, $0xb8;
	[tilespmem:$0x1D000] =	vst v63  }
0x40: {  	_ =	swait.ge [sflag:s10], $0x4000  }
0x41: {  	[sflag:s10] =	ssyncset.done $0x0  }
0x42: {  	s9 =	rddreg [dreg:$0x7];
	[sflag:s10] =	ssyncadd.s32 $0xFFFFC000  }
0x43: {  	[tilespmem:s14], [sflag:$0x2] =	stream.indirect.gather [hbm4b:s4+s12], $0x80, s9, s12, $0xb8;
	[tilespmem:$0x1D000] =	vst v63  }
0x44: {  	_ =	swait.ge [sflag:s15], $0x4000  }
0x45: {  	[sflag:s15] =	ssyncset.done $0x0  }
0x46: {  	s7 =	rddreg [dreg:$0x8];
	[sflag:s15] =	ssyncadd.s32 $0xFFFFC000  }
0x47: {  	[spmem:s2] =	stream.indirect.scatter.add.f32 [tilespmem:s13], [sflag:$0x3], $0x80, s7, s12, $0xb8;
	[tilespmem:$0x1D000] =	vst v63  }
0x48: {  	_ =	swait.ge [sflag:s10], $0x4000  }
0x49: {  	[sflag:s10] =	ssyncset.done $0x0  }
0x4a: {  	s8 =	rddreg [dreg:$0x9];
	[sflag:s10] =	ssyncadd.s32 $0xFFFFC000  }
0x4b: {  	[tilespmem:s13], [sflag:$0x1] =	stream.indirect.gather [hbm4b:s4+s12], $0x80, s8, s12, $0xb8;
	[tilespmem:$0x1D000] =	vst v63  }
0x4c: {  	_ =	swait.ge [sflag:s16], $0x4000  }
0x4d: {  	[sflag:s16] =	ssyncset.done $0x0  }
0x4e: {  	s9 =	rddreg [dreg:$0xa];
	[sflag:s16] =	ssyncadd.s32 $0xFFFFC000  }
0x4f: {  	[spmem:s2] =	stream.indirect.scatter.add.f32 [tilespmem:s14], [sflag:$0x3], $0x80, s9, s12, $0xb8;
	[tilespmem:$0x1D000] =	vst v63  }
0x50: {  	_ =	swait.ge [sflag:s10], $0x4000  }
0x51: {  	[sflag:s10] =	ssyncset.done $0x0  }
0x52: {  	s7 =	rddreg [dreg:$0xb];
	[sflag:s10] =	ssyncadd.s32 $0xFFFFC000  }
0x53: {  	[tilespmem:s14], [sflag:$0x2] =	stream.indirect.gather [hbm4b:s4+s12], $0x80, s7, s12, $0xb8;
	[tilespmem:$0x1D000] =	vst v63  }
0x54: {  	_ =	swait.ge [sflag:s15], $0x4000  }
0x55: {  	[sflag:s15] =	ssyncset.done $0x0  }
0x56: {  	s8 =	rddreg [dreg:$0xc];
	[sflag:s15] =	ssyncadd.s32 $0xFFFFC000  }
0x57: {  	[spmem:s2] =	stream.indirect.scatter.add.f32 [tilespmem:s13], [sflag:$0x3], $0x80, s8, s12, $0xb8;
	[tilespmem:$0x1D000] =	vst v63  }
0x58: {  	_ =	swait.ge [sflag:s10], $0x4000  }
0x59: {  	[sflag:s10] =	ssyncset.done $0x0  }
0x5a: {  	s9 =	rddreg [dreg:$0xd];
	[sflag:s10] =	ssyncadd.s32 $0xFFFFC000  }
0x5b: {  	[tilespmem:s13], [sflag:$0x1] =	stream.indirect.gather [hbm4b:s4+s12], $0x80, s9, s12, $0xb8;
	[tilespmem:$0x1D000] =	vst v63  }
0x5c: {  	_ =	swait.ge [sflag:s16], $0x4000  }
0x5d: {  	[sflag:s16] =	ssyncset.done $0x0  }
0x5e: {  	s7 =	rddreg [dreg:$0xe];
	[sflag:s16] =	ssyncadd.s32 $0xFFFFC000  }
0x5f: {  	[spmem:s2] =	stream.indirect.scatter.add.f32 [tilespmem:s14], [sflag:$0x3], $0x80, s7, s12, $0xb8;
	[tilespmem:$0x1D000] =	vst v63  }
0x60: {  	_ =	swait.ge [sflag:s10], $0x4000  }
0x61: {  	[sflag:s10] =	ssyncset.done $0x0  }
0x62: {  	s8 =	rddreg [dreg:$0xf];
	[sflag:s10] =	ssyncadd.s32 $0xFFFFC000  }
0x63: {  	[tilespmem:s14], [sflag:$0x2] =	stream.indirect.gather [hbm4b:s4+s12], $0x80, s8, s12, $0xb8;
	[tilespmem:$0x1D000] =	vst v63  }
0x64: {  	_ =	swait.ge [sflag:s15], $0x4000  }
0x65: {  	[sflag:s15] =	ssyncset.done $0x0  }
0x66: {  	s9 =	rddreg [dreg:$0x10];
	[sflag:s15] =	ssyncadd.s32 $0xFFFFC000  }
0x67: {  	[spmem:s2] =	stream.indirect.scatter.add.f32 [tilespmem:s13], [sflag:$0x3], $0x80, s9, s12, $0xb8;
	[tilespmem:$0x1D000] =	vst v63  }
0x68: {  	_ =	swait.ge [sflag:s10], $0x4000  }
0x69: {  	[sflag:s10] =	ssyncset.done $0x0  }
0x6a: {  	[sflag:s10] =	ssyncadd.s32 $0xFFFFC000  }
0x6b: {  	[tilespmem:s13], [sflag:$0x1] =	stream.indirect.gather [hbm4b:s4+s12], $0x80, s17, s12, $0xb8;
	[tilespmem:$0x1D000] =	vst v63  }
0x6c: {  	_ =	swait.ge [sflag:s16], $0x4000  }
0x6d: {  	[sflag:s16] =	ssyncset.done $0x0  }
0x6e: {  	[sflag:s16] =	ssyncadd.s32 $0xFFFFC000  }
0x6f: {  	[spmem:s2] =	stream.indirect.scatter.add.f32 [tilespmem:s14], [sflag:$0x3], $0x80, s18, s12, $0xb8;
	[tilespmem:$0x1D000] =	vst v63  }
0x70: {  	_ =	swait.ge [sflag:s10], $0x4000  }
0x71: {  	[sflag:s10] =	ssyncset.done $0x0  }
0x72: {  	[sflag:s10] =	ssyncadd.s32 $0xFFFFC000  }
0x73: {  	[tilespmem:s14], [sflag:$0x2] =	stream.indirect.gather [hbm4b:s4+s12], $0x80, s19, s12, $0xb8;
	[tilespmem:$0x1D000] =	vst v63  }
0x74: {  	_ =	swait.ge [sflag:s15], $0x4000  }
0x75: {  	[sflag:s15] =	ssyncset.done $0x0  }
0x76: {  	[sflag:s15] =	ssyncadd.s32 $0xFFFFC000  }
0x77: {  	[spmem:s2] =	stream.indirect.scatter.add.f32 [tilespmem:s13], [sflag:$0x3], $0x80, s20, s12, $0xb8;
	[tilespmem:$0x1D000] =	vst v63  }
0x78: {  	_ =	swait.ge [sflag:s10], $0x4000  }
0x79: {  	[sflag:s10] =	ssyncset.done $0x0  }
0x7a: {  	[sflag:s10] =	ssyncadd.s32 $0xFFFFC000  }
0x7b: {  	[tilespmem:s13], [sflag:$0x1] =	stream.indirect.gather [hbm4b:s4+s12], $0x80, s21, s12, $0xb8;
	[tilespmem:$0x1D000] =	vst v63  }
0x7c: {  	_ =	swait.ge [sflag:s16], $0x4000  }
0x7d: {  	[sflag:s16] =	ssyncset.done $0x0  }
0x7e: {  	[sflag:s16] =	ssyncadd.s32 $0xFFFFC000  }
0x7f: {  	[spmem:s2] =	stream.indirect.scatter.add.f32 [tilespmem:s14], [sflag:$0x3], $0x80, s22, s12, $0xb8;
	[tilespmem:$0x1D000] =	vst v63  }
0x80: {  	_ =	swait.ge [sflag:s10], $0x4000  }
0x81: {  	[sflag:s10] =	ssyncset.done $0x0  }
0x82: {  	[sflag:s10] =	ssyncadd.s32 $0xFFFFC000  }
0x83: {  	[tilespmem:s14], [sflag:$0x2] =	stream.indirect.gather [hbm4b:s4+s12], $0x80, s23, s12, $0xb8;
	[tilespmem:$0x1D000] =	vst v63  }
0x84: {  	_ =	swait.ge [sflag:s15], $0x4000  }
0x85: {  	[sflag:s15] =	ssyncset.done $0x0  }
0x86: {  	[sflag:s15] =	ssyncadd.s32 $0xFFFFC000  }
0x87: {  	[spmem:s2] =	stream.indirect.scatter.add.f32 [tilespmem:s13], [sflag:$0x3], $0x80, s24, s12, $0xb8;
	[tilespmem:$0x1D000] =	vst v63  }
0x88: {  	_ =	swait.ge [sflag:s10], $0x4000  }
0x89: {  	[sflag:s10] =	ssyncset.done $0x0  }
0x8a: {  	[sflag:s10] =	ssyncadd.s32 $0xFFFFC000  }
0x8b: {  	[tilespmem:s13], [sflag:$0x1] =	stream.indirect.gather [hbm4b:s4+s12], $0x80, s25, s12, $0xb8;
	[tilespmem:$0x1D000] =	vst v63  }
0x8c: {  	_ =	swait.ge [sflag:s16], $0x4000  }
0x8d: {  	[sflag:s16] =	ssyncset.done $0x0  }
0x8e: {  	[sflag:s16] =	ssyncadd.s32 $0xFFFFC000  }
0x8f: {  	[spmem:s2] =	stream.indirect.scatter.add.f32 [tilespmem:s14], [sflag:$0x3], $0x80, s26, s12, $0xb8;
	[tilespmem:$0x1D000] =	vst v63  }
0x90: {  	_ =	swait.ge [sflag:s10], $0x4000  }
0x91: {  	[sflag:s10] =	ssyncset.done $0x0  }
0x92: {  	[sflag:s10] =	ssyncadd.s32 $0xFFFFC000  }
0x93: {  	[tilespmem:s14], [sflag:$0x2] =	stream.indirect.gather [hbm4b:s4+s12], $0x80, s28, s12, $0xb8;
	[tilespmem:$0x1D000] =	vst v63  }
0x94: {  	_ =	swait.ge [sflag:s15], $0x4000  }
0x95: {  	[sflag:s15] =	ssyncset.done $0x0  }
0x96: {  	[sflag:s15] =	ssyncadd.s32 $0xFFFFC000  }
0x97: {  	[spmem:s2] =	stream.indirect.scatter.add.f32 [tilespmem:s13], [sflag:$0x3], $0x80, s29, s12, $0xb8;
	[tilespmem:$0x1D000] =	vst v63  }
0x98: {  	_ =	swait.ge [sflag:s10], $0x4000  }
0x99: {  	[sflag:s10] =	ssyncset.done $0x0  }
0x9a: {  	[sflag:s10] =	ssyncadd.s32 $0xFFFFC000  }
0x9b: {  	[tilespmem:s13], [sflag:$0x1] =	stream.indirect.gather [hbm4b:s4+s12], $0x80, s30, s12, $0xb8;
	[tilespmem:$0x1D000] =	vst v63  }
0x9c: {  	_ =	swait.ge [sflag:s16], $0x4000  }
0x9d: {  	[sflag:s16] =	ssyncset.done $0x0  }
0x9e: {  	[sflag:s16] =	ssyncadd.s32 $0xFFFFC000  }
0x9f: {  	[spmem:s2] =	stream.indirect.scatter.add.f32 [tilespmem:s14], [sflag:$0x3], $0x80, s31, s12, $0xb8;
	[tilespmem:$0x1D000] =	vst v63  }
0xa0: {  	_ =	swait.ge [sflag:s10], $0x4000  }
0xa1: {  	[sflag:s10] =	ssyncset.done $0x0  }
0xa2: {  	[sflag:s10] =	ssyncadd.s32 $0xFFFFC000  }
0xa3: {  	[tilespmem:s14], [sflag:$0x2] =	stream.indirect.gather [hbm4b:s4+s12], $0x80, s1, s12, $0xb8;
	[tilespmem:$0x1D000] =	vst v63  }
0xa4: {  	_ =	swait.ge [sflag:s15], $0x4000  }
0xa5: {  	[sflag:s15] =	ssyncset.done $0x0  }
0xa6: {  	[sflag:s15] =	ssyncadd.s32 $0xFFFFC000  }
0xa7: {  	[spmem:s2] =	stream.indirect.scatter.add.f32 [tilespmem:s13], [sflag:$0x3], $0x80, s0, s12, $0xb8;
	[tilespmem:$0x1D000] =	vst v63  }
0xa8: {  	_ =	swait.ge [sflag:s10], $0x4000  }
0xa9: {  	[sflag:s10] =	ssyncset.done $0x0  }
0xaa: {  	[sflag:s10] =	ssyncadd.s32 $0xFFFFC000  }
0xab: {  	_ =	swait.ge [sflag:s16], $0x4000  }
0xac: {  	[sflag:s16] =	ssyncset.done $0x0  }
0xad: {  	[sflag:s16] =	ssyncadd.s32 $0xFFFFC000  }
0xae: {  	[spmem:s2] =	stream.indirect.scatter.add.f32 [tilespmem:s14], [sflag:$0x3], $0x80, s5, s12, $0xb8;
	[tilespmem:$0x1D000] =	vst v63  }
0xaf: {  	s6 =	simm.s32 $0x200;
	_ =	swait.ge [sflag:s10], $0x4000  }
0xb0: {  	s8 =	simm.s32 $0x100;
	s9 =	rddreg [dreg:$0x4];
	[sflag:s10] =	ssyncset.done $0x0  }
.LBB2_2:
0xb1: {  	[sflag:s10] =	ssyncadd.s32 $0xFFFFC000;
	s9 =	sadd.s32 s8, s9  }
0xb2: {  	[tilespmem:s3], [sflag:$0x3] =	stream.linear.gather [hbm4b:s9+s3], $0x800, $0x38;
	[tilespmem:$0x1D000] =	vst v63  }
0xb3: {  	_ =	swait.ge [sflag:s10], $0x800  }
0xb4: {  	s9 =	rddreg [dreg:$0x3];
	[sflag:s10] =	ssyncset.done $0x0  }
0xb5: {  	[sflag:s10] =	ssyncadd.s32 $0xFFFFF800;
	s9 =	sadd.s32 s8, s9  }
0xb6: {  	[tilespmem:s11], [sflag:$0x3] =	stream.linear.gather [hbm4b:s9+s3], $0x800, $0x38;
	[tilespmem:$0x1D000] =	vst v63  }
0xb7: {  	_ =	swait.ge [sflag:s10], $0x800  }
0xb8: {  	[sflag:s10] =	ssyncset.done $0x0  }
0xb9: {  	[sflag:s10] =	ssyncadd.s32 $0xFFFFF800  }
0xba: {  	[tilespmem:s13], [sflag:$0x1] =	stream.indirect.gather [hbm4b:s4+s12], $0x80, s3, s12, $0xb8;
	[tilespmem:$0x1D000] =	vst v63  }
0xbb: {  	_ = 	snop  }
0xbc: {  	[tilespmem:s14], [sflag:$0x2] =	stream.indirect.gather [hbm4b:s4+s12], $0x80, s12, s12, $0xb8;
	[tilespmem:$0x1D000] =	vst v63  }
0xbd: {  	_ =	swait.ge [sflag:s15], $0x4000  }
0xbe: {  	[sflag:s15] =	ssyncset.done $0x0  }
0xbf: {  	[sflag:s15] =	ssyncadd.s32 $0xFFFFC000  }
0xc0: {  	[spmem:s2] =	stream.indirect.scatter.add.f32 [tilespmem:s13], [sflag:$0x3], $0x80, s11, s12, $0xb8;
	[tilespmem:$0x1D000] =	vst v63  }
0xc1: {  	_ =	swait.ge [sflag:s10], $0x4000  }
0xc2: {  	[sflag:s10] =	ssyncset.done $0x0  }
0xc3: {  	s9 =	rddreg [dreg:$0x5];
	[sflag:s10] =	ssyncadd.s32 $0xFFFFC000  }
0xc4: {  	[tilespmem:s13], [sflag:$0x1] =	stream.indirect.gather [hbm4b:s4+s12], $0x80, s9, s12, $0xb8;
	[tilespmem:$0x1D000] =	vst v63  }
0xc5: {  	_ =	swait.ge [sflag:s16], $0x4000  }
0xc6: {  	[sflag:s16] =	ssyncset.done $0x0  }
0xc7: {  	s9 =	rddreg [dreg:$0x6];
	[sflag:s16] =	ssyncadd.s32 $0xFFFFC000  }
0xc8: {  	[spmem:s2] =	stream.indirect.scatter.add.f32 [tilespmem:s14], [sflag:$0x3], $0x80, s9, s12, $0xb8;
	[tilespmem:$0x1D000] =	vst v63  }
0xc9: {  	_ =	swait.ge [sflag:s10], $0x4000  }
0xca: {  	[sflag:s10] =	ssyncset.done $0x0  }
0xcb: {  	s9 =	rddreg [dreg:$0x7];
	[sflag:s10] =	ssyncadd.s32 $0xFFFFC000  }
0xcc: {  	[tilespmem:s14], [sflag:$0x2] =	stream.indirect.gather [hbm4b:s4+s12], $0x80, s9, s12, $0xb8;
	[tilespmem:$0x1D000] =	vst v63  }
0xcd: {  	_ =	swait.ge [sflag:s15], $0x4000  }
0xce: {  	[sflag:s15] =	ssyncset.done $0x0  }
0xcf: {  	s9 =	rddreg [dreg:$0x8];
	[sflag:s15] =	ssyncadd.s32 $0xFFFFC000  }
0xd0: {  	[spmem:s2] =	stream.indirect.scatter.add.f32 [tilespmem:s13], [sflag:$0x3], $0x80, s9, s12, $0xb8;
	[tilespmem:$0x1D000] =	vst v63  }
0xd1: {  	_ =	swait.ge [sflag:s10], $0x4000  }
0xd2: {  	[sflag:s10] =	ssyncset.done $0x0  }
0xd3: {  	s9 =	rddreg [dreg:$0x9];
	[sflag:s10] =	ssyncadd.s32 $0xFFFFC000  }
0xd4: {  	[tilespmem:s13], [sflag:$0x1] =	stream.indirect.gather [hbm4b:s4+s12], $0x80, s9, s12, $0xb8;
	[tilespmem:$0x1D000] =	vst v63  }
0xd5: {  	_ =	swait.ge [sflag:s16], $0x4000  }
0xd6: {  	[sflag:s16] =	ssyncset.done $0x0  }
0xd7: {  	s9 =	rddreg [dreg:$0xa];
	[sflag:s16] =	ssyncadd.s32 $0xFFFFC000  }
0xd8: {  	[spmem:s2] =	stream.indirect.scatter.add.f32 [tilespmem:s14], [sflag:$0x3], $0x80, s9, s12, $0xb8;
	[tilespmem:$0x1D000] =	vst v63  }
0xd9: {  	_ =	swait.ge [sflag:s10], $0x4000  }
0xda: {  	[sflag:s10] =	ssyncset.done $0x0  }
0xdb: {  	s9 =	rddreg [dreg:$0xb];
	[sflag:s10] =	ssyncadd.s32 $0xFFFFC000  }
0xdc: {  	[tilespmem:s14], [sflag:$0x2] =	stream.indirect.gather [hbm4b:s4+s12], $0x80, s9, s12, $0xb8;
	[tilespmem:$0x1D000] =	vst v63  }
0xdd: {  	_ =	swait.ge [sflag:s15], $0x4000  }
0xde: {  	[sflag:s15] =	ssyncset.done $0x0  }
0xdf: {  	s9 =	rddreg [dreg:$0xc];
	[sflag:s15] =	ssyncadd.s32 $0xFFFFC000  }
0xe0: {  	[spmem:s2] =	stream.indirect.scatter.add.f32 [tilespmem:s13], [sflag:$0x3], $0x80, s9, s12, $0xb8;
	[tilespmem:$0x1D000] =	vst v63  }
0xe1: {  	_ =	swait.ge [sflag:s10], $0x4000  }
0xe2: {  	[sflag:s10] =	ssyncset.done $0x0  }
0xe3: {  	s9 =	rddreg [dreg:$0xd];
	[sflag:s10] =	ssyncadd.s32 $0xFFFFC000  }
0xe4: {  	[tilespmem:s13], [sflag:$0x1] =	stream.indirect.gather [hbm4b:s4+s12], $0x80, s9, s12, $0xb8;
	[tilespmem:$0x1D000] =	vst v63  }
0xe5: {  	_ =	swait.ge [sflag:s16], $0x4000  }
0xe6: {  	[sflag:s16] =	ssyncset.done $0x0  }
0xe7: {  	s9 =	rddreg [dreg:$0xe];
	[sflag:s16] =	ssyncadd.s32 $0xFFFFC000  }
0xe8: {  	[spmem:s2] =	stream.indirect.scatter.add.f32 [tilespmem:s14], [sflag:$0x3], $0x80, s9, s12, $0xb8;
	[tilespmem:$0x1D000] =	vst v63  }
0xe9: {  	_ =	swait.ge [sflag:s10], $0x4000  }
0xea: {  	[sflag:s10] =	ssyncset.done $0x0  }
0xeb: {  	s9 =	rddreg [dreg:$0xf];
	[sflag:s10] =	ssyncadd.s32 $0xFFFFC000  }
0xec: {  	[tilespmem:s14], [sflag:$0x2] =	stream.indirect.gather [hbm4b:s4+s12], $0x80, s9, s12, $0xb8;
	[tilespmem:$0x1D000] =	vst v63  }
0xed: {  	_ =	swait.ge [sflag:s15], $0x4000  }
0xee: {  	[sflag:s15] =	ssyncset.done $0x0  }
0xef: {  	s9 =	rddreg [dreg:$0x10];
	[sflag:s15] =	ssyncadd.s32 $0xFFFFC000  }
0xf0: {  	[spmem:s2] =	stream.indirect.scatter.add.f32 [tilespmem:s13], [sflag:$0x3], $0x80, s9, s12, $0xb8;
	[tilespmem:$0x1D000] =	vst v63  }
0xf1: {  	_ =	swait.ge [sflag:s10], $0x4000  }
0xf2: {  	[sflag:s10] =	ssyncset.done $0x0  }
0xf3: {  	[sflag:s10] =	ssyncadd.s32 $0xFFFFC000  }
0xf4: {  	[tilespmem:s13], [sflag:$0x1] =	stream.indirect.gather [hbm4b:s4+s12], $0x80, s17, s12, $0xb8;
	[tilespmem:$0x1D000] =	vst v63  }
0xf5: {  	_ =	swait.ge [sflag:s16], $0x4000  }
0xf6: {  	[sflag:s16] =	ssyncset.done $0x0  }
0xf7: {  	[sflag:s16] =	ssyncadd.s32 $0xFFFFC000  }
0xf8: {  	[spmem:s2] =	stream.indirect.scatter.add.f32 [tilespmem:s14], [sflag:$0x3], $0x80, s18, s12, $0xb8;
	[tilespmem:$0x1D000] =	vst v63  }
0xf9: {  	_ =	swait.ge [sflag:s10], $0x4000  }
0xfa: {  	[sflag:s10] =	ssyncset.done $0x0  }
0xfb: {  	[sflag:s10] =	ssyncadd.s32 $0xFFFFC000  }
0xfc: {  	[tilespmem:s14], [sflag:$0x2] =	stream.indirect.gather [hbm4b:s4+s12], $0x80, s19, s12, $0xb8;
	[tilespmem:$0x1D000] =	vst v63  }
0xfd: {  	_ =	swait.ge [sflag:s15], $0x4000  }
0xfe: {  	[sflag:s15] =	ssyncset.done $0x0  }
0xff: {  	[sflag:s15] =	ssyncadd.s32 $0xFFFFC000  }
0x100: {  	[spmem:s2] =	stream.indirect.scatter.add.f32 [tilespmem:s13], [sflag:$0x3], $0x80, s20, s12, $0xb8;
	[tilespmem:$0x1D000] =	vst v63  }
0x101: {  	_ =	swait.ge [sflag:s10], $0x4000  }
0x102: {  	[sflag:s10] =	ssyncset.done $0x0  }
0x103: {  	[sflag:s10] =	ssyncadd.s32 $0xFFFFC000  }
0x104: {  	[tilespmem:s13], [sflag:$0x1] =	stream.indirect.gather [hbm4b:s4+s12], $0x80, s21, s12, $0xb8;
	[tilespmem:$0x1D000] =	vst v63  }
0x105: {  	_ =	swait.ge [sflag:s16], $0x4000  }
0x106: {  	[sflag:s16] =	ssyncset.done $0x0  }
0x107: {  	[sflag:s16] =	ssyncadd.s32 $0xFFFFC000  }
0x108: {  	[spmem:s2] =	stream.indirect.scatter.add.f32 [tilespmem:s14], [sflag:$0x3], $0x80, s22, s12, $0xb8;
	[tilespmem:$0x1D000] =	vst v63  }
0x109: {  	_ =	swait.ge [sflag:s10], $0x4000  }
0x10a: {  	[sflag:s10] =	ssyncset.done $0x0  }
0x10b: {  	[sflag:s10] =	ssyncadd.s32 $0xFFFFC000  }
0x10c: {  	[tilespmem:s14], [sflag:$0x2] =	stream.indirect.gather [hbm4b:s4+s12], $0x80, s23, s12, $0xb8;
	[tilespmem:$0x1D000] =	vst v63  }
0x10d: {  	_ =	swait.ge [sflag:s15], $0x4000  }
0x10e: {  	[sflag:s15] =	ssyncset.done $0x0  }
0x10f: {  	[sflag:s15] =	ssyncadd.s32 $0xFFFFC000  }
0x110: {  	[spmem:s2] =	stream.indirect.scatter.add.f32 [tilespmem:s13], [sflag:$0x3], $0x80, s24, s12, $0xb8;
	[tilespmem:$0x1D000] =	vst v63  }
0x111: {  	_ =	swait.ge [sflag:s10], $0x4000  }
0x112: {  	[sflag:s10] =	ssyncset.done $0x0  }
0x113: {  	[sflag:s10] =	ssyncadd.s32 $0xFFFFC000  }
0x114: {  	[tilespmem:s13], [sflag:$0x1] =	stream.indirect.gather [hbm4b:s4+s12], $0x80, s25, s12, $0xb8;
	[tilespmem:$0x1D000] =	vst v63  }
0x115: {  	_ =	swait.ge [sflag:s16], $0x4000  }
0x116: {  	[sflag:s16] =	ssyncset.done $0x0  }
0x117: {  	[sflag:s16] =	ssyncadd.s32 $0xFFFFC000  }
0x118: {  	[spmem:s2] =	stream.indirect.scatter.add.f32 [tilespmem:s14], [sflag:$0x3], $0x80, s26, s12, $0xb8;
	[tilespmem:$0x1D000] =	vst v63  }
0x119: {  	_ =	swait.ge [sflag:s10], $0x4000  }
0x11a: {  	[sflag:s10] =	ssyncset.done $0x0  }
0x11b: {  	[sflag:s10] =	ssyncadd.s32 $0xFFFFC000  }
0x11c: {  	[tilespmem:s14], [sflag:$0x2] =	stream.indirect.gather [hbm4b:s4+s12], $0x80, s28, s12, $0xb8;
	[tilespmem:$0x1D000] =	vst v63  }
0x11d: {  	_ =	swait.ge [sflag:s15], $0x4000  }
0x11e: {  	[sflag:s15] =	ssyncset.done $0x0  }
0x11f: {  	[sflag:s15] =	ssyncadd.s32 $0xFFFFC000  }
0x120: {  	[spmem:s2] =	stream.indirect.scatter.add.f32 [tilespmem:s13], [sflag:$0x3], $0x80, s29, s12, $0xb8;
	[tilespmem:$0x1D000] =	vst v63  }
0x121: {  	_ =	swait.ge [sflag:s10], $0x4000  }
0x122: {  	[sflag:s10] =	ssyncset.done $0x0  }
0x123: {  	[sflag:s10] =	ssyncadd.s32 $0xFFFFC000  }
0x124: {  	[tilespmem:s13], [sflag:$0x1] =	stream.indirect.gather [hbm4b:s4+s12], $0x80, s30, s12, $0xb8;
	[tilespmem:$0x1D000] =	vst v63  }
0x125: {  	_ =	swait.ge [sflag:s16], $0x4000  }
0x126: {  	[sflag:s16] =	ssyncset.done $0x0  }
0x127: {  	[sflag:s16] =	ssyncadd.s32 $0xFFFFC000  }
0x128: {  	[spmem:s2] =	stream.indirect.scatter.add.f32 [tilespmem:s14], [sflag:$0x3], $0x80, s31, s12, $0xb8;
	[tilespmem:$0x1D000] =	vst v63  }
0x129: {  	_ =	swait.ge [sflag:s10], $0x4000  }
0x12a: {  	[sflag:s10] =	ssyncset.done $0x0  }
0x12b: {  	[sflag:s10] =	ssyncadd.s32 $0xFFFFC000  }
0x12c: {  	[tilespmem:s14], [sflag:$0x2] =	stream.indirect.gather [hbm4b:s4+s12], $0x80, s1, s12, $0xb8;
	[tilespmem:$0x1D000] =	vst v63  }
0x12d: {  	_ =	swait.ge [sflag:s15], $0x4000  }
0x12e: {  	[sflag:s15] =	ssyncset.done $0x0  }
0x12f: {  	[sflag:s15] =	ssyncadd.s32 $0xFFFFC000  }
0x130: {  	[spmem:s2] =	stream.indirect.scatter.add.f32 [tilespmem:s13], [sflag:$0x3], $0x80, s0, s12, $0xb8;
	[tilespmem:$0x1D000] =	vst v63  }
0x131: {  	_ =	swait.ge [sflag:s10], $0x4000  }
0x132: {  	[sflag:s10] =	ssyncset.done $0x0  }
0x133: {  	[sflag:s10] =	ssyncadd.s32 $0xFFFFC000  }
0x134: {  	p0 =	sne.s32 s6, $0x400;
	_ =	swait.ge [sflag:s16], $0x4000  }
.Ltmp0:
0x135: {  	[sflag:s16] =	ssyncset.done $0x0;
	(pc) =	sbr.rel @p0 .LBB2_2-.Ltmp0, $4  }
0x136: {  	[sflag:s16] =	ssyncadd.s32 $0xFFFFC000  }
0x137: {  	[spmem:s2] =	stream.indirect.scatter.add.f32 [tilespmem:s14], [sflag:$0x3], $0x80, s5, s12, $0xb8;
	[tilespmem:$0x1D000] =	vst v63  }
0x138: {  	s7 =	smov.u32 s6;
	s6 =	sadd.s32 $0x100, s6;
	_ =	swait.ge [sflag:s10], $0x4000  }
0x139: {  	s8 =	smov.u32 s7;
	s9 =	rddreg [dreg:$0x4];
	[sflag:s10] =	ssyncset.done $0x0  }
0x13a: {  	[sflag:s10] =	ssyncadd.s32 $0xFFFFC000;
	s6 =	sadd.s32 s8, s9  }
0x13b: {  	[tilespmem:s3], [sflag:$0x3] =	stream.linear.gather [hbm4b:s6+s3], $0x800, $0x38;
	[tilespmem:$0x1D000] =	vst v63  }
0x13c: {  	_ =	swait.ge [sflag:s10], $0x800  }
0x13d: {  	s7 =	rddreg [dreg:$0x3];
	[sflag:s10] =	ssyncset.done $0x0  }
0x13e: {  	s6 =	sadd.s32 s8, s7;
	[sflag:s10] =	ssyncadd.s32 $0xFFFFF800  }
0x13f: {  	[tilespmem:s11], [sflag:$0x3] =	stream.linear.gather [hbm4b:s6+s3], $0x800, $0x38;
	[tilespmem:$0x1D000] =	vst v63  }
0x140: {  	_ =	swait.ge [sflag:s10], $0x800  }
0x141: {  	[sflag:s10] =	ssyncset.done $0x0  }
0x142: {  	[sflag:s10] =	ssyncadd.s32 $0xFFFFF800  }
0x143: {  	[tilespmem:s13], [sflag:$0x1] =	stream.indirect.gather [hbm4b:s4+s12], $0x80, s3, s12, $0xb8;
	[tilespmem:$0x1D000] =	vst v63  }
0x144: {  	_ = 	snop  }
0x145: {  	[tilespmem:s14], [sflag:$0x2] =	stream.indirect.gather [hbm4b:s4+s12], $0x80, s12, s12, $0xb8;
	[tilespmem:$0x1D000] =	vst v63  }
0x146: {  	_ =	swait.ge [sflag:s15], $0x4000  }
0x147: {  	[sflag:s15] =	ssyncset.done $0x0  }
0x148: {  	[sflag:s15] =	ssyncadd.s32 $0xFFFFC000  }
0x149: {  	[spmem:s2] =	stream.indirect.scatter.add.f32 [tilespmem:s13], [sflag:$0x3], $0x80, s11, s12, $0xb8;
	[tilespmem:$0x1D000] =	vst v63  }
0x14a: {  	_ =	swait.ge [sflag:s10], $0x4000  }
0x14b: {  	[sflag:s10] =	ssyncset.done $0x0  }
0x14c: {  	s9 =	rddreg [dreg:$0x5];
	[sflag:s10] =	ssyncadd.s32 $0xFFFFC000  }
0x14d: {  	[tilespmem:s13], [sflag:$0x1] =	stream.indirect.gather [hbm4b:s4+s12], $0x80, s9, s12, $0xb8;
	[tilespmem:$0x1D000] =	vst v63  }
0x14e: {  	_ =	swait.ge [sflag:s16], $0x4000  }
0x14f: {  	[sflag:s16] =	ssyncset.done $0x0  }
0x150: {  	s7 =	rddreg [dreg:$0x6];
	[sflag:s16] =	ssyncadd.s32 $0xFFFFC000  }
0x151: {  	[spmem:s2] =	stream.indirect.scatter.add.f32 [tilespmem:s14], [sflag:$0x3], $0x80, s7, s12, $0xb8;
	[tilespmem:$0x1D000] =	vst v63  }
0x152: {  	_ =	swait.ge [sflag:s10], $0x4000  }
0x153: {  	[sflag:s10] =	ssyncset.done $0x0  }
0x154: {  	s8 =	rddreg [dreg:$0x7];
	[sflag:s10] =	ssyncadd.s32 $0xFFFFC000  }
0x155: {  	[tilespmem:s14], [sflag:$0x2] =	stream.indirect.gather [hbm4b:s4+s12], $0x80, s8, s12, $0xb8;
	[tilespmem:$0x1D000] =	vst v63  }
0x156: {  	_ =	swait.ge [sflag:s15], $0x4000  }
0x157: {  	[sflag:s15] =	ssyncset.done $0x0  }
0x158: {  	s9 =	rddreg [dreg:$0x8];
	[sflag:s15] =	ssyncadd.s32 $0xFFFFC000  }
0x159: {  	[spmem:s2] =	stream.indirect.scatter.add.f32 [tilespmem:s13], [sflag:$0x3], $0x80, s9, s12, $0xb8;
	[tilespmem:$0x1D000] =	vst v63  }
0x15a: {  	_ =	swait.ge [sflag:s10], $0x4000  }
0x15b: {  	[sflag:s10] =	ssyncset.done $0x0  }
0x15c: {  	s7 =	rddreg [dreg:$0x9];
	[sflag:s10] =	ssyncadd.s32 $0xFFFFC000  }
0x15d: {  	[tilespmem:s13], [sflag:$0x1] =	stream.indirect.gather [hbm4b:s4+s12], $0x80, s7, s12, $0xb8;
	[tilespmem:$0x1D000] =	vst v63  }
0x15e: {  	_ =	swait.ge [sflag:s16], $0x4000  }
0x15f: {  	[sflag:s16] =	ssyncset.done $0x0  }
0x160: {  	s8 =	rddreg [dreg:$0xa];
	[sflag:s16] =	ssyncadd.s32 $0xFFFFC000  }
0x161: {  	[spmem:s2] =	stream.indirect.scatter.add.f32 [tilespmem:s14], [sflag:$0x3], $0x80, s8, s12, $0xb8;
	[tilespmem:$0x1D000] =	vst v63  }
0x162: {  	_ =	swait.ge [sflag:s10], $0x4000  }
0x163: {  	[sflag:s10] =	ssyncset.done $0x0  }
0x164: {  	s9 =	rddreg [dreg:$0xb];
	[sflag:s10] =	ssyncadd.s32 $0xFFFFC000  }
0x165: {  	[tilespmem:s14], [sflag:$0x2] =	stream.indirect.gather [hbm4b:s4+s12], $0x80, s9, s12, $0xb8;
	[tilespmem:$0x1D000] =	vst v63  }
0x166: {  	_ =	swait.ge [sflag:s15], $0x4000  }
0x167: {  	[sflag:s15] =	ssyncset.done $0x0  }
0x168: {  	s7 =	rddreg [dreg:$0xc];
	[sflag:s15] =	ssyncadd.s32 $0xFFFFC000  }
0x169: {  	[spmem:s2] =	stream.indirect.scatter.add.f32 [tilespmem:s13], [sflag:$0x3], $0x80, s7, s12, $0xb8;
	[tilespmem:$0x1D000] =	vst v63  }
0x16a: {  	_ =	swait.ge [sflag:s10], $0x4000  }
0x16b: {  	[sflag:s10] =	ssyncset.done $0x0  }
0x16c: {  	s8 =	rddreg [dreg:$0xd];
	[sflag:s10] =	ssyncadd.s32 $0xFFFFC000  }
0x16d: {  	[tilespmem:s13], [sflag:$0x1] =	stream.indirect.gather [hbm4b:s4+s12], $0x80, s8, s12, $0xb8;
	[tilespmem:$0x1D000] =	vst v63  }
0x16e: {  	_ =	swait.ge [sflag:s16], $0x4000  }
0x16f: {  	[sflag:s16] =	ssyncset.done $0x0  }
0x170: {  	s9 =	rddreg [dreg:$0xe];
	[sflag:s16] =	ssyncadd.s32 $0xFFFFC000  }
0x171: {  	[spmem:s2] =	stream.indirect.scatter.add.f32 [tilespmem:s14], [sflag:$0x3], $0x80, s9, s12, $0xb8;
	[tilespmem:$0x1D000] =	vst v63  }
0x172: {  	_ =	swait.ge [sflag:s10], $0x4000  }
0x173: {  	[sflag:s10] =	ssyncset.done $0x0  }
0x174: {  	s7 =	rddreg [dreg:$0xf];
	[sflag:s10] =	ssyncadd.s32 $0xFFFFC000  }
0x175: {  	[tilespmem:s14], [sflag:$0x2] =	stream.indirect.gather [hbm4b:s4+s12], $0x80, s7, s12, $0xb8;
	[tilespmem:$0x1D000] =	vst v63  }
0x176: {  	_ =	swait.ge [sflag:s15], $0x4000  }
0x177: {  	[sflag:s15] =	ssyncset.done $0x0  }
0x178: {  	s8 =	rddreg [dreg:$0x10];
	[sflag:s15] =	ssyncadd.s32 $0xFFFFC000  }
0x179: {  	[spmem:s2] =	stream.indirect.scatter.add.f32 [tilespmem:s13], [sflag:$0x3], $0x80, s8, s12, $0xb8;
	[tilespmem:$0x1D000] =	vst v63  }
0x17a: {  	_ =	swait.ge [sflag:s10], $0x4000  }
0x17b: {  	[sflag:s10] =	ssyncset.done $0x0  }
0x17c: {  	[sflag:s10] =	ssyncadd.s32 $0xFFFFC000  }
0x17d: {  	[tilespmem:s13], [sflag:$0x1] =	stream.indirect.gather [hbm4b:s4+s12], $0x80, s17, s12, $0xb8;
	[tilespmem:$0x1D000] =	vst v63  }
0x17e: {  	_ =	swait.ge [sflag:s16], $0x4000  }
0x17f: {  	[sflag:s16] =	ssyncset.done $0x0  }
0x180: {  	[sflag:s16] =	ssyncadd.s32 $0xFFFFC000  }
0x181: {  	[spmem:s2] =	stream.indirect.scatter.add.f32 [tilespmem:s14], [sflag:$0x3], $0x80, s18, s12, $0xb8;
	[tilespmem:$0x1D000] =	vst v63  }
0x182: {  	_ =	swait.ge [sflag:s10], $0x4000  }
0x183: {  	[sflag:s10] =	ssyncset.done $0x0  }
0x184: {  	[sflag:s10] =	ssyncadd.s32 $0xFFFFC000  }
0x185: {  	[tilespmem:s14], [sflag:$0x2] =	stream.indirect.gather [hbm4b:s4+s12], $0x80, s19, s12, $0xb8;
	[tilespmem:$0x1D000] =	vst v63  }
0x186: {  	_ =	swait.ge [sflag:s15], $0x4000  }
0x187: {  	[sflag:s15] =	ssyncset.done $0x0  }
0x188: {  	[sflag:s15] =	ssyncadd.s32 $0xFFFFC000  }
0x189: {  	[spmem:s2] =	stream.indirect.scatter.add.f32 [tilespmem:s13], [sflag:$0x3], $0x80, s20, s12, $0xb8;
	[tilespmem:$0x1D000] =	vst v63  }
0x18a: {  	_ =	swait.ge [sflag:s10], $0x4000  }
0x18b: {  	[sflag:s10] =	ssyncset.done $0x0  }
0x18c: {  	[sflag:s10] =	ssyncadd.s32 $0xFFFFC000  }
0x18d: {  	[tilespmem:s13], [sflag:$0x1] =	stream.indirect.gather [hbm4b:s4+s12], $0x80, s21, s12, $0xb8;
	[tilespmem:$0x1D000] =	vst v63  }
0x18e: {  	_ =	swait.ge [sflag:s16], $0x4000  }
0x18f: {  	[sflag:s16] =	ssyncset.done $0x0  }
0x190: {  	[sflag:s16] =	ssyncadd.s32 $0xFFFFC000  }
0x191: {  	[spmem:s2] =	stream.indirect.scatter.add.f32 [tilespmem:s14], [sflag:$0x3], $0x80, s22, s12, $0xb8;
	[tilespmem:$0x1D000] =	vst v63  }
0x192: {  	_ =	swait.ge [sflag:s10], $0x4000  }
0x193: {  	[sflag:s10] =	ssyncset.done $0x0  }
0x194: {  	[sflag:s10] =	ssyncadd.s32 $0xFFFFC000  }
0x195: {  	[tilespmem:s14], [sflag:$0x2] =	stream.indirect.gather [hbm4b:s4+s12], $0x80, s23, s12, $0xb8;
	[tilespmem:$0x1D000] =	vst v63  }
0x196: {  	_ =	swait.ge [sflag:s15], $0x4000  }
0x197: {  	[sflag:s15] =	ssyncset.done $0x0  }
0x198: {  	[sflag:s15] =	ssyncadd.s32 $0xFFFFC000  }
0x199: {  	[spmem:s2] =	stream.indirect.scatter.add.f32 [tilespmem:s13], [sflag:$0x3], $0x80, s24, s12, $0xb8;
	[tilespmem:$0x1D000] =	vst v63  }
0x19a: {  	_ =	swait.ge [sflag:s10], $0x4000  }
0x19b: {  	[sflag:s10] =	ssyncset.done $0x0  }
0x19c: {  	[sflag:s10] =	ssyncadd.s32 $0xFFFFC000  }
0x19d: {  	[tilespmem:s13], [sflag:$0x1] =	stream.indirect.gather [hbm4b:s4+s12], $0x80, s25, s12, $0xb8;
	[tilespmem:$0x1D000] =	vst v63  }
0x19e: {  	_ =	swait.ge [sflag:s16], $0x4000  }
0x19f: {  	[sflag:s16] =	ssyncset.done $0x0  }
0x1a0: {  	[sflag:s16] =	ssyncadd.s32 $0xFFFFC000  }
0x1a1: {  	[spmem:s2] =	stream.indirect.scatter.add.f32 [tilespmem:s14], [sflag:$0x3], $0x80, s26, s12, $0xb8;
	[tilespmem:$0x1D000] =	vst v63  }
0x1a2: {  	_ =	swait.ge [sflag:s10], $0x4000  }
0x1a3: {  	[sflag:s10] =	ssyncset.done $0x0  }
0x1a4: {  	[sflag:s10] =	ssyncadd.s32 $0xFFFFC000  }
0x1a5: {  	[tilespmem:s14], [sflag:$0x2] =	stream.indirect.gather [hbm4b:s4+s12], $0x80, s28, s12, $0xb8;
	[tilespmem:$0x1D000] =	vst v63  }
0x1a6: {  	_ =	swait.ge [sflag:s15], $0x4000  }
0x1a7: {  	[sflag:s15] =	ssyncset.done $0x0  }
0x1a8: {  	[sflag:s15] =	ssyncadd.s32 $0xFFFFC000  }
0x1a9: {  	[spmem:s2] =	stream.indirect.scatter.add.f32 [tilespmem:s13], [sflag:$0x3], $0x80, s29, s12, $0xb8;
	[tilespmem:$0x1D000] =	vst v63  }
0x1aa: {  	_ =	swait.ge [sflag:s10], $0x4000  }
0x1ab: {  	[sflag:s10] =	ssyncset.done $0x0  }
0x1ac: {  	[sflag:s10] =	ssyncadd.s32 $0xFFFFC000  }
0x1ad: {  	[tilespmem:s13], [sflag:$0x1] =	stream.indirect.gather [hbm4b:s4+s12], $0x80, s30, s12, $0xb8;
	[tilespmem:$0x1D000] =	vst v63  }
0x1ae: {  	_ =	swait.ge [sflag:s16], $0x4000  }
0x1af: {  	[sflag:s16] =	ssyncset.done $0x0  }
0x1b0: {  	[sflag:s16] =	ssyncadd.s32 $0xFFFFC000  }
0x1b1: {  	[spmem:s2] =	stream.indirect.scatter.add.f32 [tilespmem:s14], [sflag:$0x3], $0x80, s31, s12, $0xb8;
	[tilespmem:$0x1D000] =	vst v63  }
0x1b2: {  	_ =	swait.ge [sflag:s10], $0x4000  }
0x1b3: {  	[sflag:s10] =	ssyncset.done $0x0  }
0x1b4: {  	[sflag:s10] =	ssyncadd.s32 $0xFFFFC000  }
0x1b5: {  	[tilespmem:s14], [sflag:$0x2] =	stream.indirect.gather [hbm4b:s4+s12], $0x80, s1, s12, $0xb8;
	[tilespmem:$0x1D000] =	vst v63  }
0x1b6: {  	_ =	swait.ge [sflag:s15], $0x4000  }
0x1b7: {  	[sflag:s15] =	ssyncset.done $0x0  }
0x1b8: {  	[sflag:s15] =	ssyncadd.s32 $0xFFFFC000  }
0x1b9: {  	[spmem:s2] =	stream.indirect.scatter.add.f32 [tilespmem:s13], [sflag:$0x3], $0x80, s0, s12, $0xb8;
	[tilespmem:$0x1D000] =	vst v63  }
0x1ba: {  	_ =	swait.ge [sflag:s10], $0x4000  }
0x1bb: {  	[sflag:s10] =	ssyncset.done $0x0  }
0x1bc: {  	[sflag:s10] =	ssyncadd.s32 $0xFFFFC000  }
0x1bd: {  	_ =	swait.ge [sflag:s16], $0x4000  }
0x1be: {  	[sflag:s16] =	ssyncset.done $0x0  }
0x1bf: {  	[sflag:s16] =	ssyncadd.s32 $0xFFFFC000  }
0x1c0: {  	[spmem:s2] =	stream.indirect.scatter.add.f32 [tilespmem:s14], [sflag:$0x3], $0x80, s5, s12, $0xb8;
	[tilespmem:$0x1D000] =	vst v63  }
0x1c1: {  	_ =	swait.ge [sflag:s10], $0x4000  }
0x1c2: {  	[sflag:s10] =	ssyncset.done $0x0  }
0x1c3: {  	[sflag:s10] =	ssyncadd.s32 $0xFFFFC000  }
0x1c4: {  	[bflag:$0x0] =	sbarrier.arrive $0xFFFF  }
0x1c5: {  	s7 =	rddreg [dreg:$0x12]  }
0x1c6: {  	s9 =	rddreg [dreg:$0x13]  }
0x1c7: {  	s8 =	rddreg [dreg:$0x15]  }
0x1c8: {  	[hbm:s9], [sflag:s7] =	dma.local [spmem:s8], $0x2800  }
0x1c9: {  	_ =	swait.ge [sflag:s10], $0x2800  }
0x1ca: {  	s6 =	rddreg [dreg:$0x16]  }
0x1cb: {  	s9 =	sadd.s32 $0x1, s6;
	s6 =	rddreg [dreg:$0x14]  }
0x1cc: {  	p0 =	sne.s32 s9, s6  }
.Ltmp1:
0x1cd: {  	_ = 	snop;
	(pc) =	sbr.rel @p0 .LBB2_1-.Ltmp1, $3  }
0x1ce: {  	_ =	sdelay $0x1  }
0x1cf: {  	[sflag:s10] =	ssyncset.done $0x0  }
0x1d0: {  	[sflag:s10] =	ssyncadd.s32 $0xFFFFD800  }
0x1d1: {  	_ =	sfence.sel $0x180000  }
0x1d2: {  	[bflag:$0x0] =	sbarrier.arrive $0xFFFF  }
0x1d3: {  	_ =	strace $0x9000004D  }
0x1d4: {  	s0 =	stileid.u32;
	[bflag:$0x2] =	sbarrier.arrive $0xFFFF  }
0x1d5: {  	p0 =	sne.s32 s0, $0x0;
	s0 =	rddreg [dreg:$0x2]  }
0x1d6: {  	s0 =	sadd.s32 @!p0 $0x100000, s0  }
0x1d7: {  	[sflag:s0] =	ssyncadd.tile.s32 @!p0 $0x1;
	_ =	shalt  }
.Lfunc_end2:
_tile_overlayer_lowered:
.L_overlay_start_2:
0x1d8: {  	(tag) =	ssettag $0x2  }
0x1d9: {  	s0 =	rddreg [dreg:$0x0];
	s2 =	stileid.u32  }
0x1da: {  	s1 =	rddreg [dreg:$0x1];
	p0 =	sne.s32 s2, $0x0  }
0x1db: {  	s3 =	rddreg [dreg:$0x2];
	[bflag:$0x3] =	sbarrier.arrive $0xFFFF;
	s2 =	simm.s32 @!p0 $0x1C03  }
0x1dc: {  	[timem:s3], [sflag:s2] =	dma.local @!p0 [hbm:s0], s1  }
0x1dd: {  	s0 =	simm.s32 @!p0 $0x3  }
0x1de: {  	_ =	swait.ge @!p0 [sflag:s0], s1  }
0x1df: {  	s1 =	ssub.s32 @!p0 $0x0, s1;
	[sflag:s0] =	ssyncset.done @!p0 $0x0  }
0x1e0: {  	[sflag:s0] =	ssyncadd.s32 @!p0 s1  }
0x1e1: {  	[bflag:$0x3] =	sbarrier.arrive $0xFFFF  }
0x1e2: {  	_ =	shalt  }

// kernel: kernel.8.cloned.1.call-start
scs
__scs_entry_jumppad:
0x0: {  	(pc) =	sbr.rel $0x88, $3  }
0x1: {  	(tag) =	ssettag $0x0;
	lr =	simm.s32 $0x1  }
0x2: {  	[smem:$0x3F9A] =	sst lr;
	_ =	strace $0xD0000000  }
0x3: {  	_ = 	snop  }
0x4: {  	_ = 	snop  }
0x5: {  	_ = 	snop  }
0x6: {  	_ = 	snop  }
0x7: {  	_ = 	snop  }
__scs_overlays_trampoline_lowered:
0x8: {  	[smem:$0x3FA9] =	sst s0  }
0x9: {  	[smem:$0x3FAA] =	sst s1  }
0xa: {  	[smem:$0x3FAB] =	sst s2  }
0xb: {  	[smem:$0x3FAC] =	sst s3  }
0xc: {  	[smem:$0x3FAD] =	sst s4  }
0xd: {  	[smem:$0x3FAE] =	sst s5  }
0xe: {  	[smem:$0x3FAF] =	sst s6  }
0xf: {  	[smem:$0x3FB0] =	sst s7  }
0x10: {  	[smem:$0x3FB1] =	sst s8  }
0x11: {  	[smem:$0x3FB2] =	sst s9;
	s0 =	simm.s32 @!p0 $0x0  }
0x12: {  	s1 =	sld [smem:$0x3F98];
	s0 =	simm.s32 @p0 $0x1  }
0x13: {  	[smem:$0x3FB3] =	sst s0;
	s0 =	simm.s32 @!p1 $0x0  }
0x14: {  	s2 =	sld [smem:$0x3F97];
	s0 =	simm.s32 @p1 $0x1  }
0x15: {  	[smem:$0x3FB4] =	sst s0;
	s0 =	simm.s32 @!p2 $0x0  }
0x16: {  	s3 =	sld [smem:$0x3FDB];
	s0 =	simm.s32 @p2 $0x1  }
0x17: {  	s4 =	simm.s32 $0x1BF5;
	[smem:$0x3FB6] =	sst s0  }
0x18: {  	s0 =	sld [smem:$0x3F99];
	_ =	swait.ge [sflag:s4], $0x0  }
0x19: {  	s7 =	sld [smem:$0x3F9A]  }
0x1a: {  	s8 =	sadd.s32 $0xFFFFE003, lr  }
0x1b: {  	s9 =	sadd.s32 $0xFFFFFEF7, lr;
	s5 =	simm.s32 $0xFFFFFFFF;
	p2 =	slt.u32 s8, $0xFFFFF086  }
0x1c: {  	p1 =	slt.u32 s9, $0xF7A;
	s5 =	simm.s32 @!p2 $0x0  }
0x1d: {  	s5 =	simm.s32 @p1 $0x1;
	p0 =	seq.s32 s7, s2  }
0x1e: {  	s7 =	smul.u32 @!p0 $0xF7A, s2;
	p2 =	seq.s32 @!p0 s5, $0x0  }
0x1f: {  	s9 =	smul.u32 $0xF7A, s1;
	s8 =	simm.s32 @!p0 $0x1BF5;
	p2 =	por !p2, p0  }
0x20: {  	[sflag:s8] =	ssyncset.s32 @!p0 $0xFFFFF086;
	s6 =	sadd.s32 @!p0 s3, s7;
	s7 =	simm.s32 @!p0 $0x108  }
0x21: {  	s3 =	sadd.s32 s3, s9;
	s6 =	sadd.s32 @!p0 $0x88, s6;
	s7 =	simm.s32 @p2 $0x1082  }
0x22: {  	[simem:s7], [sflag:s8] =	dma.local @!p0 [hbm:s6], $0xF7A  }
0x23: {  	s9 =	sor.u32 $0xD0000000, s2;
	s6 =	simm.s32 $0x108;
	_ =	swait.ge @!p0 [sflag:s8], $0x0  }
0x24: {  	s3 =	sadd.s32 $0x88, s3;
	s6 =	simm.s32 @!p1 $0x1082;
	[sflag:s4] =	ssyncset.s32 $0xFFFFF086  }
0x25: {  	[simem:s6], [sflag:s4] =	dma.local [hbm:s3], $0xF7A  }
0x26: {  	[smem:$0x3F9A] =	sst s1;
	(tag) =	ssettag s2;
	_ =	strace s9  }
0x27: {  	s1 =	sld [smem:$0x3FAA]  }
0x28: {  	s2 =	sld [smem:$0x3FAB]  }
0x29: {  	s4 =	sld [smem:$0x3FAD]  }
0x2a: {  	p0 =	seq.s32 s5, $0x0;
	s5 =	sld [smem:$0x3FAE]  }
0x2b: {  	s6 =	sld [smem:$0x3FAF]  }
0x2c: {  	s7 =	sld [smem:$0x3FB0]  }
0x2d: {  	s3 =	simm.s32 $0x108;
	s8 =	sld [smem:$0x3FB1]  }
0x2e: {  	s3 =	simm.s32 @!p0 $0x1082;
	s9 =	sld [smem:$0x3FB2]  }
0x2f: {  	lr =	sadd.s32 s0, s3;
	s0 =	sld [smem:$0x3FA9]  }
0x30: {  	s3 =	sld [smem:$0x3FAC]  }
0x31: {  	[smem:$0x3FB5] =	sst s10  }
0x32: {  	s10 =	sld [smem:$0x3FB3];
	_ =	sdelay $0x3  }
0x33: {  	p0 =	seq.s32 s10, $0x1;
	s10 =	sld [smem:$0x3FB5];
	_ =	sdelay $0x3  }
0x34: {  	[smem:$0x3FB5] =	sst s10  }
0x35: {  	s10 =	sld [smem:$0x3FB4];
	_ =	sdelay $0x3  }
0x36: {  	p1 =	seq.s32 s10, $0x1;
	s10 =	sld [smem:$0x3FB5];
	_ =	sdelay $0x3  }
0x37: {  	[smem:$0x3FB5] =	sst s10  }
0x38: {  	s10 =	sld [smem:$0x3FB6]  }
0x39: {  	_ = 	snop;
	(pc) =	sbr.ind lr, $3  }
0x3a: {  	_ = 	snop  }
0x3b: {  	_ = 	snop  }
0x3c: {  	p2 =	seq.s32 s10, $0x1;
	s10 =	sld [smem:$0x3FB5]  }
0x3d: {  	_ =	shalt  }
0x3e: {  	_ =	shalt  }
0x3f: {  	_ =	shalt  }
0x40: {  	_ =	shalt  }
0x41: {  	_ =	shalt  }
0x42: {  	_ =	shalt  }
0x43: {  	_ =	shalt  }
0x44: {  	_ =	shalt  }
0x45: {  	_ =	shalt  }
0x46: {  	_ =	shalt  }
0x47: {  	_ =	shalt  }
0x48: {  	_ =	shalt  }
0x49: {  	_ =	shalt  }
0x4a: {  	_ =	shalt  }
0x4b: {  	_ =	shalt  }
0x4c: {  	_ =	shalt  }
0x4d: {  	_ =	shalt  }
0x4e: {  	_ =	shalt  }
0x4f: {  	_ =	shalt  }
0x50: {  	_ =	shalt  }
0x51: {  	_ =	shalt  }
0x52: {  	_ =	shalt  }
0x53: {  	_ =	shalt  }
0x54: {  	_ =	shalt  }
0x55: {  	_ =	shalt  }
0x56: {  	_ =	shalt  }
0x57: {  	_ =	shalt  }
0x58: {  	_ =	shalt  }
0x59: {  	_ =	shalt  }
0x5a: {  	_ =	shalt  }
0x5b: {  	_ =	shalt  }
0x5c: {  	_ =	shalt  }
0x5d: {  	_ =	shalt  }
0x5e: {  	_ =	shalt  }
0x5f: {  	_ =	shalt  }
0x60: {  	_ =	shalt  }
0x61: {  	_ =	shalt  }
0x62: {  	_ =	shalt  }
0x63: {  	_ =	shalt  }
0x64: {  	_ =	shalt  }
0x65: {  	_ =	shalt  }
0x66: {  	_ =	shalt  }
0x67: {  	_ =	shalt  }
0x68: {  	_ =	shalt  }
0x69: {  	_ =	shalt  }
0x6a: {  	_ =	shalt  }
0x6b: {  	_ =	shalt  }
0x6c: {  	_ =	shalt  }
0x6d: {  	_ =	shalt  }
0x6e: {  	_ =	shalt  }
0x6f: {  	_ =	shalt  }
0x70: {  	_ =	shalt  }
0x71: {  	_ =	shalt  }
0x72: {  	_ =	shalt  }
0x73: {  	_ =	shalt  }
0x74: {  	_ =	shalt  }
0x75: {  	_ =	shalt  }
0x76: {  	_ =	shalt  }
0x77: {  	_ =	shalt  }
0x78: {  	_ =	shalt  }
0x79: {  	_ =	shalt  }
0x7a: {  	_ =	shalt  }
0x7b: {  	_ =	shalt  }
0x7c: {  	_ =	shalt  }
0x7d: {  	_ =	shalt  }
0x7e: {  	_ =	shalt  }
0x7f: {  	_ =	shalt  }
0x80: {  	_ =	shalt  }
0x81: {  	_ =	shalt  }
0x82: {  	_ =	shalt  }
0x83: {  	_ =	shalt  }
0x84: {  	_ =	shalt  }
0x85: {  	_ =	shalt  }
0x86: {  	_ =	shalt  }
0x87: {  	_ =	shalt  }
.Lfunc_end0:
.L_simem_size_0:
called_computation_lowered:
.L_overlay_start_0:
0x88: {  	s2 =	sld [smem:$0x3FD9]  }
0x89: {  	s3 =	sld [smem:$0x3FFE];
	_ =	sdelay $0x1  }
0x8a: {  	s1 =	srdreg.scid  }
0x8b: {  	s0 =	sand.u32 $0x1, s1  }
0x8c: {  	s17 =	sshll.u32 s0, $0xA;
	s2 =	sadd.s32 s3, s2  }
0x8d: {  	s2 =	sadd.s32 s2, s17  }
0x8e: {  	[smem:$0x3FC1] =	sst s2  }
0x8f: {  	_ = 	snop  }
0x90: {  	s2 =	sld [smem:$0x3FD0];
	(tm) =	ssettm $0x1  }
0x91: {  	s18 =	sld [smem:$0x3FFB];
	_ =	sdelay $0x3  }
0x92: {  	_ =	strace s18  }
0x93: {  	s3 =	sld [smem:$0x3FFC];
	_ =	sdelay $0x3  }
0x94: {  	_ =	strace s3  }
0x95: {  	s3 =	sld [smem:$0x3FFD];
	_ =	sdelay $0x3  }
0x96: {  	_ =	strace s3  }
0x97: {  	_ =	strace $0x8FFFFFFF  }
0x98: {  	s19 =	sld [smem:$0x3FDB];
	_ =	sdelay $0x1  }
0x99: {  	s4 =	simm.s32 $_scs_section_size  }
0x9a: {  	s5 =	simm.s32 $_size__tile_overlayer_lowered;
	s6 =	simm.s32 $_tile_overlayer_lowered  }
0x9b: {  	s22 =	simm.s32 $0x1BFF;
	s21 =	sshll.u32 s6, $0x1;
	s3 =	sadd.s32 s4, s19  }
0x9c: {  	s7 =	simm.s32 $0x0;
	s20 =	sshll.u32 s5, $0x1;
	s5 =	sadd.s32 s21, s3  }
0x9d: {  	[timem:s7], [sflag:s22] =	dma.local [hbm:s5], s20  }
0x9e: {  	_ =	swait.ge [sflag:s22], s20  }
0x9f: {  	s4 =	ssub.s32 $0x0, s20;
	[sflag:s22] =	ssyncset.done $0x0  }
0xa0: {  	[sflag:s22] =	ssyncadd.s32 s4;
	_ =	sdelay $0x1  }
0xa1: {  	s23 =	simm.s32 $0x1B8B  }
0xa2: {  	_ =	swait.ge [sflag:s23], $0x1  }
0xa3: {  	[sflag:s23] =	ssyncset.done $0x0  }
0xa4: {  	s25 =	simm.s32 $0x1B8E;
	s24 =	sld [smem:$0x3FFE];
	[sflag:s23] =	ssyncadd.s32 $0xFFFFFFFF  }
0xa5: {  	s26 =	simm.s32 $execute0_lowered;
	[smem:$0x3FD2] =	sst s25  }
0xa6: {  	s5 =	sshll.u32 s26, $0x1;
	_ =	strace $0x80000046;
	[dreg:$0x1] =	wrdreg $0xFFFFFFFF  }
0xa7: {  	s28 =	simm.s32 $_size_execute0_lowered;
	s3 =	sadd.s32 s3, s5;
	[dreg:$0x0] =	wrdreg $0x0  }
0xa8: {  	s5 =	sshll.u32 s28, $0x1;
	[dreg:$0x2] =	wrdreg s3  }
0xa9: {  	[dreg:$0x3] =	wrdreg s5  }
0xaa: {  	[dreg:$0x4] =	wrdreg $0xC0  }
0xab: {  	_ =	task [dreg:s7], $0x5FFFF  }
0xac: {  	[dreg:$0x1] =	wrdreg $0xFFFFFFFF  }
0xad: {  	[dreg:$0x0] =	wrdreg $0x60  }
0xae: {  	[dreg:$0x2] =	wrdreg s24  }
0xaf: {  	[dreg:$0x3] =	wrdreg s2  }
0xb0: {  	[dreg:$0x4] =	wrdreg $0x28000  }
0xb1: {  	[dreg:$0x5] =	wrdreg $0x9  }
0xb2: {  	_ =	task.clear_ibuf [dreg:s7], $0x6FFFF;
	_ =	strace $0x90000046  }
0xb3: {  	s29 =	simm.s32 $0x9;
	_ =	strace $0x80000048  }
0xb4: {  	_ =	swait.ge [sflag:s29], $0x1  }
0xb5: {  	[sflag:s29] =	ssyncadd.s32 $0xFFFFFFFF  }
0xb6: {  	_ =	strace $0x90000048  }
0xb7: {  	_ =	sfence  }
0xb8: {  	s30 =	sld [smem:$0x0];
	_ =	sdelay $0x2  }
0xb9: {  	s31 =	sshll.u32 s1, $0xD;
	s1 =	sshrl.u32 s1, $0x2  }
0xba: {  	s3 =	sand.u32 $0x4000, s31;
	s1 =	sadd.s32 s1, s30  }
0xbb: {  	s0 =	sor.u32 s3, s0;
	s1 =	sshll.u32 s1, $0x11  }
0xbc: {  	s0 =	sor.u32 s1, s0  }
0xbd: {  	s0 =	sadd.s32 $0x8F2B, s0  }
0xbe: {  	[sflag:s0] =	ssyncadd.remote.s32 $0x1  }
0xbf: {  	_ =	sfence.sel $0xFFFF  }
0xc0: {  	[dreg:$0x0] =	wrdreg $0xFFFFFFFF;
	(pc) =	sbr.abs _section_cstart, $3  }
0xc1: {  	[dreg:$0x1] =	wrdreg $0xFFFFFFFF  }
0xc2: {  	_ =	task.clear_ibuf [dreg:s7], $0x2FFFF;
	_ =	strace $0x9FFFFFFF  }
0xc3: {  	(tm) =	ssettm $0x7FFFFFFF  }
tec
execute0_lowered:
.L_overlay_start_1:
0x0: {  	(tag) =	ssettag $0x1  }
0x1: {  	s0 =	rddreg [dreg:$0x0];
	s1 =	srdreg.scid  }
0x2: {  	s10 =	stileid.u32;
	s3 =	rddreg [dreg:$0x2];
	s4 =	simm.s32 $0x0  }
0x3: {  	s9 =	simm.s32 $0x800;
	s13 =	simm.s32 $0x40;
	s14 =	simm.s32 $0x80  }
0x4: {  	s15 =	simm.s32 $0x100;
	s16 =	simm.s32 $0x180;
	s17 =	simm.s32 $0x200  }
0x5: {  	s18 =	simm.s32 $0x280;
	s19 =	simm.s32 $0x300;
	s20 =	simm.s32 $0x380  }
0x6: {  	s21 =	simm.s32 $0x400;
	s22 =	simm.s32 $0x480;
	s23 =	simm.s32 $0x500  }
0x7: {  	s28 =	simm.s32 $0x700;
	s29 =	simm.s32 $0x780;
	s5 =	smul.u32 $0x14000, s10  }
0x8: {  	s30 =	simm.s32 $0x1;
	s31 =	simm.s32 $0x0;
	s7 =	smul.u32 $0x50000, s10  }
0x9: {  	s1 =	sand.u32 $0x1, s1;
	[smem:$0x7FF] =	sst s4;
	s8 =	smul.u32 $0x1400, s10  }
0xa: {  	s26 =	sshll.u32 s10, $0x6;
	s10 =	simm.s32 $0x2;
	s2 =	smul.u32 $0x14000, s1  }
0xb: {  	s6 =	smul.u32 $0x140000, s1;
	_ =	strace $0x80000047;
	s1 =	ssub.s32 $0x2, s1  }
0xc: {  	s11 =	sor.u32 $0x1C02, s26;
	s26 =	simm.s32 $0x680;
	s24 =	sshrl.u32 s1, $0x1  }
0xd: {  	s7 =	sshrl.u32 s7, $0x2;
	s2 =	sadd.s32 s2, s0;
	s6 =	sadd.s32 s5, s6  }
0xe: {  	s5 =	sshrl.u32 s5, $0x3;
	s1 =	ssub.s32 s1, s24;
	s12 =	sadd.s32 s7, s3  }
0xf: {  	s24 =	simm.s32 $0x580;
	s6 =	sshrl.u32 s6, $0x3;
	s5 =	sadd.s32 s5, s0  }
0x10: {  	s7 =	smax.u32 s1, $0x1;
	s25 =	sadd.s32 s8, s2;
	s12 =	sshrl.u32 s12, $0x3  }
0x11: {  	s0 =	sadd.s32 s6, s0;
	s5 =	sadd.s32 $0x3EE00, s5;
	s8 =	sadd.s32 $0x16E00, s25  }
0x12: {  	s25 =	simm.s32 $0x600;
	[dreg:$0x4] =	wrdreg s5;
	s6 =	sadd.s32 $0x66E00, s0  }
.LBB2_1:
0x13: {  	s0 =	rddreg [dreg:$0x1]  }
0x14: {  	[tilespmem:s9], [sflag:$0x2] =	stream.linear.gather [hbm4b:s0+s4], $0x2000, $0x38;
	[tilespmem:$0x16800] =	vst v63  }
0x15: {  	_ =	swait.ge [sflag:s10], $0x2000  }
0x16: {  	[sflag:s10] =	ssyncset.done $0x0  }
0x17: {  	s2 =	rddreg [dreg:$0x4];
	[sflag:s10] =	ssyncadd.s32 $0xFFFFE000  }
0x18: {  	[spmem:s12], [sflag:s11] =	dma.local [hbm:s2], $0x2800  }
0x19: {  	_ =	swait.ge [sflag:s10], $0x2800  }
0x1a: {  	[sflag:s10] =	ssyncset.done $0x0  }
0x1b: {  	[sflag:s10] =	ssyncadd.s32 $0xFFFFD800  }
0x1c: {  	s5 =	sadd.s32 $0x0, s8;
	[bflag:$0x0] =	sbarrier.arrive $0xFFFF  }
0x1d: {  	[tilespmem:s4], [sflag:$0x2] =	stream.linear.gather [hbm4b:s5+s4], $0x800, $0x38;
	[tilespmem:$0x16800] =	vst v63  }
0x1e: {  	_ =	swait.ge [sflag:s10], $0x800  }
0x1f: {  	[sflag:s10] =	ssyncset.done $0x0  }
0x20: {  	[sflag:s10] =	ssyncadd.s32 $0xFFFFF800  }
0x21: {  	[spmem:s3] =	stream.indirect.scatter.add.f32 [tilespmem:s9], [sflag:$0x1], $0x80, s4, s13, $0xb8;
	[tilespmem:$0x16800] =	vst v63  }
0x22: {  	_ = 	snop  }
0x23: {  	[spmem:s3] =	stream.indirect.scatter.add.f32 [tilespmem:s9], [sflag:$0x1], $0x80, s14, s13, $0xb8;
	[tilespmem:$0x16800] =	vst v63  }
0x24: {  	_ = 	snop  }
0x25: {  	[spmem:s3] =	stream.indirect.scatter.add.f32 [tilespmem:s9], [sflag:$0x1], $0x80, s15, s13, $0xb8;
	[tilespmem:$0x16800] =	vst v63  }
0x26: {  	_ = 	snop  }
0x27: {  	[spmem:s3] =	stream.indirect.scatter.add.f32 [tilespmem:s9], [sflag:$0x1], $0x80, s16, s13, $0xb8;
	[tilespmem:$0x16800] =	vst v63  }
0x28: {  	_ = 	snop  }
0x29: {  	[spmem:s3] =	stream.indirect.scatter.add.f32 [tilespmem:s9], [sflag:$0x1], $0x80, s17, s13, $0xb8;
	[tilespmem:$0x16800] =	vst v63  }
0x2a: {  	_ = 	snop  }
0x2b: {  	[spmem:s3] =	stream.indirect.scatter.add.f32 [tilespmem:s9], [sflag:$0x1], $0x80, s18, s13, $0xb8;
	[tilespmem:$0x16800] =	vst v63  }
0x2c: {  	_ = 	snop  }
0x2d: {  	[spmem:s3] =	stream.indirect.scatter.add.f32 [tilespmem:s9], [sflag:$0x1], $0x80, s19, s13, $0xb8;
	[tilespmem:$0x16800] =	vst v63  }
0x2e: {  	_ = 	snop  }
0x2f: {  	[spmem:s3] =	stream.indirect.scatter.add.f32 [tilespmem:s9], [sflag:$0x1], $0x80, s20, s13, $0xb8;
	[tilespmem:$0x16800] =	vst v63  }
0x30: {  	_ = 	snop  }
0x31: {  	[spmem:s3] =	stream.indirect.scatter.add.f32 [tilespmem:s9], [sflag:$0x1], $0x80, s21, s13, $0xb8;
	[tilespmem:$0x16800] =	vst v63  }
0x32: {  	_ = 	snop  }
0x33: {  	[spmem:s3] =	stream.indirect.scatter.add.f32 [tilespmem:s9], [sflag:$0x1], $0x80, s22, s13, $0xb8;
	[tilespmem:$0x16800] =	vst v63  }
0x34: {  	_ = 	snop  }
0x35: {  	[spmem:s3] =	stream.indirect.scatter.add.f32 [tilespmem:s9], [sflag:$0x1], $0x80, s23, s13, $0xb8;
	[tilespmem:$0x16800] =	vst v63  }
0x36: {  	_ = 	snop  }
0x37: {  	[spmem:s3] =	stream.indirect.scatter.add.f32 [tilespmem:s9], [sflag:$0x1], $0x80, s24, s13, $0xb8;
	[tilespmem:$0x16800] =	vst v63  }
0x38: {  	_ = 	snop  }
0x39: {  	[spmem:s3] =	stream.indirect.scatter.add.f32 [tilespmem:s9], [sflag:$0x1], $0x80, s25, s13, $0xb8;
	[tilespmem:$0x16800] =	vst v63  }
0x3a: {  	_ = 	snop  }
0x3b: {  	[spmem:s3] =	stream.indirect.scatter.add.f32 [tilespmem:s9], [sflag:$0x1], $0x80, s26, s13, $0xb8;
	[tilespmem:$0x16800] =	vst v63  }
0x3c: {  	_ = 	snop  }
0x3d: {  	[spmem:s3] =	stream.indirect.scatter.add.f32 [tilespmem:s9], [sflag:$0x1], $0x80, s28, s13, $0xb8;
	[tilespmem:$0x16800] =	vst v63  }
0x3e: {  	_ = 	snop  }
0x3f: {  	[spmem:s3] =	stream.indirect.scatter.add.f32 [tilespmem:s9], [sflag:$0x1], $0x80, s29, s13, $0xb8;
	[tilespmem:$0x16800] =	vst v63  }
0x40: {  	_ =	swait.ge [sflag:s30], $0x2000  }
0x41: {  	[sflag:s30] =	ssyncset.done $0x0  }
0x42: {  	[sflag:s30] =	ssyncadd.s32 $0xFFFFE000  }
0x43: {  	_ =	swait.ge [sflag:s30], $0x2000  }
0x44: {  	[sflag:s30] =	ssyncset.done $0x0  }
0x45: {  	[sflag:s30] =	ssyncadd.s32 $0xFFFFE000  }
0x46: {  	_ =	swait.ge [sflag:s30], $0x2000  }
0x47: {  	[sflag:s30] =	ssyncset.done $0x0  }
0x48: {  	[sflag:s30] =	ssyncadd.s32 $0xFFFFE000  }
0x49: {  	_ =	swait.ge [sflag:s30], $0x2000  }
0x4a: {  	[sflag:s30] =	ssyncset.done $0x0  }
0x4b: {  	[sflag:s30] =	ssyncadd.s32 $0xFFFFE000  }
0x4c: {  	_ =	swait.ge [sflag:s30], $0x2000  }
0x4d: {  	[sflag:s30] =	ssyncset.done $0x0  }
0x4e: {  	[sflag:s30] =	ssyncadd.s32 $0xFFFFE000  }
0x4f: {  	_ =	swait.ge [sflag:s30], $0x2000  }
0x50: {  	[sflag:s30] =	ssyncset.done $0x0  }
0x51: {  	[sflag:s30] =	ssyncadd.s32 $0xFFFFE000  }
0x52: {  	_ =	swait.ge [sflag:s30], $0x2000  }
0x53: {  	[sflag:s30] =	ssyncset.done $0x0  }
0x54: {  	[sflag:s30] =	ssyncadd.s32 $0xFFFFE000  }
0x55: {  	_ =	swait.ge [sflag:s30], $0x2000  }
0x56: {  	[sflag:s30] =	ssyncset.done $0x0  }
0x57: {  	[sflag:s30] =	ssyncadd.s32 $0xFFFFE000  }
0x58: {  	_ =	swait.ge [sflag:s30], $0x2000  }
0x59: {  	[sflag:s30] =	ssyncset.done $0x0  }
0x5a: {  	[sflag:s30] =	ssyncadd.s32 $0xFFFFE000  }
0x5b: {  	_ =	swait.ge [sflag:s30], $0x2000  }
0x5c: {  	[sflag:s30] =	ssyncset.done $0x0  }
0x5d: {  	[sflag:s30] =	ssyncadd.s32 $0xFFFFE000  }
0x5e: {  	_ =	swait.ge [sflag:s30], $0x2000  }
0x5f: {  	[sflag:s30] =	ssyncset.done $0x0  }
0x60: {  	[sflag:s30] =	ssyncadd.s32 $0xFFFFE000  }
0x61: {  	_ =	swait.ge [sflag:s30], $0x2000  }
0x62: {  	[sflag:s30] =	ssyncset.done $0x0  }
0x63: {  	[sflag:s30] =	ssyncadd.s32 $0xFFFFE000  }
0x64: {  	_ =	swait.ge [sflag:s30], $0x2000  }
0x65: {  	[sflag:s30] =	ssyncset.done $0x0  }
0x66: {  	[sflag:s30] =	ssyncadd.s32 $0xFFFFE000  }
0x67: {  	_ =	swait.ge [sflag:s30], $0x2000  }
0x68: {  	[sflag:s30] =	ssyncset.done $0x0  }
0x69: {  	[sflag:s30] =	ssyncadd.s32 $0xFFFFE000  }
0x6a: {  	_ =	swait.ge [sflag:s30], $0x2000  }
0x6b: {  	[sflag:s30] =	ssyncset.done $0x0  }
0x6c: {  	[sflag:s30] =	ssyncadd.s32 $0xFFFFE000  }
0x6d: {  	_ =	swait.ge [sflag:s30], $0x2000  }
0x6e: {  	s1 =	simm.s32 $0x100;
	s0 =	simm.s32 $0x200;
	[sflag:s30] =	ssyncset.done $0x0  }
.LBB2_2:
0x6f: {  	s5 =	sadd.s32 s1, s8  }
0x70: {  	[sflag:s30] =	ssyncadd.s32 $0xFFFFE000;
	s1 =	smov.u32 s0;
	s2 =	sadd.s32 $0x100, s0  }
0x71: {  	[tilespmem:s4], [sflag:$0x2] =	stream.linear.gather [hbm4b:s5+s4], $0x800, $0x38;
	[tilespmem:$0x16800] =	vst v63  }
0x72: {  	p0 =	sne.s32 s0, $0x1300;
	_ =	swait.ge [sflag:s10], $0x800  }
0x73: {  	[sflag:s10] =	ssyncset.done $0x0  }
0x74: {  	[sflag:s10] =	ssyncadd.s32 $0xFFFFF800  }
0x75: {  	[spmem:s3] =	stream.indirect.scatter.add.f32 [tilespmem:s9], [sflag:$0x1], $0x80, s4, s13, $0xb8;
	[tilespmem:$0x16800] =	vst v63  }
0x76: {  	_ = 	snop  }
0x77: {  	[spmem:s3] =	stream.indirect.scatter.add.f32 [tilespmem:s9], [sflag:$0x1], $0x80, s14, s13, $0xb8;
	[tilespmem:$0x16800] =	vst v63  }
0x78: {  	_ = 	snop  }
0x79: {  	[spmem:s3] =	stream.indirect.scatter.add.f32 [tilespmem:s9], [sflag:$0x1], $0x80, s15, s13, $0xb8;
	[tilespmem:$0x16800] =	vst v63  }
0x7a: {  	_ = 	snop  }
0x7b: {  	[spmem:s3] =	stream.indirect.scatter.add.f32 [tilespmem:s9], [sflag:$0x1], $0x80, s16, s13, $0xb8;
	[tilespmem:$0x16800] =	vst v63  }
0x7c: {  	_ = 	snop  }
0x7d: {  	[spmem:s3] =	stream.indirect.scatter.add.f32 [tilespmem:s9], [sflag:$0x1], $0x80, s17, s13, $0xb8;
	[tilespmem:$0x16800] =	vst v63  }
0x7e: {  	_ = 	snop  }
0x7f: {  	[spmem:s3] =	stream.indirect.scatter.add.f32 [tilespmem:s9], [sflag:$0x1], $0x80, s18, s13, $0xb8;
	[tilespmem:$0x16800] =	vst v63  }
0x80: {  	_ = 	snop  }
0x81: {  	[spmem:s3] =	stream.indirect.scatter.add.f32 [tilespmem:s9], [sflag:$0x1], $0x80, s19, s13, $0xb8;
	[tilespmem:$0x16800] =	vst v63  }
0x82: {  	_ = 	snop  }
0x83: {  	[spmem:s3] =	stream.indirect.scatter.add.f32 [tilespmem:s9], [sflag:$0x1], $0x80, s20, s13, $0xb8;
	[tilespmem:$0x16800] =	vst v63  }
0x84: {  	_ = 	snop  }
0x85: {  	[spmem:s3] =	stream.indirect.scatter.add.f32 [tilespmem:s9], [sflag:$0x1], $0x80, s21, s13, $0xb8;
	[tilespmem:$0x16800] =	vst v63  }
0x86: {  	_ = 	snop  }
0x87: {  	[spmem:s3] =	stream.indirect.scatter.add.f32 [tilespmem:s9], [sflag:$0x1], $0x80, s22, s13, $0xb8;
	[tilespmem:$0x16800] =	vst v63  }
0x88: {  	_ = 	snop  }
0x89: {  	[spmem:s3] =	stream.indirect.scatter.add.f32 [tilespmem:s9], [sflag:$0x1], $0x80, s23, s13, $0xb8;
	[tilespmem:$0x16800] =	vst v63  }
0x8a: {  	_ = 	snop  }
0x8b: {  	[spmem:s3] =	stream.indirect.scatter.add.f32 [tilespmem:s9], [sflag:$0x1], $0x80, s24, s13, $0xb8;
	[tilespmem:$0x16800] =	vst v63  }
0x8c: {  	_ = 	snop  }
0x8d: {  	[spmem:s3] =	stream.indirect.scatter.add.f32 [tilespmem:s9], [sflag:$0x1], $0x80, s25, s13, $0xb8;
	[tilespmem:$0x16800] =	vst v63  }
0x8e: {  	_ = 	snop  }
0x8f: {  	[spmem:s3] =	stream.indirect.scatter.add.f32 [tilespmem:s9], [sflag:$0x1], $0x80, s26, s13, $0xb8;
	[tilespmem:$0x16800] =	vst v63  }
0x90: {  	_ = 	snop  }
0x91: {  	[spmem:s3] =	stream.indirect.scatter.add.f32 [tilespmem:s9], [sflag:$0x1], $0x80, s28, s13, $0xb8;
	[tilespmem:$0x16800] =	vst v63  }
0x92: {  	_ = 	snop  }
0x93: {  	[spmem:s3] =	stream.indirect.scatter.add.f32 [tilespmem:s9], [sflag:$0x1], $0x80, s29, s13, $0xb8;
	[tilespmem:$0x16800] =	vst v63  }
0x94: {  	_ =	swait.ge [sflag:s30], $0x2000  }
0x95: {  	[sflag:s30] =	ssyncset.done $0x0  }
0x96: {  	[sflag:s30] =	ssyncadd.s32 $0xFFFFE000  }
0x97: {  	_ =	swait.ge [sflag:s30], $0x2000  }
0x98: {  	[sflag:s30] =	ssyncset.done $0x0  }
0x99: {  	[sflag:s30] =	ssyncadd.s32 $0xFFFFE000  }
0x9a: {  	_ =	swait.ge [sflag:s30], $0x2000  }
0x9b: {  	[sflag:s30] =	ssyncset.done $0x0  }
0x9c: {  	[sflag:s30] =	ssyncadd.s32 $0xFFFFE000  }
0x9d: {  	_ =	swait.ge [sflag:s30], $0x2000  }
0x9e: {  	[sflag:s30] =	ssyncset.done $0x0  }
0x9f: {  	[sflag:s30] =	ssyncadd.s32 $0xFFFFE000  }
0xa0: {  	_ =	swait.ge [sflag:s30], $0x2000  }
0xa1: {  	[sflag:s30] =	ssyncset.done $0x0  }
0xa2: {  	[sflag:s30] =	ssyncadd.s32 $0xFFFFE000  }
0xa3: {  	_ =	swait.ge [sflag:s30], $0x2000  }
0xa4: {  	[sflag:s30] =	ssyncset.done $0x0  }
0xa5: {  	[sflag:s30] =	ssyncadd.s32 $0xFFFFE000  }
0xa6: {  	_ =	swait.ge [sflag:s30], $0x2000  }
0xa7: {  	[sflag:s30] =	ssyncset.done $0x0  }
0xa8: {  	[sflag:s30] =	ssyncadd.s32 $0xFFFFE000  }
0xa9: {  	_ =	swait.ge [sflag:s30], $0x2000  }
0xaa: {  	[sflag:s30] =	ssyncset.done $0x0  }
0xab: {  	[sflag:s30] =	ssyncadd.s32 $0xFFFFE000  }
0xac: {  	_ =	swait.ge [sflag:s30], $0x2000  }
0xad: {  	[sflag:s30] =	ssyncset.done $0x0  }
0xae: {  	[sflag:s30] =	ssyncadd.s32 $0xFFFFE000  }
0xaf: {  	_ =	swait.ge [sflag:s30], $0x2000  }
0xb0: {  	[sflag:s30] =	ssyncset.done $0x0  }
0xb1: {  	[sflag:s30] =	ssyncadd.s32 $0xFFFFE000  }
0xb2: {  	_ =	swait.ge [sflag:s30], $0x2000  }
0xb3: {  	[sflag:s30] =	ssyncset.done $0x0  }
0xb4: {  	[sflag:s30] =	ssyncadd.s32 $0xFFFFE000  }
0xb5: {  	_ =	swait.ge [sflag:s30], $0x2000  }
0xb6: {  	[sflag:s30] =	ssyncset.done $0x0  }
0xb7: {  	[sflag:s30] =	ssyncadd.s32 $0xFFFFE000  }
0xb8: {  	_ =	swait.ge [sflag:s30], $0x2000  }
0xb9: {  	[sflag:s30] =	ssyncset.done $0x0  }
0xba: {  	[sflag:s30] =	ssyncadd.s32 $0xFFFFE000  }
0xbb: {  	_ =	swait.ge [sflag:s30], $0x2000  }
0xbc: {  	[sflag:s30] =	ssyncset.done $0x0  }
0xbd: {  	[sflag:s30] =	ssyncadd.s32 $0xFFFFE000  }
.Ltmp0:
0xbe: {  	_ =	swait.ge [sflag:s30], $0x2000;
	(pc) =	sbr.rel @p0 .LBB2_2-.Ltmp0, $4  }
0xbf: {  	[sflag:s30] =	ssyncset.done $0x0  }
0xc0: {  	[sflag:s30] =	ssyncadd.s32 $0xFFFFE000  }
0xc1: {  	_ =	swait.ge [sflag:s30], $0x2000  }
0xc2: {  	s0 =	smov.u32 s2;
	[sflag:s30] =	ssyncset.done $0x0  }
0xc3: {  	s0 =	sadd.s32 s1, s8;
	[sflag:s30] =	ssyncadd.s32 $0xFFFFE000  }
0xc4: {  	[tilespmem:s4], [sflag:$0x2] =	stream.linear.gather [hbm4b:s0+s4], $0x800, $0x38;
	[tilespmem:$0x16800] =	vst v63  }
0xc5: {  	_ =	swait.ge [sflag:s10], $0x800  }
0xc6: {  	[sflag:s10] =	ssyncset.done $0x0  }
0xc7: {  	[sflag:s10] =	ssyncadd.s32 $0xFFFFF800  }
0xc8: {  	[spmem:s3] =	stream.indirect.scatter.add.f32 [tilespmem:s9], [sflag:$0x1], $0x80, s4, s13, $0xb8;
	[tilespmem:$0x16800] =	vst v63  }
0xc9: {  	_ = 	snop  }
0xca: {  	[spmem:s3] =	stream.indirect.scatter.add.f32 [tilespmem:s9], [sflag:$0x1], $0x80, s14, s13, $0xb8;
	[tilespmem:$0x16800] =	vst v63  }
0xcb: {  	_ = 	snop  }
0xcc: {  	[spmem:s3] =	stream.indirect.scatter.add.f32 [tilespmem:s9], [sflag:$0x1], $0x80, s15, s13, $0xb8;
	[tilespmem:$0x16800] =	vst v63  }
0xcd: {  	_ = 	snop  }
0xce: {  	[spmem:s3] =	stream.indirect.scatter.add.f32 [tilespmem:s9], [sflag:$0x1], $0x80, s16, s13, $0xb8;
	[tilespmem:$0x16800] =	vst v63  }
0xcf: {  	_ = 	snop  }
0xd0: {  	[spmem:s3] =	stream.indirect.scatter.add.f32 [tilespmem:s9], [sflag:$0x1], $0x80, s17, s13, $0xb8;
	[tilespmem:$0x16800] =	vst v63  }
0xd1: {  	_ = 	snop  }
0xd2: {  	[spmem:s3] =	stream.indirect.scatter.add.f32 [tilespmem:s9], [sflag:$0x1], $0x80, s18, s13, $0xb8;
	[tilespmem:$0x16800] =	vst v63  }
0xd3: {  	_ = 	snop  }
0xd4: {  	[spmem:s3] =	stream.indirect.scatter.add.f32 [tilespmem:s9], [sflag:$0x1], $0x80, s19, s13, $0xb8;
	[tilespmem:$0x16800] =	vst v63  }
0xd5: {  	_ = 	snop  }
0xd6: {  	[spmem:s3] =	stream.indirect.scatter.add.f32 [tilespmem:s9], [sflag:$0x1], $0x80, s20, s13, $0xb8;
	[tilespmem:$0x16800] =	vst v63  }
0xd7: {  	_ = 	snop  }
0xd8: {  	[spmem:s3] =	stream.indirect.scatter.add.f32 [tilespmem:s9], [sflag:$0x1], $0x80, s21, s13, $0xb8;
	[tilespmem:$0x16800] =	vst v63  }
0xd9: {  	_ = 	snop  }
0xda: {  	[spmem:s3] =	stream.indirect.scatter.add.f32 [tilespmem:s9], [sflag:$0x1], $0x80, s22, s13, $0xb8;
	[tilespmem:$0x16800] =	vst v63  }
0xdb: {  	_ = 	snop  }
0xdc: {  	[spmem:s3] =	stream.indirect.scatter.add.f32 [tilespmem:s9], [sflag:$0x1], $0x80, s23, s13, $0xb8;
	[tilespmem:$0x16800] =	vst v63  }
0xdd: {  	_ = 	snop  }
0xde: {  	[spmem:s3] =	stream.indirect.scatter.add.f32 [tilespmem:s9], [sflag:$0x1], $0x80, s24, s13, $0xb8;
	[tilespmem:$0x16800] =	vst v63  }
0xdf: {  	_ = 	snop  }
0xe0: {  	[spmem:s3] =	stream.indirect.scatter.add.f32 [tilespmem:s9], [sflag:$0x1], $0x80, s25, s13, $0xb8;
	[tilespmem:$0x16800] =	vst v63  }
0xe1: {  	_ = 	snop  }
0xe2: {  	[spmem:s3] =	stream.indirect.scatter.add.f32 [tilespmem:s9], [sflag:$0x1], $0x80, s26, s13, $0xb8;
	[tilespmem:$0x16800] =	vst v63  }
0xe3: {  	_ = 	snop  }
0xe4: {  	[spmem:s3] =	stream.indirect.scatter.add.f32 [tilespmem:s9], [sflag:$0x1], $0x80, s28, s13, $0xb8;
	[tilespmem:$0x16800] =	vst v63  }
0xe5: {  	_ = 	snop  }
0xe6: {  	[spmem:s3] =	stream.indirect.scatter.add.f32 [tilespmem:s9], [sflag:$0x1], $0x80, s29, s13, $0xb8;
	[tilespmem:$0x16800] =	vst v63  }
0xe7: {  	_ =	swait.ge [sflag:s30], $0x2000  }
0xe8: {  	[sflag:s30] =	ssyncset.done $0x0  }
0xe9: {  	[sflag:s30] =	ssyncadd.s32 $0xFFFFE000  }
0xea: {  	_ =	swait.ge [sflag:s30], $0x2000  }
0xeb: {  	[sflag:s30] =	ssyncset.done $0x0  }
0xec: {  	[sflag:s30] =	ssyncadd.s32 $0xFFFFE000  }
0xed: {  	_ =	swait.ge [sflag:s30], $0x2000  }
0xee: {  	[sflag:s30] =	ssyncset.done $0x0  }
0xef: {  	[sflag:s30] =	ssyncadd.s32 $0xFFFFE000  }
0xf0: {  	_ =	swait.ge [sflag:s30], $0x2000  }
0xf1: {  	[sflag:s30] =	ssyncset.done $0x0  }
0xf2: {  	[sflag:s30] =	ssyncadd.s32 $0xFFFFE000  }
0xf3: {  	_ =	swait.ge [sflag:s30], $0x2000  }
0xf4: {  	[sflag:s30] =	ssyncset.done $0x0  }
0xf5: {  	[sflag:s30] =	ssyncadd.s32 $0xFFFFE000  }
0xf6: {  	_ =	swait.ge [sflag:s30], $0x2000  }
0xf7: {  	[sflag:s30] =	ssyncset.done $0x0  }
0xf8: {  	[sflag:s30] =	ssyncadd.s32 $0xFFFFE000  }
0xf9: {  	_ =	swait.ge [sflag:s30], $0x2000  }
0xfa: {  	[sflag:s30] =	ssyncset.done $0x0  }
0xfb: {  	[sflag:s30] =	ssyncadd.s32 $0xFFFFE000  }
0xfc: {  	_ =	swait.ge [sflag:s30], $0x2000  }
0xfd: {  	[sflag:s30] =	ssyncset.done $0x0  }
0xfe: {  	[sflag:s30] =	ssyncadd.s32 $0xFFFFE000  }
0xff: {  	_ =	swait.ge [sflag:s30], $0x2000  }
0x100: {  	[sflag:s30] =	ssyncset.done $0x0  }
0x101: {  	[sflag:s30] =	ssyncadd.s32 $0xFFFFE000  }
0x102: {  	_ =	swait.ge [sflag:s30], $0x2000  }
0x103: {  	[sflag:s30] =	ssyncset.done $0x0  }
0x104: {  	[sflag:s30] =	ssyncadd.s32 $0xFFFFE000  }
0x105: {  	_ =	swait.ge [sflag:s30], $0x2000  }
0x106: {  	[sflag:s30] =	ssyncset.done $0x0  }
0x107: {  	[sflag:s30] =	ssyncadd.s32 $0xFFFFE000  }
0x108: {  	_ =	swait.ge [sflag:s30], $0x2000  }
0x109: {  	[sflag:s30] =	ssyncset.done $0x0  }
0x10a: {  	[sflag:s30] =	ssyncadd.s32 $0xFFFFE000  }
0x10b: {  	_ =	swait.ge [sflag:s30], $0x2000  }
0x10c: {  	[sflag:s30] =	ssyncset.done $0x0  }
0x10d: {  	[sflag:s30] =	ssyncadd.s32 $0xFFFFE000  }
0x10e: {  	_ =	swait.ge [sflag:s30], $0x2000  }
0x10f: {  	[sflag:s30] =	ssyncset.done $0x0  }
0x110: {  	[sflag:s30] =	ssyncadd.s32 $0xFFFFE000  }
0x111: {  	_ =	swait.ge [sflag:s30], $0x2000  }
0x112: {  	[sflag:s30] =	ssyncset.done $0x0  }
0x113: {  	[sflag:s30] =	ssyncadd.s32 $0xFFFFE000  }
0x114: {  	_ =	swait.ge [sflag:s30], $0x2000  }
0x115: {  	s31 =	sadd.s32 $0x1, s31;
	[sflag:s30] =	ssyncset.done $0x0  }
0x116: {  	p0 =	sne.s32 s31, s7;
	[sflag:s30] =	ssyncadd.s32 $0xFFFFE000  }
.Ltmp1:
0x117: {  	[bflag:$0x0] =	sbarrier.arrive $0xFFFF;
	(pc) =	sbr.rel @p0 .LBB2_1-.Ltmp1, $4  }
0x118: {  	[hbm:s6], [sflag:s11] =	dma.local [spmem:s12], $0x2800  }
0x119: {  	_ =	swait.ge [sflag:s10], $0x2800  }
0x11a: {  	[sflag:s10] =	ssyncset.done $0x0  }
0x11b: {  	[sflag:s10] =	ssyncadd.s32 $0xFFFFD800  }
0x11c: {  	_ =	sfence.sel $0x180000  }
0x11d: {  	[bflag:$0x0] =	sbarrier.arrive $0xFFFF  }
0x11e: {  	_ =	strace $0x90000047  }
0x11f: {  	s0 =	stileid.u32;
	[bflag:$0x2] =	sbarrier.arrive $0xFFFF  }
0x120: {  	p0 =	sne.s32 s0, $0x0;
	s0 =	rddreg [dreg:$0x3]  }
0x121: {  	s0 =	sadd.s32 @!p0 $0x100000, s0  }
0x122: {  	[sflag:s0] =	ssyncadd.tile.s32 @!p0 $0x1;
	_ =	shalt  }
.Lfunc_end2:
_tile_overlayer_lowered:
.L_overlay_start_2:
0x123: {  	(tag) =	ssettag $0x2  }
0x124: {  	s0 =	rddreg [dreg:$0x0];
	s2 =	stileid.u32  }
0x125: {  	s1 =	rddreg [dreg:$0x1];
	p0 =	sne.s32 s2, $0x0  }
0x126: {  	s3 =	rddreg [dreg:$0x2];
	[bflag:$0x3] =	sbarrier.arrive $0xFFFF;
	s2 =	simm.s32 @!p0 $0x1C02  }
0x127: {  	[timem:s3], [sflag:s2] =	dma.local @!p0 [hbm:s0], s1  }
0x128: {  	s0 =	simm.s32 @!p0 $0x2  }
0x129: {  	_ =	swait.ge @!p0 [sflag:s0], s1  }
0x12a: {  	s1 =	ssub.s32 @!p0 $0x0, s1;
	[sflag:s0] =	ssyncset.done @!p0 $0x0  }
0x12b: {  	[sflag:s0] =	ssyncadd.s32 @!p0 s1  }
0x12c: {  	[bflag:$0x3] =	sbarrier.arrive $0xFFFF  }
0x12d: {  	_ =	shalt  }

</sc_bundles>
